<compile_context>
chip_gen: v7x
topology: tpu7x:2x2x1
jax: 0.10.2.dev20260603
libtpu: 0.0.44.dev20260713+nightly
codegen_flags: <defaults>
</compile_context>

<pallas_src>
import functools

import jax
import jax.numpy as jnp
from jax import lax
from jax.experimental import pallas as pl
from jax.experimental.pallas import tpu as pltpu
from jax.experimental.pallas import tpu_sc as plsc

B, S = 1024, 200
VOCAB, C, D = 100000, 4, 64
CD = C * D
WIN = 104
HS = S // 2
NC, NS = 2, 16
NW = NC * NS
TASKS_PER_W = B // NW


def _acc_row(loads):
    acc = loads[0]
    for v in loads[1:]:
        acc = acc + v
    return acc


def _compute(embA, embB, outb):
    def s_lo(r, _):
        for h in range(2):
            for g in range(D // 16):
                outb[r, pl.ds(h * D + g * 16, 16)] = _acc_row(
                    [embA[2 * r + h + i, pl.ds(i * D + g * 16, 16)]
                     for i in range(C)])
        return 0

    lax.fori_loop(0, HS // 2, s_lo, 0, unroll=2)

    def s_hi(r, _):
        for h in range(2):
            for g in range(D // 16):
                outb[r, pl.ds(h * D + g * 16, 16)] = _acc_row(
                    [embB[2 * r + h + i - HS, pl.ds(i * D + g * 16, 16)]
                     for i in range(C)])
        return 0

    lax.fori_loop(HS // 2, S // 2, s_hi, 0, unroll=2)


def _sc_body(x2_hbm, table_hbm, out_hbm, idx0, idx1,
             embA0, embB0, embA1, embB1, outb,
             si0, si1, sg0, sg1, so):
    wid = lax.axis_index("s") * NC + lax.axis_index("c")
    base = wid * TASKS_PER_W

    def idx_fetch(t, idxb, sem):
        return pltpu.async_copy(x2_hbm.at[base + t], idxb, sem)

    def idx_wait(t, idxb, sem):
        pltpu.make_async_copy(x2_hbm.at[base + t], idxb, sem).wait()

    def gather(idxb, embAb, embBb, sem):
        pltpu.async_copy(table_hbm.at[idxb.at[0]], embAb, sem)
        pltpu.async_copy(table_hbm.at[idxb.at[1]], embBb, sem)

    def gather_wait(idxb, embAb, embBb, sem):
        pltpu.make_async_copy(table_hbm.at[idxb.at[0]], embAb, sem).wait()
        pltpu.make_async_copy(table_hbm.at[idxb.at[1]], embBb, sem).wait()

    def scatter(t, sem):
        return pltpu.async_copy(outb, out_hbm.at[base + t], sem)

    def scatter_wait(t, sem):
        pltpu.make_async_copy(outb, out_hbm.at[base + t], sem).wait()

    pltpu.sync_copy(x2_hbm.at[base], idx0)
    gather(idx0, embA0, embB0, sg0)
    idx_fetch(1, idx1, si1)

    def task_body(k, _):
        t0 = 2 * k
        idx_wait(t0 + 1, idx1, si1)
        gather(idx1, embA1, embB1, sg1)
        gather_wait(idx0, embA0, embB0, sg0)

        @pl.when(k < TASKS_PER_W // 2 - 1)
        def _():
            idx_fetch(t0 + 2, idx0, si0)

        @pl.when(k >= 1)
        def _():
            scatter_wait(t0 - 1, so)

        _compute(embA0, embB0, outb)
        scatter(t0, so)

        @pl.when(k < TASKS_PER_W // 2 - 1)
        def _():
            idx_wait(t0 + 2, idx0, si0)
            gather(idx0, embA0, embB0, sg0)

        gather_wait(idx1, embA1, embB1, sg1)

        @pl.when(k < TASKS_PER_W // 2 - 1)
        def _():
            idx_fetch(t0 + 3, idx1, si1)

        scatter_wait(t0, so)
        _compute(embA1, embB1, outb)
        scatter(t0 + 1, so)
        return 0

    lax.fori_loop(0, TASKS_PER_W // 2, task_body, 0)
    scatter_wait(TASKS_PER_W - 1, so)


def kernel(x, table):
    x = x.astype(jnp.int32)
    x2 = jnp.concatenate([x, jnp.zeros((B, C), jnp.int32)], axis=1)
    x2win = jnp.stack([x2[:, :WIN], x2[:, S - HS:]], axis=1)
    table2d = table.reshape(VOCAB, CD)

    mesh = plsc.VectorSubcoreMesh(core_axis_name="c", subcore_axis_name="s")
    run = functools.partial(
        pl.kernel,
        mesh=mesh,
        out_type=jax.ShapeDtypeStruct((B, S // 2, 2 * D), jnp.float32),
        scratch_types=[
            pltpu.VMEM((2, WIN), jnp.int32),
            pltpu.VMEM((2, WIN), jnp.int32),
            pltpu.VMEM((WIN, CD), jnp.float32),
            pltpu.VMEM((WIN, CD), jnp.float32),
            pltpu.VMEM((WIN, CD), jnp.float32),
            pltpu.VMEM((WIN, CD), jnp.float32),
            pltpu.VMEM((S // 2, 2 * D), jnp.float32),
            pltpu.SemaphoreType.DMA,
            pltpu.SemaphoreType.DMA,
            pltpu.SemaphoreType.DMA,
            pltpu.SemaphoreType.DMA,
            pltpu.SemaphoreType.DMA,
        ],
    )(_sc_body)
    return run(x2win, table2d).reshape(B, S, D)

# --- scband reference (transcript-rebuilt; emitter-appended) ---
"""Pipeline reference for scband-seq-word-emb-win-40063454937273 (READ-ONLY COPY).

The authoritative reference and input builder live on the scoring server;
editing this copy changes nothing except your own understanding.
"""

import jax, jax.numpy as jnp
import numpy as np


def setup_inputs(seed: int = 0) -> dict:
    key = jax.random.key(seed)
    k1, k2 = jax.random.split(key)
    B, S = 1024, 200
    VOCAB, C, D = 100000, 4, 64
    x = jax.random.randint(k1, (B, S), 0, VOCAB, dtype=jnp.int64)
    table = jax.random.normal(k2, (VOCAB, C, D), dtype=jnp.float32)
    return {"x": x, "table": table}


def reference(x, table):
    # Faithful translation of SeqWordEmbWin.forward.
    # chanwordemb is modeled as a channel-embedding table [vocab, numchannels, embdim];
    # a lookup of token t returns [numchannels, embdim].
    B, S = x.shape
    C = table.shape[1]  # numchannels
    D = table.shape[2]  # embdim
    # pad with `numchannels` zero-index tokens at the end (the q.var(zeros) concat)
    pad = jnp.zeros((B, C), dtype=x.dtype)
    x2 = jnp.concatenate([x, pad], axis=1)
    seqlen = S + C
    flat = x2.reshape(-1)
    emb = jnp.take(table, flat, axis=0)  # [B*seqlen, C, D] gather
    emb = emb.reshape(B, seqlen, C, D)
    maxi = C
    out = emb[:, : seqlen - maxi, 0, :]
    for i in range(1, maxi):
        i_to = seqlen - maxi + i
        out = out + emb[:, i:i_to, i, :]
    return out  # [B, S, D]

if __name__ == "__main__":
    import jax
    _d = setup_inputs()
    print(jax.jit(kernel)(*tuple(_d.values())))

</pallas_src>

<mosaic_0001>
#map = affine_map<(d0, d1) -> (0, 0, 0)>
#map1 = affine_map<(d0, d1) -> (0, 0)>
module attributes {stable_mosaic.version = 14 : i64} {
  func.func @_sc_body(%arg0: i32, %arg1: i32, %arg2: memref<1024x2x104xi32, #tpu.memory_space<hbm>>, %arg3: memref<100000x256xf32, #tpu.memory_space<hbm>>, %arg4: memref<1024x100x128xf32, #tpu.memory_space<hbm>>, %arg5: memref<2x104xi32, #tpu.memory_space<vmem>>, %arg6: memref<2x104xi32, #tpu.memory_space<vmem>>, %arg7: memref<104x256xf32, #tpu.memory_space<vmem>>, %arg8: memref<104x256xf32, #tpu.memory_space<vmem>>, %arg9: memref<104x256xf32, #tpu.memory_space<vmem>>, %arg10: memref<104x256xf32, #tpu.memory_space<vmem>>, %arg11: memref<100x128xf32, #tpu.memory_space<vmem>>, %arg12: memref<!tpu.dma_semaphore, #tpu.memory_space<semaphore_mem>>, %arg13: memref<!tpu.dma_semaphore, #tpu.memory_space<semaphore_mem>>, %arg14: memref<!tpu.dma_semaphore, #tpu.memory_space<semaphore_mem>>, %arg15: memref<!tpu.dma_semaphore, #tpu.memory_space<semaphore_mem>>, %arg16: memref<!tpu.dma_semaphore, #tpu.memory_space<semaphore_mem>>) attributes {dimension_semantics = [#tpu.dimension_semantics<core_parallel>, #tpu.dimension_semantics<subcore_parallel>], iteration_bounds = array<i64: 2, 16>, scalar_prefetch = 0 : i64, scratch_operands = 12 : i64, tpu.core_type = #tpu.core_type<sc_vector_subcore>, window_params = [{transform_indices = #map}, {transform_indices = #map1}, {transform_indices = #map}]} {
    %mul3A = arith.constant 2 : i32
    %mul3A_0 = arith.muli %arg1, %mul3A : i32
    %add3A = arith.addi %mul3A_0, %arg0 : i32
    %mul3A_1 = arith.constant 32 : i32
    %mul3A_2 = arith.muli %add3A, %mul3A_1 : i32
    "tpu.region"() ({
      %run_scoped3A = tpu.sem_alloc : memref<!tpu.dma_semaphore, #tpu.memory_space<semaphore_mem>>
      %dma_start3A_41 = arith.constant 0 : i32
      %dma_start3A_42 = arith.constant 0 : i32
      %dma_start3A_43 = tpu.memref_slice %arg2[%mul3A_2, %dma_start3A_41, %dma_start3A_42] : memref<1024x2x104xi32, #tpu.memory_space<hbm>> -> memref<1x2x104xi32, #tpu.memory_space<hbm>>
      %dma_start3A_44 = tpu.memref_squeeze %dma_start3A_43 : memref<1x2x104xi32, #tpu.memory_space<hbm>> -> memref<2x104xi32, #tpu.memory_space<hbm>>
      %dma_start3A_45 = arith.constant 0 : i32
      %dma_start3A_46 = arith.constant 0 : i32
      %dma_start3A_47 = tpu.memref_slice %arg2[%mul3A_2, %dma_start3A_45, %dma_start3A_46] : memref<1024x2x104xi32, #tpu.memory_space<hbm>> -> memref<1x2x104xi32, #tpu.memory_space<hbm>>
      %dma_start3A_48 = tpu.memref_squeeze %dma_start3A_47 : memref<1x2x104xi32, #tpu.memory_space<hbm>> -> memref<2x104xi32, #tpu.memory_space<hbm>>
      tpu.enqueue_dma source(%dma_start3A_48 : memref<2x104xi32, #tpu.memory_space<hbm>>) target(%arg5 : memref<2x104xi32, #tpu.memory_space<vmem>>) target_semaphore(%run_scoped3A : memref<!tpu.dma_semaphore, #tpu.memory_space<semaphore_mem>>)
      %dma_wait3A_49 = arith.constant 0 : i32
      %dma_wait3A_50 = arith.constant 0 : i32
      %dma_wait3A_51 = tpu.memref_slice %arg2[%mul3A_2, %dma_wait3A_49, %dma_wait3A_50] : memref<1024x2x104xi32, #tpu.memory_space<hbm>> -> memref<1x2x104xi32, #tpu.memory_space<hbm>>
      %dma_wait3A_52 = tpu.memref_squeeze %dma_wait3A_51 : memref<1x2x104xi32, #tpu.memory_space<hbm>> -> memref<2x104xi32, #tpu.memory_space<hbm>>
      %dma_wait3A_53 = arith.constant 0 : i32
      %dma_wait3A_54 = arith.constant 0 : i32
      %dma_wait3A_55 = tpu.memref_slice %arg2[%mul3A_2, %dma_wait3A_53, %dma_wait3A_54] : memref<1024x2x104xi32, #tpu.memory_space<hbm>> -> memref<1x2x104xi32, #tpu.memory_space<hbm>>
      %dma_wait3A_56 = tpu.memref_squeeze %dma_wait3A_55 : memref<1x2x104xi32, #tpu.memory_space<hbm>> -> memref<2x104xi32, #tpu.memory_space<hbm>>
      tpu.wait_dma2 semaphore(%run_scoped3A : memref<!tpu.dma_semaphore, #tpu.memory_space<semaphore_mem>>) src(%dma_wait3A_56 : memref<2x104xi32, #tpu.memory_space<hbm>>) dst(%arg5 : memref<2x104xi32, #tpu.memory_space<vmem>>)
      tpu.yield
    }) : () -> ()
    %dma_start3A = arith.constant 0 : i32
    %dma_start3A_3 = arith.constant 0 : i32
    %dma_start3A_4 = tpu.memref_slice %arg5[%dma_start3A, %dma_start3A_3] : memref<2x104xi32, #tpu.memory_space<vmem>> -> memref<1x104xi32, #tpu.memory_space<vmem>>
    %dma_start3A_5 = tpu.memref_squeeze %dma_start3A_4 : memref<1x104xi32, #tpu.memory_space<vmem>> -> memref<104xi32, #tpu.memory_space<vmem>>
    %dma_start3A_6 = arith.constant 0 : i32
    %dma_start3A_7 = arith.constant 0 : i32
    %dma_start3A_8 = tpu.memref_slice %arg3[%dma_start3A_6, %dma_start3A_7] : memref<100000x256xf32, #tpu.memory_space<hbm>> -> memref<100000x256xf32, #tpu.memory_space<hbm>>
    tpu.enqueue_indirect_dma source(%dma_start3A_8 : memref<100000x256xf32, #tpu.memory_space<hbm>>) target(%arg7 : memref<104x256xf32, #tpu.memory_space<vmem>>) offsets(%dma_start3A_5 : memref<104xi32, #tpu.memory_space<vmem>>) semaphore(%arg14 : memref<!tpu.dma_semaphore, #tpu.memory_space<semaphore_mem>>)
    %dma_start3A_9 = arith.constant 1 : i32
    %dma_start3A_10 = arith.constant 0 : i32
    %dma_start3A_11 = tpu.memref_slice %arg5[%dma_start3A_9, %dma_start3A_10] : memref<2x104xi32, #tpu.memory_space<vmem>> -> memref<1x104xi32, #tpu.memory_space<vmem>>
    %dma_start3A_12 = tpu.memref_squeeze %dma_start3A_11 : memref<1x104xi32, #tpu.memory_space<vmem>> -> memref<104xi32, #tpu.memory_space<vmem>>
    %dma_start3A_13 = arith.constant 0 : i32
    %dma_start3A_14 = arith.constant 0 : i32
    %dma_start3A_15 = tpu.memref_slice %arg3[%dma_start3A_13, %dma_start3A_14] : memref<100000x256xf32, #tpu.memory_space<hbm>> -> memref<100000x256xf32, #tpu.memory_space<hbm>>
    tpu.enqueue_indirect_dma source(%dma_start3A_15 : memref<100000x256xf32, #tpu.memory_space<hbm>>) target(%arg8 : memref<104x256xf32, #tpu.memory_space<vmem>>) offsets(%dma_start3A_12 : memref<104xi32, #tpu.memory_space<vmem>>) semaphore(%arg14 : memref<!tpu.dma_semaphore, #tpu.memory_space<semaphore_mem>>)
    %add3A_16 = arith.constant 1 : i32
    %add3A_17 = arith.addi %mul3A_2, %add3A_16 : i32
    %dma_start3A_18 = arith.constant 0 : i32
    %dma_start3A_19 = arith.constant 0 : i32
    %dma_start3A_20 = tpu.memref_slice %arg2[%add3A_17, %dma_start3A_18, %dma_start3A_19] : memref<1024x2x104xi32, #tpu.memory_space<hbm>> -> memref<1x2x104xi32, #tpu.memory_space<hbm>>
    %dma_start3A_21 = tpu.memref_squeeze %dma_start3A_20 : memref<1x2x104xi32, #tpu.memory_space<hbm>> -> memref<2x104xi32, #tpu.memory_space<hbm>>
    %dma_start3A_22 = arith.constant 0 : i32
    %dma_start3A_23 = arith.constant 0 : i32
    %dma_start3A_24 = tpu.memref_slice %arg2[%add3A_17, %dma_start3A_22, %dma_start3A_23] : memref<1024x2x104xi32, #tpu.memory_space<hbm>> -> memref<1x2x104xi32, #tpu.memory_space<hbm>>
    %dma_start3A_25 = tpu.memref_squeeze %dma_start3A_24 : memref<1x2x104xi32, #tpu.memory_space<hbm>> -> memref<2x104xi32, #tpu.memory_space<hbm>>
    tpu.enqueue_dma source(%dma_start3A_25 : memref<2x104xi32, #tpu.memory_space<hbm>>) target(%arg6 : memref<2x104xi32, #tpu.memory_space<vmem>>) target_semaphore(%arg13 : memref<!tpu.dma_semaphore, #tpu.memory_space<semaphore_mem>>)
    %scan3A = arith.constant 0 : i32
    %scan3A_26 = arith.constant 0 : i32
    %scan3A_27 = arith.constant 16 : i32
    %scan3A_28 = arith.addi %scan3A_26, %scan3A_27 : i32
    %scan3A_29 = arith.constant 1 : i32
    %scan3A_30 = scf.for %scan3A_41 = %scan3A_26 to %scan3A_28 step %scan3A_29 iter_args(%scan3A_42 = %scan3A) -> (i32)  : i32 {
      %mul3A_43 = arith.constant 2 : i32
      %mul3A_44 = arith.muli %mul3A_43, %scan3A_41 : i32
      %add3A_45 = arith.constant 1 : i32
      %add3A_46 = arith.addi %mul3A_44, %add3A_45 : i32
      %add3A_47 = arith.addi %mul3A_2, %add3A_46 : i32
      %dma_wait3A_48 = arith.constant 0 : i32
      %dma_wait3A_49 = arith.constant 0 : i32
      %dma_wait3A_50 = tpu.memref_slice %arg2[%add3A_47, %dma_wait3A_48, %dma_wait3A_49] : memref<1024x2x104xi32, #tpu.memory_space<hbm>> -> memref<1x2x104xi32, #tpu.memory_space<hbm>>
      %dma_wait3A_51 = tpu.memref_squeeze %dma_wait3A_50 : memref<1x2x104xi32, #tpu.memory_space<hbm>> -> memref<2x104xi32, #tpu.memory_space<hbm>>
      %dma_wait3A_52 = arith.constant 0 : i32
      %dma_wait3A_53 = arith.constant 0 : i32
      %dma_wait3A_54 = tpu.memref_slice %arg2[%add3A_47, %dma_wait3A_52, %dma_wait3A_53] : memref<1024x2x104xi32, #tpu.memory_space<hbm>> -> memref<1x2x104xi32, #tpu.memory_space<hbm>>
      %dma_wait3A_55 = tpu.memref_squeeze %dma_wait3A_54 : memref<1x2x104xi32, #tpu.memory_space<hbm>> -> memref<2x104xi32, #tpu.memory_space<hbm>>
      tpu.wait_dma2 semaphore(%arg13 : memref<!tpu.dma_semaphore, #tpu.memory_space<semaphore_mem>>) src(%dma_wait3A_55 : memref<2x104xi32, #tpu.memory_space<hbm>>) dst(%arg6 : memref<2x104xi32, #tpu.memory_space<vmem>>)
      %dma_start3A_56 = arith.constant 0 : i32
      %dma_start3A_57 = arith.constant 0 : i32
      %dma_start3A_58 = tpu.memref_slice %arg6[%dma_start3A_56, %dma_start3A_57] : memref<2x104xi32, #tpu.memory_space<vmem>> -> memref<1x104xi32, #tpu.memory_space<vmem>>
      %dma_start3A_59 = tpu.memref_squeeze %dma_start3A_58 : memref<1x104xi32, #tpu.memory_space<vmem>> -> memref<104xi32, #tpu.memory_space<vmem>>
      %dma_start3A_60 = arith.constant 0 : i32
      %dma_start3A_61 = arith.constant 0 : i32
      %dma_start3A_62 = tpu.memref_slice %arg3[%dma_start3A_60, %dma_start3A_61] : memref<100000x256xf32, #tpu.memory_space<hbm>> -> memref<100000x256xf32, #tpu.memory_space<hbm>>
      tpu.enqueue_indirect_dma source(%dma_start3A_62 : memref<100000x256xf32, #tpu.memory_space<hbm>>) target(%arg9 : memref<104x256xf32, #tpu.memory_space<vmem>>) offsets(%dma_start3A_59 : memref<104xi32, #tpu.memory_space<vmem>>) semaphore(%arg15 : memref<!tpu.dma_semaphore, #tpu.memory_space<semaphore_mem>>)
      %dma_start3A_63 = arith.constant 1 : i32
      %dma_start3A_64 = arith.constant 0 : i32
      %dma_start3A_65 = tpu.memref_slice %arg6[%dma_start3A_63, %dma_start3A_64] : memref<2x104xi32, #tpu.memory_space<vmem>> -> memref<1x104xi32, #tpu.memory_space<vmem>>
      %dma_start3A_66 = tpu.memref_squeeze %dma_start3A_65 : memref<1x104xi32, #tpu.memory_space<vmem>> -> memref<104xi32, #tpu.memory_space<vmem>>
      %dma_start3A_67 = arith.constant 0 : i32
      %dma_start3A_68 = arith.constant 0 : i32
      %dma_start3A_69 = tpu.memref_slice %arg3[%dma_start3A_67, %dma_start3A_68] : memref<100000x256xf32, #tpu.memory_space<hbm>> -> memref<100000x256xf32, #tpu.memory_space<hbm>>
      tpu.enqueue_indirect_dma source(%dma_start3A_69 : memref<100000x256xf32, #tpu.memory_space<hbm>>) target(%arg10 : memref<104x256xf32, #tpu.memory_space<vmem>>) offsets(%dma_start3A_66 : memref<104xi32, #tpu.memory_space<vmem>>) semaphore(%arg15 : memref<!tpu.dma_semaphore, #tpu.memory_space<semaphore_mem>>)
      %dma_wait3A_70 = arith.constant 0 : i32
      %dma_wait3A_71 = arith.constant 0 : i32
      %dma_wait3A_72 = tpu.memref_slice %arg5[%dma_wait3A_70, %dma_wait3A_71] : memref<2x104xi32, #tpu.memory_space<vmem>> -> memref<1x104xi32, #tpu.memory_space<vmem>>
      %dma_wait3A_73 = tpu.memref_squeeze %dma_wait3A_72 : memref<1x104xi32, #tpu.memory_space<vmem>> -> memref<104xi32, #tpu.memory_space<vmem>>
      %dma_wait3A_74 = arith.constant 0 : i32
      %dma_wait3A_75 = arith.constant 0 : i32
      %dma_wait3A_76 = tpu.memref_slice %arg3[%dma_wait3A_74, %dma_wait3A_75] : memref<100000x256xf32, #tpu.memory_space<hbm>> -> memref<100000x256xf32, #tpu.memory_space<hbm>>
      tpu.wait_indirect_dma semaphore(%arg14 : memref<!tpu.dma_semaphore, #tpu.memory_space<semaphore_mem>>) src(%dma_wait3A_76 : memref<100000x256xf32, #tpu.memory_space<hbm>>) dst(%arg7 : memref<104x256xf32, #tpu.memory_space<vmem>>)
      %dma_wait3A_77 = arith.constant 1 : i32
      %dma_wait3A_78 = arith.constant 0 : i32
      %dma_wait3A_79 = tpu.memref_slice %arg5[%dma_wait3A_77, %dma_wait3A_78] : memref<2x104xi32, #tpu.memory_space<vmem>> -> memref<1x104xi32, #tpu.memory_space<vmem>>
      %dma_wait3A_80 = tpu.memref_squeeze %dma_wait3A_79 : memref<1x104xi32, #tpu.memory_space<vmem>> -> memref<104xi32, #tpu.memory_space<vmem>>
      %dma_wait3A_81 = arith.constant 0 : i32
      %dma_wait3A_82 = arith.constant 0 : i32
      %dma_wait3A_83 = tpu.memref_slice %arg3[%dma_wait3A_81, %dma_wait3A_82] : memref<100000x256xf32, #tpu.memory_space<hbm>> -> memref<100000x256xf32, #tpu.memory_space<hbm>>
      tpu.wait_indirect_dma semaphore(%arg14 : memref<!tpu.dma_semaphore, #tpu.memory_space<semaphore_mem>>) src(%dma_wait3A_83 : memref<100000x256xf32, #tpu.memory_space<hbm>>) dst(%arg8 : memref<104x256xf32, #tpu.memory_space<vmem>>)
      %lt3A = arith.constant 15 : i32
      %lt3A_84 = arith.cmpi slt, %scan3A_41, %lt3A : i32
      %convert_element_type3A = arith.extui %lt3A_84 : i1 to i32
      %cond3A = arith.constant 0 : i32
      %cond3A_85 = arith.cmpi ne, %convert_element_type3A, %cond3A : i32
      scf.if %cond3A_85 {
        %add3A_172 = arith.constant 2 : i32
        %add3A_173 = arith.addi %mul3A_44, %add3A_172 : i32
        %add3A_174 = arith.addi %mul3A_2, %add3A_173 : i32
        %dma_start3A_175 = arith.constant 0 : i32
        %dma_start3A_176 = arith.constant 0 : i32
        %dma_start3A_177 = tpu.memref_slice %arg2[%add3A_174, %dma_start3A_175, %dma_start3A_176] : memref<1024x2x104xi32, #tpu.memory_space<hbm>> -> memref<1x2x104xi32, #tpu.memory_space<hbm>>
        %dma_start3A_178 = tpu.memref_squeeze %dma_start3A_177 : memref<1x2x104xi32, #tpu.memory_space<hbm>> -> memref<2x104xi32, #tpu.memory_space<hbm>>
        %dma_start3A_179 = arith.constant 0 : i32
        %dma_start3A_180 = arith.constant 0 : i32
        %dma_start3A_181 = tpu.memref_slice %arg2[%add3A_174, %dma_start3A_179, %dma_start3A_180] : memref<1024x2x104xi32, #tpu.memory_space<hbm>> -> memref<1x2x104xi32, #tpu.memory_space<hbm>>
        %dma_start3A_182 = tpu.memref_squeeze %dma_start3A_181 : memref<1x2x104xi32, #tpu.memory_space<hbm>> -> memref<2x104xi32, #tpu.memory_space<hbm>>
        tpu.enqueue_dma source(%dma_start3A_182 : memref<2x104xi32, #tpu.memory_space<hbm>>) target(%arg5 : memref<2x104xi32, #tpu.memory_space<vmem>>) target_semaphore(%arg12 : memref<!tpu.dma_semaphore, #tpu.memory_space<semaphore_mem>>)
      } else {
      }
      %ge3A = arith.constant 1 : i32
      %ge3A_86 = arith.cmpi sge, %scan3A_41, %ge3A : i32
      %convert_element_type3A_87 = arith.extui %ge3A_86 : i1 to i32
      %cond3A_88 = arith.constant 0 : i32
      %cond3A_89 = arith.cmpi ne, %convert_element_type3A_87, %cond3A_88 : i32
      scf.if %cond3A_89 {
        %sub3A = arith.constant 1 : i32
        %sub3A_172 = arith.subi %mul3A_44, %sub3A : i32
        %add3A_173 = arith.addi %mul3A_2, %sub3A_172 : i32
        %dma_wait3A_174 = arith.constant 0 : i32
        %dma_wait3A_175 = arith.constant 0 : i32
        %dma_wait3A_176 = tpu.memref_slice %arg4[%add3A_173, %dma_wait3A_174, %dma_wait3A_175] : memref<1024x100x128xf32, #tpu.memory_space<hbm>> -> memref<1x100x128xf32, #tpu.memory_space<hbm>>
        %dma_wait3A_177 = tpu.memref_squeeze %dma_wait3A_176 : memref<1x100x128xf32, #tpu.memory_space<hbm>> -> memref<100x128xf32, #tpu.memory_space<hbm>>
        %dma_wait3A_178 = arith.constant 0 : i32
        %dma_wait3A_179 = arith.constant 0 : i32
        %dma_wait3A_180 = tpu.memref_slice %arg4[%add3A_173, %dma_wait3A_178, %dma_wait3A_179] : memref<1024x100x128xf32, #tpu.memory_space<hbm>> -> memref<1x100x128xf32, #tpu.memory_space<hbm>>
        %dma_wait3A_181 = tpu.memref_squeeze %dma_wait3A_180 : memref<1x100x128xf32, #tpu.memory_space<hbm>> -> memref<100x128xf32, #tpu.memory_space<hbm>>
        tpu.wait_dma2 semaphore(%arg16 : memref<!tpu.dma_semaphore, #tpu.memory_space<semaphore_mem>>) src(%arg11 : memref<100x128xf32, #tpu.memory_space<vmem>>) dst(%dma_wait3A_181 : memref<100x128xf32, #tpu.memory_space<hbm>>)
      } else {
      }
      %scan3A_90 = arith.constant 0 : i32
      %scan3A_91 = arith.constant 0 : i32
      %scan3A_92 = arith.constant 50 : i32
      %scan3A_93 = arith.addi %scan3A_91, %scan3A_92 : i32
      %scan3A_94 = arith.constant 2 : i32
      %scan3A_95 = scf.for %scan3A_172 = %scan3A_91 to %scan3A_93 step %scan3A_94 iter_args(%scan3A_173 = %scan3A_90) -> (i32)  : i32 {
        %mul3A_174 = arith.constant 2 : i32
        %mul3A_175 = arith.muli %mul3A_174, %scan3A_172 : i32
        %add3A_176 = arith.constant 0 : i32
        %add3A_177 = arith.addi %mul3A_175, %add3A_176 : i32
        %add3A_178 = arith.constant 0 : i32
        %add3A_179 = arith.addi %add3A_177, %add3A_178 : i32
        %get3A = arith.index_cast %add3A_179 : i32 to index
        %get3A_180 = arith.constant 0 : index
        %get3A_181 = tpu.vector_load %arg7[%get3A, %get3A_180] {strides = array<i32>} : memref<104x256xf32, #tpu.memory_space<vmem>>, vector<1x16xf32>,
        %get3A_182 = vector.shape_cast %get3A_181 : vector<1x16xf32> to vector<16xf32>
        %mul3A_183 = arith.constant 2 : i32
        %mul3A_184 = arith.muli %mul3A_183, %scan3A_172 : i32
        %add3A_185 = arith.constant 0 : i32
        %add3A_186 = arith.addi %mul3A_184, %add3A_185 : i32
        %add3A_187 = arith.constant 1 : i32
        %add3A_188 = arith.addi %add3A_186, %add3A_187 : i32
        %get3A_189 = arith.index_cast %add3A_188 : i32 to index
        %get3A_190 = arith.constant 64 : index
        %get3A_191 = tpu.vector_load %arg7[%get3A_189, %get3A_190] {strides = array<i32>} : memref<104x256xf32, #tpu.memory_space<vmem>>, vector<1x16xf32>,
        %get3A_192 = vector.shape_cast %get3A_191 : vector<1x16xf32> to vector<16xf32>
        %mul3A_193 = arith.constant 2 : i32
        %mul3A_194 = arith.muli %mul3A_193, %scan3A_172 : i32
        %add3A_195 = arith.constant 0 : i32
        %add3A_196 = arith.addi %mul3A_194, %add3A_195 : i32
        %add3A_197 = arith.constant 2 : i32
        %add3A_198 = arith.addi %add3A_196, %add3A_197 : i32
        %get3A_199 = arith.index_cast %add3A_198 : i32 to index
        %get3A_200 = arith.constant 128 : index
        %get3A_201 = tpu.vector_load %arg7[%get3A_199, %get3A_200] {strides = array<i32>} : memref<104x256xf32, #tpu.memory_space<vmem>>, vector<1x16xf32>,
        %get3A_202 = vector.shape_cast %get3A_201 : vector<1x16xf32> to vector<16xf32>
        %mul3A_203 = arith.constant 2 : i32
        %mul3A_204 = arith.muli %mul3A_203, %scan3A_172 : i32
        %add3A_205 = arith.constant 0 : i32
        %add3A_206 = arith.addi %mul3A_204, %add3A_205 : i32
        %add3A_207 = arith.constant 3 : i32
        %add3A_208 = arith.addi %add3A_206, %add3A_207 : i32
        %get3A_209 = arith.index_cast %add3A_208 : i32 to index
        %get3A_210 = arith.constant 192 : index
        %get3A_211 = tpu.vector_load %arg7[%get3A_209, %get3A_210] {strides = array<i32>} : memref<104x256xf32, #tpu.memory_space<vmem>>, vector<1x16xf32>,
        %get3A_212 = vector.shape_cast %get3A_211 : vector<1x16xf32> to vector<16xf32>
        %add3A_213 = arith.addf %get3A_182, %get3A_192 : vector<16xf32>
        %add3A_214 = arith.addf %add3A_213, %get3A_202 : vector<16xf32>
        %add3A_215 = arith.addf %add3A_214, %get3A_212 : vector<16xf32>
        %swap3A = arith.index_cast %scan3A_172 : i32 to index
        %swap3A_216 = arith.constant 0 : index
        %swap3A_217 = tpu.vector_load %arg11[%swap3A, %swap3A_216] {strides = array<i32>} : memref<100x128xf32, #tpu.memory_space<vmem>>, vector<1x16xf32>,
        %swap3A_218 = vector.shape_cast %swap3A_217 : vector<1x16xf32> to vector<16xf32>
        %swap3A_219 = vector.shape_cast %add3A_215 : vector<16xf32> to vector<1x16xf32>
        tpu.vector_store %arg11[%swap3A, %swap3A_216], %swap3A_219 {strides = array<i32>} : memref<100x128xf32, #tpu.memory_space<vmem>>, vector<1x16xf32>,
        %mul3A_220 = arith.constant 2 : i32
        %mul3A_221 = arith.muli %mul3A_220, %scan3A_172 : i32
        %add3A_222 = arith.constant 0 : i32
        %add3A_223 = arith.addi %mul3A_221, %add3A_222 : i32
        %add3A_224 = arith.constant 0 : i32
        %add3A_225 = arith.addi %add3A_223, %add3A_224 : i32
        %get3A_226 = arith.index_cast %add3A_225 : i32 to index
        %get3A_227 = arith.constant 16 : index
        %get3A_228 = tpu.vector_load %arg7[%get3A_226, %get3A_227] {strides = array<i32>} : memref<104x256xf32, #tpu.memory_space<vmem>>, vector<1x16xf32>,
        %get3A_229 = vector.shape_cast %get3A_228 : vector<1x16xf32> to vector<16xf32>
        %mul3A_230 = arith.constant 2 : i32
        %mul3A_231 = arith.muli %mul3A_230, %scan3A_172 : i32
        %add3A_232 = arith.constant 0 : i32
        %add3A_233 = arith.addi %mul3A_231, %add3A_232 : i32
        %add3A_234 = arith.constant 1 : i32
        %add3A_235 = arith.addi %add3A_233, %add3A_234 : i32
        %get3A_236 = arith.index_cast %add3A_235 : i32 to index
        %get3A_237 = arith.constant 80 : index
        %get3A_238 = tpu.vector_load %arg7[%get3A_236, %get3A_237] {strides = array<i32>} : memref<104x256xf32, #tpu.memory_space<vmem>>, vector<1x16xf32>,
        %get3A_239 = vector.shape_cast %get3A_238 : vector<1x16xf32> to vector<16xf32>
        %mul3A_240 = arith.constant 2 : i32
        %mul3A_241 = arith.muli %mul3A_240, %scan3A_172 : i32
        %add3A_242 = arith.constant 0 : i32
        %add3A_243 = arith.addi %mul3A_241, %add3A_242 : i32
        %add3A_244 = arith.constant 2 : i32
        %add3A_245 = arith.addi %add3A_243, %add3A_244 : i32
        %get3A_246 = arith.index_cast %add3A_245 : i32 to index
        %get3A_247 = arith.constant 144 : index
        %get3A_248 = tpu.vector_load %arg7[%get3A_246, %get3A_247] {strides = array<i32>} : memref<104x256xf32, #tpu.memory_space<vmem>>, vector<1x16xf32>,
        %get3A_249 = vector.shape_cast %get3A_248 : vector<1x16xf32> to vector<16xf32>
        %mul3A_250 = arith.constant 2 : i32
        %mul3A_251 = arith.muli %mul3A_250, %scan3A_172 : i32
        %add3A_252 = arith.constant 0 : i32
        %add3A_253 = arith.addi %mul3A_251, %add3A_252 : i32
        %add3A_254 = arith.constant 3 : i32
        %add3A_255 = arith.addi %add3A_253, %add3A_254 : i32
        %get3A_256 = arith.index_cast %add3A_255 : i32 to index
        %get3A_257 = arith.constant 208 : index
        %get3A_258 = tpu.vector_load %arg7[%get3A_256, %get3A_257] {strides = array<i32>} : memref<104x256xf32, #tpu.memory_space<vmem>>, vector<1x16xf32>,
        %get3A_259 = vector.shape_cast %get3A_258 : vector<1x16xf32> to vector<16xf32>
        %add3A_260 = arith.addf %get3A_229, %get3A_239 : vector<16xf32>
        %add3A_261 = arith.addf %add3A_260, %get3A_249 : vector<16xf32>
        %add3A_262 = arith.addf %add3A_261, %get3A_259 : vector<16xf32>
        %swap3A_263 = arith.index_cast %scan3A_172 : i32 to index
        %swap3A_264 = arith.constant 16 : index
        %swap3A_265 = tpu.vector_load %arg11[%swap3A_263, %swap3A_264] {strides = array<i32>} : memref<100x128xf32, #tpu.memory_space<vmem>>, vector<1x16xf32>,
        %swap3A_266 = vector.shape_cast %swap3A_265 : vector<1x16xf32> to vector<16xf32>
        %swap3A_267 = vector.shape_cast %add3A_262 : vector<16xf32> to vector<1x16xf32>
        tpu.vector_store %arg11[%swap3A_263, %swap3A_264], %swap3A_267 {strides = array<i32>} : memref<100x128xf32, #tpu.memory_space<vmem>>, vector<1x16xf32>,
        %mul3A_268 = arith.constant 2 : i32
        %mul3A_269 = arith.muli %mul3A_268, %scan3A_172 : i32
        %add3A_270 = arith.constant 0 : i32
        %add3A_271 = arith.addi %mul3A_269, %add3A_270 : i32
        %add3A_272 = arith.constant 0 : i32
        %add3A_273 = arith.addi %add3A_271, %add3A_272 : i32
        %get3A_274 = arith.index_cast %add3A_273 : i32 to index
        %get3A_275 = arith.constant 32 : index
        %get3A_276 = tpu.vector_load %arg7[%get3A_274, %get3A_275] {strides = array<i32>} : memref<104x256xf32, #tpu.memory_space<vmem>>, vector<1x16xf32>,
        %get3A_277 = vector.shape_cast %get3A_276 : vector<1x16xf32> to vector<16xf32>
        %mul3A_278 = arith.constant 2 : i32
        %mul3A_279 = arith.muli %mul3A_278, %scan3A_172 : i32
        %add3A_280 = arith.constant 0 : i32
        %add3A_281 = arith.addi %mul3A_279, %add3A_280 : i32
        %add3A_282 = arith.constant 1 : i32
        %add3A_283 = arith.addi %add3A_281, %add3A_282 : i32
        %get3A_284 = arith.index_cast %add3A_283 : i32 to index
        %get3A_285 = arith.constant 96 : index
        %get3A_286 = tpu.vector_load %arg7[%get3A_284, %get3A_285] {strides = array<i32>} : memref<104x256xf32, #tpu.memory_space<vmem>>, vector<1x16xf32>,
        %get3A_287 = vector.shape_cast %get3A_286 : vector<1x16xf32> to vector<16xf32>
        %mul3A_288 = arith.constant 2 : i32
        %mul3A_289 = arith.muli %mul3A_288, %scan3A_172 : i32
        %add3A_290 = arith.constant 0 : i32
        %add3A_291 = arith.addi %mul3A_289, %add3A_290 : i32
        %add3A_292 = arith.constant 2 : i32
        %add3A_293 = arith.addi %add3A_291, %add3A_292 : i32
        %get3A_294 = arith.index_cast %add3A_293 : i32 to index
        %get3A_295 = arith.constant 160 : index
        %get3A_296 = tpu.vector_load %arg7[%get3A_294, %get3A_295] {strides = array<i32>} : memref<104x256xf32, #tpu.memory_space<vmem>>, vector<1x16xf32>,
        %get3A_297 = vector.shape_cast %get3A_296 : vector<1x16xf32> to vector<16xf32>
        %mul3A_298 = arith.constant 2 : i32
        %mul3A_299 = arith.muli %mul3A_298, %scan3A_172 : i32
        %add3A_300 = arith.constant 0 : i32
        %add3A_301 = arith.addi %mul3A_299, %add3A_300 : i32
        %add3A_302 = arith.constant 3 : i32
        %add3A_303 = arith.addi %add3A_301, %add3A_302 : i32
        %get3A_304 = arith.index_cast %add3A_303 : i32 to index
        %get3A_305 = arith.constant 224 : index
        %get3A_306 = tpu.vector_load %arg7[%get3A_304, %get3A_305] {strides = array<i32>} : memref<104x256xf32, #tpu.memory_space<vmem>>, vector<1x16xf32>,
        %get3A_307 = vector.shape_cast %get3A_306 : vector<1x16xf32> to vector<16xf32>
        %add3A_308 = arith.addf %get3A_277, %get3A_287 : vector<16xf32>
        %add3A_309 = arith.addf %add3A_308, %get3A_297 : vector<16xf32>
        %add3A_310 = arith.addf %add3A_309, %get3A_307 : vector<16xf32>
        %swap3A_311 = arith.index_cast %scan3A_172 : i32 to index
        %swap3A_312 = arith.constant 32 : index
        %swap3A_313 = tpu.vector_load %arg11[%swap3A_311, %swap3A_312] {strides = array<i32>} : memref<100x128xf32, #tpu.memory_space<vmem>>, vector<1x16xf32>,
        %swap3A_314 = vector.shape_cast %swap3A_313 : vector<1x16xf32> to vector<16xf32>
        %swap3A_315 = vector.shape_cast %add3A_310 : vector<16xf32> to vector<1x16xf32>
        tpu.vector_store %arg11[%swap3A_311, %swap3A_312], %swap3A_315 {strides = array<i32>} : memref<100x128xf32, #tpu.memory_space<vmem>>, vector<1x16xf32>,
        %mul3A_316 = arith.constant 2 : i32
        %mul3A_317 = arith.muli %mul3A_316, %scan3A_172 : i32
        %add3A_318 = arith.constant 0 : i32
        %add3A_319 = arith.addi %mul3A_317, %add3A_318 : i32
        %add3A_320 = arith.constant 0 : i32
        %add3A_321 = arith.addi %add3A_319, %add3A_320 : i32
        %get3A_322 = arith.index_cast %add3A_321 : i32 to index
        %get3A_323 = arith.constant 48 : index
        %get3A_324 = tpu.vector_load %arg7[%get3A_322, %get3A_323] {strides = array<i32>} : memref<104x256xf32, #tpu.memory_space<vmem>>, vector<1x16xf32>,
        %get3A_325 = vector.shape_cast %get3A_324 : vector<1x16xf32> to vector<16xf32>
        %mul3A_326 = arith.constant 2 : i32
        %mul3A_327 = arith.muli %mul3A_326, %scan3A_172 : i32
        %add3A_328 = arith.constant 0 : i32
        %add3A_329 = arith.addi %mul3A_327, %add3A_328 : i32
        %add3A_330 = arith.constant 1 : i32
        %add3A_331 = arith.addi %add3A_329, %add3A_330 : i32
        %get3A_332 = arith.index_cast %add3A_331 : i32 to index
        %get3A_333 = arith.constant 112 : index
        %get3A_334 = tpu.vector_load %arg7[%get3A_332, %get3A_333] {strides = array<i32>} : memref<104x256xf32, #tpu.memory_space<vmem>>, vector<1x16xf32>,
        %get3A_335 = vector.shape_cast %get3A_334 : vector<1x16xf32> to vector<16xf32>
        %mul3A_336 = arith.constant 2 : i32
        %mul3A_337 = arith.muli %mul3A_336, %scan3A_172 : i32
        %add3A_338 = arith.constant 0 : i32
        %add3A_339 = arith.addi %mul3A_337, %add3A_338 : i32
        %add3A_340 = arith.constant 2 : i32
        %add3A_341 = arith.addi %add3A_339, %add3A_340 : i32
        %get3A_342 = arith.index_cast %add3A_341 : i32 to index
        %get3A_343 = arith.constant 176 : index
        %get3A_344 = tpu.vector_load %arg7[%get3A_342, %get3A_343] {strides = array<i32>} : memref<104x256xf32, #tpu.memory_space<vmem>>, vector<1x16xf32>,
        %get3A_345 = vector.shape_cast %get3A_344 : vector<1x16xf32> to vector<16xf32>
        %mul3A_346 = arith.constant 2 : i32
        %mul3A_347 = arith.muli %mul3A_346, %scan3A_172 : i32
        %add3A_348 = arith.constant 0 : i32
        %add3A_349 = arith.addi %mul3A_347, %add3A_348 : i32
        %add3A_350 = arith.constant 3 : i32
        %add3A_351 = arith.addi %add3A_349, %add3A_350 : i32
        %get3A_352 = arith.index_cast %add3A_351 : i32 to index
        %get3A_353 = arith.constant 240 : index
        %get3A_354 = tpu.vector_load %arg7[%get3A_352, %get3A_353] {strides = array<i32>} : memref<104x256xf32, #tpu.memory_space<vmem>>, vector<1x16xf32>,
        %get3A_355 = vector.shape_cast %get3A_354 : vector<1x16xf32> to vector<16xf32>
        %add3A_356 = arith.addf %get3A_325, %get3A_335 : vector<16xf32>
        %add3A_357 = arith.addf %add3A_356, %get3A_345 : vector<16xf32>
        %add3A_358 = arith.addf %add3A_357, %get3A_355 : vector<16xf32>
        %swap3A_359 = arith.index_cast %scan3A_172 : i32 to index
        %swap3A_360 = arith.constant 48 : index
        %swap3A_361 = tpu.vector_load %arg11[%swap3A_359, %swap3A_360] {strides = array<i32>} : memref<100x128xf32, #tpu.memory_space<vmem>>, vector<1x16xf32>,
        %swap3A_362 = vector.shape_cast %swap3A_361 : vector<1x16xf32> to vector<16xf32>
        %swap3A_363 = vector.shape_cast %add3A_358 : vector<16xf32> to vector<1x16xf32>
        tpu.vector_store %arg11[%swap3A_359, %swap3A_360], %swap3A_363 {strides = array<i32>} : memref<100x128xf32, #tpu.memory_space<vmem>>, vector<1x16xf32>,
        %mul3A_364 = arith.constant 2 : i32
        %mul3A_365 = arith.muli %mul3A_364, %scan3A_172 : i32
        %add3A_366 = arith.constant 1 : i32
        %add3A_367 = arith.addi %mul3A_365, %add3A_366 : i32
        %add3A_368 = arith.constant 0 : i32
        %add3A_369 = arith.addi %add3A_367, %add3A_368 : i32
        %get3A_370 = arith.index_cast %add3A_369 : i32 to index
        %get3A_371 = arith.constant 0 : index
        %get3A_372 = tpu.vector_load %arg7[%get3A_370, %get3A_371] {strides = array<i32>} : memref<104x256xf32, #tpu.memory_space<vmem>>, vector<1x16xf32>,
        %get3A_373 = vector.shape_cast %get3A_372 : vector<1x16xf32> to vector<16xf32>
        %mul3A_374 = arith.constant 2 : i32
        %mul3A_375 = arith.muli %mul3A_374, %scan3A_172 : i32
        %add3A_376 = arith.constant 1 : i32
        %add3A_377 = arith.addi %mul3A_375, %add3A_376 : i32
        %add3A_378 = arith.constant 1 : i32
        %add3A_379 = arith.addi %add3A_377, %add3A_378 : i32
        %get3A_380 = arith.index_cast %add3A_379 : i32 to index
        %get3A_381 = arith.constant 64 : index
        %get3A_382 = tpu.vector_load %arg7[%get3A_380, %get3A_381] {strides = array<i32>} : memref<104x256xf32, #tpu.memory_space<vmem>>, vector<1x16xf32>,
        %get3A_383 = vector.shape_cast %get3A_382 : vector<1x16xf32> to vector<16xf32>
        %mul3A_384 = arith.constant 2 : i32
        %mul3A_385 = arith.muli %mul3A_384, %scan3A_172 : i32
        %add3A_386 = arith.constant 1 : i32
        %add3A_387 = arith.addi %mul3A_385, %add3A_386 : i32
        %add3A_388 = arith.constant 2 : i32
        %add3A_389 = arith.addi %add3A_387, %add3A_388 : i32
        %get3A_390 = arith.index_cast %add3A_389 : i32 to index
        %get3A_391 = arith.constant 128 : index
        %get3A_392 = tpu.vector_load %arg7[%get3A_390, %get3A_391] {strides = array<i32>} : memref<104x256xf32, #tpu.memory_space<vmem>>, vector<1x16xf32>,
        %get3A_393 = vector.shape_cast %get3A_392 : vector<1x16xf32> to vector<16xf32>
        %mul3A_394 = arith.constant 2 : i32
        %mul3A_395 = arith.muli %mul3A_394, %scan3A_172 : i32
        %add3A_396 = arith.constant 1 : i32
        %add3A_397 = arith.addi %mul3A_395, %add3A_396 : i32
        %add3A_398 = arith.constant 3 : i32
        %add3A_399 = arith.addi %add3A_397, %add3A_398 : i32
        %get3A_400 = arith.index_cast %add3A_399 : i32 to index
        %get3A_401 = arith.constant 192 : index
        %get3A_402 = tpu.vector_load %arg7[%get3A_400, %get3A_401] {strides = array<i32>} : memref<104x256xf32, #tpu.memory_space<vmem>>, vector<1x16xf32>,
        %get3A_403 = vector.shape_cast %get3A_402 : vector<1x16xf32> to vector<16xf32>
        %add3A_404 = arith.addf %get3A_373, %get3A_383 : vector<16xf32>
        %add3A_405 = arith.addf %add3A_404, %get3A_393 : vector<16xf32>
        %add3A_406 = arith.addf %add3A_405, %get3A_403 : vector<16xf32>
        %swap3A_407 = arith.index_cast %scan3A_172 : i32 to index
        %swap3A_408 = arith.constant 64 : index
        %swap3A_409 = tpu.vector_load %arg11[%swap3A_407, %swap3A_408] {strides = array<i32>} : memref<100x128xf32, #tpu.memory_space<vmem>>, vector<1x16xf32>,
        %swap3A_410 = vector.shape_cast %swap3A_409 : vector<1x16xf32> to vector<16xf32>
        %swap3A_411 = vector.shape_cast %add3A_406 : vector<16xf32> to vector<1x16xf32>
        tpu.vector_store %arg11[%swap3A_407, %swap3A_408], %swap3A_411 {strides = array<i32>} : memref<100x128xf32, #tpu.memory_space<vmem>>, vector<1x16xf32>,
        %mul3A_412 = arith.constant 2 : i32
        %mul3A_413 = arith.muli %mul3A_412, %scan3A_172 : i32
        %add3A_414 = arith.constant 1 : i32
        %add3A_415 = arith.addi %mul3A_413, %add3A_414 : i32
        %add3A_416 = arith.constant 0 : i32
        %add3A_417 = arith.addi %add3A_415, %add3A_416 : i32
        %get3A_418 = arith.index_cast %add3A_417 : i32 to index
        %get3A_419 = arith.constant 16 : index
        %get3A_420 = tpu.vector_load %arg7[%get3A_418, %get3A_419] {strides = array<i32>} : memref<104x256xf32, #tpu.memory_space<vmem>>, vector<1x16xf32>,
        %get3A_421 = vector.shape_cast %get3A_420 : vector<1x16xf32> to vector<16xf32>
        %mul3A_422 = arith.constant 2 : i32
        %mul3A_423 = arith.muli %mul3A_422, %scan3A_172 : i32
        %add3A_424 = arith.constant 1 : i32
        %add3A_425 = arith.addi %mul3A_423, %add3A_424 : i32
        %add3A_426 = arith.constant 1 : i32
        %add3A_427 = arith.addi %add3A_425, %add3A_426 : i32
        %get3A_428 = arith.index_cast %add3A_427 : i32 to index
        %get3A_429 = arith.constant 80 : index
        %get3A_430 = tpu.vector_load %arg7[%get3A_428, %get3A_429] {strides = array<i32>} : memref<104x256xf32, #tpu.memory_space<vmem>>, vector<1x16xf32>,
        %get3A_431 = vector.shape_cast %get3A_430 : vector<1x16xf32> to vector<16xf32>
        %mul3A_432 = arith.constant 2 : i32
        %mul3A_433 = arith.muli %mul3A_432, %scan3A_172 : i32
        %add3A_434 = arith.constant 1 : i32
        %add3A_435 = arith.addi %mul3A_433, %add3A_434 : i32
        %add3A_436 = arith.constant 2 : i32
        %add3A_437 = arith.addi %add3A_435, %add3A_436 : i32
        %get3A_438 = arith.index_cast %add3A_437 : i32 to index
        %get3A_439 = arith.constant 144 : index
        %get3A_440 = tpu.vector_load %arg7[%get3A_438, %get3A_439] {strides = array<i32>} : memref<104x256xf32, #tpu.memory_space<vmem>>, vector<1x16xf32>,
        %get3A_441 = vector.shape_cast %get3A_440 : vector<1x16xf32> to vector<16xf32>
        %mul3A_442 = arith.constant 2 : i32
        %mul3A_443 = arith.muli %mul3A_442, %scan3A_172 : i32
        %add3A_444 = arith.constant 1 : i32
        %add3A_445 = arith.addi %mul3A_443, %add3A_444 : i32
        %add3A_446 = arith.constant 3 : i32
        %add3A_447 = arith.addi %add3A_445, %add3A_446 : i32
        %get3A_448 = arith.index_cast %add3A_447 : i32 to index
        %get3A_449 = arith.constant 208 : index
        %get3A_450 = tpu.vector_load %arg7[%get3A_448, %get3A_449] {strides = array<i32>} : memref<104x256xf32, #tpu.memory_space<vmem>>, vector<1x16xf32>,
        %get3A_451 = vector.shape_cast %get3A_450 : vector<1x16xf32> to vector<16xf32>
        %add3A_452 = arith.addf %get3A_421, %get3A_431 : vector<16xf32>
        %add3A_453 = arith.addf %add3A_452, %get3A_441 : vector<16xf32>
        %add3A_454 = arith.addf %add3A_453, %get3A_451 : vector<16xf32>
        %swap3A_455 = arith.index_cast %scan3A_172 : i32 to index
        %swap3A_456 = arith.constant 80 : index
        %swap3A_457 = tpu.vector_load %arg11[%swap3A_455, %swap3A_456] {strides = array<i32>} : memref<100x128xf32, #tpu.memory_space<vmem>>, vector<1x16xf32>,
        %swap3A_458 = vector.shape_cast %swap3A_457 : vector<1x16xf32> to vector<16xf32>
        %swap3A_459 = vector.shape_cast %add3A_454 : vector<16xf32> to vector<1x16xf32>
        tpu.vector_store %arg11[%swap3A_455, %swap3A_456], %swap3A_459 {strides = array<i32>} : memref<100x128xf32, #tpu.memory_space<vmem>>, vector<1x16xf32>,
        %mul3A_460 = arith.constant 2 : i32
        %mul3A_461 = arith.muli %mul3A_460, %scan3A_172 : i32
        %add3A_462 = arith.constant 1 : i32
        %add3A_463 = arith.addi %mul3A_461, %add3A_462 : i32
        %add3A_464 = arith.constant 0 : i32
        %add3A_465 = arith.addi %add3A_463, %add3A_464 : i32
        %get3A_466 = arith.index_cast %add3A_465 : i32 to index
        %get3A_467 = arith.constant 32 : index
        %get3A_468 = tpu.vector_load %arg7[%get3A_466, %get3A_467] {strides = array<i32>} : memref<104x256xf32, #tpu.memory_space<vmem>>, vector<1x16xf32>,
        %get3A_469 = vector.shape_cast %get3A_468 : vector<1x16xf32> to vector<16xf32>
        %mul3A_470 = arith.constant 2 : i32
        %mul3A_471 = arith.muli %mul3A_470, %scan3A_172 : i32
        %add3A_472 = arith.constant 1 : i32
        %add3A_473 = arith.addi %mul3A_471, %add3A_472 : i32
        %add3A_474 = arith.constant 1 : i32
        %add3A_475 = arith.addi %add3A_473, %add3A_474 : i32
        %get3A_476 = arith.index_cast %add3A_475 : i32 to index
        %get3A_477 = arith.constant 96 : index
        %get3A_478 = tpu.vector_load %arg7[%get3A_476, %get3A_477] {strides = array<i32>} : memref<104x256xf32, #tpu.memory_space<vmem>>, vector<1x16xf32>,
        %get3A_479 = vector.shape_cast %get3A_478 : vector<1x16xf32> to vector<16xf32>
        %mul3A_480 = arith.constant 2 : i32
        %mul3A_481 = arith.muli %mul3A_480, %scan3A_172 : i32
        %add3A_482 = arith.constant 1 : i32
        %add3A_483 = arith.addi %mul3A_481, %add3A_482 : i32
        %add3A_484 = arith.constant 2 : i32
        %add3A_485 = arith.addi %add3A_483, %add3A_484 : i32
        %get3A_486 = arith.index_cast %add3A_485 : i32 to index
        %get3A_487 = arith.constant 160 : index
        %get3A_488 = tpu.vector_load %arg7[%get3A_486, %get3A_487] {strides = array<i32>} : memref<104x256xf32, #tpu.memory_space<vmem>>, vector<1x16xf32>,
        %get3A_489 = vector.shape_cast %get3A_488 : vector<1x16xf32> to vector<16xf32>
        %mul3A_490 = arith.constant 2 : i32
        %mul3A_491 = arith.muli %mul3A_490, %scan3A_172 : i32
        %add3A_492 = arith.constant 1 : i32
        %add3A_493 = arith.addi %mul3A_491, %add3A_492 : i32
        %add3A_494 = arith.constant 3 : i32
        %add3A_495 = arith.addi %add3A_493, %add3A_494 : i32
        %get3A_496 = arith.index_cast %add3A_495 : i32 to index
        %get3A_497 = arith.constant 224 : index
        %get3A_498 = tpu.vector_load %arg7[%get3A_496, %get3A_497] {strides = array<i32>} : memref<104x256xf32, #tpu.memory_space<vmem>>, vector<1x16xf32>,
        %get3A_499 = vector.shape_cast %get3A_498 : vector<1x16xf32> to vector<16xf32>
        %add3A_500 = arith.addf %get3A_469, %get3A_479 : vector<16xf32>
        %add3A_501 = arith.addf %add3A_500, %get3A_489 : vector<16xf32>
        %add3A_502 = arith.addf %add3A_501, %get3A_499 : vector<16xf32>
        %swap3A_503 = arith.index_cast %scan3A_172 : i32 to index
        %swap3A_504 = arith.constant 96 : index
        %swap3A_505 = tpu.vector_load %arg11[%swap3A_503, %swap3A_504] {strides = array<i32>} : memref<100x128xf32, #tpu.memory_space<vmem>>, vector<1x16xf32>,
        %swap3A_506 = vector.shape_cast %swap3A_505 : vector<1x16xf32> to vector<16xf32>
        %swap3A_507 = vector.shape_cast %add3A_502 : vector<16xf32> to vector<1x16xf32>
        tpu.vector_store %arg11[%swap3A_503, %swap3A_504], %swap3A_507 {strides = array<i32>} : memref<100x128xf32, #tpu.memory_space<vmem>>, vector<1x16xf32>,
        %mul3A_508 = arith.constant 2 : i32
        %mul3A_509 = arith.muli %mul3A_508, %scan3A_172 : i32
        %add3A_510 = arith.constant 1 : i32
        %add3A_511 = arith.addi %mul3A_509, %add3A_510 : i32
        %add3A_512 = arith.constant 0 : i32
        %add3A_513 = arith.addi %add3A_511, %add3A_512 : i32
        %get3A_514 = arith.index_cast %add3A_513 : i32 to index
        %get3A_515 = arith.constant 48 : index
        %get3A_516 = tpu.vector_load %arg7[%get3A_514, %get3A_515] {strides = array<i32>} : memref<104x256xf32, #tpu.memory_space<vmem>>, vector<1x16xf32>,
        %get3A_517 = vector.shape_cast %get3A_516 : vector<1x16xf32> to vector<16xf32>
        %mul3A_518 = arith.constant 2 : i32
        %mul3A_519 = arith.muli %mul3A_518, %scan3A_172 : i32
        %add3A_520 = arith.constant 1 : i32
        %add3A_521 = arith.addi %mul3A_519, %add3A_520 : i32
        %add3A_522 = arith.constant 1 : i32
        %add3A_523 = arith.addi %add3A_521, %add3A_522 : i32
        %get3A_524 = arith.index_cast %add3A_523 : i32 to index
        %get3A_525 = arith.constant 112 : index
        %get3A_526 = tpu.vector_load %arg7[%get3A_524, %get3A_525] {strides = array<i32>} : memref<104x256xf32, #tpu.memory_space<vmem>>, vector<1x16xf32>,
        %get3A_527 = vector.shape_cast %get3A_526 : vector<1x16xf32> to vector<16xf32>
        %mul3A_528 = arith.constant 2 : i32
        %mul3A_529 = arith.muli %mul3A_528, %scan3A_172 : i32
        %add3A_530 = arith.constant 1 : i32
        %add3A_531 = arith.addi %mul3A_529, %add3A_530 : i32
        %add3A_532 = arith.constant 2 : i32
        %add3A_533 = arith.addi %add3A_531, %add3A_532 : i32
        %get3A_534 = arith.index_cast %add3A_533 : i32 to index
        %get3A_535 = arith.constant 176 : index
        %get3A_536 = tpu.vector_load %arg7[%get3A_534, %get3A_535] {strides = array<i32>} : memref<104x256xf32, #tpu.memory_space<vmem>>, vector<1x16xf32>,
        %get3A_537 = vector.shape_cast %get3A_536 : vector<1x16xf32> to vector<16xf32>
        %mul3A_538 = arith.constant 2 : i32
        %mul3A_539 = arith.muli %mul3A_538, %scan3A_172 : i32
        %add3A_540 = arith.constant 1 : i32
        %add3A_541 = arith.addi %mul3A_539, %add3A_540 : i32
        %add3A_542 = arith.constant 3 : i32
        %add3A_543 = arith.addi %add3A_541, %add3A_542 : i32
        %get3A_544 = arith.index_cast %add3A_543 : i32 to index
        %get3A_545 = arith.constant 240 : index
        %get3A_546 = tpu.vector_load %arg7[%get3A_544, %get3A_545] {strides = array<i32>} : memref<104x256xf32, #tpu.memory_space<vmem>>, vector<1x16xf32>,
        %get3A_547 = vector.shape_cast %get3A_546 : vector<1x16xf32> to vector<16xf32>
        %add3A_548 = arith.addf %get3A_517, %get3A_527 : vector<16xf32>
        %add3A_549 = arith.addf %add3A_548, %get3A_537 : vector<16xf32>
        %add3A_550 = arith.addf %add3A_549, %get3A_547 : vector<16xf32>
        %swap3A_551 = arith.index_cast %scan3A_172 : i32 to index
        %swap3A_552 = arith.constant 112 : index
        %swap3A_553 = tpu.vector_load %arg11[%swap3A_551, %swap3A_552] {strides = array<i32>} : memref<100x128xf32, #tpu.memory_space<vmem>>, vector<1x16xf32>,
        %swap3A_554 = vector.shape_cast %swap3A_553 : vector<1x16xf32> to vector<16xf32>
        %swap3A_555 = vector.shape_cast %add3A_550 : vector<16xf32> to vector<1x16xf32>
        tpu.vector_store %arg11[%swap3A_551, %swap3A_552], %swap3A_555 {strides = array<i32>} : memref<100x128xf32, #tpu.memory_space<vmem>>, vector<1x16xf32>,
        %scan3A_556 = arith.constant 0 : i32
        %scan3A_557 = arith.constant 1 : i32
        %scan3A_558 = arith.addi %scan3A_172, %scan3A_557 : i32
        %mul3A_559 = arith.constant 2 : i32
        %mul3A_560 = arith.muli %mul3A_559, %scan3A_558 : i32
        %add3A_561 = arith.constant 0 : i32
        %add3A_562 = arith.addi %mul3A_560, %add3A_561 : i32
        %add3A_563 = arith.constant 0 : i32
        %add3A_564 = arith.addi %add3A_562, %add3A_563 : i32
        %get3A_565 = arith.index_cast %add3A_564 : i32 to index
        %get3A_566 = arith.constant 0 : index
        %get3A_567 = tpu.vector_load %arg7[%get3A_565, %get3A_566] {strides = array<i32>} : memref<104x256xf32, #tpu.memory_space<vmem>>, vector<1x16xf32>,
        %get3A_568 = vector.shape_cast %get3A_567 : vector<1x16xf32> to vector<16xf32>
        %mul3A_569 = arith.constant 2 : i32
        %mul3A_570 = arith.muli %mul3A_569, %scan3A_558 : i32
        %add3A_571 = arith.constant 0 : i32
        %add3A_572 = arith.addi %mul3A_570, %add3A_571 : i32
        %add3A_573 = arith.constant 1 : i32
        %add3A_574 = arith.addi %add3A_572, %add3A_573 : i32
        %get3A_575 = arith.index_cast %add3A_574 : i32 to index
        %get3A_576 = arith.constant 64 : index
        %get3A_577 = tpu.vector_load %arg7[%get3A_575, %get3A_576] {strides = array<i32>} : memref<104x256xf32, #tpu.memory_space<vmem>>, vector<1x16xf32>,
        %get3A_578 = vector.shape_cast %get3A_577 : vector<1x16xf32> to vector<16xf32>
        %mul3A_579 = arith.constant 2 : i32
        %mul3A_580 = arith.muli %mul3A_579, %scan3A_558 : i32
        %add3A_581 = arith.constant 0 : i32
        %add3A_582 = arith.addi %mul3A_580, %add3A_581 : i32
        %add3A_583 = arith.constant 2 : i32
        %add3A_584 = arith.addi %add3A_582, %add3A_583 : i32
        %get3A_585 = arith.index_cast %add3A_584 : i32 to index
        %get3A_586 = arith.constant 128 : index
        %get3A_587 = tpu.vector_load %arg7[%get3A_585, %get3A_586] {strides = array<i32>} : memref<104x256xf32, #tpu.memory_space<vmem>>, vector<1x16xf32>,
        %get3A_588 = vector.shape_cast %get3A_587 : vector<1x16xf32> to vector<16xf32>
        %mul3A_589 = arith.constant 2 : i32
        %mul3A_590 = arith.muli %mul3A_589, %scan3A_558 : i32
        %add3A_591 = arith.constant 0 : i32
        %add3A_592 = arith.addi %mul3A_590, %add3A_591 : i32
        %add3A_593 = arith.constant 3 : i32
        %add3A_594 = arith.addi %add3A_592, %add3A_593 : i32
        %get3A_595 = arith.index_cast %add3A_594 : i32 to index
        %get3A_596 = arith.constant 192 : index
        %get3A_597 = tpu.vector_load %arg7[%get3A_595, %get3A_596] {strides = array<i32>} : memref<104x256xf32, #tpu.memory_space<vmem>>, vector<1x16xf32>,
        %get3A_598 = vector.shape_cast %get3A_597 : vector<1x16xf32> to vector<16xf32>
        %add3A_599 = arith.addf %get3A_568, %get3A_578 : vector<16xf32>
        %add3A_600 = arith.addf %add3A_599, %get3A_588 : vector<16xf32>
        %add3A_601 = arith.addf %add3A_600, %get3A_598 : vector<16xf32>
        %swap3A_602 = arith.index_cast %scan3A_558 : i32 to index
        %swap3A_603 = arith.constant 0 : index
        %swap3A_604 = tpu.vector_load %arg11[%swap3A_602, %swap3A_603] {strides = array<i32>} : memref<100x128xf32, #tpu.memory_space<vmem>>, vector<1x16xf32>,
        %swap3A_605 = vector.shape_cast %swap3A_604 : vector<1x16xf32> to vector<16xf32>
        %swap3A_606 = vector.shape_cast %add3A_601 : vector<16xf32> to vector<1x16xf32>
        tpu.vector_store %arg11[%swap3A_602, %swap3A_603], %swap3A_606 {strides = array<i32>} : memref<100x128xf32, #tpu.memory_space<vmem>>, vector<1x16xf32>,
        %mul3A_607 = arith.constant 2 : i32
        %mul3A_608 = arith.muli %mul3A_607, %scan3A_558 : i32
        %add3A_609 = arith.constant 0 : i32
        %add3A_610 = arith.addi %mul3A_608, %add3A_609 : i32
        %add3A_611 = arith.constant 0 : i32
        %add3A_612 = arith.addi %add3A_610, %add3A_611 : i32
        %get3A_613 = arith.index_cast %add3A_612 : i32 to index
        %get3A_614 = arith.constant 16 : index
        %get3A_615 = tpu.vector_load %arg7[%get3A_613, %get3A_614] {strides = array<i32>} : memref<104x256xf32, #tpu.memory_space<vmem>>, vector<1x16xf32>,
        %get3A_616 = vector.shape_cast %get3A_615 : vector<1x16xf32> to vector<16xf32>
        %mul3A_617 = arith.constant 2 : i32
        %mul3A_618 = arith.muli %mul3A_617, %scan3A_558 : i32
        %add3A_619 = arith.constant 0 : i32
        %add3A_620 = arith.addi %mul3A_618, %add3A_619 : i32
        %add3A_621 = arith.constant 1 : i32
        %add3A_622 = arith.addi %add3A_620, %add3A_621 : i32
        %get3A_623 = arith.index_cast %add3A_622 : i32 to index
        %get3A_624 = arith.constant 80 : index
        %get3A_625 = tpu.vector_load %arg7[%get3A_623, %get3A_624] {strides = array<i32>} : memref<104x256xf32, #tpu.memory_space<vmem>>, vector<1x16xf32>,
        %get3A_626 = vector.shape_cast %get3A_625 : vector<1x16xf32> to vector<16xf32>
        %mul3A_627 = arith.constant 2 : i32
        %mul3A_628 = arith.muli %mul3A_627, %scan3A_558 : i32
        %add3A_629 = arith.constant 0 : i32
        %add3A_630 = arith.addi %mul3A_628, %add3A_629 : i32
        %add3A_631 = arith.constant 2 : i32
        %add3A_632 = arith.addi %add3A_630, %add3A_631 : i32
        %get3A_633 = arith.index_cast %add3A_632 : i32 to index
        %get3A_634 = arith.constant 144 : index
        %get3A_635 = tpu.vector_load %arg7[%get3A_633, %get3A_634] {strides = array<i32>} : memref<104x256xf32, #tpu.memory_space<vmem>>, vector<1x16xf32>,
        %get3A_636 = vector.shape_cast %get3A_635 : vector<1x16xf32> to vector<16xf32>
        %mul3A_637 = arith.constant 2 : i32
        %mul3A_638 = arith.muli %mul3A_637, %scan3A_558 : i32
        %add3A_639 = arith.constant 0 : i32
        %add3A_640 = arith.addi %mul3A_638, %add3A_639 : i32
        %add3A_641 = arith.constant 3 : i32
        %add3A_642 = arith.addi %add3A_640, %add3A_641 : i32
        %get3A_643 = arith.index_cast %add3A_642 : i32 to index
        %get3A_644 = arith.constant 208 : index
        %get3A_645 = tpu.vector_load %arg7[%get3A_643, %get3A_644] {strides = array<i32>} : memref<104x256xf32, #tpu.memory_space<vmem>>, vector<1x16xf32>,
        %get3A_646 = vector.shape_cast %get3A_645 : vector<1x16xf32> to vector<16xf32>
        %add3A_647 = arith.addf %get3A_616, %get3A_626 : vector<16xf32>
        %add3A_648 = arith.addf %add3A_647, %get3A_636 : vector<16xf32>
        %add3A_649 = arith.addf %add3A_648, %get3A_646 : vector<16xf32>
        %swap3A_650 = arith.index_cast %scan3A_558 : i32 to index
        %swap3A_651 = arith.constant 16 : index
        %swap3A_652 = tpu.vector_load %arg11[%swap3A_650, %swap3A_651] {strides = array<i32>} : memref<100x128xf32, #tpu.memory_space<vmem>>, vector<1x16xf32>,
        %swap3A_653 = vector.shape_cast %swap3A_652 : vector<1x16xf32> to vector<16xf32>
        %swap3A_654 = vector.shape_cast %add3A_649 : vector<16xf32> to vector<1x16xf32>
        tpu.vector_store %arg11[%swap3A_650, %swap3A_651], %swap3A_654 {strides = array<i32>} : memref<100x128xf32, #tpu.memory_space<vmem>>, vector<1x16xf32>,
        %mul3A_655 = arith.constant 2 : i32
        %mul3A_656 = arith.muli %mul3A_655, %scan3A_558 : i32
        %add3A_657 = arith.constant 0 : i32
        %add3A_658 = arith.addi %mul3A_656, %add3A_657 : i32
        %add3A_659 = arith.constant 0 : i32
        %add3A_660 = arith.addi %add3A_658, %add3A_659 : i32
        %get3A_661 = arith.index_cast %add3A_660 : i32 to index
        %get3A_662 = arith.constant 32 : index
        %get3A_663 = tpu.vector_load %arg7[%get3A_661, %get3A_662] {strides = array<i32>} : memref<104x256xf32, #tpu.memory_space<vmem>>, vector<1x16xf32>,
        %get3A_664 = vector.shape_cast %get3A_663 : vector<1x16xf32> to vector<16xf32>
        %mul3A_665 = arith.constant 2 : i32
        %mul3A_666 = arith.muli %mul3A_665, %scan3A_558 : i32
        %add3A_667 = arith.constant 0 : i32
        %add3A_668 = arith.addi %mul3A_666, %add3A_667 : i32
        %add3A_669 = arith.constant 1 : i32
        %add3A_670 = arith.addi %add3A_668, %add3A_669 : i32
        %get3A_671 = arith.index_cast %add3A_670 : i32 to index
        %get3A_672 = arith.constant 96 : index
        %get3A_673 = tpu.vector_load %arg7[%get3A_671, %get3A_672] {strides = array<i32>} : memref<104x256xf32, #tpu.memory_space<vmem>>, vector<1x16xf32>,
        %get3A_674 = vector.shape_cast %get3A_673 : vector<1x16xf32> to vector<16xf32>
        %mul3A_675 = arith.constant 2 : i32
        %mul3A_676 = arith.muli %mul3A_675, %scan3A_558 : i32
        %add3A_677 = arith.constant 0 : i32
        %add3A_678 = arith.addi %mul3A_676, %add3A_677 : i32
        %add3A_679 = arith.constant 2 : i32
        %add3A_680 = arith.addi %add3A_678, %add3A_679 : i32
        %get3A_681 = arith.index_cast %add3A_680 : i32 to index
        %get3A_682 = arith.constant 160 : index
        %get3A_683 = tpu.vector_load %arg7[%get3A_681, %get3A_682] {strides = array<i32>} : memref<104x256xf32, #tpu.memory_space<vmem>>, vector<1x16xf32>,
        %get3A_684 = vector.shape_cast %get3A_683 : vector<1x16xf32> to vector<16xf32>
        %mul3A_685 = arith.constant 2 : i32
        %mul3A_686 = arith.muli %mul3A_685, %scan3A_558 : i32
        %add3A_687 = arith.constant 0 : i32
        %add3A_688 = arith.addi %mul3A_686, %add3A_687 : i32
        %add3A_689 = arith.constant 3 : i32
        %add3A_690 = arith.addi %add3A_688, %add3A_689 : i32
        %get3A_691 = arith.index_cast %add3A_690 : i32 to index
        %get3A_692 = arith.constant 224 : index
        %get3A_693 = tpu.vector_load %arg7[%get3A_691, %get3A_692] {strides = array<i32>} : memref<104x256xf32, #tpu.memory_space<vmem>>, vector<1x16xf32>,
        %get3A_694 = vector.shape_cast %get3A_693 : vector<1x16xf32> to vector<16xf32>
        %add3A_695 = arith.addf %get3A_664, %get3A_674 : vector<16xf32>
        %add3A_696 = arith.addf %add3A_695, %get3A_684 : vector<16xf32>
        %add3A_697 = arith.addf %add3A_696, %get3A_694 : vector<16xf32>
        %swap3A_698 = arith.index_cast %scan3A_558 : i32 to index
        %swap3A_699 = arith.constant 32 : index
        %swap3A_700 = tpu.vector_load %arg11[%swap3A_698, %swap3A_699] {strides = array<i32>} : memref<100x128xf32, #tpu.memory_space<vmem>>, vector<1x16xf32>,
        %swap3A_701 = vector.shape_cast %swap3A_700 : vector<1x16xf32> to vector<16xf32>
        %swap3A_702 = vector.shape_cast %add3A_697 : vector<16xf32> to vector<1x16xf32>
        tpu.vector_store %arg11[%swap3A_698, %swap3A_699], %swap3A_702 {strides = array<i32>} : memref<100x128xf32, #tpu.memory_space<vmem>>, vector<1x16xf32>,
        %mul3A_703 = arith.constant 2 : i32
        %mul3A_704 = arith.muli %mul3A_703, %scan3A_558 : i32
        %add3A_705 = arith.constant 0 : i32
        %add3A_706 = arith.addi %mul3A_704, %add3A_705 : i32
        %add3A_707 = arith.constant 0 : i32
        %add3A_708 = arith.addi %add3A_706, %add3A_707 : i32
        %get3A_709 = arith.index_cast %add3A_708 : i32 to index
        %get3A_710 = arith.constant 48 : index
        %get3A_711 = tpu.vector_load %arg7[%get3A_709, %get3A_710] {strides = array<i32>} : memref<104x256xf32, #tpu.memory_space<vmem>>, vector<1x16xf32>,
        %get3A_712 = vector.shape_cast %get3A_711 : vector<1x16xf32> to vector<16xf32>
        %mul3A_713 = arith.constant 2 : i32
        %mul3A_714 = arith.muli %mul3A_713, %scan3A_558 : i32
        %add3A_715 = arith.constant 0 : i32
        %add3A_716 = arith.addi %mul3A_714, %add3A_715 : i32
        %add3A_717 = arith.constant 1 : i32
        %add3A_718 = arith.addi %add3A_716, %add3A_717 : i32
        %get3A_719 = arith.index_cast %add3A_718 : i32 to index
        %get3A_720 = arith.constant 112 : index
        %get3A_721 = tpu.vector_load %arg7[%get3A_719, %get3A_720] {strides = array<i32>} : memref<104x256xf32, #tpu.memory_space<vmem>>, vector<1x16xf32>,
        %get3A_722 = vector.shape_cast %get3A_721 : vector<1x16xf32> to vector<16xf32>
        %mul3A_723 = arith.constant 2 : i32
        %mul3A_724 = arith.muli %mul3A_723, %scan3A_558 : i32
        %add3A_725 = arith.constant 0 : i32
        %add3A_726 = arith.addi %mul3A_724, %add3A_725 : i32
        %add3A_727 = arith.constant 2 : i32
        %add3A_728 = arith.addi %add3A_726, %add3A_727 : i32
        %get3A_729 = arith.index_cast %add3A_728 : i32 to index
        %get3A_730 = arith.constant 176 : index
        %get3A_731 = tpu.vector_load %arg7[%get3A_729, %get3A_730] {strides = array<i32>} : memref<104x256xf32, #tpu.memory_space<vmem>>, vector<1x16xf32>,
        %get3A_732 = vector.shape_cast %get3A_731 : vector<1x16xf32> to vector<16xf32>
        %mul3A_733 = arith.constant 2 : i32
        %mul3A_734 = arith.muli %mul3A_733, %scan3A_558 : i32
        %add3A_735 = arith.constant 0 : i32
        %add3A_736 = arith.addi %mul3A_734, %add3A_735 : i32
        %add3A_737 = arith.constant 3 : i32
        %add3A_738 = arith.addi %add3A_736, %add3A_737 : i32
        %get3A_739 = arith.index_cast %add3A_738 : i32 to index
        %get3A_740 = arith.constant 240 : index
        %get3A_741 = tpu.vector_load %arg7[%get3A_739, %get3A_740] {strides = array<i32>} : memref<104x256xf32, #tpu.memory_space<vmem>>, vector<1x16xf32>,
        %get3A_742 = vector.shape_cast %get3A_741 : vector<1x16xf32> to vector<16xf32>
        %add3A_743 = arith.addf %get3A_712, %get3A_722 : vector<16xf32>
        %add3A_744 = arith.addf %add3A_743, %get3A_732 : vector<16xf32>
        %add3A_745 = arith.addf %add3A_744, %get3A_742 : vector<16xf32>
        %swap3A_746 = arith.index_cast %scan3A_558 : i32 to index
        %swap3A_747 = arith.constant 48 : index
        %swap3A_748 = tpu.vector_load %arg11[%swap3A_746, %swap3A_747] {strides = array<i32>} : memref<100x128xf32, #tpu.memory_space<vmem>>, vector<1x16xf32>,
        %swap3A_749 = vector.shape_cast %swap3A_748 : vector<1x16xf32> to vector<16xf32>
        %swap3A_750 = vector.shape_cast %add3A_745 : vector<16xf32> to vector<1x16xf32>
        tpu.vector_store %arg11[%swap3A_746, %swap3A_747], %swap3A_750 {strides = array<i32>} : memref<100x128xf32, #tpu.memory_space<vmem>>, vector<1x16xf32>,
        %mul3A_751 = arith.constant 2 : i32
        %mul3A_752 = arith.muli %mul3A_751, %scan3A_558 : i32
        %add3A_753 = arith.constant 1 : i32
        %add3A_754 = arith.addi %mul3A_752, %add3A_753 : i32
        %add3A_755 = arith.constant 0 : i32
        %add3A_756 = arith.addi %add3A_754, %add3A_755 : i32
        %get3A_757 = arith.index_cast %add3A_756 : i32 to index
        %get3A_758 = arith.constant 0 : index
        %get3A_759 = tpu.vector_load %arg7[%get3A_757, %get3A_758] {strides = array<i32>} : memref<104x256xf32, #tpu.memory_space<vmem>>, vector<1x16xf32>,
        %get3A_760 = vector.shape_cast %get3A_759 : vector<1x16xf32> to vector<16xf32>
        %mul3A_761 = arith.constant 2 : i32
        %mul3A_762 = arith.muli %mul3A_761, %scan3A_558 : i32
        %add3A_763 = arith.constant 1 : i32
        %add3A_764 = arith.addi %mul3A_762, %add3A_763 : i32
        %add3A_765 = arith.constant 1 : i32
        %add3A_766 = arith.addi %add3A_764, %add3A_765 : i32
        %get3A_767 = arith.index_cast %add3A_766 : i32 to index
        %get3A_768 = arith.constant 64 : index
        %get3A_769 = tpu.vector_load %arg7[%get3A_767, %get3A_768] {strides = array<i32>} : memref<104x256xf32, #tpu.memory_space<vmem>>, vector<1x16xf32>,
        %get3A_770 = vector.shape_cast %get3A_769 : vector<1x16xf32> to vector<16xf32>
        %mul3A_771 = arith.constant 2 : i32
        %mul3A_772 = arith.muli %mul3A_771, %scan3A_558 : i32
        %add3A_773 = arith.constant 1 : i32
        %add3A_774 = arith.addi %mul3A_772, %add3A_773 : i32
        %add3A_775 = arith.constant 2 : i32
        %add3A_776 = arith.addi %add3A_774, %add3A_775 : i32
        %get3A_777 = arith.index_cast %add3A_776 : i32 to index
        %get3A_778 = arith.constant 128 : index
        %get3A_779 = tpu.vector_load %arg7[%get3A_777, %get3A_778] {strides = array<i32>} : memref<104x256xf32, #tpu.memory_space<vmem>>, vector<1x16xf32>,
        %get3A_780 = vector.shape_cast %get3A_779 : vector<1x16xf32> to vector<16xf32>
        %mul3A_781 = arith.constant 2 : i32
        %mul3A_782 = arith.muli %mul3A_781, %scan3A_558 : i32
        %add3A_783 = arith.constant 1 : i32
        %add3A_784 = arith.addi %mul3A_782, %add3A_783 : i32
        %add3A_785 = arith.constant 3 : i32
        %add3A_786 = arith.addi %add3A_784, %add3A_785 : i32
        %get3A_787 = arith.index_cast %add3A_786 : i32 to index
        %get3A_788 = arith.constant 192 : index
        %get3A_789 = tpu.vector_load %arg7[%get3A_787, %get3A_788] {strides = array<i32>} : memref<104x256xf32, #tpu.memory_space<vmem>>, vector<1x16xf32>,
        %get3A_790 = vector.shape_cast %get3A_789 : vector<1x16xf32> to vector<16xf32>
        %add3A_791 = arith.addf %get3A_760, %get3A_770 : vector<16xf32>
        %add3A_792 = arith.addf %add3A_791, %get3A_780 : vector<16xf32>
        %add3A_793 = arith.addf %add3A_792, %get3A_790 : vector<16xf32>
        %swap3A_794 = arith.index_cast %scan3A_558 : i32 to index
        %swap3A_795 = arith.constant 64 : index
        %swap3A_796 = tpu.vector_load %arg11[%swap3A_794, %swap3A_795] {strides = array<i32>} : memref<100x128xf32, #tpu.memory_space<vmem>>, vector<1x16xf32>,
        %swap3A_797 = vector.shape_cast %swap3A_796 : vector<1x16xf32> to vector<16xf32>
        %swap3A_798 = vector.shape_cast %add3A_793 : vector<16xf32> to vector<1x16xf32>
        tpu.vector_store %arg11[%swap3A_794, %swap3A_795], %swap3A_798 {strides = array<i32>} : memref<100x128xf32, #tpu.memory_space<vmem>>, vector<1x16xf32>,
        %mul3A_799 = arith.constant 2 : i32
        %mul3A_800 = arith.muli %mul3A_799, %scan3A_558 : i32
        %add3A_801 = arith.constant 1 : i32
        %add3A_802 = arith.addi %mul3A_800, %add3A_801 : i32
        %add3A_803 = arith.constant 0 : i32
        %add3A_804 = arith.addi %add3A_802, %add3A_803 : i32
        %get3A_805 = arith.index_cast %add3A_804 : i32 to index
        %get3A_806 = arith.constant 16 : index
        %get3A_807 = tpu.vector_load %arg7[%get3A_805, %get3A_806] {strides = array<i32>} : memref<104x256xf32, #tpu.memory_space<vmem>>, vector<1x16xf32>,
        %get3A_808 = vector.shape_cast %get3A_807 : vector<1x16xf32> to vector<16xf32>
        %mul3A_809 = arith.constant 2 : i32
        %mul3A_810 = arith.muli %mul3A_809, %scan3A_558 : i32
        %add3A_811 = arith.constant 1 : i32
        %add3A_812 = arith.addi %mul3A_810, %add3A_811 : i32
        %add3A_813 = arith.constant 1 : i32
        %add3A_814 = arith.addi %add3A_812, %add3A_813 : i32
        %get3A_815 = arith.index_cast %add3A_814 : i32 to index
        %get3A_816 = arith.constant 80 : index
        %get3A_817 = tpu.vector_load %arg7[%get3A_815, %get3A_816] {strides = array<i32>} : memref<104x256xf32, #tpu.memory_space<vmem>>, vector<1x16xf32>,
        %get3A_818 = vector.shape_cast %get3A_817 : vector<1x16xf32> to vector<16xf32>
        %mul3A_819 = arith.constant 2 : i32
        %mul3A_820 = arith.muli %mul3A_819, %scan3A_558 : i32
        %add3A_821 = arith.constant 1 : i32
        %add3A_822 = arith.addi %mul3A_820, %add3A_821 : i32
        %add3A_823 = arith.constant 2 : i32
        %add3A_824 = arith.addi %add3A_822, %add3A_823 : i32
        %get3A_825 = arith.index_cast %add3A_824 : i32 to index
        %get3A_826 = arith.constant 144 : index
        %get3A_827 = tpu.vector_load %arg7[%get3A_825, %get3A_826] {strides = array<i32>} : memref<104x256xf32, #tpu.memory_space<vmem>>, vector<1x16xf32>,
        %get3A_828 = vector.shape_cast %get3A_827 : vector<1x16xf32> to vector<16xf32>
        %mul3A_829 = arith.constant 2 : i32
        %mul3A_830 = arith.muli %mul3A_829, %scan3A_558 : i32
        %add3A_831 = arith.constant 1 : i32
        %add3A_832 = arith.addi %mul3A_830, %add3A_831 : i32
        %add3A_833 = arith.constant 3 : i32
        %add3A_834 = arith.addi %add3A_832, %add3A_833 : i32
        %get3A_835 = arith.index_cast %add3A_834 : i32 to index
        %get3A_836 = arith.constant 208 : index
        %get3A_837 = tpu.vector_load %arg7[%get3A_835, %get3A_836] {strides = array<i32>} : memref<104x256xf32, #tpu.memory_space<vmem>>, vector<1x16xf32>,
        %get3A_838 = vector.shape_cast %get3A_837 : vector<1x16xf32> to vector<16xf32>
        %add3A_839 = arith.addf %get3A_808, %get3A_818 : vector<16xf32>
        %add3A_840 = arith.addf %add3A_839, %get3A_828 : vector<16xf32>
        %add3A_841 = arith.addf %add3A_840, %get3A_838 : vector<16xf32>
        %swap3A_842 = arith.index_cast %scan3A_558 : i32 to index
        %swap3A_843 = arith.constant 80 : index
        %swap3A_844 = tpu.vector_load %arg11[%swap3A_842, %swap3A_843] {strides = array<i32>} : memref<100x128xf32, #tpu.memory_space<vmem>>, vector<1x16xf32>,
        %swap3A_845 = vector.shape_cast %swap3A_844 : vector<1x16xf32> to vector<16xf32>
        %swap3A_846 = vector.shape_cast %add3A_841 : vector<16xf32> to vector<1x16xf32>
        tpu.vector_store %arg11[%swap3A_842, %swap3A_843], %swap3A_846 {strides = array<i32>} : memref<100x128xf32, #tpu.memory_space<vmem>>, vector<1x16xf32>,
        %mul3A_847 = arith.constant 2 : i32
        %mul3A_848 = arith.muli %mul3A_847, %scan3A_558 : i32
        %add3A_849 = arith.constant 1 : i32
        %add3A_850 = arith.addi %mul3A_848, %add3A_849 : i32
        %add3A_851 = arith.constant 0 : i32
        %add3A_852 = arith.addi %add3A_850, %add3A_851 : i32
        %get3A_853 = arith.index_cast %add3A_852 : i32 to index
        %get3A_854 = arith.constant 32 : index
        %get3A_855 = tpu.vector_load %arg7[%get3A_853, %get3A_854] {strides = array<i32>} : memref<104x256xf32, #tpu.memory_space<vmem>>, vector<1x16xf32>,
        %get3A_856 = vector.shape_cast %get3A_855 : vector<1x16xf32> to vector<16xf32>
        %mul3A_857 = arith.constant 2 : i32
        %mul3A_858 = arith.muli %mul3A_857, %scan3A_558 : i32
        %add3A_859 = arith.constant 1 : i32
        %add3A_860 = arith.addi %mul3A_858, %add3A_859 : i32
        %add3A_861 = arith.constant 1 : i32
        %add3A_862 = arith.addi %add3A_860, %add3A_861 : i32
        %get3A_863 = arith.index_cast %add3A_862 : i32 to index
        %get3A_864 = arith.constant 96 : index
        %get3A_865 = tpu.vector_load %arg7[%get3A_863, %get3A_864] {strides = array<i32>} : memref<104x256xf32, #tpu.memory_space<vmem>>, vector<1x16xf32>,
        %get3A_866 = vector.shape_cast %get3A_865 : vector<1x16xf32> to vector<16xf32>
        %mul3A_867 = arith.constant 2 : i32
        %mul3A_868 = arith.muli %mul3A_867, %scan3A_558 : i32
        %add3A_869 = arith.constant 1 : i32
        %add3A_870 = arith.addi %mul3A_868, %add3A_869 : i32
        %add3A_871 = arith.constant 2 : i32
        %add3A_872 = arith.addi %add3A_870, %add3A_871 : i32
        %get3A_873 = arith.index_cast %add3A_872 : i32 to index
        %get3A_874 = arith.constant 160 : index
        %get3A_875 = tpu.vector_load %arg7[%get3A_873, %get3A_874] {strides = array<i32>} : memref<104x256xf32, #tpu.memory_space<vmem>>, vector<1x16xf32>,
        %get3A_876 = vector.shape_cast %get3A_875 : vector<1x16xf32> to vector<16xf32>
        %mul3A_877 = arith.constant 2 : i32
        %mul3A_878 = arith.muli %mul3A_877, %scan3A_558 : i32
        %add3A_879 = arith.constant 1 : i32
        %add3A_880 = arith.addi %mul3A_878, %add3A_879 : i32
        %add3A_881 = arith.constant 3 : i32
        %add3A_882 = arith.addi %add3A_880, %add3A_881 : i32
        %get3A_883 = arith.index_cast %add3A_882 : i32 to index
        %get3A_884 = arith.constant 224 : index
        %get3A_885 = tpu.vector_load %arg7[%get3A_883, %get3A_884] {strides = array<i32>} : memref<104x256xf32, #tpu.memory_space<vmem>>, vector<1x16xf32>,
        %get3A_886 = vector.shape_cast %get3A_885 : vector<1x16xf32> to vector<16xf32>
        %add3A_887 = arith.addf %get3A_856, %get3A_866 : vector<16xf32>
        %add3A_888 = arith.addf %add3A_887, %get3A_876 : vector<16xf32>
        %add3A_889 = arith.addf %add3A_888, %get3A_886 : vector<16xf32>
        %swap3A_890 = arith.index_cast %scan3A_558 : i32 to index
        %swap3A_891 = arith.constant 96 : index
        %swap3A_892 = tpu.vector_load %arg11[%swap3A_890, %swap3A_891] {strides = array<i32>} : memref<100x128xf32, #tpu.memory_space<vmem>>, vector<1x16xf32>,
        %swap3A_893 = vector.shape_cast %swap3A_892 : vector<1x16xf32> to vector<16xf32>
        %swap3A_894 = vector.shape_cast %add3A_889 : vector<16xf32> to vector<1x16xf32>
        tpu.vector_store %arg11[%swap3A_890, %swap3A_891], %swap3A_894 {strides = array<i32>} : memref<100x128xf32, #tpu.memory_space<vmem>>, vector<1x16xf32>,
        %mul3A_895 = arith.constant 2 : i32
        %mul3A_896 = arith.muli %mul3A_895, %scan3A_558 : i32
        %add3A_897 = arith.constant 1 : i32
        %add3A_898 = arith.addi %mul3A_896, %add3A_897 : i32
        %add3A_899 = arith.constant 0 : i32
        %add3A_900 = arith.addi %add3A_898, %add3A_899 : i32
        %get3A_901 = arith.index_cast %add3A_900 : i32 to index
        %get3A_902 = arith.constant 48 : index
        %get3A_903 = tpu.vector_load %arg7[%get3A_901, %get3A_902] {strides = array<i32>} : memref<104x256xf32, #tpu.memory_space<vmem>>, vector<1x16xf32>,
        %get3A_904 = vector.shape_cast %get3A_903 : vector<1x16xf32> to vector<16xf32>
        %mul3A_905 = arith.constant 2 : i32
        %mul3A_906 = arith.muli %mul3A_905, %scan3A_558 : i32
        %add3A_907 = arith.constant 1 : i32
        %add3A_908 = arith.addi %mul3A_906, %add3A_907 : i32
        %add3A_909 = arith.constant 1 : i32
        %add3A_910 = arith.addi %add3A_908, %add3A_909 : i32
        %get3A_911 = arith.index_cast %add3A_910 : i32 to index
        %get3A_912 = arith.constant 112 : index
        %get3A_913 = tpu.vector_load %arg7[%get3A_911, %get3A_912] {strides = array<i32>} : memref<104x256xf32, #tpu.memory_space<vmem>>, vector<1x16xf32>,
        %get3A_914 = vector.shape_cast %get3A_913 : vector<1x16xf32> to vector<16xf32>
        %mul3A_915 = arith.constant 2 : i32
        %mul3A_916 = arith.muli %mul3A_915, %scan3A_558 : i32
        %add3A_917 = arith.constant 1 : i32
        %add3A_918 = arith.addi %mul3A_916, %add3A_917 : i32
        %add3A_919 = arith.constant 2 : i32
        %add3A_920 = arith.addi %add3A_918, %add3A_919 : i32
        %get3A_921 = arith.index_cast %add3A_920 : i32 to index
        %get3A_922 = arith.constant 176 : index
        %get3A_923 = tpu.vector_load %arg7[%get3A_921, %get3A_922] {strides = array<i32>} : memref<104x256xf32, #tpu.memory_space<vmem>>, vector<1x16xf32>,
        %get3A_924 = vector.shape_cast %get3A_923 : vector<1x16xf32> to vector<16xf32>
        %mul3A_925 = arith.constant 2 : i32
        %mul3A_926 = arith.muli %mul3A_925, %scan3A_558 : i32
        %add3A_927 = arith.constant 1 : i32
        %add3A_928 = arith.addi %mul3A_926, %add3A_927 : i32
        %add3A_929 = arith.constant 3 : i32
        %add3A_930 = arith.addi %add3A_928, %add3A_929 : i32
        %get3A_931 = arith.index_cast %add3A_930 : i32 to index
        %get3A_932 = arith.constant 240 : index
        %get3A_933 = tpu.vector_load %arg7[%get3A_931, %get3A_932] {strides = array<i32>} : memref<104x256xf32, #tpu.memory_space<vmem>>, vector<1x16xf32>,
        %get3A_934 = vector.shape_cast %get3A_933 : vector<1x16xf32> to vector<16xf32>
        %add3A_935 = arith.addf %get3A_904, %get3A_914 : vector<16xf32>
        %add3A_936 = arith.addf %add3A_935, %get3A_924 : vector<16xf32>
        %add3A_937 = arith.addf %add3A_936, %get3A_934 : vector<16xf32>
        %swap3A_938 = arith.index_cast %scan3A_558 : i32 to index
        %swap3A_939 = arith.constant 112 : index
        %swap3A_940 = tpu.vector_load %arg11[%swap3A_938, %swap3A_939] {strides = array<i32>} : memref<100x128xf32, #tpu.memory_space<vmem>>, vector<1x16xf32>,
        %swap3A_941 = vector.shape_cast %swap3A_940 : vector<1x16xf32> to vector<16xf32>
        %swap3A_942 = vector.shape_cast %add3A_937 : vector<16xf32> to vector<1x16xf32>
        tpu.vector_store %arg11[%swap3A_938, %swap3A_939], %swap3A_942 {strides = array<i32>} : memref<100x128xf32, #tpu.memory_space<vmem>>, vector<1x16xf32>,
        %scan3A_943 = arith.constant 0 : i32
        scf.yield %scan3A_943 : i32
      }
      %scan3A_96 = arith.constant 50 : i32
      %scan3A_97 = arith.constant 0 : i32
      %scan3A_98 = arith.constant 50 : i32
      %scan3A_99 = arith.constant 50 : i32
      %scan3A_100 = arith.addi %scan3A_98, %scan3A_99 : i32
      %scan3A_101 = arith.constant 2 : i32
      %scan3A_102 = scf.for %scan3A_172 = %scan3A_98 to %scan3A_100 step %scan3A_101 iter_args(%scan3A_173 = %scan3A_97) -> (i32)  : i32 {
        %mul3A_174 = arith.constant 2 : i32
        %mul3A_175 = arith.muli %mul3A_174, %scan3A_172 : i32
        %add3A_176 = arith.constant 0 : i32
        %add3A_177 = arith.addi %mul3A_175, %add3A_176 : i32
        %add3A_178 = arith.constant 0 : i32
        %add3A_179 = arith.addi %add3A_177, %add3A_178 : i32
        %sub3A = arith.constant 100 : i32
        %sub3A_180 = arith.subi %add3A_179, %sub3A : i32
        %get3A = arith.index_cast %sub3A_180 : i32 to index
        %get3A_181 = arith.constant 0 : index
        %get3A_182 = tpu.vector_load %arg8[%get3A, %get3A_181] {strides = array<i32>} : memref<104x256xf32, #tpu.memory_space<vmem>>, vector<1x16xf32>,
        %get3A_183 = vector.shape_cast %get3A_182 : vector<1x16xf32> to vector<16xf32>
        %mul3A_184 = arith.constant 2 : i32
        %mul3A_185 = arith.muli %mul3A_184, %scan3A_172 : i32
        %add3A_186 = arith.constant 0 : i32
        %add3A_187 = arith.addi %mul3A_185, %add3A_186 : i32
        %add3A_188 = arith.constant 1 : i32
        %add3A_189 = arith.addi %add3A_187, %add3A_188 : i32
        %sub3A_190 = arith.constant 100 : i32
        %sub3A_191 = arith.subi %add3A_189, %sub3A_190 : i32
        %get3A_192 = arith.index_cast %sub3A_191 : i32 to index
        %get3A_193 = arith.constant 64 : index
        %get3A_194 = tpu.vector_load %arg8[%get3A_192, %get3A_193] {strides = array<i32>} : memref<104x256xf32, #tpu.memory_space<vmem>>, vector<1x16xf32>,
        %get3A_195 = vector.shape_cast %get3A_194 : vector<1x16xf32> to vector<16xf32>
        %mul3A_196 = arith.constant 2 : i32
        %mul3A_197 = arith.muli %mul3A_196, %scan3A_172 : i32
        %add3A_198 = arith.constant 0 : i32
        %add3A_199 = arith.addi %mul3A_197, %add3A_198 : i32
        %add3A_200 = arith.constant 2 : i32
        %add3A_201 = arith.addi %add3A_199, %add3A_200 : i32
        %sub3A_202 = arith.constant 100 : i32
        %sub3A_203 = arith.subi %add3A_201, %sub3A_202 : i32
        %get3A_204 = arith.index_cast %sub3A_203 : i32 to index
        %get3A_205 = arith.constant 128 : index
        %get3A_206 = tpu.vector_load %arg8[%get3A_204, %get3A_205] {strides = array<i32>} : memref<104x256xf32, #tpu.memory_space<vmem>>, vector<1x16xf32>,
        %get3A_207 = vector.shape_cast %get3A_206 : vector<1x16xf32> to vector<16xf32>
        %mul3A_208 = arith.constant 2 : i32
        %mul3A_209 = arith.muli %mul3A_208, %scan3A_172 : i32
        %add3A_210 = arith.constant 0 : i32
        %add3A_211 = arith.addi %mul3A_209, %add3A_210 : i32
        %add3A_212 = arith.constant 3 : i32
        %add3A_213 = arith.addi %add3A_211, %add3A_212 : i32
        %sub3A_214 = arith.constant 100 : i32
        %sub3A_215 = arith.subi %add3A_213, %sub3A_214 : i32
        %get3A_216 = arith.index_cast %sub3A_215 : i32 to index
        %get3A_217 = arith.constant 192 : index
        %get3A_218 = tpu.vector_load %arg8[%get3A_216, %get3A_217] {strides = array<i32>} : memref<104x256xf32, #tpu.memory_space<vmem>>, vector<1x16xf32>,
        %get3A_219 = vector.shape_cast %get3A_218 : vector<1x16xf32> to vector<16xf32>
        %add3A_220 = arith.addf %get3A_183, %get3A_195 : vector<16xf32>
        %add3A_221 = arith.addf %add3A_220, %get3A_207 : vector<16xf32>
        %add3A_222 = arith.addf %add3A_221, %get3A_219 : vector<16xf32>
        %swap3A = arith.index_cast %scan3A_172 : i32 to index
        %swap3A_223 = arith.constant 0 : index
        %swap3A_224 = tpu.vector_load %arg11[%swap3A, %swap3A_223] {strides = array<i32>} : memref<100x128xf32, #tpu.memory_space<vmem>>, vector<1x16xf32>,
        %swap3A_225 = vector.shape_cast %swap3A_224 : vector<1x16xf32> to vector<16xf32>
        %swap3A_226 = vector.shape_cast %add3A_222 : vector<16xf32> to vector<1x16xf32>
        tpu.vector_store %arg11[%swap3A, %swap3A_223], %swap3A_226 {strides = array<i32>} : memref<100x128xf32, #tpu.memory_space<vmem>>, vector<1x16xf32>,
        %mul3A_227 = arith.constant 2 : i32
        %mul3A_228 = arith.muli %mul3A_227, %scan3A_172 : i32
        %add3A_229 = arith.constant 0 : i32
        %add3A_230 = arith.addi %mul3A_228, %add3A_229 : i32
        %add3A_231 = arith.constant 0 : i32
        %add3A_232 = arith.addi %add3A_230, %add3A_231 : i32
        %sub3A_233 = arith.constant 100 : i32
        %sub3A_234 = arith.subi %add3A_232, %sub3A_233 : i32
        %get3A_235 = arith.index_cast %sub3A_234 : i32 to index
        %get3A_236 = arith.constant 16 : index
        %get3A_237 = tpu.vector_load %arg8[%get3A_235, %get3A_236] {strides = array<i32>} : memref<104x256xf32, #tpu.memory_space<vmem>>, vector<1x16xf32>,
        %get3A_238 = vector.shape_cast %get3A_237 : vector<1x16xf32> to vector<16xf32>
        %mul3A_239 = arith.constant 2 : i32
        %mul3A_240 = arith.muli %mul3A_239, %scan3A_172 : i32
        %add3A_241 = arith.constant 0 : i32
        %add3A_242 = arith.addi %mul3A_240, %add3A_241 : i32
        %add3A_243 = arith.constant 1 : i32
        %add3A_244 = arith.addi %add3A_242, %add3A_243 : i32
        %sub3A_245 = arith.constant 100 : i32
        %sub3A_246 = arith.subi %add3A_244, %sub3A_245 : i32
        %get3A_247 = arith.index_cast %sub3A_246 : i32 to index
        %get3A_248 = arith.constant 80 : index
        %get3A_249 = tpu.vector_load %arg8[%get3A_247, %get3A_248] {strides = array<i32>} : memref<104x256xf32, #tpu.memory_space<vmem>>, vector<1x16xf32>,
        %get3A_250 = vector.shape_cast %get3A_249 : vector<1x16xf32> to vector<16xf32>
        %mul3A_251 = arith.constant 2 : i32
        %mul3A_252 = arith.muli %mul3A_251, %scan3A_172 : i32
        %add3A_253 = arith.constant 0 : i32
        %add3A_254 = arith.addi %mul3A_252, %add3A_253 : i32
        %add3A_255 = arith.constant 2 : i32
        %add3A_256 = arith.addi %add3A_254, %add3A_255 : i32
        %sub3A_257 = arith.constant 100 : i32
        %sub3A_258 = arith.subi %add3A_256, %sub3A_257 : i32
        %get3A_259 = arith.index_cast %sub3A_258 : i32 to index
        %get3A_260 = arith.constant 144 : index
        %get3A_261 = tpu.vector_load %arg8[%get3A_259, %get3A_260] {strides = array<i32>} : memref<104x256xf32, #tpu.memory_space<vmem>>, vector<1x16xf32>,
        %get3A_262 = vector.shape_cast %get3A_261 : vector<1x16xf32> to vector<16xf32>
        %mul3A_263 = arith.constant 2 : i32
        %mul3A_264 = arith.muli %mul3A_263, %scan3A_172 : i32
        %add3A_265 = arith.constant 0 : i32
        %add3A_266 = arith.addi %mul3A_264, %add3A_265 : i32
        %add3A_267 = arith.constant 3 : i32
        %add3A_268 = arith.addi %add3A_266, %add3A_267 : i32
        %sub3A_269 = arith.constant 100 : i32
        %sub3A_270 = arith.subi %add3A_268, %sub3A_269 : i32
        %get3A_271 = arith.index_cast %sub3A_270 : i32 to index
        %get3A_272 = arith.constant 208 : index
        %get3A_273 = tpu.vector_load %arg8[%get3A_271, %get3A_272] {strides = array<i32>} : memref<104x256xf32, #tpu.memory_space<vmem>>, vector<1x16xf32>,
        %get3A_274 = vector.shape_cast %get3A_273 : vector<1x16xf32> to vector<16xf32>
        %add3A_275 = arith.addf %get3A_238, %get3A_250 : vector<16xf32>
        %add3A_276 = arith.addf %add3A_275, %get3A_262 : vector<16xf32>
        %add3A_277 = arith.addf %add3A_276, %get3A_274 : vector<16xf32>
        %swap3A_278 = arith.index_cast %scan3A_172 : i32 to index
        %swap3A_279 = arith.constant 16 : index
        %swap3A_280 = tpu.vector_load %arg11[%swap3A_278, %swap3A_279] {strides = array<i32>} : memref<100x128xf32, #tpu.memory_space<vmem>>, vector<1x16xf32>,
        %swap3A_281 = vector.shape_cast %swap3A_280 : vector<1x16xf32> to vector<16xf32>
        %swap3A_282 = vector.shape_cast %add3A_277 : vector<16xf32> to vector<1x16xf32>
        tpu.vector_store %arg11[%swap3A_278, %swap3A_279], %swap3A_282 {strides = array<i32>} : memref<100x128xf32, #tpu.memory_space<vmem>>, vector<1x16xf32>,
        %mul3A_283 = arith.constant 2 : i32
        %mul3A_284 = arith.muli %mul3A_283, %scan3A_172 : i32
        %add3A_285 = arith.constant 0 : i32
        %add3A_286 = arith.addi %mul3A_284, %add3A_285 : i32
        %add3A_287 = arith.constant 0 : i32
        %add3A_288 = arith.addi %add3A_286, %add3A_287 : i32
        %sub3A_289 = arith.constant 100 : i32
        %sub3A_290 = arith.subi %add3A_288, %sub3A_289 : i32
        %get3A_291 = arith.index_cast %sub3A_290 : i32 to index
        %get3A_292 = arith.constant 32 : index
        %get3A_293 = tpu.vector_load %arg8[%get3A_291, %get3A_292] {strides = array<i32>} : memref<104x256xf32, #tpu.memory_space<vmem>>, vector<1x16xf32>,
        %get3A_294 = vector.shape_cast %get3A_293 : vector<1x16xf32> to vector<16xf32>
        %mul3A_295 = arith.constant 2 : i32
        %mul3A_296 = arith.muli %mul3A_295, %scan3A_172 : i32
        %add3A_297 = arith.constant 0 : i32
        %add3A_298 = arith.addi %mul3A_296, %add3A_297 : i32
        %add3A_299 = arith.constant 1 : i32
        %add3A_300 = arith.addi %add3A_298, %add3A_299 : i32
        %sub3A_301 = arith.constant 100 : i32
        %sub3A_302 = arith.subi %add3A_300, %sub3A_301 : i32
        %get3A_303 = arith.index_cast %sub3A_302 : i32 to index
        %get3A_304 = arith.constant 96 : index
        %get3A_305 = tpu.vector_load %arg8[%get3A_303, %get3A_304] {strides = array<i32>} : memref<104x256xf32, #tpu.memory_space<vmem>>, vector<1x16xf32>,
        %get3A_306 = vector.shape_cast %get3A_305 : vector<1x16xf32> to vector<16xf32>
        %mul3A_307 = arith.constant 2 : i32
        %mul3A_308 = arith.muli %mul3A_307, %scan3A_172 : i32
        %add3A_309 = arith.constant 0 : i32
        %add3A_310 = arith.addi %mul3A_308, %add3A_309 : i32
        %add3A_311 = arith.constant 2 : i32
        %add3A_312 = arith.addi %add3A_310, %add3A_311 : i32
        %sub3A_313 = arith.constant 100 : i32
        %sub3A_314 = arith.subi %add3A_312, %sub3A_313 : i32
        %get3A_315 = arith.index_cast %sub3A_314 : i32 to index
        %get3A_316 = arith.constant 160 : index
        %get3A_317 = tpu.vector_load %arg8[%get3A_315, %get3A_316] {strides = array<i32>} : memref<104x256xf32, #tpu.memory_space<vmem>>, vector<1x16xf32>,
        %get3A_318 = vector.shape_cast %get3A_317 : vector<1x16xf32> to vector<16xf32>
        %mul3A_319 = arith.constant 2 : i32
        %mul3A_320 = arith.muli %mul3A_319, %scan3A_172 : i32
        %add3A_321 = arith.constant 0 : i32
        %add3A_322 = arith.addi %mul3A_320, %add3A_321 : i32
        %add3A_323 = arith.constant 3 : i32
        %add3A_324 = arith.addi %add3A_322, %add3A_323 : i32
        %sub3A_325 = arith.constant 100 : i32
        %sub3A_326 = arith.subi %add3A_324, %sub3A_325 : i32
        %get3A_327 = arith.index_cast %sub3A_326 : i32 to index
        %get3A_328 = arith.constant 224 : index
        %get3A_329 = tpu.vector_load %arg8[%get3A_327, %get3A_328] {strides = array<i32>} : memref<104x256xf32, #tpu.memory_space<vmem>>, vector<1x16xf32>,
        %get3A_330 = vector.shape_cast %get3A_329 : vector<1x16xf32> to vector<16xf32>
        %add3A_331 = arith.addf %get3A_294, %get3A_306 : vector<16xf32>
        %add3A_332 = arith.addf %add3A_331, %get3A_318 : vector<16xf32>
        %add3A_333 = arith.addf %add3A_332, %get3A_330 : vector<16xf32>
        %swap3A_334 = arith.index_cast %scan3A_172 : i32 to index
        %swap3A_335 = arith.constant 32 : index
        %swap3A_336 = tpu.vector_load %arg11[%swap3A_334, %swap3A_335] {strides = array<i32>} : memref<100x128xf32, #tpu.memory_space<vmem>>, vector<1x16xf32>,
        %swap3A_337 = vector.shape_cast %swap3A_336 : vector<1x16xf32> to vector<16xf32>
        %swap3A_338 = vector.shape_cast %add3A_333 : vector<16xf32> to vector<1x16xf32>
        tpu.vector_store %arg11[%swap3A_334, %swap3A_335], %swap3A_338 {strides = array<i32>} : memref<100x128xf32, #tpu.memory_space<vmem>>, vector<1x16xf32>,
        %mul3A_339 = arith.constant 2 : i32
        %mul3A_340 = arith.muli %mul3A_339, %scan3A_172 : i32
        %add3A_341 = arith.constant 0 : i32
        %add3A_342 = arith.addi %mul3A_340, %add3A_341 : i32
        %add3A_343 = arith.constant 0 : i32
        %add3A_344 = arith.addi %add3A_342, %add3A_343 : i32
        %sub3A_345 = arith.constant 100 : i32
        %sub3A_346 = arith.subi %add3A_344, %sub3A_345 : i32
        %get3A_347 = arith.index_cast %sub3A_346 : i32 to index
        %get3A_348 = arith.constant 48 : index
        %get3A_349 = tpu.vector_load %arg8[%get3A_347, %get3A_348] {strides = array<i32>} : memref<104x256xf32, #tpu.memory_space<vmem>>, vector<1x16xf32>,
        %get3A_350 = vector.shape_cast %get3A_349 : vector<1x16xf32> to vector<16xf32>
        %mul3A_351 = arith.constant 2 : i32
        %mul3A_352 = arith.muli %mul3A_351, %scan3A_172 : i32
        %add3A_353 = arith.constant 0 : i32
        %add3A_354 = arith.addi %mul3A_352, %add3A_353 : i32
        %add3A_355 = arith.constant 1 : i32
        %add3A_356 = arith.addi %add3A_354, %add3A_355 : i32
        %sub3A_357 = arith.constant 100 : i32
        %sub3A_358 = arith.subi %add3A_356, %sub3A_357 : i32
        %get3A_359 = arith.index_cast %sub3A_358 : i32 to index
        %get3A_360 = arith.constant 112 : index
        %get3A_361 = tpu.vector_load %arg8[%get3A_359, %get3A_360] {strides = array<i32>} : memref<104x256xf32, #tpu.memory_space<vmem>>, vector<1x16xf32>,
        %get3A_362 = vector.shape_cast %get3A_361 : vector<1x16xf32> to vector<16xf32>
        %mul3A_363 = arith.constant 2 : i32
        %mul3A_364 = arith.muli %mul3A_363, %scan3A_172 : i32
        %add3A_365 = arith.constant 0 : i32
        %add3A_366 = arith.addi %mul3A_364, %add3A_365 : i32
        %add3A_367 = arith.constant 2 : i32
        %add3A_368 = arith.addi %add3A_366, %add3A_367 : i32
        %sub3A_369 = arith.constant 100 : i32
        %sub3A_370 = arith.subi %add3A_368, %sub3A_369 : i32
        %get3A_371 = arith.index_cast %sub3A_370 : i32 to index
        %get3A_372 = arith.constant 176 : index
        %get3A_373 = tpu.vector_load %arg8[%get3A_371, %get3A_372] {strides = array<i32>} : memref<104x256xf32, #tpu.memory_space<vmem>>, vector<1x16xf32>,
        %get3A_374 = vector.shape_cast %get3A_373 : vector<1x16xf32> to vector<16xf32>
        %mul3A_375 = arith.constant 2 : i32
        %mul3A_376 = arith.muli %mul3A_375, %scan3A_172 : i32
        %add3A_377 = arith.constant 0 : i32
        %add3A_378 = arith.addi %mul3A_376, %add3A_377 : i32
        %add3A_379 = arith.constant 3 : i32
        %add3A_380 = arith.addi %add3A_378, %add3A_379 : i32
        %sub3A_381 = arith.constant 100 : i32
        %sub3A_382 = arith.subi %add3A_380, %sub3A_381 : i32
        %get3A_383 = arith.index_cast %sub3A_382 : i32 to index
        %get3A_384 = arith.constant 240 : index
        %get3A_385 = tpu.vector_load %arg8[%get3A_383, %get3A_384] {strides = array<i32>} : memref<104x256xf32, #tpu.memory_space<vmem>>, vector<1x16xf32>,
        %get3A_386 = vector.shape_cast %get3A_385 : vector<1x16xf32> to vector<16xf32>
        %add3A_387 = arith.addf %get3A_350, %get3A_362 : vector<16xf32>
        %add3A_388 = arith.addf %add3A_387, %get3A_374 : vector<16xf32>
        %add3A_389 = arith.addf %add3A_388, %get3A_386 : vector<16xf32>
        %swap3A_390 = arith.index_cast %scan3A_172 : i32 to index
        %swap3A_391 = arith.constant 48 : index
        %swap3A_392 = tpu.vector_load %arg11[%swap3A_390, %swap3A_391] {strides = array<i32>} : memref<100x128xf32, #tpu.memory_space<vmem>>, vector<1x16xf32>,
        %swap3A_393 = vector.shape_cast %swap3A_392 : vector<1x16xf32> to vector<16xf32>
        %swap3A_394 = vector.shape_cast %add3A_389 : vector<16xf32> to vector<1x16xf32>
        tpu.vector_store %arg11[%swap3A_390, %swap3A_391], %swap3A_394 {strides = array<i32>} : memref<100x128xf32, #tpu.memory_space<vmem>>, vector<1x16xf32>,
        %mul3A_395 = arith.constant 2 : i32
        %mul3A_396 = arith.muli %mul3A_395, %scan3A_172 : i32
        %add3A_397 = arith.constant 1 : i32
        %add3A_398 = arith.addi %mul3A_396, %add3A_397 : i32
        %add3A_399 = arith.constant 0 : i32
        %add3A_400 = arith.addi %add3A_398, %add3A_399 : i32
        %sub3A_401 = arith.constant 100 : i32
        %sub3A_402 = arith.subi %add3A_400, %sub3A_401 : i32
        %get3A_403 = arith.index_cast %sub3A_402 : i32 to index
        %get3A_404 = arith.constant 0 : index
        %get3A_405 = tpu.vector_load %arg8[%get3A_403, %get3A_404] {strides = array<i32>} : memref<104x256xf32, #tpu.memory_space<vmem>>, vector<1x16xf32>,
        %get3A_406 = vector.shape_cast %get3A_405 : vector<1x16xf32> to vector<16xf32>
        %mul3A_407 = arith.constant 2 : i32
        %mul3A_408 = arith.muli %mul3A_407, %scan3A_172 : i32
        %add3A_409 = arith.constant 1 : i32
        %add3A_410 = arith.addi %mul3A_408, %add3A_409 : i32
        %add3A_411 = arith.constant 1 : i32
        %add3A_412 = arith.addi %add3A_410, %add3A_411 : i32
        %sub3A_413 = arith.constant 100 : i32
        %sub3A_414 = arith.subi %add3A_412, %sub3A_413 : i32
        %get3A_415 = arith.index_cast %sub3A_414 : i32 to index
        %get3A_416 = arith.constant 64 : index
        %get3A_417 = tpu.vector_load %arg8[%get3A_415, %get3A_416] {strides = array<i32>} : memref<104x256xf32, #tpu.memory_space<vmem>>, vector<1x16xf32>,
        %get3A_418 = vector.shape_cast %get3A_417 : vector<1x16xf32> to vector<16xf32>
        %mul3A_419 = arith.constant 2 : i32
        %mul3A_420 = arith.muli %mul3A_419, %scan3A_172 : i32
        %add3A_421 = arith.constant 1 : i32
        %add3A_422 = arith.addi %mul3A_420, %add3A_421 : i32
        %add3A_423 = arith.constant 2 : i32
        %add3A_424 = arith.addi %add3A_422, %add3A_423 : i32
        %sub3A_425 = arith.constant 100 : i32
        %sub3A_426 = arith.subi %add3A_424, %sub3A_425 : i32
        %get3A_427 = arith.index_cast %sub3A_426 : i32 to index
        %get3A_428 = arith.constant 128 : index
        %get3A_429 = tpu.vector_load %arg8[%get3A_427, %get3A_428] {strides = array<i32>} : memref<104x256xf32, #tpu.memory_space<vmem>>, vector<1x16xf32>,
        %get3A_430 = vector.shape_cast %get3A_429 : vector<1x16xf32> to vector<16xf32>
        %mul3A_431 = arith.constant 2 : i32
        %mul3A_432 = arith.muli %mul3A_431, %scan3A_172 : i32
        %add3A_433 = arith.constant 1 : i32
        %add3A_434 = arith.addi %mul3A_432, %add3A_433 : i32
        %add3A_435 = arith.constant 3 : i32
        %add3A_436 = arith.addi %add3A_434, %add3A_435 : i32
        %sub3A_437 = arith.constant 100 : i32
        %sub3A_438 = arith.subi %add3A_436, %sub3A_437 : i32
        %get3A_439 = arith.index_cast %sub3A_438 : i32 to index
        %get3A_440 = arith.constant 192 : index
        %get3A_441 = tpu.vector_load %arg8[%get3A_439, %get3A_440] {strides = array<i32>} : memref<104x256xf32, #tpu.memory_space<vmem>>, vector<1x16xf32>,
        %get3A_442 = vector.shape_cast %get3A_441 : vector<1x16xf32> to vector<16xf32>
        %add3A_443 = arith.addf %get3A_406, %get3A_418 : vector<16xf32>
        %add3A_444 = arith.addf %add3A_443, %get3A_430 : vector<16xf32>
        %add3A_445 = arith.addf %add3A_444, %get3A_442 : vector<16xf32>
        %swap3A_446 = arith.index_cast %scan3A_172 : i32 to index
        %swap3A_447 = arith.constant 64 : index
        %swap3A_448 = tpu.vector_load %arg11[%swap3A_446, %swap3A_447] {strides = array<i32>} : memref<100x128xf32, #tpu.memory_space<vmem>>, vector<1x16xf32>,
        %swap3A_449 = vector.shape_cast %swap3A_448 : vector<1x16xf32> to vector<16xf32>
        %swap3A_450 = vector.shape_cast %add3A_445 : vector<16xf32> to vector<1x16xf32>
        tpu.vector_store %arg11[%swap3A_446, %swap3A_447], %swap3A_450 {strides = array<i32>} : memref<100x128xf32, #tpu.memory_space<vmem>>, vector<1x16xf32>,
        %mul3A_451 = arith.constant 2 : i32
        %mul3A_452 = arith.muli %mul3A_451, %scan3A_172 : i32
        %add3A_453 = arith.constant 1 : i32
        %add3A_454 = arith.addi %mul3A_452, %add3A_453 : i32
        %add3A_455 = arith.constant 0 : i32
        %add3A_456 = arith.addi %add3A_454, %add3A_455 : i32
        %sub3A_457 = arith.constant 100 : i32
        %sub3A_458 = arith.subi %add3A_456, %sub3A_457 : i32
        %get3A_459 = arith.index_cast %sub3A_458 : i32 to index
        %get3A_460 = arith.constant 16 : index
        %get3A_461 = tpu.vector_load %arg8[%get3A_459, %get3A_460] {strides = array<i32>} : memref<104x256xf32, #tpu.memory_space<vmem>>, vector<1x16xf32>,
        %get3A_462 = vector.shape_cast %get3A_461 : vector<1x16xf32> to vector<16xf32>
        %mul3A_463 = arith.constant 2 : i32
        %mul3A_464 = arith.muli %mul3A_463, %scan3A_172 : i32
        %add3A_465 = arith.constant 1 : i32
        %add3A_466 = arith.addi %mul3A_464, %add3A_465 : i32
        %add3A_467 = arith.constant 1 : i32
        %add3A_468 = arith.addi %add3A_466, %add3A_467 : i32
        %sub3A_469 = arith.constant 100 : i32
        %sub3A_470 = arith.subi %add3A_468, %sub3A_469 : i32
        %get3A_471 = arith.index_cast %sub3A_470 : i32 to index
        %get3A_472 = arith.constant 80 : index
        %get3A_473 = tpu.vector_load %arg8[%get3A_471, %get3A_472] {strides = array<i32>} : memref<104x256xf32, #tpu.memory_space<vmem>>, vector<1x16xf32>,
        %get3A_474 = vector.shape_cast %get3A_473 : vector<1x16xf32> to vector<16xf32>
        %mul3A_475 = arith.constant 2 : i32
        %mul3A_476 = arith.muli %mul3A_475, %scan3A_172 : i32
        %add3A_477 = arith.constant 1 : i32
        %add3A_478 = arith.addi %mul3A_476, %add3A_477 : i32
        %add3A_479 = arith.constant 2 : i32
        %add3A_480 = arith.addi %add3A_478, %add3A_479 : i32
        %sub3A_481 = arith.constant 100 : i32
        %sub3A_482 = arith.subi %add3A_480, %sub3A_481 : i32
        %get3A_483 = arith.index_cast %sub3A_482 : i32 to index
        %get3A_484 = arith.constant 144 : index
        %get3A_485 = tpu.vector_load %arg8[%get3A_483, %get3A_484] {strides = array<i32>} : memref<104x256xf32, #tpu.memory_space<vmem>>, vector<1x16xf32>,
        %get3A_486 = vector.shape_cast %get3A_485 : vector<1x16xf32> to vector<16xf32>
        %mul3A_487 = arith.constant 2 : i32
        %mul3A_488 = arith.muli %mul3A_487, %scan3A_172 : i32
        %add3A_489 = arith.constant 1 : i32
        %add3A_490 = arith.addi %mul3A_488, %add3A_489 : i32
        %add3A_491 = arith.constant 3 : i32
        %add3A_492 = arith.addi %add3A_490, %add3A_491 : i32
        %sub3A_493 = arith.constant 100 : i32
        %sub3A_494 = arith.subi %add3A_492, %sub3A_493 : i32
        %get3A_495 = arith.index_cast %sub3A_494 : i32 to index
        %get3A_496 = arith.constant 208 : index
        %get3A_497 = tpu.vector_load %arg8[%get3A_495, %get3A_496] {strides = array<i32>} : memref<104x256xf32, #tpu.memory_space<vmem>>, vector<1x16xf32>,
        %get3A_498 = vector.shape_cast %get3A_497 : vector<1x16xf32> to vector<16xf32>
        %add3A_499 = arith.addf %get3A_462, %get3A_474 : vector<16xf32>
        %add3A_500 = arith.addf %add3A_499, %get3A_486 : vector<16xf32>
        %add3A_501 = arith.addf %add3A_500, %get3A_498 : vector<16xf32>
        %swap3A_502 = arith.index_cast %scan3A_172 : i32 to index
        %swap3A_503 = arith.constant 80 : index
        %swap3A_504 = tpu.vector_load %arg11[%swap3A_502, %swap3A_503] {strides = array<i32>} : memref<100x128xf32, #tpu.memory_space<vmem>>, vector<1x16xf32>,
        %swap3A_505 = vector.shape_cast %swap3A_504 : vector<1x16xf32> to vector<16xf32>
        %swap3A_506 = vector.shape_cast %add3A_501 : vector<16xf32> to vector<1x16xf32>
        tpu.vector_store %arg11[%swap3A_502, %swap3A_503], %swap3A_506 {strides = array<i32>} : memref<100x128xf32, #tpu.memory_space<vmem>>, vector<1x16xf32>,
        %mul3A_507 = arith.constant 2 : i32
        %mul3A_508 = arith.muli %mul3A_507, %scan3A_172 : i32
        %add3A_509 = arith.constant 1 : i32
        %add3A_510 = arith.addi %mul3A_508, %add3A_509 : i32
        %add3A_511 = arith.constant 0 : i32
        %add3A_512 = arith.addi %add3A_510, %add3A_511 : i32
        %sub3A_513 = arith.constant 100 : i32
        %sub3A_514 = arith.subi %add3A_512, %sub3A_513 : i32
        %get3A_515 = arith.index_cast %sub3A_514 : i32 to index
        %get3A_516 = arith.constant 32 : index
        %get3A_517 = tpu.vector_load %arg8[%get3A_515, %get3A_516] {strides = array<i32>} : memref<104x256xf32, #tpu.memory_space<vmem>>, vector<1x16xf32>,
        %get3A_518 = vector.shape_cast %get3A_517 : vector<1x16xf32> to vector<16xf32>
        %mul3A_519 = arith.constant 2 : i32
        %mul3A_520 = arith.muli %mul3A_519, %scan3A_172 : i32
        %add3A_521 = arith.constant 1 : i32
        %add3A_522 = arith.addi %mul3A_520, %add3A_521 : i32
        %add3A_523 = arith.constant 1 : i32
        %add3A_524 = arith.addi %add3A_522, %add3A_523 : i32
        %sub3A_525 = arith.constant 100 : i32
        %sub3A_526 = arith.subi %add3A_524, %sub3A_525 : i32
        %get3A_527 = arith.index_cast %sub3A_526 : i32 to index
        %get3A_528 = arith.constant 96 : index
        %get3A_529 = tpu.vector_load %arg8[%get3A_527, %get3A_528] {strides = array<i32>} : memref<104x256xf32, #tpu.memory_space<vmem>>, vector<1x16xf32>,
        %get3A_530 = vector.shape_cast %get3A_529 : vector<1x16xf32> to vector<16xf32>
        %mul3A_531 = arith.constant 2 : i32
        %mul3A_532 = arith.muli %mul3A_531, %scan3A_172 : i32
        %add3A_533 = arith.constant 1 : i32
        %add3A_534 = arith.addi %mul3A_532, %add3A_533 : i32
        %add3A_535 = arith.constant 2 : i32
        %add3A_536 = arith.addi %add3A_534, %add3A_535 : i32
        %sub3A_537 = arith.constant 100 : i32
        %sub3A_538 = arith.subi %add3A_536, %sub3A_537 : i32
        %get3A_539 = arith.index_cast %sub3A_538 : i32 to index
        %get3A_540 = arith.constant 160 : index
        %get3A_541 = tpu.vector_load %arg8[%get3A_539, %get3A_540] {strides = array<i32>} : memref<104x256xf32, #tpu.memory_space<vmem>>, vector<1x16xf32>,
        %get3A_542 = vector.shape_cast %get3A_541 : vector<1x16xf32> to vector<16xf32>
        %mul3A_543 = arith.constant 2 : i32
        %mul3A_544 = arith.muli %mul3A_543, %scan3A_172 : i32
        %add3A_545 = arith.constant 1 : i32
        %add3A_546 = arith.addi %mul3A_544, %add3A_545 : i32
        %add3A_547 = arith.constant 3 : i32
        %add3A_548 = arith.addi %add3A_546, %add3A_547 : i32
        %sub3A_549 = arith.constant 100 : i32
        %sub3A_550 = arith.subi %add3A_548, %sub3A_549 : i32
        %get3A_551 = arith.index_cast %sub3A_550 : i32 to index
        %get3A_552 = arith.constant 224 : index
        %get3A_553 = tpu.vector_load %arg8[%get3A_551, %get3A_552] {strides = array<i32>} : memref<104x256xf32, #tpu.memory_space<vmem>>, vector<1x16xf32>,
        %get3A_554 = vector.shape_cast %get3A_553 : vector<1x16xf32> to vector<16xf32>
        %add3A_555 = arith.addf %get3A_518, %get3A_530 : vector<16xf32>
        %add3A_556 = arith.addf %add3A_555, %get3A_542 : vector<16xf32>
        %add3A_557 = arith.addf %add3A_556, %get3A_554 : vector<16xf32>
        %swap3A_558 = arith.index_cast %scan3A_172 : i32 to index
        %swap3A_559 = arith.constant 96 : index
        %swap3A_560 = tpu.vector_load %arg11[%swap3A_558, %swap3A_559] {strides = array<i32>} : memref<100x128xf32, #tpu.memory_space<vmem>>, vector<1x16xf32>,
        %swap3A_561 = vector.shape_cast %swap3A_560 : vector<1x16xf32> to vector<16xf32>
        %swap3A_562 = vector.shape_cast %add3A_557 : vector<16xf32> to vector<1x16xf32>
        tpu.vector_store %arg11[%swap3A_558, %swap3A_559], %swap3A_562 {strides = array<i32>} : memref<100x128xf32, #tpu.memory_space<vmem>>, vector<1x16xf32>,
        %mul3A_563 = arith.constant 2 : i32
        %mul3A_564 = arith.muli %mul3A_563, %scan3A_172 : i32
        %add3A_565 = arith.constant 1 : i32
        %add3A_566 = arith.addi %mul3A_564, %add3A_565 : i32
        %add3A_567 = arith.constant 0 : i32
        %add3A_568 = arith.addi %add3A_566, %add3A_567 : i32
        %sub3A_569 = arith.constant 100 : i32
        %sub3A_570 = arith.subi %add3A_568, %sub3A_569 : i32
        %get3A_571 = arith.index_cast %sub3A_570 : i32 to index
        %get3A_572 = arith.constant 48 : index
        %get3A_573 = tpu.vector_load %arg8[%get3A_571, %get3A_572] {strides = array<i32>} : memref<104x256xf32, #tpu.memory_space<vmem>>, vector<1x16xf32>,
        %get3A_574 = vector.shape_cast %get3A_573 : vector<1x16xf32> to vector<16xf32>
        %mul3A_575 = arith.constant 2 : i32
        %mul3A_576 = arith.muli %mul3A_575, %scan3A_172 : i32
        %add3A_577 = arith.constant 1 : i32
        %add3A_578 = arith.addi %mul3A_576, %add3A_577 : i32
        %add3A_579 = arith.constant 1 : i32
        %add3A_580 = arith.addi %add3A_578, %add3A_579 : i32
        %sub3A_581 = arith.constant 100 : i32
        %sub3A_582 = arith.subi %add3A_580, %sub3A_581 : i32
        %get3A_583 = arith.index_cast %sub3A_582 : i32 to index
        %get3A_584 = arith.constant 112 : index
        %get3A_585 = tpu.vector_load %arg8[%get3A_583, %get3A_584] {strides = array<i32>} : memref<104x256xf32, #tpu.memory_space<vmem>>, vector<1x16xf32>,
        %get3A_586 = vector.shape_cast %get3A_585 : vector<1x16xf32> to vector<16xf32>
        %mul3A_587 = arith.constant 2 : i32
        %mul3A_588 = arith.muli %mul3A_587, %scan3A_172 : i32
        %add3A_589 = arith.constant 1 : i32
        %add3A_590 = arith.addi %mul3A_588, %add3A_589 : i32
        %add3A_591 = arith.constant 2 : i32
        %add3A_592 = arith.addi %add3A_590, %add3A_591 : i32
        %sub3A_593 = arith.constant 100 : i32
        %sub3A_594 = arith.subi %add3A_592, %sub3A_593 : i32
        %get3A_595 = arith.index_cast %sub3A_594 : i32 to index
        %get3A_596 = arith.constant 176 : index
        %get3A_597 = tpu.vector_load %arg8[%get3A_595, %get3A_596] {strides = array<i32>} : memref<104x256xf32, #tpu.memory_space<vmem>>, vector<1x16xf32>,
        %get3A_598 = vector.shape_cast %get3A_597 : vector<1x16xf32> to vector<16xf32>
        %mul3A_599 = arith.constant 2 : i32
        %mul3A_600 = arith.muli %mul3A_599, %scan3A_172 : i32
        %add3A_601 = arith.constant 1 : i32
        %add3A_602 = arith.addi %mul3A_600, %add3A_601 : i32
        %add3A_603 = arith.constant 3 : i32
        %add3A_604 = arith.addi %add3A_602, %add3A_603 : i32
        %sub3A_605 = arith.constant 100 : i32
        %sub3A_606 = arith.subi %add3A_604, %sub3A_605 : i32
        %get3A_607 = arith.index_cast %sub3A_606 : i32 to index
        %get3A_608 = arith.constant 240 : index
        %get3A_609 = tpu.vector_load %arg8[%get3A_607, %get3A_608] {strides = array<i32>} : memref<104x256xf32, #tpu.memory_space<vmem>>, vector<1x16xf32>,
        %get3A_610 = vector.shape_cast %get3A_609 : vector<1x16xf32> to vector<16xf32>
        %add3A_611 = arith.addf %get3A_574, %get3A_586 : vector<16xf32>
        %add3A_612 = arith.addf %add3A_611, %get3A_598 : vector<16xf32>
        %add3A_613 = arith.addf %add3A_612, %get3A_610 : vector<16xf32>
        %swap3A_614 = arith.index_cast %scan3A_172 : i32 to index
        %swap3A_615 = arith.constant 112 : index
        %swap3A_616 = tpu.vector_load %arg11[%swap3A_614, %swap3A_615] {strides = array<i32>} : memref<100x128xf32, #tpu.memory_space<vmem>>, vector<1x16xf32>,
        %swap3A_617 = vector.shape_cast %swap3A_616 : vector<1x16xf32> to vector<16xf32>
        %swap3A_618 = vector.shape_cast %add3A_613 : vector<16xf32> to vector<1x16xf32>
        tpu.vector_store %arg11[%swap3A_614, %swap3A_615], %swap3A_618 {strides = array<i32>} : memref<100x128xf32, #tpu.memory_space<vmem>>, vector<1x16xf32>,
        %scan3A_619 = arith.constant 0 : i32
        %scan3A_620 = arith.constant 1 : i32
        %scan3A_621 = arith.addi %scan3A_172, %scan3A_620 : i32
        %mul3A_622 = arith.constant 2 : i32
        %mul3A_623 = arith.muli %mul3A_622, %scan3A_621 : i32
        %add3A_624 = arith.constant 0 : i32
        %add3A_625 = arith.addi %mul3A_623, %add3A_624 : i32
        %add3A_626 = arith.constant 0 : i32
        %add3A_627 = arith.addi %add3A_625, %add3A_626 : i32
        %sub3A_628 = arith.constant 100 : i32
        %sub3A_629 = arith.subi %add3A_627, %sub3A_628 : i32
        %get3A_630 = arith.index_cast %sub3A_629 : i32 to index
        %get3A_631 = arith.constant 0 : index
        %get3A_632 = tpu.vector_load %arg8[%get3A_630, %get3A_631] {strides = array<i32>} : memref<104x256xf32, #tpu.memory_space<vmem>>, vector<1x16xf32>,
        %get3A_633 = vector.shape_cast %get3A_632 : vector<1x16xf32> to vector<16xf32>
        %mul3A_634 = arith.constant 2 : i32
        %mul3A_635 = arith.muli %mul3A_634, %scan3A_621 : i32
        %add3A_636 = arith.constant 0 : i32
        %add3A_637 = arith.addi %mul3A_635, %add3A_636 : i32
        %add3A_638 = arith.constant 1 : i32
        %add3A_639 = arith.addi %add3A_637, %add3A_638 : i32
        %sub3A_640 = arith.constant 100 : i32
        %sub3A_641 = arith.subi %add3A_639, %sub3A_640 : i32
        %get3A_642 = arith.index_cast %sub3A_641 : i32 to index
        %get3A_643 = arith.constant 64 : index
        %get3A_644 = tpu.vector_load %arg8[%get3A_642, %get3A_643] {strides = array<i32>} : memref<104x256xf32, #tpu.memory_space<vmem>>, vector<1x16xf32>,
        %get3A_645 = vector.shape_cast %get3A_644 : vector<1x16xf32> to vector<16xf32>
        %mul3A_646 = arith.constant 2 : i32
        %mul3A_647 = arith.muli %mul3A_646, %scan3A_621 : i32
        %add3A_648 = arith.constant 0 : i32
        %add3A_649 = arith.addi %mul3A_647, %add3A_648 : i32
        %add3A_650 = arith.constant 2 : i32
        %add3A_651 = arith.addi %add3A_649, %add3A_650 : i32
        %sub3A_652 = arith.constant 100 : i32
        %sub3A_653 = arith.subi %add3A_651, %sub3A_652 : i32
        %get3A_654 = arith.index_cast %sub3A_653 : i32 to index
        %get3A_655 = arith.constant 128 : index
        %get3A_656 = tpu.vector_load %arg8[%get3A_654, %get3A_655] {strides = array<i32>} : memref<104x256xf32, #tpu.memory_space<vmem>>, vector<1x16xf32>,
        %get3A_657 = vector.shape_cast %get3A_656 : vector<1x16xf32> to vector<16xf32>
        %mul3A_658 = arith.constant 2 : i32
        %mul3A_659 = arith.muli %mul3A_658, %scan3A_621 : i32
        %add3A_660 = arith.constant 0 : i32
        %add3A_661 = arith.addi %mul3A_659, %add3A_660 : i32
        %add3A_662 = arith.constant 3 : i32
        %add3A_663 = arith.addi %add3A_661, %add3A_662 : i32
        %sub3A_664 = arith.constant 100 : i32
        %sub3A_665 = arith.subi %add3A_663, %sub3A_664 : i32
        %get3A_666 = arith.index_cast %sub3A_665 : i32 to index
        %get3A_667 = arith.constant 192 : index
        %get3A_668 = tpu.vector_load %arg8[%get3A_666, %get3A_667] {strides = array<i32>} : memref<104x256xf32, #tpu.memory_space<vmem>>, vector<1x16xf32>,
        %get3A_669 = vector.shape_cast %get3A_668 : vector<1x16xf32> to vector<16xf32>
        %add3A_670 = arith.addf %get3A_633, %get3A_645 : vector<16xf32>
        %add3A_671 = arith.addf %add3A_670, %get3A_657 : vector<16xf32>
        %add3A_672 = arith.addf %add3A_671, %get3A_669 : vector<16xf32>
        %swap3A_673 = arith.index_cast %scan3A_621 : i32 to index
        %swap3A_674 = arith.constant 0 : index
        %swap3A_675 = tpu.vector_load %arg11[%swap3A_673, %swap3A_674] {strides = array<i32>} : memref<100x128xf32, #tpu.memory_space<vmem>>, vector<1x16xf32>,
        %swap3A_676 = vector.shape_cast %swap3A_675 : vector<1x16xf32> to vector<16xf32>
        %swap3A_677 = vector.shape_cast %add3A_672 : vector<16xf32> to vector<1x16xf32>
        tpu.vector_store %arg11[%swap3A_673, %swap3A_674], %swap3A_677 {strides = array<i32>} : memref<100x128xf32, #tpu.memory_space<vmem>>, vector<1x16xf32>,
        %mul3A_678 = arith.constant 2 : i32
        %mul3A_679 = arith.muli %mul3A_678, %scan3A_621 : i32
        %add3A_680 = arith.constant 0 : i32
        %add3A_681 = arith.addi %mul3A_679, %add3A_680 : i32
        %add3A_682 = arith.constant 0 : i32
        %add3A_683 = arith.addi %add3A_681, %add3A_682 : i32
        %sub3A_684 = arith.constant 100 : i32
        %sub3A_685 = arith.subi %add3A_683, %sub3A_684 : i32
        %get3A_686 = arith.index_cast %sub3A_685 : i32 to index
        %get3A_687 = arith.constant 16 : index
        %get3A_688 = tpu.vector_load %arg8[%get3A_686, %get3A_687] {strides = array<i32>} : memref<104x256xf32, #tpu.memory_space<vmem>>, vector<1x16xf32>,
        %get3A_689 = vector.shape_cast %get3A_688 : vector<1x16xf32> to vector<16xf32>
        %mul3A_690 = arith.constant 2 : i32
        %mul3A_691 = arith.muli %mul3A_690, %scan3A_621 : i32
        %add3A_692 = arith.constant 0 : i32
        %add3A_693 = arith.addi %mul3A_691, %add3A_692 : i32
        %add3A_694 = arith.constant 1 : i32
        %add3A_695 = arith.addi %add3A_693, %add3A_694 : i32
        %sub3A_696 = arith.constant 100 : i32
        %sub3A_697 = arith.subi %add3A_695, %sub3A_696 : i32
        %get3A_698 = arith.index_cast %sub3A_697 : i32 to index
        %get3A_699 = arith.constant 80 : index
        %get3A_700 = tpu.vector_load %arg8[%get3A_698, %get3A_699] {strides = array<i32>} : memref<104x256xf32, #tpu.memory_space<vmem>>, vector<1x16xf32>,
        %get3A_701 = vector.shape_cast %get3A_700 : vector<1x16xf32> to vector<16xf32>
        %mul3A_702 = arith.constant 2 : i32
        %mul3A_703 = arith.muli %mul3A_702, %scan3A_621 : i32
        %add3A_704 = arith.constant 0 : i32
        %add3A_705 = arith.addi %mul3A_703, %add3A_704 : i32
        %add3A_706 = arith.constant 2 : i32
        %add3A_707 = arith.addi %add3A_705, %add3A_706 : i32
        %sub3A_708 = arith.constant 100 : i32
        %sub3A_709 = arith.subi %add3A_707, %sub3A_708 : i32
        %get3A_710 = arith.index_cast %sub3A_709 : i32 to index
        %get3A_711 = arith.constant 144 : index
        %get3A_712 = tpu.vector_load %arg8[%get3A_710, %get3A_711] {strides = array<i32>} : memref<104x256xf32, #tpu.memory_space<vmem>>, vector<1x16xf32>,
        %get3A_713 = vector.shape_cast %get3A_712 : vector<1x16xf32> to vector<16xf32>
        %mul3A_714 = arith.constant 2 : i32
        %mul3A_715 = arith.muli %mul3A_714, %scan3A_621 : i32
        %add3A_716 = arith.constant 0 : i32
        %add3A_717 = arith.addi %mul3A_715, %add3A_716 : i32
        %add3A_718 = arith.constant 3 : i32
        %add3A_719 = arith.addi %add3A_717, %add3A_718 : i32
        %sub3A_720 = arith.constant 100 : i32
        %sub3A_721 = arith.subi %add3A_719, %sub3A_720 : i32
        %get3A_722 = arith.index_cast %sub3A_721 : i32 to index
        %get3A_723 = arith.constant 208 : index
        %get3A_724 = tpu.vector_load %arg8[%get3A_722, %get3A_723] {strides = array<i32>} : memref<104x256xf32, #tpu.memory_space<vmem>>, vector<1x16xf32>,
        %get3A_725 = vector.shape_cast %get3A_724 : vector<1x16xf32> to vector<16xf32>
        %add3A_726 = arith.addf %get3A_689, %get3A_701 : vector<16xf32>
        %add3A_727 = arith.addf %add3A_726, %get3A_713 : vector<16xf32>
        %add3A_728 = arith.addf %add3A_727, %get3A_725 : vector<16xf32>
        %swap3A_729 = arith.index_cast %scan3A_621 : i32 to index
        %swap3A_730 = arith.constant 16 : index
        %swap3A_731 = tpu.vector_load %arg11[%swap3A_729, %swap3A_730] {strides = array<i32>} : memref<100x128xf32, #tpu.memory_space<vmem>>, vector<1x16xf32>,
        %swap3A_732 = vector.shape_cast %swap3A_731 : vector<1x16xf32> to vector<16xf32>
        %swap3A_733 = vector.shape_cast %add3A_728 : vector<16xf32> to vector<1x16xf32>
        tpu.vector_store %arg11[%swap3A_729, %swap3A_730], %swap3A_733 {strides = array<i32>} : memref<100x128xf32, #tpu.memory_space<vmem>>, vector<1x16xf32>,
        %mul3A_734 = arith.constant 2 : i32
        %mul3A_735 = arith.muli %mul3A_734, %scan3A_621 : i32
        %add3A_736 = arith.constant 0 : i32
        %add3A_737 = arith.addi %mul3A_735, %add3A_736 : i32
        %add3A_738 = arith.constant 0 : i32
        %add3A_739 = arith.addi %add3A_737, %add3A_738 : i32
        %sub3A_740 = arith.constant 100 : i32
        %sub3A_741 = arith.subi %add3A_739, %sub3A_740 : i32
        %get3A_742 = arith.index_cast %sub3A_741 : i32 to index
        %get3A_743 = arith.constant 32 : index
        %get3A_744 = tpu.vector_load %arg8[%get3A_742, %get3A_743] {strides = array<i32>} : memref<104x256xf32, #tpu.memory_space<vmem>>, vector<1x16xf32>,
        %get3A_745 = vector.shape_cast %get3A_744 : vector<1x16xf32> to vector<16xf32>
        %mul3A_746 = arith.constant 2 : i32
        %mul3A_747 = arith.muli %mul3A_746, %scan3A_621 : i32
        %add3A_748 = arith.constant 0 : i32
        %add3A_749 = arith.addi %mul3A_747, %add3A_748 : i32
        %add3A_750 = arith.constant 1 : i32
        %add3A_751 = arith.addi %add3A_749, %add3A_750 : i32
        %sub3A_752 = arith.constant 100 : i32
        %sub3A_753 = arith.subi %add3A_751, %sub3A_752 : i32
        %get3A_754 = arith.index_cast %sub3A_753 : i32 to index
        %get3A_755 = arith.constant 96 : index
        %get3A_756 = tpu.vector_load %arg8[%get3A_754, %get3A_755] {strides = array<i32>} : memref<104x256xf32, #tpu.memory_space<vmem>>, vector<1x16xf32>,
        %get3A_757 = vector.shape_cast %get3A_756 : vector<1x16xf32> to vector<16xf32>
        %mul3A_758 = arith.constant 2 : i32
        %mul3A_759 = arith.muli %mul3A_758, %scan3A_621 : i32
        %add3A_760 = arith.constant 0 : i32
        %add3A_761 = arith.addi %mul3A_759, %add3A_760 : i32
        %add3A_762 = arith.constant 2 : i32
        %add3A_763 = arith.addi %add3A_761, %add3A_762 : i32
        %sub3A_764 = arith.constant 100 : i32
        %sub3A_765 = arith.subi %add3A_763, %sub3A_764 : i32
        %get3A_766 = arith.index_cast %sub3A_765 : i32 to index
        %get3A_767 = arith.constant 160 : index
        %get3A_768 = tpu.vector_load %arg8[%get3A_766, %get3A_767] {strides = array<i32>} : memref<104x256xf32, #tpu.memory_space<vmem>>, vector<1x16xf32>,
        %get3A_769 = vector.shape_cast %get3A_768 : vector<1x16xf32> to vector<16xf32>
        %mul3A_770 = arith.constant 2 : i32
        %mul3A_771 = arith.muli %mul3A_770, %scan3A_621 : i32
        %add3A_772 = arith.constant 0 : i32
        %add3A_773 = arith.addi %mul3A_771, %add3A_772 : i32
        %add3A_774 = arith.constant 3 : i32
        %add3A_775 = arith.addi %add3A_773, %add3A_774 : i32
        %sub3A_776 = arith.constant 100 : i32
        %sub3A_777 = arith.subi %add3A_775, %sub3A_776 : i32
        %get3A_778 = arith.index_cast %sub3A_777 : i32 to index
        %get3A_779 = arith.constant 224 : index
        %get3A_780 = tpu.vector_load %arg8[%get3A_778, %get3A_779] {strides = array<i32>} : memref<104x256xf32, #tpu.memory_space<vmem>>, vector<1x16xf32>,
        %get3A_781 = vector.shape_cast %get3A_780 : vector<1x16xf32> to vector<16xf32>
        %add3A_782 = arith.addf %get3A_745, %get3A_757 : vector<16xf32>
        %add3A_783 = arith.addf %add3A_782, %get3A_769 : vector<16xf32>
        %add3A_784 = arith.addf %add3A_783, %get3A_781 : vector<16xf32>
        %swap3A_785 = arith.index_cast %scan3A_621 : i32 to index
        %swap3A_786 = arith.constant 32 : index
        %swap3A_787 = tpu.vector_load %arg11[%swap3A_785, %swap3A_786] {strides = array<i32>} : memref<100x128xf32, #tpu.memory_space<vmem>>, vector<1x16xf32>,
        %swap3A_788 = vector.shape_cast %swap3A_787 : vector<1x16xf32> to vector<16xf32>
        %swap3A_789 = vector.shape_cast %add3A_784 : vector<16xf32> to vector<1x16xf32>
        tpu.vector_store %arg11[%swap3A_785, %swap3A_786], %swap3A_789 {strides = array<i32>} : memref<100x128xf32, #tpu.memory_space<vmem>>, vector<1x16xf32>,
        %mul3A_790 = arith.constant 2 : i32
        %mul3A_791 = arith.muli %mul3A_790, %scan3A_621 : i32
        %add3A_792 = arith.constant 0 : i32
        %add3A_793 = arith.addi %mul3A_791, %add3A_792 : i32
        %add3A_794 = arith.constant 0 : i32
        %add3A_795 = arith.addi %add3A_793, %add3A_794 : i32
        %sub3A_796 = arith.constant 100 : i32
        %sub3A_797 = arith.subi %add3A_795, %sub3A_796 : i32
        %get3A_798 = arith.index_cast %sub3A_797 : i32 to index
        %get3A_799 = arith.constant 48 : index
        %get3A_800 = tpu.vector_load %arg8[%get3A_798, %get3A_799] {strides = array<i32>} : memref<104x256xf32, #tpu.memory_space<vmem>>, vector<1x16xf32>,
        %get3A_801 = vector.shape_cast %get3A_800 : vector<1x16xf32> to vector<16xf32>
        %mul3A_802 = arith.constant 2 : i32
        %mul3A_803 = arith.muli %mul3A_802, %scan3A_621 : i32
        %add3A_804 = arith.constant 0 : i32
        %add3A_805 = arith.addi %mul3A_803, %add3A_804 : i32
        %add3A_806 = arith.constant 1 : i32
        %add3A_807 = arith.addi %add3A_805, %add3A_806 : i32
        %sub3A_808 = arith.constant 100 : i32
        %sub3A_809 = arith.subi %add3A_807, %sub3A_808 : i32
        %get3A_810 = arith.index_cast %sub3A_809 : i32 to index
        %get3A_811 = arith.constant 112 : index
        %get3A_812 = tpu.vector_load %arg8[%get3A_810, %get3A_811] {strides = array<i32>} : memref<104x256xf32, #tpu.memory_space<vmem>>, vector<1x16xf32>,
        %get3A_813 = vector.shape_cast %get3A_812 : vector<1x16xf32> to vector<16xf32>
        %mul3A_814 = arith.constant 2 : i32
        %mul3A_815 = arith.muli %mul3A_814, %scan3A_621 : i32
        %add3A_816 = arith.constant 0 : i32
        %add3A_817 = arith.addi %mul3A_815, %add3A_816 : i32
        %add3A_818 = arith.constant 2 : i32
        %add3A_819 = arith.addi %add3A_817, %add3A_818 : i32
        %sub3A_820 = arith.constant 100 : i32
        %sub3A_821 = arith.subi %add3A_819, %sub3A_820 : i32
        %get3A_822 = arith.index_cast %sub3A_821 : i32 to index
        %get3A_823 = arith.constant 176 : index
        %get3A_824 = tpu.vector_load %arg8[%get3A_822, %get3A_823] {strides = array<i32>} : memref<104x256xf32, #tpu.memory_space<vmem>>, vector<1x16xf32>,
        %get3A_825 = vector.shape_cast %get3A_824 : vector<1x16xf32> to vector<16xf32>
        %mul3A_826 = arith.constant 2 : i32
        %mul3A_827 = arith.muli %mul3A_826, %scan3A_621 : i32
        %add3A_828 = arith.constant 0 : i32
        %add3A_829 = arith.addi %mul3A_827, %add3A_828 : i32
        %add3A_830 = arith.constant 3 : i32
        %add3A_831 = arith.addi %add3A_829, %add3A_830 : i32
        %sub3A_832 = arith.constant 100 : i32
        %sub3A_833 = arith.subi %add3A_831, %sub3A_832 : i32
        %get3A_834 = arith.index_cast %sub3A_833 : i32 to index
        %get3A_835 = arith.constant 240 : index
        %get3A_836 = tpu.vector_load %arg8[%get3A_834, %get3A_835] {strides = array<i32>} : memref<104x256xf32, #tpu.memory_space<vmem>>, vector<1x16xf32>,
        %get3A_837 = vector.shape_cast %get3A_836 : vector<1x16xf32> to vector<16xf32>
        %add3A_838 = arith.addf %get3A_801, %get3A_813 : vector<16xf32>
        %add3A_839 = arith.addf %add3A_838, %get3A_825 : vector<16xf32>
        %add3A_840 = arith.addf %add3A_839, %get3A_837 : vector<16xf32>
        %swap3A_841 = arith.index_cast %scan3A_621 : i32 to index
        %swap3A_842 = arith.constant 48 : index
        %swap3A_843 = tpu.vector_load %arg11[%swap3A_841, %swap3A_842] {strides = array<i32>} : memref<100x128xf32, #tpu.memory_space<vmem>>, vector<1x16xf32>,
        %swap3A_844 = vector.shape_cast %swap3A_843 : vector<1x16xf32> to vector<16xf32>
        %swap3A_845 = vector.shape_cast %add3A_840 : vector<16xf32> to vector<1x16xf32>
        tpu.vector_store %arg11[%swap3A_841, %swap3A_842], %swap3A_845 {strides = array<i32>} : memref<100x128xf32, #tpu.memory_space<vmem>>, vector<1x16xf32>,
        %mul3A_846 = arith.constant 2 : i32
        %mul3A_847 = arith.muli %mul3A_846, %scan3A_621 : i32
        %add3A_848 = arith.constant 1 : i32
        %add3A_849 = arith.addi %mul3A_847, %add3A_848 : i32
        %add3A_850 = arith.constant 0 : i32
        %add3A_851 = arith.addi %add3A_849, %add3A_850 : i32
        %sub3A_852 = arith.constant 100 : i32
        %sub3A_853 = arith.subi %add3A_851, %sub3A_852 : i32
        %get3A_854 = arith.index_cast %sub3A_853 : i32 to index
        %get3A_855 = arith.constant 0 : index
        %get3A_856 = tpu.vector_load %arg8[%get3A_854, %get3A_855] {strides = array<i32>} : memref<104x256xf32, #tpu.memory_space<vmem>>, vector<1x16xf32>,
        %get3A_857 = vector.shape_cast %get3A_856 : vector<1x16xf32> to vector<16xf32>
        %mul3A_858 = arith.constant 2 : i32
        %mul3A_859 = arith.muli %mul3A_858, %scan3A_621 : i32
        %add3A_860 = arith.constant 1 : i32
        %add3A_861 = arith.addi %mul3A_859, %add3A_860 : i32
        %add3A_862 = arith.constant 1 : i32
        %add3A_863 = arith.addi %add3A_861, %add3A_862 : i32
        %sub3A_864 = arith.constant 100 : i32
        %sub3A_865 = arith.subi %add3A_863, %sub3A_864 : i32
        %get3A_866 = arith.index_cast %sub3A_865 : i32 to index
        %get3A_867 = arith.constant 64 : index
        %get3A_868 = tpu.vector_load %arg8[%get3A_866, %get3A_867] {strides = array<i32>} : memref<104x256xf32, #tpu.memory_space<vmem>>, vector<1x16xf32>,
        %get3A_869 = vector.shape_cast %get3A_868 : vector<1x16xf32> to vector<16xf32>
        %mul3A_870 = arith.constant 2 : i32
        %mul3A_871 = arith.muli %mul3A_870, %scan3A_621 : i32
        %add3A_872 = arith.constant 1 : i32
        %add3A_873 = arith.addi %mul3A_871, %add3A_872 : i32
        %add3A_874 = arith.constant 2 : i32
        %add3A_875 = arith.addi %add3A_873, %add3A_874 : i32
        %sub3A_876 = arith.constant 100 : i32
        %sub3A_877 = arith.subi %add3A_875, %sub3A_876 : i32
        %get3A_878 = arith.index_cast %sub3A_877 : i32 to index
        %get3A_879 = arith.constant 128 : index
        %get3A_880 = tpu.vector_load %arg8[%get3A_878, %get3A_879] {strides = array<i32>} : memref<104x256xf32, #tpu.memory_space<vmem>>, vector<1x16xf32>,
        %get3A_881 = vector.shape_cast %get3A_880 : vector<1x16xf32> to vector<16xf32>
        %mul3A_882 = arith.constant 2 : i32
        %mul3A_883 = arith.muli %mul3A_882, %scan3A_621 : i32
        %add3A_884 = arith.constant 1 : i32
        %add3A_885 = arith.addi %mul3A_883, %add3A_884 : i32
        %add3A_886 = arith.constant 3 : i32
        %add3A_887 = arith.addi %add3A_885, %add3A_886 : i32
        %sub3A_888 = arith.constant 100 : i32
        %sub3A_889 = arith.subi %add3A_887, %sub3A_888 : i32
        %get3A_890 = arith.index_cast %sub3A_889 : i32 to index
        %get3A_891 = arith.constant 192 : index
        %get3A_892 = tpu.vector_load %arg8[%get3A_890, %get3A_891] {strides = array<i32>} : memref<104x256xf32, #tpu.memory_space<vmem>>, vector<1x16xf32>,
        %get3A_893 = vector.shape_cast %get3A_892 : vector<1x16xf32> to vector<16xf32>
        %add3A_894 = arith.addf %get3A_857, %get3A_869 : vector<16xf32>
        %add3A_895 = arith.addf %add3A_894, %get3A_881 : vector<16xf32>
        %add3A_896 = arith.addf %add3A_895, %get3A_893 : vector<16xf32>
        %swap3A_897 = arith.index_cast %scan3A_621 : i32 to index
        %swap3A_898 = arith.constant 64 : index
        %swap3A_899 = tpu.vector_load %arg11[%swap3A_897, %swap3A_898] {strides = array<i32>} : memref<100x128xf32, #tpu.memory_space<vmem>>, vector<1x16xf32>,
        %swap3A_900 = vector.shape_cast %swap3A_899 : vector<1x16xf32> to vector<16xf32>
        %swap3A_901 = vector.shape_cast %add3A_896 : vector<16xf32> to vector<1x16xf32>
        tpu.vector_store %arg11[%swap3A_897, %swap3A_898], %swap3A_901 {strides = array<i32>} : memref<100x128xf32, #tpu.memory_space<vmem>>, vector<1x16xf32>,
        %mul3A_902 = arith.constant 2 : i32
        %mul3A_903 = arith.muli %mul3A_902, %scan3A_621 : i32
        %add3A_904 = arith.constant 1 : i32
        %add3A_905 = arith.addi %mul3A_903, %add3A_904 : i32
        %add3A_906 = arith.constant 0 : i32
        %add3A_907 = arith.addi %add3A_905, %add3A_906 : i32
        %sub3A_908 = arith.constant 100 : i32
        %sub3A_909 = arith.subi %add3A_907, %sub3A_908 : i32
        %get3A_910 = arith.index_cast %sub3A_909 : i32 to index
        %get3A_911 = arith.constant 16 : index
        %get3A_912 = tpu.vector_load %arg8[%get3A_910, %get3A_911] {strides = array<i32>} : memref<104x256xf32, #tpu.memory_space<vmem>>, vector<1x16xf32>,
        %get3A_913 = vector.shape_cast %get3A_912 : vector<1x16xf32> to vector<16xf32>
        %mul3A_914 = arith.constant 2 : i32
        %mul3A_915 = arith.muli %mul3A_914, %scan3A_621 : i32
        %add3A_916 = arith.constant 1 : i32
        %add3A_917 = arith.addi %mul3A_915, %add3A_916 : i32
        %add3A_918 = arith.constant 1 : i32
        %add3A_919 = arith.addi %add3A_917, %add3A_918 : i32
        %sub3A_920 = arith.constant 100 : i32
        %sub3A_921 = arith.subi %add3A_919, %sub3A_920 : i32
        %get3A_922 = arith.index_cast %sub3A_921 : i32 to index
        %get3A_923 = arith.constant 80 : index
        %get3A_924 = tpu.vector_load %arg8[%get3A_922, %get3A_923] {strides = array<i32>} : memref<104x256xf32, #tpu.memory_space<vmem>>, vector<1x16xf32>,
        %get3A_925 = vector.shape_cast %get3A_924 : vector<1x16xf32> to vector<16xf32>
        %mul3A_926 = arith.constant 2 : i32
        %mul3A_927 = arith.muli %mul3A_926, %scan3A_621 : i32
        %add3A_928 = arith.constant 1 : i32
        %add3A_929 = arith.addi %mul3A_927, %add3A_928 : i32
        %add3A_930 = arith.constant 2 : i32
        %add3A_931 = arith.addi %add3A_929, %add3A_930 : i32
        %sub3A_932 = arith.constant 100 : i32
        %sub3A_933 = arith.subi %add3A_931, %sub3A_932 : i32
        %get3A_934 = arith.index_cast %sub3A_933 : i32 to index
        %get3A_935 = arith.constant 144 : index
        %get3A_936 = tpu.vector_load %arg8[%get3A_934, %get3A_935] {strides = array<i32>} : memref<104x256xf32, #tpu.memory_space<vmem>>, vector<1x16xf32>,
        %get3A_937 = vector.shape_cast %get3A_936 : vector<1x16xf32> to vector<16xf32>
        %mul3A_938 = arith.constant 2 : i32
        %mul3A_939 = arith.muli %mul3A_938, %scan3A_621 : i32
        %add3A_940 = arith.constant 1 : i32
        %add3A_941 = arith.addi %mul3A_939, %add3A_940 : i32
        %add3A_942 = arith.constant 3 : i32
        %add3A_943 = arith.addi %add3A_941, %add3A_942 : i32
        %sub3A_944 = arith.constant 100 : i32
        %sub3A_945 = arith.subi %add3A_943, %sub3A_944 : i32
        %get3A_946 = arith.index_cast %sub3A_945 : i32 to index
        %get3A_947 = arith.constant 208 : index
        %get3A_948 = tpu.vector_load %arg8[%get3A_946, %get3A_947] {strides = array<i32>} : memref<104x256xf32, #tpu.memory_space<vmem>>, vector<1x16xf32>,
        %get3A_949 = vector.shape_cast %get3A_948 : vector<1x16xf32> to vector<16xf32>
        %add3A_950 = arith.addf %get3A_913, %get3A_925 : vector<16xf32>
        %add3A_951 = arith.addf %add3A_950, %get3A_937 : vector<16xf32>
        %add3A_952 = arith.addf %add3A_951, %get3A_949 : vector<16xf32>
        %swap3A_953 = arith.index_cast %scan3A_621 : i32 to index
        %swap3A_954 = arith.constant 80 : index
        %swap3A_955 = tpu.vector_load %arg11[%swap3A_953, %swap3A_954] {strides = array<i32>} : memref<100x128xf32, #tpu.memory_space<vmem>>, vector<1x16xf32>,
        %swap3A_956 = vector.shape_cast %swap3A_955 : vector<1x16xf32> to vector<16xf32>
        %swap3A_957 = vector.shape_cast %add3A_952 : vector<16xf32> to vector<1x16xf32>
        tpu.vector_store %arg11[%swap3A_953, %swap3A_954], %swap3A_957 {strides = array<i32>} : memref<100x128xf32, #tpu.memory_space<vmem>>, vector<1x16xf32>,
        %mul3A_958 = arith.constant 2 : i32
        %mul3A_959 = arith.muli %mul3A_958, %scan3A_621 : i32
        %add3A_960 = arith.constant 1 : i32
        %add3A_961 = arith.addi %mul3A_959, %add3A_960 : i32
        %add3A_962 = arith.constant 0 : i32
        %add3A_963 = arith.addi %add3A_961, %add3A_962 : i32
        %sub3A_964 = arith.constant 100 : i32
        %sub3A_965 = arith.subi %add3A_963, %sub3A_964 : i32
        %get3A_966 = arith.index_cast %sub3A_965 : i32 to index
        %get3A_967 = arith.constant 32 : index
        %get3A_968 = tpu.vector_load %arg8[%get3A_966, %get3A_967] {strides = array<i32>} : memref<104x256xf32, #tpu.memory_space<vmem>>, vector<1x16xf32>,
        %get3A_969 = vector.shape_cast %get3A_968 : vector<1x16xf32> to vector<16xf32>
        %mul3A_970 = arith.constant 2 : i32
        %mul3A_971 = arith.muli %mul3A_970, %scan3A_621 : i32
        %add3A_972 = arith.constant 1 : i32
        %add3A_973 = arith.addi %mul3A_971, %add3A_972 : i32
        %add3A_974 = arith.constant 1 : i32
        %add3A_975 = arith.addi %add3A_973, %add3A_974 : i32
        %sub3A_976 = arith.constant 100 : i32
        %sub3A_977 = arith.subi %add3A_975, %sub3A_976 : i32
        %get3A_978 = arith.index_cast %sub3A_977 : i32 to index
        %get3A_979 = arith.constant 96 : index
        %get3A_980 = tpu.vector_load %arg8[%get3A_978, %get3A_979] {strides = array<i32>} : memref<104x256xf32, #tpu.memory_space<vmem>>, vector<1x16xf32>,
        %get3A_981 = vector.shape_cast %get3A_980 : vector<1x16xf32> to vector<16xf32>
        %mul3A_982 = arith.constant 2 : i32
        %mul3A_983 = arith.muli %mul3A_982, %scan3A_621 : i32
        %add3A_984 = arith.constant 1 : i32
        %add3A_985 = arith.addi %mul3A_983, %add3A_984 : i32
        %add3A_986 = arith.constant 2 : i32
        %add3A_987 = arith.addi %add3A_985, %add3A_986 : i32
        %sub3A_988 = arith.constant 100 : i32
        %sub3A_989 = arith.subi %add3A_987, %sub3A_988 : i32
        %get3A_990 = arith.index_cast %sub3A_989 : i32 to index
        %get3A_991 = arith.constant 160 : index
        %get3A_992 = tpu.vector_load %arg8[%get3A_990, %get3A_991] {strides = array<i32>} : memref<104x256xf32, #tpu.memory_space<vmem>>, vector<1x16xf32>,
        %get3A_993 = vector.shape_cast %get3A_992 : vector<1x16xf32> to vector<16xf32>
        %mul3A_994 = arith.constant 2 : i32
        %mul3A_995 = arith.muli %mul3A_994, %scan3A_621 : i32
        %add3A_996 = arith.constant 1 : i32
        %add3A_997 = arith.addi %mul3A_995, %add3A_996 : i32
        %add3A_998 = arith.constant 3 : i32
        %add3A_999 = arith.addi %add3A_997, %add3A_998 : i32
        %sub3A_1000 = arith.constant 100 : i32
        %sub3A_1001 = arith.subi %add3A_999, %sub3A_1000 : i32
        %get3A_1002 = arith.index_cast %sub3A_1001 : i32 to index
        %get3A_1003 = arith.constant 224 : index
        %get3A_1004 = tpu.vector_load %arg8[%get3A_1002, %get3A_1003] {strides = array<i32>} : memref<104x256xf32, #tpu.memory_space<vmem>>, vector<1x16xf32>,
        %get3A_1005 = vector.shape_cast %get3A_1004 : vector<1x16xf32> to vector<16xf32>
        %add3A_1006 = arith.addf %get3A_969, %get3A_981 : vector<16xf32>
        %add3A_1007 = arith.addf %add3A_1006, %get3A_993 : vector<16xf32>
        %add3A_1008 = arith.addf %add3A_1007, %get3A_1005 : vector<16xf32>
        %swap3A_1009 = arith.index_cast %scan3A_621 : i32 to index
        %swap3A_1010 = arith.constant 96 : index
        %swap3A_1011 = tpu.vector_load %arg11[%swap3A_1009, %swap3A_1010] {strides = array<i32>} : memref<100x128xf32, #tpu.memory_space<vmem>>, vector<1x16xf32>,
        %swap3A_1012 = vector.shape_cast %swap3A_1011 : vector<1x16xf32> to vector<16xf32>
        %swap3A_1013 = vector.shape_cast %add3A_1008 : vector<16xf32> to vector<1x16xf32>
        tpu.vector_store %arg11[%swap3A_1009, %swap3A_1010], %swap3A_1013 {strides = array<i32>} : memref<100x128xf32, #tpu.memory_space<vmem>>, vector<1x16xf32>,
        %mul3A_1014 = arith.constant 2 : i32
        %mul3A_1015 = arith.muli %mul3A_1014, %scan3A_621 : i32
        %add3A_1016 = arith.constant 1 : i32
        %add3A_1017 = arith.addi %mul3A_1015, %add3A_1016 : i32
        %add3A_1018 = arith.constant 0 : i32
        %add3A_1019 = arith.addi %add3A_1017, %add3A_1018 : i32
        %sub3A_1020 = arith.constant 100 : i32
        %sub3A_1021 = arith.subi %add3A_1019, %sub3A_1020 : i32
        %get3A_1022 = arith.index_cast %sub3A_1021 : i32 to index
        %get3A_1023 = arith.constant 48 : index
        %get3A_1024 = tpu.vector_load %arg8[%get3A_1022, %get3A_1023] {strides = array<i32>} : memref<104x256xf32, #tpu.memory_space<vmem>>, vector<1x16xf32>,
        %get3A_1025 = vector.shape_cast %get3A_1024 : vector<1x16xf32> to vector<16xf32>
        %mul3A_1026 = arith.constant 2 : i32
        %mul3A_1027 = arith.muli %mul3A_1026, %scan3A_621 : i32
        %add3A_1028 = arith.constant 1 : i32
        %add3A_1029 = arith.addi %mul3A_1027, %add3A_1028 : i32
        %add3A_1030 = arith.constant 1 : i32
        %add3A_1031 = arith.addi %add3A_1029, %add3A_1030 : i32
        %sub3A_1032 = arith.constant 100 : i32
        %sub3A_1033 = arith.subi %add3A_1031, %sub3A_1032 : i32
        %get3A_1034 = arith.index_cast %sub3A_1033 : i32 to index
        %get3A_1035 = arith.constant 112 : index
        %get3A_1036 = tpu.vector_load %arg8[%get3A_1034, %get3A_1035] {strides = array<i32>} : memref<104x256xf32, #tpu.memory_space<vmem>>, vector<1x16xf32>,
        %get3A_1037 = vector.shape_cast %get3A_1036 : vector<1x16xf32> to vector<16xf32>
        %mul3A_1038 = arith.constant 2 : i32
        %mul3A_1039 = arith.muli %mul3A_1038, %scan3A_621 : i32
        %add3A_1040 = arith.constant 1 : i32
        %add3A_1041 = arith.addi %mul3A_1039, %add3A_1040 : i32
        %add3A_1042 = arith.constant 2 : i32
        %add3A_1043 = arith.addi %add3A_1041, %add3A_1042 : i32
        %sub3A_1044 = arith.constant 100 : i32
        %sub3A_1045 = arith.subi %add3A_1043, %sub3A_1044 : i32
        %get3A_1046 = arith.index_cast %sub3A_1045 : i32 to index
        %get3A_1047 = arith.constant 176 : index
        %get3A_1048 = tpu.vector_load %arg8[%get3A_1046, %get3A_1047] {strides = array<i32>} : memref<104x256xf32, #tpu.memory_space<vmem>>, vector<1x16xf32>,
        %get3A_1049 = vector.shape_cast %get3A_1048 : vector<1x16xf32> to vector<16xf32>
        %mul3A_1050 = arith.constant 2 : i32
        %mul3A_1051 = arith.muli %mul3A_1050, %scan3A_621 : i32
        %add3A_1052 = arith.constant 1 : i32
        %add3A_1053 = arith.addi %mul3A_1051, %add3A_1052 : i32
        %add3A_1054 = arith.constant 3 : i32
        %add3A_1055 = arith.addi %add3A_1053, %add3A_1054 : i32
        %sub3A_1056 = arith.constant 100 : i32
        %sub3A_1057 = arith.subi %add3A_1055, %sub3A_1056 : i32
        %get3A_1058 = arith.index_cast %sub3A_1057 : i32 to index
        %get3A_1059 = arith.constant 240 : index
        %get3A_1060 = tpu.vector_load %arg8[%get3A_1058, %get3A_1059] {strides = array<i32>} : memref<104x256xf32, #tpu.memory_space<vmem>>, vector<1x16xf32>,
        %get3A_1061 = vector.shape_cast %get3A_1060 : vector<1x16xf32> to vector<16xf32>
        %add3A_1062 = arith.addf %get3A_1025, %get3A_1037 : vector<16xf32>
        %add3A_1063 = arith.addf %add3A_1062, %get3A_1049 : vector<16xf32>
        %add3A_1064 = arith.addf %add3A_1063, %get3A_1061 : vector<16xf32>
        %swap3A_1065 = arith.index_cast %scan3A_621 : i32 to index
        %swap3A_1066 = arith.constant 112 : index
        %swap3A_1067 = tpu.vector_load %arg11[%swap3A_1065, %swap3A_1066] {strides = array<i32>} : memref<100x128xf32, #tpu.memory_space<vmem>>, vector<1x16xf32>,
        %swap3A_1068 = vector.shape_cast %swap3A_1067 : vector<1x16xf32> to vector<16xf32>
        %swap3A_1069 = vector.shape_cast %add3A_1064 : vector<16xf32> to vector<1x16xf32>
        tpu.vector_store %arg11[%swap3A_1065, %swap3A_1066], %swap3A_1069 {strides = array<i32>} : memref<100x128xf32, #tpu.memory_space<vmem>>, vector<1x16xf32>,
        %scan3A_1070 = arith.constant 0 : i32
        scf.yield %scan3A_1070 : i32
      }
      %scan3A_103 = arith.constant 50 : i32
      %add3A_104 = arith.addi %mul3A_2, %mul3A_44 : i32
      %dma_start3A_105 = arith.constant 0 : i32
      %dma_start3A_106 = arith.constant 0 : i32
      %dma_start3A_107 = tpu.memref_slice %arg4[%add3A_104, %dma_start3A_105, %dma_start3A_106] : memref<1024x100x128xf32, #tpu.memory_space<hbm>> -> memref<1x100x128xf32, #tpu.memory_space<hbm>>
      %dma_start3A_108 = tpu.memref_squeeze %dma_start3A_107 : memref<1x100x128xf32, #tpu.memory_space<hbm>> -> memref<100x128xf32, #tpu.memory_space<hbm>>
      %dma_start3A_109 = arith.constant 0 : i32
      %dma_start3A_110 = arith.constant 0 : i32
      %dma_start3A_111 = tpu.memref_slice %arg4[%add3A_104, %dma_start3A_109, %dma_start3A_110] : memref<1024x100x128xf32, #tpu.memory_space<hbm>> -> memref<1x100x128xf32, #tpu.memory_space<hbm>>
      %dma_start3A_112 = tpu.memref_squeeze %dma_start3A_111 : memref<1x100x128xf32, #tpu.memory_space<hbm>> -> memref<100x128xf32, #tpu.memory_space<hbm>>
      tpu.enqueue_dma source(%arg11 : memref<100x128xf32, #tpu.memory_space<vmem>>) target(%dma_start3A_112 : memref<100x128xf32, #tpu.memory_space<hbm>>) target_semaphore(%arg16 : memref<!tpu.dma_semaphore, #tpu.memory_space<semaphore_mem>>)
      %lt3A_113 = arith.constant 15 : i32
      %lt3A_114 = arith.cmpi slt, %scan3A_41, %lt3A_113 : i32
      %convert_element_type3A_115 = arith.extui %lt3A_114 : i1 to i32
      %cond3A_116 = arith.constant 0 : i32
      %cond3A_117 = arith.cmpi ne, %convert_element_type3A_115, %cond3A_116 : i32
      scf.if %cond3A_117 {
        %add3A_172 = arith.constant 2 : i32
        %add3A_173 = arith.addi %mul3A_44, %add3A_172 : i32
        %add3A_174 = arith.addi %mul3A_2, %add3A_173 : i32
        %dma_wait3A_175 = arith.constant 0 : i32
        %dma_wait3A_176 = arith.constant 0 : i32
        %dma_wait3A_177 = tpu.memref_slice %arg2[%add3A_174, %dma_wait3A_175, %dma_wait3A_176] : memref<1024x2x104xi32, #tpu.memory_space<hbm>> -> memref<1x2x104xi32, #tpu.memory_space<hbm>>
        %dma_wait3A_178 = tpu.memref_squeeze %dma_wait3A_177 : memref<1x2x104xi32, #tpu.memory_space<hbm>> -> memref<2x104xi32, #tpu.memory_space<hbm>>
        %dma_wait3A_179 = arith.constant 0 : i32
        %dma_wait3A_180 = arith.constant 0 : i32
        %dma_wait3A_181 = tpu.memref_slice %arg2[%add3A_174, %dma_wait3A_179, %dma_wait3A_180] : memref<1024x2x104xi32, #tpu.memory_space<hbm>> -> memref<1x2x104xi32, #tpu.memory_space<hbm>>
        %dma_wait3A_182 = tpu.memref_squeeze %dma_wait3A_181 : memref<1x2x104xi32, #tpu.memory_space<hbm>> -> memref<2x104xi32, #tpu.memory_space<hbm>>
        tpu.wait_dma2 semaphore(%arg12 : memref<!tpu.dma_semaphore, #tpu.memory_space<semaphore_mem>>) src(%dma_wait3A_182 : memref<2x104xi32, #tpu.memory_space<hbm>>) dst(%arg5 : memref<2x104xi32, #tpu.memory_space<vmem>>)
        %dma_start3A_183 = arith.constant 0 : i32
        %dma_start3A_184 = arith.constant 0 : i32
        %dma_start3A_185 = tpu.memref_slice %arg5[%dma_start3A_183, %dma_start3A_184] : memref<2x104xi32, #tpu.memory_space<vmem>> -> memref<1x104xi32, #tpu.memory_space<vmem>>
        %dma_start3A_186 = tpu.memref_squeeze %dma_start3A_185 : memref<1x104xi32, #tpu.memory_space<vmem>> -> memref<104xi32, #tpu.memory_space<vmem>>
        %dma_start3A_187 = arith.constant 0 : i32
        %dma_start3A_188 = arith.constant 0 : i32
        %dma_start3A_189 = tpu.memref_slice %arg3[%dma_start3A_187, %dma_start3A_188] : memref<100000x256xf32, #tpu.memory_space<hbm>> -> memref<100000x256xf32, #tpu.memory_space<hbm>>
        tpu.enqueue_indirect_dma source(%dma_start3A_189 : memref<100000x256xf32, #tpu.memory_space<hbm>>) target(%arg7 : memref<104x256xf32, #tpu.memory_space<vmem>>) offsets(%dma_start3A_186 : memref<104xi32, #tpu.memory_space<vmem>>) semaphore(%arg14 : memref<!tpu.dma_semaphore, #tpu.memory_space<semaphore_mem>>)
        %dma_start3A_190 = arith.constant 1 : i32
        %dma_start3A_191 = arith.constant 0 : i32
        %dma_start3A_192 = tpu.memref_slice %arg5[%dma_start3A_190, %dma_start3A_191] : memref<2x104xi32, #tpu.memory_space<vmem>> -> memref<1x104xi32, #tpu.memory_space<vmem>>
        %dma_start3A_193 = tpu.memref_squeeze %dma_start3A_192 : memref<1x104xi32, #tpu.memory_space<vmem>> -> memref<104xi32, #tpu.memory_space<vmem>>
        %dma_start3A_194 = arith.constant 0 : i32
        %dma_start3A_195 = arith.constant 0 : i32
        %dma_start3A_196 = tpu.memref_slice %arg3[%dma_start3A_194, %dma_start3A_195] : memref<100000x256xf32, #tpu.memory_space<hbm>> -> memref<100000x256xf32, #tpu.memory_space<hbm>>
        tpu.enqueue_indirect_dma source(%dma_start3A_196 : memref<100000x256xf32, #tpu.memory_space<hbm>>) target(%arg8 : memref<104x256xf32, #tpu.memory_space<vmem>>) offsets(%dma_start3A_193 : memref<104xi32, #tpu.memory_space<vmem>>) semaphore(%arg14 : memref<!tpu.dma_semaphore, #tpu.memory_space<semaphore_mem>>)
      } else {
      }
      %dma_wait3A_118 = arith.constant 0 : i32
      %dma_wait3A_119 = arith.constant 0 : i32
      %dma_wait3A_120 = tpu.memref_slice %arg6[%dma_wait3A_118, %dma_wait3A_119] : memref<2x104xi32, #tpu.memory_space<vmem>> -> memref<1x104xi32, #tpu.memory_space<vmem>>
      %dma_wait3A_121 = tpu.memref_squeeze %dma_wait3A_120 : memref<1x104xi32, #tpu.memory_space<vmem>> -> memref<104xi32, #tpu.memory_space<vmem>>
      %dma_wait3A_122 = arith.constant 0 : i32
      %dma_wait3A_123 = arith.constant 0 : i32
      %dma_wait3A_124 = tpu.memref_slice %arg3[%dma_wait3A_122, %dma_wait3A_123] : memref<100000x256xf32, #tpu.memory_space<hbm>> -> memref<100000x256xf32, #tpu.memory_space<hbm>>
      tpu.wait_indirect_dma semaphore(%arg15 : memref<!tpu.dma_semaphore, #tpu.memory_space<semaphore_mem>>) src(%dma_wait3A_124 : memref<100000x256xf32, #tpu.memory_space<hbm>>) dst(%arg9 : memref<104x256xf32, #tpu.memory_space<vmem>>)
      %dma_wait3A_125 = arith.constant 1 : i32
      %dma_wait3A_126 = arith.constant 0 : i32
      %dma_wait3A_127 = tpu.memref_slice %arg6[%dma_wait3A_125, %dma_wait3A_126] : memref<2x104xi32, #tpu.memory_space<vmem>> -> memref<1x104xi32, #tpu.memory_space<vmem>>
      %dma_wait3A_128 = tpu.memref_squeeze %dma_wait3A_127 : memref<1x104xi32, #tpu.memory_space<vmem>> -> memref<104xi32, #tpu.memory_space<vmem>>
      %dma_wait3A_129 = arith.constant 0 : i32
      %dma_wait3A_130 = arith.constant 0 : i32
      %dma_wait3A_131 = tpu.memref_slice %arg3[%dma_wait3A_129, %dma_wait3A_130] : memref<100000x256xf32, #tpu.memory_space<hbm>> -> memref<100000x256xf32, #tpu.memory_space<hbm>>
      tpu.wait_indirect_dma semaphore(%arg15 : memref<!tpu.dma_semaphore, #tpu.memory_space<semaphore_mem>>) src(%dma_wait3A_131 : memref<100000x256xf32, #tpu.memory_space<hbm>>) dst(%arg10 : memref<104x256xf32, #tpu.memory_space<vmem>>)
      %lt3A_132 = arith.constant 15 : i32
      %lt3A_133 = arith.cmpi slt, %scan3A_41, %lt3A_132 : i32
      %convert_element_type3A_134 = arith.extui %lt3A_133 : i1 to i32
      %cond3A_135 = arith.constant 0 : i32
      %cond3A_136 = arith.cmpi ne, %convert_element_type3A_134, %cond3A_135 : i32
      scf.if %cond3A_136 {
        %add3A_172 = arith.constant 3 : i32
        %add3A_173 = arith.addi %mul3A_44, %add3A_172 : i32
        %add3A_174 = arith.addi %mul3A_2, %add3A_173 : i32
        %dma_start3A_175 = arith.constant 0 : i32
        %dma_start3A_176 = arith.constant 0 : i32
        %dma_start3A_177 = tpu.memref_slice %arg2[%add3A_174, %dma_start3A_175, %dma_start3A_176] : memref<1024x2x104xi32, #tpu.memory_space<hbm>> -> memref<1x2x104xi32, #tpu.memory_space<hbm>>
        %dma_start3A_178 = tpu.memref_squeeze %dma_start3A_177 : memref<1x2x104xi32, #tpu.memory_space<hbm>> -> memref<2x104xi32, #tpu.memory_space<hbm>>
        %dma_start3A_179 = arith.constant 0 : i32
        %dma_start3A_180 = arith.constant 0 : i32
        %dma_start3A_181 = tpu.memref_slice %arg2[%add3A_174, %dma_start3A_179, %dma_start3A_180] : memref<1024x2x104xi32, #tpu.memory_space<hbm>> -> memref<1x2x104xi32, #tpu.memory_space<hbm>>
        %dma_start3A_182 = tpu.memref_squeeze %dma_start3A_181 : memref<1x2x104xi32, #tpu.memory_space<hbm>> -> memref<2x104xi32, #tpu.memory_space<hbm>>
        tpu.enqueue_dma source(%dma_start3A_182 : memref<2x104xi32, #tpu.memory_space<hbm>>) target(%arg6 : memref<2x104xi32, #tpu.memory_space<vmem>>) target_semaphore(%arg13 : memref<!tpu.dma_semaphore, #tpu.memory_space<semaphore_mem>>)
      } else {
      }
      %add3A_137 = arith.addi %mul3A_2, %mul3A_44 : i32
      %dma_wait3A_138 = arith.constant 0 : i32
      %dma_wait3A_139 = arith.constant 0 : i32
      %dma_wait3A_140 = tpu.memref_slice %arg4[%add3A_137, %dma_wait3A_138, %dma_wait3A_139] : memref<1024x100x128xf32, #tpu.memory_space<hbm>> -> memref<1x100x128xf32, #tpu.memory_space<hbm>>
      %dma_wait3A_141 = tpu.memref_squeeze %dma_wait3A_140 : memref<1x100x128xf32, #tpu.memory_space<hbm>> -> memref<100x128xf32, #tpu.memory_space<hbm>>
      %dma_wait3A_142 = arith.constant 0 : i32
      %dma_wait3A_143 = arith.constant 0 : i32
      %dma_wait3A_144 = tpu.memref_slice %arg4[%add3A_137, %dma_wait3A_142, %dma_wait3A_143] : memref<1024x100x128xf32, #tpu.memory_space<hbm>> -> memref<1x100x128xf32, #tpu.memory_space<hbm>>
      %dma_wait3A_145 = tpu.memref_squeeze %dma_wait3A_144 : memref<1x100x128xf32, #tpu.memory_space<hbm>> -> memref<100x128xf32, #tpu.memory_space<hbm>>
      tpu.wait_dma2 semaphore(%arg16 : memref<!tpu.dma_semaphore, #tpu.memory_space<semaphore_mem>>) src(%arg11 : memref<100x128xf32, #tpu.memory_space<vmem>>) dst(%dma_wait3A_145 : memref<100x128xf32, #tpu.memory_space<hbm>>)
      %scan3A_146 = arith.constant 0 : i32
      %scan3A_147 = arith.constant 0 : i32
      %scan3A_148 = arith.constant 50 : i32
      %scan3A_149 = arith.addi %scan3A_147, %scan3A_148 : i32
      %scan3A_150 = arith.constant 2 : i32
      %scan3A_151 = scf.for %scan3A_172 = %scan3A_147 to %scan3A_149 step %scan3A_150 iter_args(%scan3A_173 = %scan3A_146) -> (i32)  : i32 {
        %mul3A_174 = arith.constant 2 : i32
        %mul3A_175 = arith.muli %mul3A_174, %scan3A_172 : i32
        %add3A_176 = arith.constant 0 : i32
        %add3A_177 = arith.addi %mul3A_175, %add3A_176 : i32
        %add3A_178 = arith.constant 0 : i32
        %add3A_179 = arith.addi %add3A_177, %add3A_178 : i32
        %get3A = arith.index_cast %add3A_179 : i32 to index
        %get3A_180 = arith.constant 0 : index
        %get3A_181 = tpu.vector_load %arg9[%get3A, %get3A_180] {strides = array<i32>} : memref<104x256xf32, #tpu.memory_space<vmem>>, vector<1x16xf32>,
        %get3A_182 = vector.shape_cast %get3A_181 : vector<1x16xf32> to vector<16xf32>
        %mul3A_183 = arith.constant 2 : i32
        %mul3A_184 = arith.muli %mul3A_183, %scan3A_172 : i32
        %add3A_185 = arith.constant 0 : i32
        %add3A_186 = arith.addi %mul3A_184, %add3A_185 : i32
        %add3A_187 = arith.constant 1 : i32
        %add3A_188 = arith.addi %add3A_186, %add3A_187 : i32
        %get3A_189 = arith.index_cast %add3A_188 : i32 to index
        %get3A_190 = arith.constant 64 : index
        %get3A_191 = tpu.vector_load %arg9[%get3A_189, %get3A_190] {strides = array<i32>} : memref<104x256xf32, #tpu.memory_space<vmem>>, vector<1x16xf32>,
        %get3A_192 = vector.shape_cast %get3A_191 : vector<1x16xf32> to vector<16xf32>
        %mul3A_193 = arith.constant 2 : i32
        %mul3A_194 = arith.muli %mul3A_193, %scan3A_172 : i32
        %add3A_195 = arith.constant 0 : i32
        %add3A_196 = arith.addi %mul3A_194, %add3A_195 : i32
        %add3A_197 = arith.constant 2 : i32
        %add3A_198 = arith.addi %add3A_196, %add3A_197 : i32
        %get3A_199 = arith.index_cast %add3A_198 : i32 to index
        %get3A_200 = arith.constant 128 : index
        %get3A_201 = tpu.vector_load %arg9[%get3A_199, %get3A_200] {strides = array<i32>} : memref<104x256xf32, #tpu.memory_space<vmem>>, vector<1x16xf32>,
        %get3A_202 = vector.shape_cast %get3A_201 : vector<1x16xf32> to vector<16xf32>
        %mul3A_203 = arith.constant 2 : i32
        %mul3A_204 = arith.muli %mul3A_203, %scan3A_172 : i32
        %add3A_205 = arith.constant 0 : i32
        %add3A_206 = arith.addi %mul3A_204, %add3A_205 : i32
        %add3A_207 = arith.constant 3 : i32
        %add3A_208 = arith.addi %add3A_206, %add3A_207 : i32
        %get3A_209 = arith.index_cast %add3A_208 : i32 to index
        %get3A_210 = arith.constant 192 : index
        %get3A_211 = tpu.vector_load %arg9[%get3A_209, %get3A_210] {strides = array<i32>} : memref<104x256xf32, #tpu.memory_space<vmem>>, vector<1x16xf32>,
        %get3A_212 = vector.shape_cast %get3A_211 : vector<1x16xf32> to vector<16xf32>
        %add3A_213 = arith.addf %get3A_182, %get3A_192 : vector<16xf32>
        %add3A_214 = arith.addf %add3A_213, %get3A_202 : vector<16xf32>
        %add3A_215 = arith.addf %add3A_214, %get3A_212 : vector<16xf32>
        %swap3A = arith.index_cast %scan3A_172 : i32 to index
        %swap3A_216 = arith.constant 0 : index
        %swap3A_217 = tpu.vector_load %arg11[%swap3A, %swap3A_216] {strides = array<i32>} : memref<100x128xf32, #tpu.memory_space<vmem>>, vector<1x16xf32>,
        %swap3A_218 = vector.shape_cast %swap3A_217 : vector<1x16xf32> to vector<16xf32>
        %swap3A_219 = vector.shape_cast %add3A_215 : vector<16xf32> to vector<1x16xf32>
        tpu.vector_store %arg11[%swap3A, %swap3A_216], %swap3A_219 {strides = array<i32>} : memref<100x128xf32, #tpu.memory_space<vmem>>, vector<1x16xf32>,
        %mul3A_220 = arith.constant 2 : i32
        %mul3A_221 = arith.muli %mul3A_220, %scan3A_172 : i32
        %add3A_222 = arith.constant 0 : i32
        %add3A_223 = arith.addi %mul3A_221, %add3A_222 : i32
        %add3A_224 = arith.constant 0 : i32
        %add3A_225 = arith.addi %add3A_223, %add3A_224 : i32
        %get3A_226 = arith.index_cast %add3A_225 : i32 to index
        %get3A_227 = arith.constant 16 : index
        %get3A_228 = tpu.vector_load %arg9[%get3A_226, %get3A_227] {strides = array<i32>} : memref<104x256xf32, #tpu.memory_space<vmem>>, vector<1x16xf32>,
        %get3A_229 = vector.shape_cast %get3A_228 : vector<1x16xf32> to vector<16xf32>
        %mul3A_230 = arith.constant 2 : i32
        %mul3A_231 = arith.muli %mul3A_230, %scan3A_172 : i32
        %add3A_232 = arith.constant 0 : i32
        %add3A_233 = arith.addi %mul3A_231, %add3A_232 : i32
        %add3A_234 = arith.constant 1 : i32
        %add3A_235 = arith.addi %add3A_233, %add3A_234 : i32
        %get3A_236 = arith.index_cast %add3A_235 : i32 to index
        %get3A_237 = arith.constant 80 : index
        %get3A_238 = tpu.vector_load %arg9[%get3A_236, %get3A_237] {strides = array<i32>} : memref<104x256xf32, #tpu.memory_space<vmem>>, vector<1x16xf32>,
        %get3A_239 = vector.shape_cast %get3A_238 : vector<1x16xf32> to vector<16xf32>
        %mul3A_240 = arith.constant 2 : i32
        %mul3A_241 = arith.muli %mul3A_240, %scan3A_172 : i32
        %add3A_242 = arith.constant 0 : i32
        %add3A_243 = arith.addi %mul3A_241, %add3A_242 : i32
        %add3A_244 = arith.constant 2 : i32
        %add3A_245 = arith.addi %add3A_243, %add3A_244 : i32
        %get3A_246 = arith.index_cast %add3A_245 : i32 to index
        %get3A_247 = arith.constant 144 : index
        %get3A_248 = tpu.vector_load %arg9[%get3A_246, %get3A_247] {strides = array<i32>} : memref<104x256xf32, #tpu.memory_space<vmem>>, vector<1x16xf32>,
        %get3A_249 = vector.shape_cast %get3A_248 : vector<1x16xf32> to vector<16xf32>
        %mul3A_250 = arith.constant 2 : i32
        %mul3A_251 = arith.muli %mul3A_250, %scan3A_172 : i32
        %add3A_252 = arith.constant 0 : i32
        %add3A_253 = arith.addi %mul3A_251, %add3A_252 : i32
        %add3A_254 = arith.constant 3 : i32
        %add3A_255 = arith.addi %add3A_253, %add3A_254 : i32
        %get3A_256 = arith.index_cast %add3A_255 : i32 to index
        %get3A_257 = arith.constant 208 : index
        %get3A_258 = tpu.vector_load %arg9[%get3A_256, %get3A_257] {strides = array<i32>} : memref<104x256xf32, #tpu.memory_space<vmem>>, vector<1x16xf32>,
        %get3A_259 = vector.shape_cast %get3A_258 : vector<1x16xf32> to vector<16xf32>
        %add3A_260 = arith.addf %get3A_229, %get3A_239 : vector<16xf32>
        %add3A_261 = arith.addf %add3A_260, %get3A_249 : vector<16xf32>
        %add3A_262 = arith.addf %add3A_261, %get3A_259 : vector<16xf32>
        %swap3A_263 = arith.index_cast %scan3A_172 : i32 to index
        %swap3A_264 = arith.constant 16 : index
        %swap3A_265 = tpu.vector_load %arg11[%swap3A_263, %swap3A_264] {strides = array<i32>} : memref<100x128xf32, #tpu.memory_space<vmem>>, vector<1x16xf32>,
        %swap3A_266 = vector.shape_cast %swap3A_265 : vector<1x16xf32> to vector<16xf32>
        %swap3A_267 = vector.shape_cast %add3A_262 : vector<16xf32> to vector<1x16xf32>
        tpu.vector_store %arg11[%swap3A_263, %swap3A_264], %swap3A_267 {strides = array<i32>} : memref<100x128xf32, #tpu.memory_space<vmem>>, vector<1x16xf32>,
        %mul3A_268 = arith.constant 2 : i32
        %mul3A_269 = arith.muli %mul3A_268, %scan3A_172 : i32
        %add3A_270 = arith.constant 0 : i32
        %add3A_271 = arith.addi %mul3A_269, %add3A_270 : i32
        %add3A_272 = arith.constant 0 : i32
        %add3A_273 = arith.addi %add3A_271, %add3A_272 : i32
        %get3A_274 = arith.index_cast %add3A_273 : i32 to index
        %get3A_275 = arith.constant 32 : index
        %get3A_276 = tpu.vector_load %arg9[%get3A_274, %get3A_275] {strides = array<i32>} : memref<104x256xf32, #tpu.memory_space<vmem>>, vector<1x16xf32>,
        %get3A_277 = vector.shape_cast %get3A_276 : vector<1x16xf32> to vector<16xf32>
        %mul3A_278 = arith.constant 2 : i32
        %mul3A_279 = arith.muli %mul3A_278, %scan3A_172 : i32
        %add3A_280 = arith.constant 0 : i32
        %add3A_281 = arith.addi %mul3A_279, %add3A_280 : i32
        %add3A_282 = arith.constant 1 : i32
        %add3A_283 = arith.addi %add3A_281, %add3A_282 : i32
        %get3A_284 = arith.index_cast %add3A_283 : i32 to index
        %get3A_285 = arith.constant 96 : index
        %get3A_286 = tpu.vector_load %arg9[%get3A_284, %get3A_285] {strides = array<i32>} : memref<104x256xf32, #tpu.memory_space<vmem>>, vector<1x16xf32>,
        %get3A_287 = vector.shape_cast %get3A_286 : vector<1x16xf32> to vector<16xf32>
        %mul3A_288 = arith.constant 2 : i32
        %mul3A_289 = arith.muli %mul3A_288, %scan3A_172 : i32
        %add3A_290 = arith.constant 0 : i32
        %add3A_291 = arith.addi %mul3A_289, %add3A_290 : i32
        %add3A_292 = arith.constant 2 : i32
        %add3A_293 = arith.addi %add3A_291, %add3A_292 : i32
        %get3A_294 = arith.index_cast %add3A_293 : i32 to index
        %get3A_295 = arith.constant 160 : index
        %get3A_296 = tpu.vector_load %arg9[%get3A_294, %get3A_295] {strides = array<i32>} : memref<104x256xf32, #tpu.memory_space<vmem>>, vector<1x16xf32>,
        %get3A_297 = vector.shape_cast %get3A_296 : vector<1x16xf32> to vector<16xf32>
        %mul3A_298 = arith.constant 2 : i32
        %mul3A_299 = arith.muli %mul3A_298, %scan3A_172 : i32
        %add3A_300 = arith.constant 0 : i32
        %add3A_301 = arith.addi %mul3A_299, %add3A_300 : i32
        %add3A_302 = arith.constant 3 : i32
        %add3A_303 = arith.addi %add3A_301, %add3A_302 : i32
        %get3A_304 = arith.index_cast %add3A_303 : i32 to index
        %get3A_305 = arith.constant 224 : index
        %get3A_306 = tpu.vector_load %arg9[%get3A_304, %get3A_305] {strides = array<i32>} : memref<104x256xf32, #tpu.memory_space<vmem>>, vector<1x16xf32>,
        %get3A_307 = vector.shape_cast %get3A_306 : vector<1x16xf32> to vector<16xf32>
        %add3A_308 = arith.addf %get3A_277, %get3A_287 : vector<16xf32>
        %add3A_309 = arith.addf %add3A_308, %get3A_297 : vector<16xf32>
        %add3A_310 = arith.addf %add3A_309, %get3A_307 : vector<16xf32>
        %swap3A_311 = arith.index_cast %scan3A_172 : i32 to index
        %swap3A_312 = arith.constant 32 : index
        %swap3A_313 = tpu.vector_load %arg11[%swap3A_311, %swap3A_312] {strides = array<i32>} : memref<100x128xf32, #tpu.memory_space<vmem>>, vector<1x16xf32>,
        %swap3A_314 = vector.shape_cast %swap3A_313 : vector<1x16xf32> to vector<16xf32>
        %swap3A_315 = vector.shape_cast %add3A_310 : vector<16xf32> to vector<1x16xf32>
        tpu.vector_store %arg11[%swap3A_311, %swap3A_312], %swap3A_315 {strides = array<i32>} : memref<100x128xf32, #tpu.memory_space<vmem>>, vector<1x16xf32>,
        %mul3A_316 = arith.constant 2 : i32
        %mul3A_317 = arith.muli %mul3A_316, %scan3A_172 : i32
        %add3A_318 = arith.constant 0 : i32
        %add3A_319 = arith.addi %mul3A_317, %add3A_318 : i32
        %add3A_320 = arith.constant 0 : i32
        %add3A_321 = arith.addi %add3A_319, %add3A_320 : i32
        %get3A_322 = arith.index_cast %add3A_321 : i32 to index
        %get3A_323 = arith.constant 48 : index
        %get3A_324 = tpu.vector_load %arg9[%get3A_322, %get3A_323] {strides = array<i32>} : memref<104x256xf32, #tpu.memory_space<vmem>>, vector<1x16xf32>,
        %get3A_325 = vector.shape_cast %get3A_324 : vector<1x16xf32> to vector<16xf32>
        %mul3A_326 = arith.constant 2 : i32
        %mul3A_327 = arith.muli %mul3A_326, %scan3A_172 : i32
        %add3A_328 = arith.constant 0 : i32
        %add3A_329 = arith.addi %mul3A_327, %add3A_328 : i32
        %add3A_330 = arith.constant 1 : i32
        %add3A_331 = arith.addi %add3A_329, %add3A_330 : i32
        %get3A_332 = arith.index_cast %add3A_331 : i32 to index
        %get3A_333 = arith.constant 112 : index
        %get3A_334 = tpu.vector_load %arg9[%get3A_332, %get3A_333] {strides = array<i32>} : memref<104x256xf32, #tpu.memory_space<vmem>>, vector<1x16xf32>,
        %get3A_335 = vector.shape_cast %get3A_334 : vector<1x16xf32> to vector<16xf32>
        %mul3A_336 = arith.constant 2 : i32
        %mul3A_337 = arith.muli %mul3A_336, %scan3A_172 : i32
        %add3A_338 = arith.constant 0 : i32
        %add3A_339 = arith.addi %mul3A_337, %add3A_338 : i32
        %add3A_340 = arith.constant 2 : i32
        %add3A_341 = arith.addi %add3A_339, %add3A_340 : i32
        %get3A_342 = arith.index_cast %add3A_341 : i32 to index
        %get3A_343 = arith.constant 176 : index
        %get3A_344 = tpu.vector_load %arg9[%get3A_342, %get3A_343] {strides = array<i32>} : memref<104x256xf32, #tpu.memory_space<vmem>>, vector<1x16xf32>,
        %get3A_345 = vector.shape_cast %get3A_344 : vector<1x16xf32> to vector<16xf32>
        %mul3A_346 = arith.constant 2 : i32
        %mul3A_347 = arith.muli %mul3A_346, %scan3A_172 : i32
        %add3A_348 = arith.constant 0 : i32
        %add3A_349 = arith.addi %mul3A_347, %add3A_348 : i32
        %add3A_350 = arith.constant 3 : i32
        %add3A_351 = arith.addi %add3A_349, %add3A_350 : i32
        %get3A_352 = arith.index_cast %add3A_351 : i32 to index
        %get3A_353 = arith.constant 240 : index
        %get3A_354 = tpu.vector_load %arg9[%get3A_352, %get3A_353] {strides = array<i32>} : memref<104x256xf32, #tpu.memory_space<vmem>>, vector<1x16xf32>,
        %get3A_355 = vector.shape_cast %get3A_354 : vector<1x16xf32> to vector<16xf32>
        %add3A_356 = arith.addf %get3A_325, %get3A_335 : vector<16xf32>
        %add3A_357 = arith.addf %add3A_356, %get3A_345 : vector<16xf32>
        %add3A_358 = arith.addf %add3A_357, %get3A_355 : vector<16xf32>
        %swap3A_359 = arith.index_cast %scan3A_172 : i32 to index
        %swap3A_360 = arith.constant 48 : index
        %swap3A_361 = tpu.vector_load %arg11[%swap3A_359, %swap3A_360] {strides = array<i32>} : memref<100x128xf32, #tpu.memory_space<vmem>>, vector<1x16xf32>,
        %swap3A_362 = vector.shape_cast %swap3A_361 : vector<1x16xf32> to vector<16xf32>
        %swap3A_363 = vector.shape_cast %add3A_358 : vector<16xf32> to vector<1x16xf32>
        tpu.vector_store %arg11[%swap3A_359, %swap3A_360], %swap3A_363 {strides = array<i32>} : memref<100x128xf32, #tpu.memory_space<vmem>>, vector<1x16xf32>,
        %mul3A_364 = arith.constant 2 : i32
        %mul3A_365 = arith.muli %mul3A_364, %scan3A_172 : i32
        %add3A_366 = arith.constant 1 : i32
        %add3A_367 = arith.addi %mul3A_365, %add3A_366 : i32
        %add3A_368 = arith.constant 0 : i32
        %add3A_369 = arith.addi %add3A_367, %add3A_368 : i32
        %get3A_370 = arith.index_cast %add3A_369 : i32 to index
        %get3A_371 = arith.constant 0 : index
        %get3A_372 = tpu.vector_load %arg9[%get3A_370, %get3A_371] {strides = array<i32>} : memref<104x256xf32, #tpu.memory_space<vmem>>, vector<1x16xf32>,
        %get3A_373 = vector.shape_cast %get3A_372 : vector<1x16xf32> to vector<16xf32>
        %mul3A_374 = arith.constant 2 : i32
        %mul3A_375 = arith.muli %mul3A_374, %scan3A_172 : i32
        %add3A_376 = arith.constant 1 : i32
        %add3A_377 = arith.addi %mul3A_375, %add3A_376 : i32
        %add3A_378 = arith.constant 1 : i32
        %add3A_379 = arith.addi %add3A_377, %add3A_378 : i32
        %get3A_380 = arith.index_cast %add3A_379 : i32 to index
        %get3A_381 = arith.constant 64 : index
        %get3A_382 = tpu.vector_load %arg9[%get3A_380, %get3A_381] {strides = array<i32>} : memref<104x256xf32, #tpu.memory_space<vmem>>, vector<1x16xf32>,
        %get3A_383 = vector.shape_cast %get3A_382 : vector<1x16xf32> to vector<16xf32>
        %mul3A_384 = arith.constant 2 : i32
        %mul3A_385 = arith.muli %mul3A_384, %scan3A_172 : i32
        %add3A_386 = arith.constant 1 : i32
        %add3A_387 = arith.addi %mul3A_385, %add3A_386 : i32
        %add3A_388 = arith.constant 2 : i32
        %add3A_389 = arith.addi %add3A_387, %add3A_388 : i32
        %get3A_390 = arith.index_cast %add3A_389 : i32 to index
        %get3A_391 = arith.constant 128 : index
        %get3A_392 = tpu.vector_load %arg9[%get3A_390, %get3A_391] {strides = array<i32>} : memref<104x256xf32, #tpu.memory_space<vmem>>, vector<1x16xf32>,
        %get3A_393 = vector.shape_cast %get3A_392 : vector<1x16xf32> to vector<16xf32>
        %mul3A_394 = arith.constant 2 : i32
        %mul3A_395 = arith.muli %mul3A_394, %scan3A_172 : i32
        %add3A_396 = arith.constant 1 : i32
        %add3A_397 = arith.addi %mul3A_395, %add3A_396 : i32
        %add3A_398 = arith.constant 3 : i32
        %add3A_399 = arith.addi %add3A_397, %add3A_398 : i32
        %get3A_400 = arith.index_cast %add3A_399 : i32 to index
        %get3A_401 = arith.constant 192 : index
        %get3A_402 = tpu.vector_load %arg9[%get3A_400, %get3A_401] {strides = array<i32>} : memref<104x256xf32, #tpu.memory_space<vmem>>, vector<1x16xf32>,
        %get3A_403 = vector.shape_cast %get3A_402 : vector<1x16xf32> to vector<16xf32>
        %add3A_404 = arith.addf %get3A_373, %get3A_383 : vector<16xf32>
        %add3A_405 = arith.addf %add3A_404, %get3A_393 : vector<16xf32>
        %add3A_406 = arith.addf %add3A_405, %get3A_403 : vector<16xf32>
        %swap3A_407 = arith.index_cast %scan3A_172 : i32 to index
        %swap3A_408 = arith.constant 64 : index
        %swap3A_409 = tpu.vector_load %arg11[%swap3A_407, %swap3A_408] {strides = array<i32>} : memref<100x128xf32, #tpu.memory_space<vmem>>, vector<1x16xf32>,
        %swap3A_410 = vector.shape_cast %swap3A_409 : vector<1x16xf32> to vector<16xf32>
        %swap3A_411 = vector.shape_cast %add3A_406 : vector<16xf32> to vector<1x16xf32>
        tpu.vector_store %arg11[%swap3A_407, %swap3A_408], %swap3A_411 {strides = array<i32>} : memref<100x128xf32, #tpu.memory_space<vmem>>, vector<1x16xf32>,
        %mul3A_412 = arith.constant 2 : i32
        %mul3A_413 = arith.muli %mul3A_412, %scan3A_172 : i32
        %add3A_414 = arith.constant 1 : i32
        %add3A_415 = arith.addi %mul3A_413, %add3A_414 : i32
        %add3A_416 = arith.constant 0 : i32
        %add3A_417 = arith.addi %add3A_415, %add3A_416 : i32
        %get3A_418 = arith.index_cast %add3A_417 : i32 to index
        %get3A_419 = arith.constant 16 : index
        %get3A_420 = tpu.vector_load %arg9[%get3A_418, %get3A_419] {strides = array<i32>} : memref<104x256xf32, #tpu.memory_space<vmem>>, vector<1x16xf32>,
        %get3A_421 = vector.shape_cast %get3A_420 : vector<1x16xf32> to vector<16xf32>
        %mul3A_422 = arith.constant 2 : i32
        %mul3A_423 = arith.muli %mul3A_422, %scan3A_172 : i32
        %add3A_424 = arith.constant 1 : i32
        %add3A_425 = arith.addi %mul3A_423, %add3A_424 : i32
        %add3A_426 = arith.constant 1 : i32
        %add3A_427 = arith.addi %add3A_425, %add3A_426 : i32
        %get3A_428 = arith.index_cast %add3A_427 : i32 to index
        %get3A_429 = arith.constant 80 : index
        %get3A_430 = tpu.vector_load %arg9[%get3A_428, %get3A_429] {strides = array<i32>} : memref<104x256xf32, #tpu.memory_space<vmem>>, vector<1x16xf32>,
        %get3A_431 = vector.shape_cast %get3A_430 : vector<1x16xf32> to vector<16xf32>
        %mul3A_432 = arith.constant 2 : i32
        %mul3A_433 = arith.muli %mul3A_432, %scan3A_172 : i32
        %add3A_434 = arith.constant 1 : i32
        %add3A_435 = arith.addi %mul3A_433, %add3A_434 : i32
        %add3A_436 = arith.constant 2 : i32
        %add3A_437 = arith.addi %add3A_435, %add3A_436 : i32
        %get3A_438 = arith.index_cast %add3A_437 : i32 to index
        %get3A_439 = arith.constant 144 : index
        %get3A_440 = tpu.vector_load %arg9[%get3A_438, %get3A_439] {strides = array<i32>} : memref<104x256xf32, #tpu.memory_space<vmem>>, vector<1x16xf32>,
        %get3A_441 = vector.shape_cast %get3A_440 : vector<1x16xf32> to vector<16xf32>
        %mul3A_442 = arith.constant 2 : i32
        %mul3A_443 = arith.muli %mul3A_442, %scan3A_172 : i32
        %add3A_444 = arith.constant 1 : i32
        %add3A_445 = arith.addi %mul3A_443, %add3A_444 : i32
        %add3A_446 = arith.constant 3 : i32
        %add3A_447 = arith.addi %add3A_445, %add3A_446 : i32
        %get3A_448 = arith.index_cast %add3A_447 : i32 to index
        %get3A_449 = arith.constant 208 : index
        %get3A_450 = tpu.vector_load %arg9[%get3A_448, %get3A_449] {strides = array<i32>} : memref<104x256xf32, #tpu.memory_space<vmem>>, vector<1x16xf32>,
        %get3A_451 = vector.shape_cast %get3A_450 : vector<1x16xf32> to vector<16xf32>
        %add3A_452 = arith.addf %get3A_421, %get3A_431 : vector<16xf32>
        %add3A_453 = arith.addf %add3A_452, %get3A_441 : vector<16xf32>
        %add3A_454 = arith.addf %add3A_453, %get3A_451 : vector<16xf32>
        %swap3A_455 = arith.index_cast %scan3A_172 : i32 to index
        %swap3A_456 = arith.constant 80 : index
        %swap3A_457 = tpu.vector_load %arg11[%swap3A_455, %swap3A_456] {strides = array<i32>} : memref<100x128xf32, #tpu.memory_space<vmem>>, vector<1x16xf32>,
        %swap3A_458 = vector.shape_cast %swap3A_457 : vector<1x16xf32> to vector<16xf32>
        %swap3A_459 = vector.shape_cast %add3A_454 : vector<16xf32> to vector<1x16xf32>
        tpu.vector_store %arg11[%swap3A_455, %swap3A_456], %swap3A_459 {strides = array<i32>} : memref<100x128xf32, #tpu.memory_space<vmem>>, vector<1x16xf32>,
        %mul3A_460 = arith.constant 2 : i32
        %mul3A_461 = arith.muli %mul3A_460, %scan3A_172 : i32
        %add3A_462 = arith.constant 1 : i32
        %add3A_463 = arith.addi %mul3A_461, %add3A_462 : i32
        %add3A_464 = arith.constant 0 : i32
        %add3A_465 = arith.addi %add3A_463, %add3A_464 : i32
        %get3A_466 = arith.index_cast %add3A_465 : i32 to index
        %get3A_467 = arith.constant 32 : index
        %get3A_468 = tpu.vector_load %arg9[%get3A_466, %get3A_467] {strides = array<i32>} : memref<104x256xf32, #tpu.memory_space<vmem>>, vector<1x16xf32>,
        %get3A_469 = vector.shape_cast %get3A_468 : vector<1x16xf32> to vector<16xf32>
        %mul3A_470 = arith.constant 2 : i32
        %mul3A_471 = arith.muli %mul3A_470, %scan3A_172 : i32
        %add3A_472 = arith.constant 1 : i32
        %add3A_473 = arith.addi %mul3A_471, %add3A_472 : i32
        %add3A_474 = arith.constant 1 : i32
        %add3A_475 = arith.addi %add3A_473, %add3A_474 : i32
        %get3A_476 = arith.index_cast %add3A_475 : i32 to index
        %get3A_477 = arith.constant 96 : index
        %get3A_478 = tpu.vector_load %arg9[%get3A_476, %get3A_477] {strides = array<i32>} : memref<104x256xf32, #tpu.memory_space<vmem>>, vector<1x16xf32>,
        %get3A_479 = vector.shape_cast %get3A_478 : vector<1x16xf32> to vector<16xf32>
        %mul3A_480 = arith.constant 2 : i32
        %mul3A_481 = arith.muli %mul3A_480, %scan3A_172 : i32
        %add3A_482 = arith.constant 1 : i32
        %add3A_483 = arith.addi %mul3A_481, %add3A_482 : i32
        %add3A_484 = arith.constant 2 : i32
        %add3A_485 = arith.addi %add3A_483, %add3A_484 : i32
        %get3A_486 = arith.index_cast %add3A_485 : i32 to index
        %get3A_487 = arith.constant 160 : index
        %get3A_488 = tpu.vector_load %arg9[%get3A_486, %get3A_487] {strides = array<i32>} : memref<104x256xf32, #tpu.memory_space<vmem>>, vector<1x16xf32>,
        %get3A_489 = vector.shape_cast %get3A_488 : vector<1x16xf32> to vector<16xf32>
        %mul3A_490 = arith.constant 2 : i32
        %mul3A_491 = arith.muli %mul3A_490, %scan3A_172 : i32
        %add3A_492 = arith.constant 1 : i32
        %add3A_493 = arith.addi %mul3A_491, %add3A_492 : i32
        %add3A_494 = arith.constant 3 : i32
        %add3A_495 = arith.addi %add3A_493, %add3A_494 : i32
        %get3A_496 = arith.index_cast %add3A_495 : i32 to index
        %get3A_497 = arith.constant 224 : index
        %get3A_498 = tpu.vector_load %arg9[%get3A_496, %get3A_497] {strides = array<i32>} : memref<104x256xf32, #tpu.memory_space<vmem>>, vector<1x16xf32>,
        %get3A_499 = vector.shape_cast %get3A_498 : vector<1x16xf32> to vector<16xf32>
        %add3A_500 = arith.addf %get3A_469, %get3A_479 : vector<16xf32>
        %add3A_501 = arith.addf %add3A_500, %get3A_489 : vector<16xf32>
        %add3A_502 = arith.addf %add3A_501, %get3A_499 : vector<16xf32>
        %swap3A_503 = arith.index_cast %scan3A_172 : i32 to index
        %swap3A_504 = arith.constant 96 : index
        %swap3A_505 = tpu.vector_load %arg11[%swap3A_503, %swap3A_504] {strides = array<i32>} : memref<100x128xf32, #tpu.memory_space<vmem>>, vector<1x16xf32>,
        %swap3A_506 = vector.shape_cast %swap3A_505 : vector<1x16xf32> to vector<16xf32>
        %swap3A_507 = vector.shape_cast %add3A_502 : vector<16xf32> to vector<1x16xf32>
        tpu.vector_store %arg11[%swap3A_503, %swap3A_504], %swap3A_507 {strides = array<i32>} : memref<100x128xf32, #tpu.memory_space<vmem>>, vector<1x16xf32>,
        %mul3A_508 = arith.constant 2 : i32
        %mul3A_509 = arith.muli %mul3A_508, %scan3A_172 : i32
        %add3A_510 = arith.constant 1 : i32
        %add3A_511 = arith.addi %mul3A_509, %add3A_510 : i32
        %add3A_512 = arith.constant 0 : i32
        %add3A_513 = arith.addi %add3A_511, %add3A_512 : i32
        %get3A_514 = arith.index_cast %add3A_513 : i32 to index
        %get3A_515 = arith.constant 48 : index
        %get3A_516 = tpu.vector_load %arg9[%get3A_514, %get3A_515] {strides = array<i32>} : memref<104x256xf32, #tpu.memory_space<vmem>>, vector<1x16xf32>,
        %get3A_517 = vector.shape_cast %get3A_516 : vector<1x16xf32> to vector<16xf32>
        %mul3A_518 = arith.constant 2 : i32
        %mul3A_519 = arith.muli %mul3A_518, %scan3A_172 : i32
        %add3A_520 = arith.constant 1 : i32
        %add3A_521 = arith.addi %mul3A_519, %add3A_520 : i32
        %add3A_522 = arith.constant 1 : i32
        %add3A_523 = arith.addi %add3A_521, %add3A_522 : i32
        %get3A_524 = arith.index_cast %add3A_523 : i32 to index
        %get3A_525 = arith.constant 112 : index
        %get3A_526 = tpu.vector_load %arg9[%get3A_524, %get3A_525] {strides = array<i32>} : memref<104x256xf32, #tpu.memory_space<vmem>>, vector<1x16xf32>,
        %get3A_527 = vector.shape_cast %get3A_526 : vector<1x16xf32> to vector<16xf32>
        %mul3A_528 = arith.constant 2 : i32
        %mul3A_529 = arith.muli %mul3A_528, %scan3A_172 : i32
        %add3A_530 = arith.constant 1 : i32
        %add3A_531 = arith.addi %mul3A_529, %add3A_530 : i32
        %add3A_532 = arith.constant 2 : i32
        %add3A_533 = arith.addi %add3A_531, %add3A_532 : i32
        %get3A_534 = arith.index_cast %add3A_533 : i32 to index
        %get3A_535 = arith.constant 176 : index
        %get3A_536 = tpu.vector_load %arg9[%get3A_534, %get3A_535] {strides = array<i32>} : memref<104x256xf32, #tpu.memory_space<vmem>>, vector<1x16xf32>,
        %get3A_537 = vector.shape_cast %get3A_536 : vector<1x16xf32> to vector<16xf32>
        %mul3A_538 = arith.constant 2 : i32
        %mul3A_539 = arith.muli %mul3A_538, %scan3A_172 : i32
        %add3A_540 = arith.constant 1 : i32
        %add3A_541 = arith.addi %mul3A_539, %add3A_540 : i32
        %add3A_542 = arith.constant 3 : i32
        %add3A_543 = arith.addi %add3A_541, %add3A_542 : i32
        %get3A_544 = arith.index_cast %add3A_543 : i32 to index
        %get3A_545 = arith.constant 240 : index
        %get3A_546 = tpu.vector_load %arg9[%get3A_544, %get3A_545] {strides = array<i32>} : memref<104x256xf32, #tpu.memory_space<vmem>>, vector<1x16xf32>,
        %get3A_547 = vector.shape_cast %get3A_546 : vector<1x16xf32> to vector<16xf32>
        %add3A_548 = arith.addf %get3A_517, %get3A_527 : vector<16xf32>
        %add3A_549 = arith.addf %add3A_548, %get3A_537 : vector<16xf32>
        %add3A_550 = arith.addf %add3A_549, %get3A_547 : vector<16xf32>
        %swap3A_551 = arith.index_cast %scan3A_172 : i32 to index
        %swap3A_552 = arith.constant 112 : index
        %swap3A_553 = tpu.vector_load %arg11[%swap3A_551, %swap3A_552] {strides = array<i32>} : memref<100x128xf32, #tpu.memory_space<vmem>>, vector<1x16xf32>,
        %swap3A_554 = vector.shape_cast %swap3A_553 : vector<1x16xf32> to vector<16xf32>
        %swap3A_555 = vector.shape_cast %add3A_550 : vector<16xf32> to vector<1x16xf32>
        tpu.vector_store %arg11[%swap3A_551, %swap3A_552], %swap3A_555 {strides = array<i32>} : memref<100x128xf32, #tpu.memory_space<vmem>>, vector<1x16xf32>,
        %scan3A_556 = arith.constant 0 : i32
        %scan3A_557 = arith.constant 1 : i32
        %scan3A_558 = arith.addi %scan3A_172, %scan3A_557 : i32
        %mul3A_559 = arith.constant 2 : i32
        %mul3A_560 = arith.muli %mul3A_559, %scan3A_558 : i32
        %add3A_561 = arith.constant 0 : i32
        %add3A_562 = arith.addi %mul3A_560, %add3A_561 : i32
        %add3A_563 = arith.constant 0 : i32
        %add3A_564 = arith.addi %add3A_562, %add3A_563 : i32
        %get3A_565 = arith.index_cast %add3A_564 : i32 to index
        %get3A_566 = arith.constant 0 : index
        %get3A_567 = tpu.vector_load %arg9[%get3A_565, %get3A_566] {strides = array<i32>} : memref<104x256xf32, #tpu.memory_space<vmem>>, vector<1x16xf32>,
        %get3A_568 = vector.shape_cast %get3A_567 : vector<1x16xf32> to vector<16xf32>
        %mul3A_569 = arith.constant 2 : i32
        %mul3A_570 = arith.muli %mul3A_569, %scan3A_558 : i32
        %add3A_571 = arith.constant 0 : i32
        %add3A_572 = arith.addi %mul3A_570, %add3A_571 : i32
        %add3A_573 = arith.constant 1 : i32
        %add3A_574 = arith.addi %add3A_572, %add3A_573 : i32
        %get3A_575 = arith.index_cast %add3A_574 : i32 to index
        %get3A_576 = arith.constant 64 : index
        %get3A_577 = tpu.vector_load %arg9[%get3A_575, %get3A_576] {strides = array<i32>} : memref<104x256xf32, #tpu.memory_space<vmem>>, vector<1x16xf32>,
        %get3A_578 = vector.shape_cast %get3A_577 : vector<1x16xf32> to vector<16xf32>
        %mul3A_579 = arith.constant 2 : i32
        %mul3A_580 = arith.muli %mul3A_579, %scan3A_558 : i32
        %add3A_581 = arith.constant 0 : i32
        %add3A_582 = arith.addi %mul3A_580, %add3A_581 : i32
        %add3A_583 = arith.constant 2 : i32
        %add3A_584 = arith.addi %add3A_582, %add3A_583 : i32
        %get3A_585 = arith.index_cast %add3A_584 : i32 to index
        %get3A_586 = arith.constant 128 : index
        %get3A_587 = tpu.vector_load %arg9[%get3A_585, %get3A_586] {strides = array<i32>} : memref<104x256xf32, #tpu.memory_space<vmem>>, vector<1x16xf32>,
        %get3A_588 = vector.shape_cast %get3A_587 : vector<1x16xf32> to vector<16xf32>
        %mul3A_589 = arith.constant 2 : i32
        %mul3A_590 = arith.muli %mul3A_589, %scan3A_558 : i32
        %add3A_591 = arith.constant 0 : i32
        %add3A_592 = arith.addi %mul3A_590, %add3A_591 : i32
        %add3A_593 = arith.constant 3 : i32
        %add3A_594 = arith.addi %add3A_592, %add3A_593 : i32
        %get3A_595 = arith.index_cast %add3A_594 : i32 to index
        %get3A_596 = arith.constant 192 : index
        %get3A_597 = tpu.vector_load %arg9[%get3A_595, %get3A_596] {strides = array<i32>} : memref<104x256xf32, #tpu.memory_space<vmem>>, vector<1x16xf32>,
        %get3A_598 = vector.shape_cast %get3A_597 : vector<1x16xf32> to vector<16xf32>
        %add3A_599 = arith.addf %get3A_568, %get3A_578 : vector<16xf32>
        %add3A_600 = arith.addf %add3A_599, %get3A_588 : vector<16xf32>
        %add3A_601 = arith.addf %add3A_600, %get3A_598 : vector<16xf32>
        %swap3A_602 = arith.index_cast %scan3A_558 : i32 to index
        %swap3A_603 = arith.constant 0 : index
        %swap3A_604 = tpu.vector_load %arg11[%swap3A_602, %swap3A_603] {strides = array<i32>} : memref<100x128xf32, #tpu.memory_space<vmem>>, vector<1x16xf32>,
        %swap3A_605 = vector.shape_cast %swap3A_604 : vector<1x16xf32> to vector<16xf32>
        %swap3A_606 = vector.shape_cast %add3A_601 : vector<16xf32> to vector<1x16xf32>
        tpu.vector_store %arg11[%swap3A_602, %swap3A_603], %swap3A_606 {strides = array<i32>} : memref<100x128xf32, #tpu.memory_space<vmem>>, vector<1x16xf32>,
        %mul3A_607 = arith.constant 2 : i32
        %mul3A_608 = arith.muli %mul3A_607, %scan3A_558 : i32
        %add3A_609 = arith.constant 0 : i32
        %add3A_610 = arith.addi %mul3A_608, %add3A_609 : i32
        %add3A_611 = arith.constant 0 : i32
        %add3A_612 = arith.addi %add3A_610, %add3A_611 : i32
        %get3A_613 = arith.index_cast %add3A_612 : i32 to index
        %get3A_614 = arith.constant 16 : index
        %get3A_615 = tpu.vector_load %arg9[%get3A_613, %get3A_614] {strides = array<i32>} : memref<104x256xf32, #tpu.memory_space<vmem>>, vector<1x16xf32>,
        %get3A_616 = vector.shape_cast %get3A_615 : vector<1x16xf32> to vector<16xf32>
        %mul3A_617 = arith.constant 2 : i32
        %mul3A_618 = arith.muli %mul3A_617, %scan3A_558 : i32
        %add3A_619 = arith.constant 0 : i32
        %add3A_620 = arith.addi %mul3A_618, %add3A_619 : i32
        %add3A_621 = arith.constant 1 : i32
        %add3A_622 = arith.addi %add3A_620, %add3A_621 : i32
        %get3A_623 = arith.index_cast %add3A_622 : i32 to index
        %get3A_624 = arith.constant 80 : index
        %get3A_625 = tpu.vector_load %arg9[%get3A_623, %get3A_624] {strides = array<i32>} : memref<104x256xf32, #tpu.memory_space<vmem>>, vector<1x16xf32>,
        %get3A_626 = vector.shape_cast %get3A_625 : vector<1x16xf32> to vector<16xf32>
        %mul3A_627 = arith.constant 2 : i32
        %mul3A_628 = arith.muli %mul3A_627, %scan3A_558 : i32
        %add3A_629 = arith.constant 0 : i32
        %add3A_630 = arith.addi %mul3A_628, %add3A_629 : i32
        %add3A_631 = arith.constant 2 : i32
        %add3A_632 = arith.addi %add3A_630, %add3A_631 : i32
        %get3A_633 = arith.index_cast %add3A_632 : i32 to index
        %get3A_634 = arith.constant 144 : index
        %get3A_635 = tpu.vector_load %arg9[%get3A_633, %get3A_634] {strides = array<i32>} : memref<104x256xf32, #tpu.memory_space<vmem>>, vector<1x16xf32>,
        %get3A_636 = vector.shape_cast %get3A_635 : vector<1x16xf32> to vector<16xf32>
        %mul3A_637 = arith.constant 2 : i32
        %mul3A_638 = arith.muli %mul3A_637, %scan3A_558 : i32
        %add3A_639 = arith.constant 0 : i32
        %add3A_640 = arith.addi %mul3A_638, %add3A_639 : i32
        %add3A_641 = arith.constant 3 : i32
        %add3A_642 = arith.addi %add3A_640, %add3A_641 : i32
        %get3A_643 = arith.index_cast %add3A_642 : i32 to index
        %get3A_644 = arith.constant 208 : index
        %get3A_645 = tpu.vector_load %arg9[%get3A_643, %get3A_644] {strides = array<i32>} : memref<104x256xf32, #tpu.memory_space<vmem>>, vector<1x16xf32>,
        %get3A_646 = vector.shape_cast %get3A_645 : vector<1x16xf32> to vector<16xf32>
        %add3A_647 = arith.addf %get3A_616, %get3A_626 : vector<16xf32>
        %add3A_648 = arith.addf %add3A_647, %get3A_636 : vector<16xf32>
        %add3A_649 = arith.addf %add3A_648, %get3A_646 : vector<16xf32>
        %swap3A_650 = arith.index_cast %scan3A_558 : i32 to index
        %swap3A_651 = arith.constant 16 : index
        %swap3A_652 = tpu.vector_load %arg11[%swap3A_650, %swap3A_651] {strides = array<i32>} : memref<100x128xf32, #tpu.memory_space<vmem>>, vector<1x16xf32>,
        %swap3A_653 = vector.shape_cast %swap3A_652 : vector<1x16xf32> to vector<16xf32>
        %swap3A_654 = vector.shape_cast %add3A_649 : vector<16xf32> to vector<1x16xf32>
        tpu.vector_store %arg11[%swap3A_650, %swap3A_651], %swap3A_654 {strides = array<i32>} : memref<100x128xf32, #tpu.memory_space<vmem>>, vector<1x16xf32>,
        %mul3A_655 = arith.constant 2 : i32
        %mul3A_656 = arith.muli %mul3A_655, %scan3A_558 : i32
        %add3A_657 = arith.constant 0 : i32
        %add3A_658 = arith.addi %mul3A_656, %add3A_657 : i32
        %add3A_659 = arith.constant 0 : i32
        %add3A_660 = arith.addi %add3A_658, %add3A_659 : i32
        %get3A_661 = arith.index_cast %add3A_660 : i32 to index
        %get3A_662 = arith.constant 32 : index
        %get3A_663 = tpu.vector_load %arg9[%get3A_661, %get3A_662] {strides = array<i32>} : memref<104x256xf32, #tpu.memory_space<vmem>>, vector<1x16xf32>,
        %get3A_664 = vector.shape_cast %get3A_663 : vector<1x16xf32> to vector<16xf32>
        %mul3A_665 = arith.constant 2 : i32
        %mul3A_666 = arith.muli %mul3A_665, %scan3A_558 : i32
        %add3A_667 = arith.constant 0 : i32
        %add3A_668 = arith.addi %mul3A_666, %add3A_667 : i32
        %add3A_669 = arith.constant 1 : i32
        %add3A_670 = arith.addi %add3A_668, %add3A_669 : i32
        %get3A_671 = arith.index_cast %add3A_670 : i32 to index
        %get3A_672 = arith.constant 96 : index
        %get3A_673 = tpu.vector_load %arg9[%get3A_671, %get3A_672] {strides = array<i32>} : memref<104x256xf32, #tpu.memory_space<vmem>>, vector<1x16xf32>,
        %get3A_674 = vector.shape_cast %get3A_673 : vector<1x16xf32> to vector<16xf32>
        %mul3A_675 = arith.constant 2 : i32
        %mul3A_676 = arith.muli %mul3A_675, %scan3A_558 : i32
        %add3A_677 = arith.constant 0 : i32
        %add3A_678 = arith.addi %mul3A_676, %add3A_677 : i32
        %add3A_679 = arith.constant 2 : i32
        %add3A_680 = arith.addi %add3A_678, %add3A_679 : i32
        %get3A_681 = arith.index_cast %add3A_680 : i32 to index
        %get3A_682 = arith.constant 160 : index
        %get3A_683 = tpu.vector_load %arg9[%get3A_681, %get3A_682] {strides = array<i32>} : memref<104x256xf32, #tpu.memory_space<vmem>>, vector<1x16xf32>,
        %get3A_684 = vector.shape_cast %get3A_683 : vector<1x16xf32> to vector<16xf32>
        %mul3A_685 = arith.constant 2 : i32
        %mul3A_686 = arith.muli %mul3A_685, %scan3A_558 : i32
        %add3A_687 = arith.constant 0 : i32
        %add3A_688 = arith.addi %mul3A_686, %add3A_687 : i32
        %add3A_689 = arith.constant 3 : i32
        %add3A_690 = arith.addi %add3A_688, %add3A_689 : i32
        %get3A_691 = arith.index_cast %add3A_690 : i32 to index
        %get3A_692 = arith.constant 224 : index
        %get3A_693 = tpu.vector_load %arg9[%get3A_691, %get3A_692] {strides = array<i32>} : memref<104x256xf32, #tpu.memory_space<vmem>>, vector<1x16xf32>,
        %get3A_694 = vector.shape_cast %get3A_693 : vector<1x16xf32> to vector<16xf32>
        %add3A_695 = arith.addf %get3A_664, %get3A_674 : vector<16xf32>
        %add3A_696 = arith.addf %add3A_695, %get3A_684 : vector<16xf32>
        %add3A_697 = arith.addf %add3A_696, %get3A_694 : vector<16xf32>
        %swap3A_698 = arith.index_cast %scan3A_558 : i32 to index
        %swap3A_699 = arith.constant 32 : index
        %swap3A_700 = tpu.vector_load %arg11[%swap3A_698, %swap3A_699] {strides = array<i32>} : memref<100x128xf32, #tpu.memory_space<vmem>>, vector<1x16xf32>,
        %swap3A_701 = vector.shape_cast %swap3A_700 : vector<1x16xf32> to vector<16xf32>
        %swap3A_702 = vector.shape_cast %add3A_697 : vector<16xf32> to vector<1x16xf32>
        tpu.vector_store %arg11[%swap3A_698, %swap3A_699], %swap3A_702 {strides = array<i32>} : memref<100x128xf32, #tpu.memory_space<vmem>>, vector<1x16xf32>,
        %mul3A_703 = arith.constant 2 : i32
        %mul3A_704 = arith.muli %mul3A_703, %scan3A_558 : i32
        %add3A_705 = arith.constant 0 : i32
        %add3A_706 = arith.addi %mul3A_704, %add3A_705 : i32
        %add3A_707 = arith.constant 0 : i32
        %add3A_708 = arith.addi %add3A_706, %add3A_707 : i32
        %get3A_709 = arith.index_cast %add3A_708 : i32 to index
        %get3A_710 = arith.constant 48 : index
        %get3A_711 = tpu.vector_load %arg9[%get3A_709, %get3A_710] {strides = array<i32>} : memref<104x256xf32, #tpu.memory_space<vmem>>, vector<1x16xf32>,
        %get3A_712 = vector.shape_cast %get3A_711 : vector<1x16xf32> to vector<16xf32>
        %mul3A_713 = arith.constant 2 : i32
        %mul3A_714 = arith.muli %mul3A_713, %scan3A_558 : i32
        %add3A_715 = arith.constant 0 : i32
        %add3A_716 = arith.addi %mul3A_714, %add3A_715 : i32
        %add3A_717 = arith.constant 1 : i32
        %add3A_718 = arith.addi %add3A_716, %add3A_717 : i32
        %get3A_719 = arith.index_cast %add3A_718 : i32 to index
        %get3A_720 = arith.constant 112 : index
        %get3A_721 = tpu.vector_load %arg9[%get3A_719, %get3A_720] {strides = array<i32>} : memref<104x256xf32, #tpu.memory_space<vmem>>, vector<1x16xf32>,
        %get3A_722 = vector.shape_cast %get3A_721 : vector<1x16xf32> to vector<16xf32>
        %mul3A_723 = arith.constant 2 : i32
        %mul3A_724 = arith.muli %mul3A_723, %scan3A_558 : i32
        %add3A_725 = arith.constant 0 : i32
        %add3A_726 = arith.addi %mul3A_724, %add3A_725 : i32
        %add3A_727 = arith.constant 2 : i32
        %add3A_728 = arith.addi %add3A_726, %add3A_727 : i32
        %get3A_729 = arith.index_cast %add3A_728 : i32 to index
        %get3A_730 = arith.constant 176 : index
        %get3A_731 = tpu.vector_load %arg9[%get3A_729, %get3A_730] {strides = array<i32>} : memref<104x256xf32, #tpu.memory_space<vmem>>, vector<1x16xf32>,
        %get3A_732 = vector.shape_cast %get3A_731 : vector<1x16xf32> to vector<16xf32>
        %mul3A_733 = arith.constant 2 : i32
        %mul3A_734 = arith.muli %mul3A_733, %scan3A_558 : i32
        %add3A_735 = arith.constant 0 : i32
        %add3A_736 = arith.addi %mul3A_734, %add3A_735 : i32
        %add3A_737 = arith.constant 3 : i32
        %add3A_738 = arith.addi %add3A_736, %add3A_737 : i32
        %get3A_739 = arith.index_cast %add3A_738 : i32 to index
        %get3A_740 = arith.constant 240 : index
        %get3A_741 = tpu.vector_load %arg9[%get3A_739, %get3A_740] {strides = array<i32>} : memref<104x256xf32, #tpu.memory_space<vmem>>, vector<1x16xf32>,
        %get3A_742 = vector.shape_cast %get3A_741 : vector<1x16xf32> to vector<16xf32>
        %add3A_743 = arith.addf %get3A_712, %get3A_722 : vector<16xf32>
        %add3A_744 = arith.addf %add3A_743, %get3A_732 : vector<16xf32>
        %add3A_745 = arith.addf %add3A_744, %get3A_742 : vector<16xf32>
        %swap3A_746 = arith.index_cast %scan3A_558 : i32 to index
        %swap3A_747 = arith.constant 48 : index
        %swap3A_748 = tpu.vector_load %arg11[%swap3A_746, %swap3A_747] {strides = array<i32>} : memref<100x128xf32, #tpu.memory_space<vmem>>, vector<1x16xf32>,
        %swap3A_749 = vector.shape_cast %swap3A_748 : vector<1x16xf32> to vector<16xf32>
        %swap3A_750 = vector.shape_cast %add3A_745 : vector<16xf32> to vector<1x16xf32>
        tpu.vector_store %arg11[%swap3A_746, %swap3A_747], %swap3A_750 {strides = array<i32>} : memref<100x128xf32, #tpu.memory_space<vmem>>, vector<1x16xf32>,
        %mul3A_751 = arith.constant 2 : i32
        %mul3A_752 = arith.muli %mul3A_751, %scan3A_558 : i32
        %add3A_753 = arith.constant 1 : i32
        %add3A_754 = arith.addi %mul3A_752, %add3A_753 : i32
        %add3A_755 = arith.constant 0 : i32
        %add3A_756 = arith.addi %add3A_754, %add3A_755 : i32
        %get3A_757 = arith.index_cast %add3A_756 : i32 to index
        %get3A_758 = arith.constant 0 : index
        %get3A_759 = tpu.vector_load %arg9[%get3A_757, %get3A_758] {strides = array<i32>} : memref<104x256xf32, #tpu.memory_space<vmem>>, vector<1x16xf32>,
        %get3A_760 = vector.shape_cast %get3A_759 : vector<1x16xf32> to vector<16xf32>
        %mul3A_761 = arith.constant 2 : i32
        %mul3A_762 = arith.muli %mul3A_761, %scan3A_558 : i32
        %add3A_763 = arith.constant 1 : i32
        %add3A_764 = arith.addi %mul3A_762, %add3A_763 : i32
        %add3A_765 = arith.constant 1 : i32
        %add3A_766 = arith.addi %add3A_764, %add3A_765 : i32
        %get3A_767 = arith.index_cast %add3A_766 : i32 to index
        %get3A_768 = arith.constant 64 : index
        %get3A_769 = tpu.vector_load %arg9[%get3A_767, %get3A_768] {strides = array<i32>} : memref<104x256xf32, #tpu.memory_space<vmem>>, vector<1x16xf32>,
        %get3A_770 = vector.shape_cast %get3A_769 : vector<1x16xf32> to vector<16xf32>
        %mul3A_771 = arith.constant 2 : i32
        %mul3A_772 = arith.muli %mul3A_771, %scan3A_558 : i32
        %add3A_773 = arith.constant 1 : i32
        %add3A_774 = arith.addi %mul3A_772, %add3A_773 : i32
        %add3A_775 = arith.constant 2 : i32
        %add3A_776 = arith.addi %add3A_774, %add3A_775 : i32
        %get3A_777 = arith.index_cast %add3A_776 : i32 to index
        %get3A_778 = arith.constant 128 : index
        %get3A_779 = tpu.vector_load %arg9[%get3A_777, %get3A_778] {strides = array<i32>} : memref<104x256xf32, #tpu.memory_space<vmem>>, vector<1x16xf32>,
        %get3A_780 = vector.shape_cast %get3A_779 : vector<1x16xf32> to vector<16xf32>
        %mul3A_781 = arith.constant 2 : i32
        %mul3A_782 = arith.muli %mul3A_781, %scan3A_558 : i32
        %add3A_783 = arith.constant 1 : i32
        %add3A_784 = arith.addi %mul3A_782, %add3A_783 : i32
        %add3A_785 = arith.constant 3 : i32
        %add3A_786 = arith.addi %add3A_784, %add3A_785 : i32
        %get3A_787 = arith.index_cast %add3A_786 : i32 to index
        %get3A_788 = arith.constant 192 : index
        %get3A_789 = tpu.vector_load %arg9[%get3A_787, %get3A_788] {strides = array<i32>} : memref<104x256xf32, #tpu.memory_space<vmem>>, vector<1x16xf32>,
        %get3A_790 = vector.shape_cast %get3A_789 : vector<1x16xf32> to vector<16xf32>
        %add3A_791 = arith.addf %get3A_760, %get3A_770 : vector<16xf32>
        %add3A_792 = arith.addf %add3A_791, %get3A_780 : vector<16xf32>
        %add3A_793 = arith.addf %add3A_792, %get3A_790 : vector<16xf32>
        %swap3A_794 = arith.index_cast %scan3A_558 : i32 to index
        %swap3A_795 = arith.constant 64 : index
        %swap3A_796 = tpu.vector_load %arg11[%swap3A_794, %swap3A_795] {strides = array<i32>} : memref<100x128xf32, #tpu.memory_space<vmem>>, vector<1x16xf32>,
        %swap3A_797 = vector.shape_cast %swap3A_796 : vector<1x16xf32> to vector<16xf32>
        %swap3A_798 = vector.shape_cast %add3A_793 : vector<16xf32> to vector<1x16xf32>
        tpu.vector_store %arg11[%swap3A_794, %swap3A_795], %swap3A_798 {strides = array<i32>} : memref<100x128xf32, #tpu.memory_space<vmem>>, vector<1x16xf32>,
        %mul3A_799 = arith.constant 2 : i32
        %mul3A_800 = arith.muli %mul3A_799, %scan3A_558 : i32
        %add3A_801 = arith.constant 1 : i32
        %add3A_802 = arith.addi %mul3A_800, %add3A_801 : i32
        %add3A_803 = arith.constant 0 : i32
        %add3A_804 = arith.addi %add3A_802, %add3A_803 : i32
        %get3A_805 = arith.index_cast %add3A_804 : i32 to index
        %get3A_806 = arith.constant 16 : index
        %get3A_807 = tpu.vector_load %arg9[%get3A_805, %get3A_806] {strides = array<i32>} : memref<104x256xf32, #tpu.memory_space<vmem>>, vector<1x16xf32>,
        %get3A_808 = vector.shape_cast %get3A_807 : vector<1x16xf32> to vector<16xf32>
        %mul3A_809 = arith.constant 2 : i32
        %mul3A_810 = arith.muli %mul3A_809, %scan3A_558 : i32
        %add3A_811 = arith.constant 1 : i32
        %add3A_812 = arith.addi %mul3A_810, %add3A_811 : i32
        %add3A_813 = arith.constant 1 : i32
        %add3A_814 = arith.addi %add3A_812, %add3A_813 : i32
        %get3A_815 = arith.index_cast %add3A_814 : i32 to index
        %get3A_816 = arith.constant 80 : index
        %get3A_817 = tpu.vector_load %arg9[%get3A_815, %get3A_816] {strides = array<i32>} : memref<104x256xf32, #tpu.memory_space<vmem>>, vector<1x16xf32>,
        %get3A_818 = vector.shape_cast %get3A_817 : vector<1x16xf32> to vector<16xf32>
        %mul3A_819 = arith.constant 2 : i32
        %mul3A_820 = arith.muli %mul3A_819, %scan3A_558 : i32
        %add3A_821 = arith.constant 1 : i32
        %add3A_822 = arith.addi %mul3A_820, %add3A_821 : i32
        %add3A_823 = arith.constant 2 : i32
        %add3A_824 = arith.addi %add3A_822, %add3A_823 : i32
        %get3A_825 = arith.index_cast %add3A_824 : i32 to index
        %get3A_826 = arith.constant 144 : index
        %get3A_827 = tpu.vector_load %arg9[%get3A_825, %get3A_826] {strides = array<i32>} : memref<104x256xf32, #tpu.memory_space<vmem>>, vector<1x16xf32>,
        %get3A_828 = vector.shape_cast %get3A_827 : vector<1x16xf32> to vector<16xf32>
        %mul3A_829 = arith.constant 2 : i32
        %mul3A_830 = arith.muli %mul3A_829, %scan3A_558 : i32
        %add3A_831 = arith.constant 1 : i32
        %add3A_832 = arith.addi %mul3A_830, %add3A_831 : i32
        %add3A_833 = arith.constant 3 : i32
        %add3A_834 = arith.addi %add3A_832, %add3A_833 : i32
        %get3A_835 = arith.index_cast %add3A_834 : i32 to index
        %get3A_836 = arith.constant 208 : index
        %get3A_837 = tpu.vector_load %arg9[%get3A_835, %get3A_836] {strides = array<i32>} : memref<104x256xf32, #tpu.memory_space<vmem>>, vector<1x16xf32>,
        %get3A_838 = vector.shape_cast %get3A_837 : vector<1x16xf32> to vector<16xf32>
        %add3A_839 = arith.addf %get3A_808, %get3A_818 : vector<16xf32>
        %add3A_840 = arith.addf %add3A_839, %get3A_828 : vector<16xf32>
        %add3A_841 = arith.addf %add3A_840, %get3A_838 : vector<16xf32>
        %swap3A_842 = arith.index_cast %scan3A_558 : i32 to index
        %swap3A_843 = arith.constant 80 : index
        %swap3A_844 = tpu.vector_load %arg11[%swap3A_842, %swap3A_843] {strides = array<i32>} : memref<100x128xf32, #tpu.memory_space<vmem>>, vector<1x16xf32>,
        %swap3A_845 = vector.shape_cast %swap3A_844 : vector<1x16xf32> to vector<16xf32>
        %swap3A_846 = vector.shape_cast %add3A_841 : vector<16xf32> to vector<1x16xf32>
        tpu.vector_store %arg11[%swap3A_842, %swap3A_843], %swap3A_846 {strides = array<i32>} : memref<100x128xf32, #tpu.memory_space<vmem>>, vector<1x16xf32>,
        %mul3A_847 = arith.constant 2 : i32
        %mul3A_848 = arith.muli %mul3A_847, %scan3A_558 : i32
        %add3A_849 = arith.constant 1 : i32
        %add3A_850 = arith.addi %mul3A_848, %add3A_849 : i32
        %add3A_851 = arith.constant 0 : i32
        %add3A_852 = arith.addi %add3A_850, %add3A_851 : i32
        %get3A_853 = arith.index_cast %add3A_852 : i32 to index
        %get3A_854 = arith.constant 32 : index
        %get3A_855 = tpu.vector_load %arg9[%get3A_853, %get3A_854] {strides = array<i32>} : memref<104x256xf32, #tpu.memory_space<vmem>>, vector<1x16xf32>,
        %get3A_856 = vector.shape_cast %get3A_855 : vector<1x16xf32> to vector<16xf32>
        %mul3A_857 = arith.constant 2 : i32
        %mul3A_858 = arith.muli %mul3A_857, %scan3A_558 : i32
        %add3A_859 = arith.constant 1 : i32
        %add3A_860 = arith.addi %mul3A_858, %add3A_859 : i32
        %add3A_861 = arith.constant 1 : i32
        %add3A_862 = arith.addi %add3A_860, %add3A_861 : i32
        %get3A_863 = arith.index_cast %add3A_862 : i32 to index
        %get3A_864 = arith.constant 96 : index
        %get3A_865 = tpu.vector_load %arg9[%get3A_863, %get3A_864] {strides = array<i32>} : memref<104x256xf32, #tpu.memory_space<vmem>>, vector<1x16xf32>,
        %get3A_866 = vector.shape_cast %get3A_865 : vector<1x16xf32> to vector<16xf32>
        %mul3A_867 = arith.constant 2 : i32
        %mul3A_868 = arith.muli %mul3A_867, %scan3A_558 : i32
        %add3A_869 = arith.constant 1 : i32
        %add3A_870 = arith.addi %mul3A_868, %add3A_869 : i32
        %add3A_871 = arith.constant 2 : i32
        %add3A_872 = arith.addi %add3A_870, %add3A_871 : i32
        %get3A_873 = arith.index_cast %add3A_872 : i32 to index
        %get3A_874 = arith.constant 160 : index
        %get3A_875 = tpu.vector_load %arg9[%get3A_873, %get3A_874] {strides = array<i32>} : memref<104x256xf32, #tpu.memory_space<vmem>>, vector<1x16xf32>,
        %get3A_876 = vector.shape_cast %get3A_875 : vector<1x16xf32> to vector<16xf32>
        %mul3A_877 = arith.constant 2 : i32
        %mul3A_878 = arith.muli %mul3A_877, %scan3A_558 : i32
        %add3A_879 = arith.constant 1 : i32
        %add3A_880 = arith.addi %mul3A_878, %add3A_879 : i32
        %add3A_881 = arith.constant 3 : i32
        %add3A_882 = arith.addi %add3A_880, %add3A_881 : i32
        %get3A_883 = arith.index_cast %add3A_882 : i32 to index
        %get3A_884 = arith.constant 224 : index
        %get3A_885 = tpu.vector_load %arg9[%get3A_883, %get3A_884] {strides = array<i32>} : memref<104x256xf32, #tpu.memory_space<vmem>>, vector<1x16xf32>,
        %get3A_886 = vector.shape_cast %get3A_885 : vector<1x16xf32> to vector<16xf32>
        %add3A_887 = arith.addf %get3A_856, %get3A_866 : vector<16xf32>
        %add3A_888 = arith.addf %add3A_887, %get3A_876 : vector<16xf32>
        %add3A_889 = arith.addf %add3A_888, %get3A_886 : vector<16xf32>
        %swap3A_890 = arith.index_cast %scan3A_558 : i32 to index
        %swap3A_891 = arith.constant 96 : index
        %swap3A_892 = tpu.vector_load %arg11[%swap3A_890, %swap3A_891] {strides = array<i32>} : memref<100x128xf32, #tpu.memory_space<vmem>>, vector<1x16xf32>,
        %swap3A_893 = vector.shape_cast %swap3A_892 : vector<1x16xf32> to vector<16xf32>
        %swap3A_894 = vector.shape_cast %add3A_889 : vector<16xf32> to vector<1x16xf32>
        tpu.vector_store %arg11[%swap3A_890, %swap3A_891], %swap3A_894 {strides = array<i32>} : memref<100x128xf32, #tpu.memory_space<vmem>>, vector<1x16xf32>,
        %mul3A_895 = arith.constant 2 : i32
        %mul3A_896 = arith.muli %mul3A_895, %scan3A_558 : i32
        %add3A_897 = arith.constant 1 : i32
        %add3A_898 = arith.addi %mul3A_896, %add3A_897 : i32
        %add3A_899 = arith.constant 0 : i32
        %add3A_900 = arith.addi %add3A_898, %add3A_899 : i32
        %get3A_901 = arith.index_cast %add3A_900 : i32 to index
        %get3A_902 = arith.constant 48 : index
        %get3A_903 = tpu.vector_load %arg9[%get3A_901, %get3A_902] {strides = array<i32>} : memref<104x256xf32, #tpu.memory_space<vmem>>, vector<1x16xf32>,
        %get3A_904 = vector.shape_cast %get3A_903 : vector<1x16xf32> to vector<16xf32>
        %mul3A_905 = arith.constant 2 : i32
        %mul3A_906 = arith.muli %mul3A_905, %scan3A_558 : i32
        %add3A_907 = arith.constant 1 : i32
        %add3A_908 = arith.addi %mul3A_906, %add3A_907 : i32
        %add3A_909 = arith.constant 1 : i32
        %add3A_910 = arith.addi %add3A_908, %add3A_909 : i32
        %get3A_911 = arith.index_cast %add3A_910 : i32 to index
        %get3A_912 = arith.constant 112 : index
        %get3A_913 = tpu.vector_load %arg9[%get3A_911, %get3A_912] {strides = array<i32>} : memref<104x256xf32, #tpu.memory_space<vmem>>, vector<1x16xf32>,
        %get3A_914 = vector.shape_cast %get3A_913 : vector<1x16xf32> to vector<16xf32>
        %mul3A_915 = arith.constant 2 : i32
        %mul3A_916 = arith.muli %mul3A_915, %scan3A_558 : i32
        %add3A_917 = arith.constant 1 : i32
        %add3A_918 = arith.addi %mul3A_916, %add3A_917 : i32
        %add3A_919 = arith.constant 2 : i32
        %add3A_920 = arith.addi %add3A_918, %add3A_919 : i32
        %get3A_921 = arith.index_cast %add3A_920 : i32 to index
        %get3A_922 = arith.constant 176 : index
        %get3A_923 = tpu.vector_load %arg9[%get3A_921, %get3A_922] {strides = array<i32>} : memref<104x256xf32, #tpu.memory_space<vmem>>, vector<1x16xf32>,
        %get3A_924 = vector.shape_cast %get3A_923 : vector<1x16xf32> to vector<16xf32>
        %mul3A_925 = arith.constant 2 : i32
        %mul3A_926 = arith.muli %mul3A_925, %scan3A_558 : i32
        %add3A_927 = arith.constant 1 : i32
        %add3A_928 = arith.addi %mul3A_926, %add3A_927 : i32
        %add3A_929 = arith.constant 3 : i32
        %add3A_930 = arith.addi %add3A_928, %add3A_929 : i32
        %get3A_931 = arith.index_cast %add3A_930 : i32 to index
        %get3A_932 = arith.constant 240 : index
        %get3A_933 = tpu.vector_load %arg9[%get3A_931, %get3A_932] {strides = array<i32>} : memref<104x256xf32, #tpu.memory_space<vmem>>, vector<1x16xf32>,
        %get3A_934 = vector.shape_cast %get3A_933 : vector<1x16xf32> to vector<16xf32>
        %add3A_935 = arith.addf %get3A_904, %get3A_914 : vector<16xf32>
        %add3A_936 = arith.addf %add3A_935, %get3A_924 : vector<16xf32>
        %add3A_937 = arith.addf %add3A_936, %get3A_934 : vector<16xf32>
        %swap3A_938 = arith.index_cast %scan3A_558 : i32 to index
        %swap3A_939 = arith.constant 112 : index
        %swap3A_940 = tpu.vector_load %arg11[%swap3A_938, %swap3A_939] {strides = array<i32>} : memref<100x128xf32, #tpu.memory_space<vmem>>, vector<1x16xf32>,
        %swap3A_941 = vector.shape_cast %swap3A_940 : vector<1x16xf32> to vector<16xf32>
        %swap3A_942 = vector.shape_cast %add3A_937 : vector<16xf32> to vector<1x16xf32>
        tpu.vector_store %arg11[%swap3A_938, %swap3A_939], %swap3A_942 {strides = array<i32>} : memref<100x128xf32, #tpu.memory_space<vmem>>, vector<1x16xf32>,
        %scan3A_943 = arith.constant 0 : i32
        scf.yield %scan3A_943 : i32
      }
      %scan3A_152 = arith.constant 50 : i32
      %scan3A_153 = arith.constant 0 : i32
      %scan3A_154 = arith.constant 50 : i32
      %scan3A_155 = arith.constant 50 : i32
      %scan3A_156 = arith.addi %scan3A_154, %scan3A_155 : i32
      %scan3A_157 = arith.constant 2 : i32
      %scan3A_158 = scf.for %scan3A_172 = %scan3A_154 to %scan3A_156 step %scan3A_157 iter_args(%scan3A_173 = %scan3A_153) -> (i32)  : i32 {
        %mul3A_174 = arith.constant 2 : i32
        %mul3A_175 = arith.muli %mul3A_174, %scan3A_172 : i32
        %add3A_176 = arith.constant 0 : i32
        %add3A_177 = arith.addi %mul3A_175, %add3A_176 : i32
        %add3A_178 = arith.constant 0 : i32
        %add3A_179 = arith.addi %add3A_177, %add3A_178 : i32
        %sub3A = arith.constant 100 : i32
        %sub3A_180 = arith.subi %add3A_179, %sub3A : i32
        %get3A = arith.index_cast %sub3A_180 : i32 to index
        %get3A_181 = arith.constant 0 : index
        %get3A_182 = tpu.vector_load %arg10[%get3A, %get3A_181] {strides = array<i32>} : memref<104x256xf32, #tpu.memory_space<vmem>>, vector<1x16xf32>,
        %get3A_183 = vector.shape_cast %get3A_182 : vector<1x16xf32> to vector<16xf32>
        %mul3A_184 = arith.constant 2 : i32
        %mul3A_185 = arith.muli %mul3A_184, %scan3A_172 : i32
        %add3A_186 = arith.constant 0 : i32
        %add3A_187 = arith.addi %mul3A_185, %add3A_186 : i32
        %add3A_188 = arith.constant 1 : i32
        %add3A_189 = arith.addi %add3A_187, %add3A_188 : i32
        %sub3A_190 = arith.constant 100 : i32
        %sub3A_191 = arith.subi %add3A_189, %sub3A_190 : i32
        %get3A_192 = arith.index_cast %sub3A_191 : i32 to index
        %get3A_193 = arith.constant 64 : index
        %get3A_194 = tpu.vector_load %arg10[%get3A_192, %get3A_193] {strides = array<i32>} : memref<104x256xf32, #tpu.memory_space<vmem>>, vector<1x16xf32>,
        %get3A_195 = vector.shape_cast %get3A_194 : vector<1x16xf32> to vector<16xf32>
        %mul3A_196 = arith.constant 2 : i32
        %mul3A_197 = arith.muli %mul3A_196, %scan3A_172 : i32
        %add3A_198 = arith.constant 0 : i32
        %add3A_199 = arith.addi %mul3A_197, %add3A_198 : i32
        %add3A_200 = arith.constant 2 : i32
        %add3A_201 = arith.addi %add3A_199, %add3A_200 : i32
        %sub3A_202 = arith.constant 100 : i32
        %sub3A_203 = arith.subi %add3A_201, %sub3A_202 : i32
        %get3A_204 = arith.index_cast %sub3A_203 : i32 to index
        %get3A_205 = arith.constant 128 : index
        %get3A_206 = tpu.vector_load %arg10[%get3A_204, %get3A_205] {strides = array<i32>} : memref<104x256xf32, #tpu.memory_space<vmem>>, vector<1x16xf32>,
        %get3A_207 = vector.shape_cast %get3A_206 : vector<1x16xf32> to vector<16xf32>
        %mul3A_208 = arith.constant 2 : i32
        %mul3A_209 = arith.muli %mul3A_208, %scan3A_172 : i32
        %add3A_210 = arith.constant 0 : i32
        %add3A_211 = arith.addi %mul3A_209, %add3A_210 : i32
        %add3A_212 = arith.constant 3 : i32
        %add3A_213 = arith.addi %add3A_211, %add3A_212 : i32
        %sub3A_214 = arith.constant 100 : i32
        %sub3A_215 = arith.subi %add3A_213, %sub3A_214 : i32
        %get3A_216 = arith.index_cast %sub3A_215 : i32 to index
        %get3A_217 = arith.constant 192 : index
        %get3A_218 = tpu.vector_load %arg10[%get3A_216, %get3A_217] {strides = array<i32>} : memref<104x256xf32, #tpu.memory_space<vmem>>, vector<1x16xf32>,
        %get3A_219 = vector.shape_cast %get3A_218 : vector<1x16xf32> to vector<16xf32>
        %add3A_220 = arith.addf %get3A_183, %get3A_195 : vector<16xf32>
        %add3A_221 = arith.addf %add3A_220, %get3A_207 : vector<16xf32>
        %add3A_222 = arith.addf %add3A_221, %get3A_219 : vector<16xf32>
        %swap3A = arith.index_cast %scan3A_172 : i32 to index
        %swap3A_223 = arith.constant 0 : index
        %swap3A_224 = tpu.vector_load %arg11[%swap3A, %swap3A_223] {strides = array<i32>} : memref<100x128xf32, #tpu.memory_space<vmem>>, vector<1x16xf32>,
        %swap3A_225 = vector.shape_cast %swap3A_224 : vector<1x16xf32> to vector<16xf32>
        %swap3A_226 = vector.shape_cast %add3A_222 : vector<16xf32> to vector<1x16xf32>
        tpu.vector_store %arg11[%swap3A, %swap3A_223], %swap3A_226 {strides = array<i32>} : memref<100x128xf32, #tpu.memory_space<vmem>>, vector<1x16xf32>,
        %mul3A_227 = arith.constant 2 : i32
        %mul3A_228 = arith.muli %mul3A_227, %scan3A_172 : i32
        %add3A_229 = arith.constant 0 : i32
        %add3A_230 = arith.addi %mul3A_228, %add3A_229 : i32
        %add3A_231 = arith.constant 0 : i32
        %add3A_232 = arith.addi %add3A_230, %add3A_231 : i32
        %sub3A_233 = arith.constant 100 : i32
        %sub3A_234 = arith.subi %add3A_232, %sub3A_233 : i32
        %get3A_235 = arith.index_cast %sub3A_234 : i32 to index
        %get3A_236 = arith.constant 16 : index
        %get3A_237 = tpu.vector_load %arg10[%get3A_235, %get3A_236] {strides = array<i32>} : memref<104x256xf32, #tpu.memory_space<vmem>>, vector<1x16xf32>,
        %get3A_238 = vector.shape_cast %get3A_237 : vector<1x16xf32> to vector<16xf32>
        %mul3A_239 = arith.constant 2 : i32
        %mul3A_240 = arith.muli %mul3A_239, %scan3A_172 : i32
        %add3A_241 = arith.constant 0 : i32
        %add3A_242 = arith.addi %mul3A_240, %add3A_241 : i32
        %add3A_243 = arith.constant 1 : i32
        %add3A_244 = arith.addi %add3A_242, %add3A_243 : i32
        %sub3A_245 = arith.constant 100 : i32
        %sub3A_246 = arith.subi %add3A_244, %sub3A_245 : i32
        %get3A_247 = arith.index_cast %sub3A_246 : i32 to index
        %get3A_248 = arith.constant 80 : index
        %get3A_249 = tpu.vector_load %arg10[%get3A_247, %get3A_248] {strides = array<i32>} : memref<104x256xf32, #tpu.memory_space<vmem>>, vector<1x16xf32>,
        %get3A_250 = vector.shape_cast %get3A_249 : vector<1x16xf32> to vector<16xf32>
        %mul3A_251 = arith.constant 2 : i32
        %mul3A_252 = arith.muli %mul3A_251, %scan3A_172 : i32
        %add3A_253 = arith.constant 0 : i32
        %add3A_254 = arith.addi %mul3A_252, %add3A_253 : i32
        %add3A_255 = arith.constant 2 : i32
        %add3A_256 = arith.addi %add3A_254, %add3A_255 : i32
        %sub3A_257 = arith.constant 100 : i32
        %sub3A_258 = arith.subi %add3A_256, %sub3A_257 : i32
        %get3A_259 = arith.index_cast %sub3A_258 : i32 to index
        %get3A_260 = arith.constant 144 : index
        %get3A_261 = tpu.vector_load %arg10[%get3A_259, %get3A_260] {strides = array<i32>} : memref<104x256xf32, #tpu.memory_space<vmem>>, vector<1x16xf32>,
        %get3A_262 = vector.shape_cast %get3A_261 : vector<1x16xf32> to vector<16xf32>
        %mul3A_263 = arith.constant 2 : i32
        %mul3A_264 = arith.muli %mul3A_263, %scan3A_172 : i32
        %add3A_265 = arith.constant 0 : i32
        %add3A_266 = arith.addi %mul3A_264, %add3A_265 : i32
        %add3A_267 = arith.constant 3 : i32
        %add3A_268 = arith.addi %add3A_266, %add3A_267 : i32
        %sub3A_269 = arith.constant 100 : i32
        %sub3A_270 = arith.subi %add3A_268, %sub3A_269 : i32
        %get3A_271 = arith.index_cast %sub3A_270 : i32 to index
        %get3A_272 = arith.constant 208 : index
        %get3A_273 = tpu.vector_load %arg10[%get3A_271, %get3A_272] {strides = array<i32>} : memref<104x256xf32, #tpu.memory_space<vmem>>, vector<1x16xf32>,
        %get3A_274 = vector.shape_cast %get3A_273 : vector<1x16xf32> to vector<16xf32>
        %add3A_275 = arith.addf %get3A_238, %get3A_250 : vector<16xf32>
        %add3A_276 = arith.addf %add3A_275, %get3A_262 : vector<16xf32>
        %add3A_277 = arith.addf %add3A_276, %get3A_274 : vector<16xf32>
        %swap3A_278 = arith.index_cast %scan3A_172 : i32 to index
        %swap3A_279 = arith.constant 16 : index
        %swap3A_280 = tpu.vector_load %arg11[%swap3A_278, %swap3A_279] {strides = array<i32>} : memref<100x128xf32, #tpu.memory_space<vmem>>, vector<1x16xf32>,
        %swap3A_281 = vector.shape_cast %swap3A_280 : vector<1x16xf32> to vector<16xf32>
        %swap3A_282 = vector.shape_cast %add3A_277 : vector<16xf32> to vector<1x16xf32>
        tpu.vector_store %arg11[%swap3A_278, %swap3A_279], %swap3A_282 {strides = array<i32>} : memref<100x128xf32, #tpu.memory_space<vmem>>, vector<1x16xf32>,
        %mul3A_283 = arith.constant 2 : i32
        %mul3A_284 = arith.muli %mul3A_283, %scan3A_172 : i32
        %add3A_285 = arith.constant 0 : i32
        %add3A_286 = arith.addi %mul3A_284, %add3A_285 : i32
        %add3A_287 = arith.constant 0 : i32
        %add3A_288 = arith.addi %add3A_286, %add3A_287 : i32
        %sub3A_289 = arith.constant 100 : i32
        %sub3A_290 = arith.subi %add3A_288, %sub3A_289 : i32
        %get3A_291 = arith.index_cast %sub3A_290 : i32 to index
        %get3A_292 = arith.constant 32 : index
        %get3A_293 = tpu.vector_load %arg10[%get3A_291, %get3A_292] {strides = array<i32>} : memref<104x256xf32, #tpu.memory_space<vmem>>, vector<1x16xf32>,
        %get3A_294 = vector.shape_cast %get3A_293 : vector<1x16xf32> to vector<16xf32>
        %mul3A_295 = arith.constant 2 : i32
        %mul3A_296 = arith.muli %mul3A_295, %scan3A_172 : i32
        %add3A_297 = arith.constant 0 : i32
        %add3A_298 = arith.addi %mul3A_296, %add3A_297 : i32
        %add3A_299 = arith.constant 1 : i32
        %add3A_300 = arith.addi %add3A_298, %add3A_299 : i32
        %sub3A_301 = arith.constant 100 : i32
        %sub3A_302 = arith.subi %add3A_300, %sub3A_301 : i32
        %get3A_303 = arith.index_cast %sub3A_302 : i32 to index
        %get3A_304 = arith.constant 96 : index
        %get3A_305 = tpu.vector_load %arg10[%get3A_303, %get3A_304] {strides = array<i32>} : memref<104x256xf32, #tpu.memory_space<vmem>>, vector<1x16xf32>,
        %get3A_306 = vector.shape_cast %get3A_305 : vector<1x16xf32> to vector<16xf32>
        %mul3A_307 = arith.constant 2 : i32
        %mul3A_308 = arith.muli %mul3A_307, %scan3A_172 : i32
        %add3A_309 = arith.constant 0 : i32
        %add3A_310 = arith.addi %mul3A_308, %add3A_309 : i32
        %add3A_311 = arith.constant 2 : i32
        %add3A_312 = arith.addi %add3A_310, %add3A_311 : i32
        %sub3A_313 = arith.constant 100 : i32
        %sub3A_314 = arith.subi %add3A_312, %sub3A_313 : i32
        %get3A_315 = arith.index_cast %sub3A_314 : i32 to index
        %get3A_316 = arith.constant 160 : index
        %get3A_317 = tpu.vector_load %arg10[%get3A_315, %get3A_316] {strides = array<i32>} : memref<104x256xf32, #tpu.memory_space<vmem>>, vector<1x16xf32>,
        %get3A_318 = vector.shape_cast %get3A_317 : vector<1x16xf32> to vector<16xf32>
        %mul3A_319 = arith.constant 2 : i32
        %mul3A_320 = arith.muli %mul3A_319, %scan3A_172 : i32
        %add3A_321 = arith.constant 0 : i32
        %add3A_322 = arith.addi %mul3A_320, %add3A_321 : i32
        %add3A_323 = arith.constant 3 : i32
        %add3A_324 = arith.addi %add3A_322, %add3A_323 : i32
        %sub3A_325 = arith.constant 100 : i32
        %sub3A_326 = arith.subi %add3A_324, %sub3A_325 : i32
        %get3A_327 = arith.index_cast %sub3A_326 : i32 to index
        %get3A_328 = arith.constant 224 : index
        %get3A_329 = tpu.vector_load %arg10[%get3A_327, %get3A_328] {strides = array<i32>} : memref<104x256xf32, #tpu.memory_space<vmem>>, vector<1x16xf32>,
        %get3A_330 = vector.shape_cast %get3A_329 : vector<1x16xf32> to vector<16xf32>
        %add3A_331 = arith.addf %get3A_294, %get3A_306 : vector<16xf32>
        %add3A_332 = arith.addf %add3A_331, %get3A_318 : vector<16xf32>
        %add3A_333 = arith.addf %add3A_332, %get3A_330 : vector<16xf32>
        %swap3A_334 = arith.index_cast %scan3A_172 : i32 to index
        %swap3A_335 = arith.constant 32 : index
        %swap3A_336 = tpu.vector_load %arg11[%swap3A_334, %swap3A_335] {strides = array<i32>} : memref<100x128xf32, #tpu.memory_space<vmem>>, vector<1x16xf32>,
        %swap3A_337 = vector.shape_cast %swap3A_336 : vector<1x16xf32> to vector<16xf32>
        %swap3A_338 = vector.shape_cast %add3A_333 : vector<16xf32> to vector<1x16xf32>
        tpu.vector_store %arg11[%swap3A_334, %swap3A_335], %swap3A_338 {strides = array<i32>} : memref<100x128xf32, #tpu.memory_space<vmem>>, vector<1x16xf32>,
        %mul3A_339 = arith.constant 2 : i32
        %mul3A_340 = arith.muli %mul3A_339, %scan3A_172 : i32
        %add3A_341 = arith.constant 0 : i32
        %add3A_342 = arith.addi %mul3A_340, %add3A_341 : i32
        %add3A_343 = arith.constant 0 : i32
        %add3A_344 = arith.addi %add3A_342, %add3A_343 : i32
        %sub3A_345 = arith.constant 100 : i32
        %sub3A_346 = arith.subi %add3A_344, %sub3A_345 : i32
        %get3A_347 = arith.index_cast %sub3A_346 : i32 to index
        %get3A_348 = arith.constant 48 : index
        %get3A_349 = tpu.vector_load %arg10[%get3A_347, %get3A_348] {strides = array<i32>} : memref<104x256xf32, #tpu.memory_space<vmem>>, vector<1x16xf32>,
        %get3A_350 = vector.shape_cast %get3A_349 : vector<1x16xf32> to vector<16xf32>
        %mul3A_351 = arith.constant 2 : i32
        %mul3A_352 = arith.muli %mul3A_351, %scan3A_172 : i32
        %add3A_353 = arith.constant 0 : i32
        %add3A_354 = arith.addi %mul3A_352, %add3A_353 : i32
        %add3A_355 = arith.constant 1 : i32
        %add3A_356 = arith.addi %add3A_354, %add3A_355 : i32
        %sub3A_357 = arith.constant 100 : i32
        %sub3A_358 = arith.subi %add3A_356, %sub3A_357 : i32
        %get3A_359 = arith.index_cast %sub3A_358 : i32 to index
        %get3A_360 = arith.constant 112 : index
        %get3A_361 = tpu.vector_load %arg10[%get3A_359, %get3A_360] {strides = array<i32>} : memref<104x256xf32, #tpu.memory_space<vmem>>, vector<1x16xf32>,
        %get3A_362 = vector.shape_cast %get3A_361 : vector<1x16xf32> to vector<16xf32>
        %mul3A_363 = arith.constant 2 : i32
        %mul3A_364 = arith.muli %mul3A_363, %scan3A_172 : i32
        %add3A_365 = arith.constant 0 : i32
        %add3A_366 = arith.addi %mul3A_364, %add3A_365 : i32
        %add3A_367 = arith.constant 2 : i32
        %add3A_368 = arith.addi %add3A_366, %add3A_367 : i32
        %sub3A_369 = arith.constant 100 : i32
        %sub3A_370 = arith.subi %add3A_368, %sub3A_369 : i32
        %get3A_371 = arith.index_cast %sub3A_370 : i32 to index
        %get3A_372 = arith.constant 176 : index
        %get3A_373 = tpu.vector_load %arg10[%get3A_371, %get3A_372] {strides = array<i32>} : memref<104x256xf32, #tpu.memory_space<vmem>>, vector<1x16xf32>,
        %get3A_374 = vector.shape_cast %get3A_373 : vector<1x16xf32> to vector<16xf32>
        %mul3A_375 = arith.constant 2 : i32
        %mul3A_376 = arith.muli %mul3A_375, %scan3A_172 : i32
        %add3A_377 = arith.constant 0 : i32
        %add3A_378 = arith.addi %mul3A_376, %add3A_377 : i32
        %add3A_379 = arith.constant 3 : i32
        %add3A_380 = arith.addi %add3A_378, %add3A_379 : i32
        %sub3A_381 = arith.constant 100 : i32
        %sub3A_382 = arith.subi %add3A_380, %sub3A_381 : i32
        %get3A_383 = arith.index_cast %sub3A_382 : i32 to index
        %get3A_384 = arith.constant 240 : index
        %get3A_385 = tpu.vector_load %arg10[%get3A_383, %get3A_384] {strides = array<i32>} : memref<104x256xf32, #tpu.memory_space<vmem>>, vector<1x16xf32>,
        %get3A_386 = vector.shape_cast %get3A_385 : vector<1x16xf32> to vector<16xf32>
        %add3A_387 = arith.addf %get3A_350, %get3A_362 : vector<16xf32>
        %add3A_388 = arith.addf %add3A_387, %get3A_374 : vector<16xf32>
        %add3A_389 = arith.addf %add3A_388, %get3A_386 : vector<16xf32>
        %swap3A_390 = arith.index_cast %scan3A_172 : i32 to index
        %swap3A_391 = arith.constant 48 : index
        %swap3A_392 = tpu.vector_load %arg11[%swap3A_390, %swap3A_391] {strides = array<i32>} : memref<100x128xf32, #tpu.memory_space<vmem>>, vector<1x16xf32>,
        %swap3A_393 = vector.shape_cast %swap3A_392 : vector<1x16xf32> to vector<16xf32>
        %swap3A_394 = vector.shape_cast %add3A_389 : vector<16xf32> to vector<1x16xf32>
        tpu.vector_store %arg11[%swap3A_390, %swap3A_391], %swap3A_394 {strides = array<i32>} : memref<100x128xf32, #tpu.memory_space<vmem>>, vector<1x16xf32>,
        %mul3A_395 = arith.constant 2 : i32
        %mul3A_396 = arith.muli %mul3A_395, %scan3A_172 : i32
        %add3A_397 = arith.constant 1 : i32
        %add3A_398 = arith.addi %mul3A_396, %add3A_397 : i32
        %add3A_399 = arith.constant 0 : i32
        %add3A_400 = arith.addi %add3A_398, %add3A_399 : i32
        %sub3A_401 = arith.constant 100 : i32
        %sub3A_402 = arith.subi %add3A_400, %sub3A_401 : i32
        %get3A_403 = arith.index_cast %sub3A_402 : i32 to index
        %get3A_404 = arith.constant 0 : index
        %get3A_405 = tpu.vector_load %arg10[%get3A_403, %get3A_404] {strides = array<i32>} : memref<104x256xf32, #tpu.memory_space<vmem>>, vector<1x16xf32>,
        %get3A_406 = vector.shape_cast %get3A_405 : vector<1x16xf32> to vector<16xf32>
        %mul3A_407 = arith.constant 2 : i32
        %mul3A_408 = arith.muli %mul3A_407, %scan3A_172 : i32
        %add3A_409 = arith.constant 1 : i32
        %add3A_410 = arith.addi %mul3A_408, %add3A_409 : i32
        %add3A_411 = arith.constant 1 : i32
        %add3A_412 = arith.addi %add3A_410, %add3A_411 : i32
        %sub3A_413 = arith.constant 100 : i32
        %sub3A_414 = arith.subi %add3A_412, %sub3A_413 : i32
        %get3A_415 = arith.index_cast %sub3A_414 : i32 to index
        %get3A_416 = arith.constant 64 : index
        %get3A_417 = tpu.vector_load %arg10[%get3A_415, %get3A_416] {strides = array<i32>} : memref<104x256xf32, #tpu.memory_space<vmem>>, vector<1x16xf32>,
        %get3A_418 = vector.shape_cast %get3A_417 : vector<1x16xf32> to vector<16xf32>
        %mul3A_419 = arith.constant 2 : i32
        %mul3A_420 = arith.muli %mul3A_419, %scan3A_172 : i32
        %add3A_421 = arith.constant 1 : i32
        %add3A_422 = arith.addi %mul3A_420, %add3A_421 : i32
        %add3A_423 = arith.constant 2 : i32
        %add3A_424 = arith.addi %add3A_422, %add3A_423 : i32
        %sub3A_425 = arith.constant 100 : i32
        %sub3A_426 = arith.subi %add3A_424, %sub3A_425 : i32
        %get3A_427 = arith.index_cast %sub3A_426 : i32 to index
        %get3A_428 = arith.constant 128 : index
        %get3A_429 = tpu.vector_load %arg10[%get3A_427, %get3A_428] {strides = array<i32>} : memref<104x256xf32, #tpu.memory_space<vmem>>, vector<1x16xf32>,
        %get3A_430 = vector.shape_cast %get3A_429 : vector<1x16xf32> to vector<16xf32>
        %mul3A_431 = arith.constant 2 : i32
        %mul3A_432 = arith.muli %mul3A_431, %scan3A_172 : i32
        %add3A_433 = arith.constant 1 : i32
        %add3A_434 = arith.addi %mul3A_432, %add3A_433 : i32
        %add3A_435 = arith.constant 3 : i32
        %add3A_436 = arith.addi %add3A_434, %add3A_435 : i32
        %sub3A_437 = arith.constant 100 : i32
        %sub3A_438 = arith.subi %add3A_436, %sub3A_437 : i32
        %get3A_439 = arith.index_cast %sub3A_438 : i32 to index
        %get3A_440 = arith.constant 192 : index
        %get3A_441 = tpu.vector_load %arg10[%get3A_439, %get3A_440] {strides = array<i32>} : memref<104x256xf32, #tpu.memory_space<vmem>>, vector<1x16xf32>,
        %get3A_442 = vector.shape_cast %get3A_441 : vector<1x16xf32> to vector<16xf32>
        %add3A_443 = arith.addf %get3A_406, %get3A_418 : vector<16xf32>
        %add3A_444 = arith.addf %add3A_443, %get3A_430 : vector<16xf32>
        %add3A_445 = arith.addf %add3A_444, %get3A_442 : vector<16xf32>
        %swap3A_446 = arith.index_cast %scan3A_172 : i32 to index
        %swap3A_447 = arith.constant 64 : index
        %swap3A_448 = tpu.vector_load %arg11[%swap3A_446, %swap3A_447] {strides = array<i32>} : memref<100x128xf32, #tpu.memory_space<vmem>>, vector<1x16xf32>,
        %swap3A_449 = vector.shape_cast %swap3A_448 : vector<1x16xf32> to vector<16xf32>
        %swap3A_450 = vector.shape_cast %add3A_445 : vector<16xf32> to vector<1x16xf32>
        tpu.vector_store %arg11[%swap3A_446, %swap3A_447], %swap3A_450 {strides = array<i32>} : memref<100x128xf32, #tpu.memory_space<vmem>>, vector<1x16xf32>,
        %mul3A_451 = arith.constant 2 : i32
        %mul3A_452 = arith.muli %mul3A_451, %scan3A_172 : i32
        %add3A_453 = arith.constant 1 : i32
        %add3A_454 = arith.addi %mul3A_452, %add3A_453 : i32
        %add3A_455 = arith.constant 0 : i32
        %add3A_456 = arith.addi %add3A_454, %add3A_455 : i32
        %sub3A_457 = arith.constant 100 : i32
        %sub3A_458 = arith.subi %add3A_456, %sub3A_457 : i32
        %get3A_459 = arith.index_cast %sub3A_458 : i32 to index
        %get3A_460 = arith.constant 16 : index
        %get3A_461 = tpu.vector_load %arg10[%get3A_459, %get3A_460] {strides = array<i32>} : memref<104x256xf32, #tpu.memory_space<vmem>>, vector<1x16xf32>,
        %get3A_462 = vector.shape_cast %get3A_461 : vector<1x16xf32> to vector<16xf32>
        %mul3A_463 = arith.constant 2 : i32
        %mul3A_464 = arith.muli %mul3A_463, %scan3A_172 : i32
        %add3A_465 = arith.constant 1 : i32
        %add3A_466 = arith.addi %mul3A_464, %add3A_465 : i32
        %add3A_467 = arith.constant 1 : i32
        %add3A_468 = arith.addi %add3A_466, %add3A_467 : i32
        %sub3A_469 = arith.constant 100 : i32
        %sub3A_470 = arith.subi %add3A_468, %sub3A_469 : i32
        %get3A_471 = arith.index_cast %sub3A_470 : i32 to index
        %get3A_472 = arith.constant 80 : index
        %get3A_473 = tpu.vector_load %arg10[%get3A_471, %get3A_472] {strides = array<i32>} : memref<104x256xf32, #tpu.memory_space<vmem>>, vector<1x16xf32>,
        %get3A_474 = vector.shape_cast %get3A_473 : vector<1x16xf32> to vector<16xf32>
        %mul3A_475 = arith.constant 2 : i32
        %mul3A_476 = arith.muli %mul3A_475, %scan3A_172 : i32
        %add3A_477 = arith.constant 1 : i32
        %add3A_478 = arith.addi %mul3A_476, %add3A_477 : i32
        %add3A_479 = arith.constant 2 : i32
        %add3A_480 = arith.addi %add3A_478, %add3A_479 : i32
        %sub3A_481 = arith.constant 100 : i32
        %sub3A_482 = arith.subi %add3A_480, %sub3A_481 : i32
        %get3A_483 = arith.index_cast %sub3A_482 : i32 to index
        %get3A_484 = arith.constant 144 : index
        %get3A_485 = tpu.vector_load %arg10[%get3A_483, %get3A_484] {strides = array<i32>} : memref<104x256xf32, #tpu.memory_space<vmem>>, vector<1x16xf32>,
        %get3A_486 = vector.shape_cast %get3A_485 : vector<1x16xf32> to vector<16xf32>
        %mul3A_487 = arith.constant 2 : i32
        %mul3A_488 = arith.muli %mul3A_487, %scan3A_172 : i32
        %add3A_489 = arith.constant 1 : i32
        %add3A_490 = arith.addi %mul3A_488, %add3A_489 : i32
        %add3A_491 = arith.constant 3 : i32
        %add3A_492 = arith.addi %add3A_490, %add3A_491 : i32
        %sub3A_493 = arith.constant 100 : i32
        %sub3A_494 = arith.subi %add3A_492, %sub3A_493 : i32
        %get3A_495 = arith.index_cast %sub3A_494 : i32 to index
        %get3A_496 = arith.constant 208 : index
        %get3A_497 = tpu.vector_load %arg10[%get3A_495, %get3A_496] {strides = array<i32>} : memref<104x256xf32, #tpu.memory_space<vmem>>, vector<1x16xf32>,
        %get3A_498 = vector.shape_cast %get3A_497 : vector<1x16xf32> to vector<16xf32>
        %add3A_499 = arith.addf %get3A_462, %get3A_474 : vector<16xf32>
        %add3A_500 = arith.addf %add3A_499, %get3A_486 : vector<16xf32>
        %add3A_501 = arith.addf %add3A_500, %get3A_498 : vector<16xf32>
        %swap3A_502 = arith.index_cast %scan3A_172 : i32 to index
        %swap3A_503 = arith.constant 80 : index
        %swap3A_504 = tpu.vector_load %arg11[%swap3A_502, %swap3A_503] {strides = array<i32>} : memref<100x128xf32, #tpu.memory_space<vmem>>, vector<1x16xf32>,
        %swap3A_505 = vector.shape_cast %swap3A_504 : vector<1x16xf32> to vector<16xf32>
        %swap3A_506 = vector.shape_cast %add3A_501 : vector<16xf32> to vector<1x16xf32>
        tpu.vector_store %arg11[%swap3A_502, %swap3A_503], %swap3A_506 {strides = array<i32>} : memref<100x128xf32, #tpu.memory_space<vmem>>, vector<1x16xf32>,
        %mul3A_507 = arith.constant 2 : i32
        %mul3A_508 = arith.muli %mul3A_507, %scan3A_172 : i32
        %add3A_509 = arith.constant 1 : i32
        %add3A_510 = arith.addi %mul3A_508, %add3A_509 : i32
        %add3A_511 = arith.constant 0 : i32
        %add3A_512 = arith.addi %add3A_510, %add3A_511 : i32
        %sub3A_513 = arith.constant 100 : i32
        %sub3A_514 = arith.subi %add3A_512, %sub3A_513 : i32
        %get3A_515 = arith.index_cast %sub3A_514 : i32 to index
        %get3A_516 = arith.constant 32 : index
        %get3A_517 = tpu.vector_load %arg10[%get3A_515, %get3A_516] {strides = array<i32>} : memref<104x256xf32, #tpu.memory_space<vmem>>, vector<1x16xf32>,
        %get3A_518 = vector.shape_cast %get3A_517 : vector<1x16xf32> to vector<16xf32>
        %mul3A_519 = arith.constant 2 : i32
        %mul3A_520 = arith.muli %mul3A_519, %scan3A_172 : i32
        %add3A_521 = arith.constant 1 : i32
        %add3A_522 = arith.addi %mul3A_520, %add3A_521 : i32
        %add3A_523 = arith.constant 1 : i32
        %add3A_524 = arith.addi %add3A_522, %add3A_523 : i32
        %sub3A_525 = arith.constant 100 : i32
        %sub3A_526 = arith.subi %add3A_524, %sub3A_525 : i32
        %get3A_527 = arith.index_cast %sub3A_526 : i32 to index
        %get3A_528 = arith.constant 96 : index
        %get3A_529 = tpu.vector_load %arg10[%get3A_527, %get3A_528] {strides = array<i32>} : memref<104x256xf32, #tpu.memory_space<vmem>>, vector<1x16xf32>,
        %get3A_530 = vector.shape_cast %get3A_529 : vector<1x16xf32> to vector<16xf32>
        %mul3A_531 = arith.constant 2 : i32
        %mul3A_532 = arith.muli %mul3A_531, %scan3A_172 : i32
        %add3A_533 = arith.constant 1 : i32
        %add3A_534 = arith.addi %mul3A_532, %add3A_533 : i32
        %add3A_535 = arith.constant 2 : i32
        %add3A_536 = arith.addi %add3A_534, %add3A_535 : i32
        %sub3A_537 = arith.constant 100 : i32
        %sub3A_538 = arith.subi %add3A_536, %sub3A_537 : i32
        %get3A_539 = arith.index_cast %sub3A_538 : i32 to index
        %get3A_540 = arith.constant 160 : index
        %get3A_541 = tpu.vector_load %arg10[%get3A_539, %get3A_540] {strides = array<i32>} : memref<104x256xf32, #tpu.memory_space<vmem>>, vector<1x16xf32>,
        %get3A_542 = vector.shape_cast %get3A_541 : vector<1x16xf32> to vector<16xf32>
        %mul3A_543 = arith.constant 2 : i32
        %mul3A_544 = arith.muli %mul3A_543, %scan3A_172 : i32
        %add3A_545 = arith.constant 1 : i32
        %add3A_546 = arith.addi %mul3A_544, %add3A_545 : i32
        %add3A_547 = arith.constant 3 : i32
        %add3A_548 = arith.addi %add3A_546, %add3A_547 : i32
        %sub3A_549 = arith.constant 100 : i32
        %sub3A_550 = arith.subi %add3A_548, %sub3A_549 : i32
        %get3A_551 = arith.index_cast %sub3A_550 : i32 to index
        %get3A_552 = arith.constant 224 : index
        %get3A_553 = tpu.vector_load %arg10[%get3A_551, %get3A_552] {strides = array<i32>} : memref<104x256xf32, #tpu.memory_space<vmem>>, vector<1x16xf32>,
        %get3A_554 = vector.shape_cast %get3A_553 : vector<1x16xf32> to vector<16xf32>
        %add3A_555 = arith.addf %get3A_518, %get3A_530 : vector<16xf32>
        %add3A_556 = arith.addf %add3A_555, %get3A_542 : vector<16xf32>
        %add3A_557 = arith.addf %add3A_556, %get3A_554 : vector<16xf32>
        %swap3A_558 = arith.index_cast %scan3A_172 : i32 to index
        %swap3A_559 = arith.constant 96 : index
        %swap3A_560 = tpu.vector_load %arg11[%swap3A_558, %swap3A_559] {strides = array<i32>} : memref<100x128xf32, #tpu.memory_space<vmem>>, vector<1x16xf32>,
        %swap3A_561 = vector.shape_cast %swap3A_560 : vector<1x16xf32> to vector<16xf32>
        %swap3A_562 = vector.shape_cast %add3A_557 : vector<16xf32> to vector<1x16xf32>
        tpu.vector_store %arg11[%swap3A_558, %swap3A_559], %swap3A_562 {strides = array<i32>} : memref<100x128xf32, #tpu.memory_space<vmem>>, vector<1x16xf32>,
        %mul3A_563 = arith.constant 2 : i32
        %mul3A_564 = arith.muli %mul3A_563, %scan3A_172 : i32
        %add3A_565 = arith.constant 1 : i32
        %add3A_566 = arith.addi %mul3A_564, %add3A_565 : i32
        %add3A_567 = arith.constant 0 : i32
        %add3A_568 = arith.addi %add3A_566, %add3A_567 : i32
        %sub3A_569 = arith.constant 100 : i32
        %sub3A_570 = arith.subi %add3A_568, %sub3A_569 : i32
        %get3A_571 = arith.index_cast %sub3A_570 : i32 to index
        %get3A_572 = arith.constant 48 : index
        %get3A_573 = tpu.vector_load %arg10[%get3A_571, %get3A_572] {strides = array<i32>} : memref<104x256xf32, #tpu.memory_space<vmem>>, vector<1x16xf32>,
        %get3A_574 = vector.shape_cast %get3A_573 : vector<1x16xf32> to vector<16xf32>
        %mul3A_575 = arith.constant 2 : i32
        %mul3A_576 = arith.muli %mul3A_575, %scan3A_172 : i32
        %add3A_577 = arith.constant 1 : i32
        %add3A_578 = arith.addi %mul3A_576, %add3A_577 : i32
        %add3A_579 = arith.constant 1 : i32
        %add3A_580 = arith.addi %add3A_578, %add3A_579 : i32
        %sub3A_581 = arith.constant 100 : i32
        %sub3A_582 = arith.subi %add3A_580, %sub3A_581 : i32
        %get3A_583 = arith.index_cast %sub3A_582 : i32 to index
        %get3A_584 = arith.constant 112 : index
        %get3A_585 = tpu.vector_load %arg10[%get3A_583, %get3A_584] {strides = array<i32>} : memref<104x256xf32, #tpu.memory_space<vmem>>, vector<1x16xf32>,
        %get3A_586 = vector.shape_cast %get3A_585 : vector<1x16xf32> to vector<16xf32>
        %mul3A_587 = arith.constant 2 : i32
        %mul3A_588 = arith.muli %mul3A_587, %scan3A_172 : i32
        %add3A_589 = arith.constant 1 : i32
        %add3A_590 = arith.addi %mul3A_588, %add3A_589 : i32
        %add3A_591 = arith.constant 2 : i32
        %add3A_592 = arith.addi %add3A_590, %add3A_591 : i32
        %sub3A_593 = arith.constant 100 : i32
        %sub3A_594 = arith.subi %add3A_592, %sub3A_593 : i32
        %get3A_595 = arith.index_cast %sub3A_594 : i32 to index
        %get3A_596 = arith.constant 176 : index
        %get3A_597 = tpu.vector_load %arg10[%get3A_595, %get3A_596] {strides = array<i32>} : memref<104x256xf32, #tpu.memory_space<vmem>>, vector<1x16xf32>,
        %get3A_598 = vector.shape_cast %get3A_597 : vector<1x16xf32> to vector<16xf32>
        %mul3A_599 = arith.constant 2 : i32
        %mul3A_600 = arith.muli %mul3A_599, %scan3A_172 : i32
        %add3A_601 = arith.constant 1 : i32
        %add3A_602 = arith.addi %mul3A_600, %add3A_601 : i32
        %add3A_603 = arith.constant 3 : i32
        %add3A_604 = arith.addi %add3A_602, %add3A_603 : i32
        %sub3A_605 = arith.constant 100 : i32
        %sub3A_606 = arith.subi %add3A_604, %sub3A_605 : i32
        %get3A_607 = arith.index_cast %sub3A_606 : i32 to index
        %get3A_608 = arith.constant 240 : index
        %get3A_609 = tpu.vector_load %arg10[%get3A_607, %get3A_608] {strides = array<i32>} : memref<104x256xf32, #tpu.memory_space<vmem>>, vector<1x16xf32>,
        %get3A_610 = vector.shape_cast %get3A_609 : vector<1x16xf32> to vector<16xf32>
        %add3A_611 = arith.addf %get3A_574, %get3A_586 : vector<16xf32>
        %add3A_612 = arith.addf %add3A_611, %get3A_598 : vector<16xf32>
        %add3A_613 = arith.addf %add3A_612, %get3A_610 : vector<16xf32>
        %swap3A_614 = arith.index_cast %scan3A_172 : i32 to index
        %swap3A_615 = arith.constant 112 : index
        %swap3A_616 = tpu.vector_load %arg11[%swap3A_614, %swap3A_615] {strides = array<i32>} : memref<100x128xf32, #tpu.memory_space<vmem>>, vector<1x16xf32>,
        %swap3A_617 = vector.shape_cast %swap3A_616 : vector<1x16xf32> to vector<16xf32>
        %swap3A_618 = vector.shape_cast %add3A_613 : vector<16xf32> to vector<1x16xf32>
        tpu.vector_store %arg11[%swap3A_614, %swap3A_615], %swap3A_618 {strides = array<i32>} : memref<100x128xf32, #tpu.memory_space<vmem>>, vector<1x16xf32>,
        %scan3A_619 = arith.constant 0 : i32
        %scan3A_620 = arith.constant 1 : i32
        %scan3A_621 = arith.addi %scan3A_172, %scan3A_620 : i32
        %mul3A_622 = arith.constant 2 : i32
        %mul3A_623 = arith.muli %mul3A_622, %scan3A_621 : i32
        %add3A_624 = arith.constant 0 : i32
        %add3A_625 = arith.addi %mul3A_623, %add3A_624 : i32
        %add3A_626 = arith.constant 0 : i32
        %add3A_627 = arith.addi %add3A_625, %add3A_626 : i32
        %sub3A_628 = arith.constant 100 : i32
        %sub3A_629 = arith.subi %add3A_627, %sub3A_628 : i32
        %get3A_630 = arith.index_cast %sub3A_629 : i32 to index
        %get3A_631 = arith.constant 0 : index
        %get3A_632 = tpu.vector_load %arg10[%get3A_630, %get3A_631] {strides = array<i32>} : memref<104x256xf32, #tpu.memory_space<vmem>>, vector<1x16xf32>,
        %get3A_633 = vector.shape_cast %get3A_632 : vector<1x16xf32> to vector<16xf32>
        %mul3A_634 = arith.constant 2 : i32
        %mul3A_635 = arith.muli %mul3A_634, %scan3A_621 : i32
        %add3A_636 = arith.constant 0 : i32
        %add3A_637 = arith.addi %mul3A_635, %add3A_636 : i32
        %add3A_638 = arith.constant 1 : i32
        %add3A_639 = arith.addi %add3A_637, %add3A_638 : i32
        %sub3A_640 = arith.constant 100 : i32
        %sub3A_641 = arith.subi %add3A_639, %sub3A_640 : i32
        %get3A_642 = arith.index_cast %sub3A_641 : i32 to index
        %get3A_643 = arith.constant 64 : index
        %get3A_644 = tpu.vector_load %arg10[%get3A_642, %get3A_643] {strides = array<i32>} : memref<104x256xf32, #tpu.memory_space<vmem>>, vector<1x16xf32>,
        %get3A_645 = vector.shape_cast %get3A_644 : vector<1x16xf32> to vector<16xf32>
        %mul3A_646 = arith.constant 2 : i32
        %mul3A_647 = arith.muli %mul3A_646, %scan3A_621 : i32
        %add3A_648 = arith.constant 0 : i32
        %add3A_649 = arith.addi %mul3A_647, %add3A_648 : i32
        %add3A_650 = arith.constant 2 : i32
        %add3A_651 = arith.addi %add3A_649, %add3A_650 : i32
        %sub3A_652 = arith.constant 100 : i32
        %sub3A_653 = arith.subi %add3A_651, %sub3A_652 : i32
        %get3A_654 = arith.index_cast %sub3A_653 : i32 to index
        %get3A_655 = arith.constant 128 : index
        %get3A_656 = tpu.vector_load %arg10[%get3A_654, %get3A_655] {strides = array<i32>} : memref<104x256xf32, #tpu.memory_space<vmem>>, vector<1x16xf32>,
        %get3A_657 = vector.shape_cast %get3A_656 : vector<1x16xf32> to vector<16xf32>
        %mul3A_658 = arith.constant 2 : i32
        %mul3A_659 = arith.muli %mul3A_658, %scan3A_621 : i32
        %add3A_660 = arith.constant 0 : i32
        %add3A_661 = arith.addi %mul3A_659, %add3A_660 : i32
        %add3A_662 = arith.constant 3 : i32
        %add3A_663 = arith.addi %add3A_661, %add3A_662 : i32
        %sub3A_664 = arith.constant 100 : i32
        %sub3A_665 = arith.subi %add3A_663, %sub3A_664 : i32
        %get3A_666 = arith.index_cast %sub3A_665 : i32 to index
        %get3A_667 = arith.constant 192 : index
        %get3A_668 = tpu.vector_load %arg10[%get3A_666, %get3A_667] {strides = array<i32>} : memref<104x256xf32, #tpu.memory_space<vmem>>, vector<1x16xf32>,
        %get3A_669 = vector.shape_cast %get3A_668 : vector<1x16xf32> to vector<16xf32>
        %add3A_670 = arith.addf %get3A_633, %get3A_645 : vector<16xf32>
        %add3A_671 = arith.addf %add3A_670, %get3A_657 : vector<16xf32>
        %add3A_672 = arith.addf %add3A_671, %get3A_669 : vector<16xf32>
        %swap3A_673 = arith.index_cast %scan3A_621 : i32 to index
        %swap3A_674 = arith.constant 0 : index
        %swap3A_675 = tpu.vector_load %arg11[%swap3A_673, %swap3A_674] {strides = array<i32>} : memref<100x128xf32, #tpu.memory_space<vmem>>, vector<1x16xf32>,
        %swap3A_676 = vector.shape_cast %swap3A_675 : vector<1x16xf32> to vector<16xf32>
        %swap3A_677 = vector.shape_cast %add3A_672 : vector<16xf32> to vector<1x16xf32>
        tpu.vector_store %arg11[%swap3A_673, %swap3A_674], %swap3A_677 {strides = array<i32>} : memref<100x128xf32, #tpu.memory_space<vmem>>, vector<1x16xf32>,
        %mul3A_678 = arith.constant 2 : i32
        %mul3A_679 = arith.muli %mul3A_678, %scan3A_621 : i32
        %add3A_680 = arith.constant 0 : i32
        %add3A_681 = arith.addi %mul3A_679, %add3A_680 : i32
        %add3A_682 = arith.constant 0 : i32
        %add3A_683 = arith.addi %add3A_681, %add3A_682 : i32
        %sub3A_684 = arith.constant 100 : i32
        %sub3A_685 = arith.subi %add3A_683, %sub3A_684 : i32
        %get3A_686 = arith.index_cast %sub3A_685 : i32 to index
        %get3A_687 = arith.constant 16 : index
        %get3A_688 = tpu.vector_load %arg10[%get3A_686, %get3A_687] {strides = array<i32>} : memref<104x256xf32, #tpu.memory_space<vmem>>, vector<1x16xf32>,
        %get3A_689 = vector.shape_cast %get3A_688 : vector<1x16xf32> to vector<16xf32>
        %mul3A_690 = arith.constant 2 : i32
        %mul3A_691 = arith.muli %mul3A_690, %scan3A_621 : i32
        %add3A_692 = arith.constant 0 : i32
        %add3A_693 = arith.addi %mul3A_691, %add3A_692 : i32
        %add3A_694 = arith.constant 1 : i32
        %add3A_695 = arith.addi %add3A_693, %add3A_694 : i32
        %sub3A_696 = arith.constant 100 : i32
        %sub3A_697 = arith.subi %add3A_695, %sub3A_696 : i32
        %get3A_698 = arith.index_cast %sub3A_697 : i32 to index
        %get3A_699 = arith.constant 80 : index
        %get3A_700 = tpu.vector_load %arg10[%get3A_698, %get3A_699] {strides = array<i32>} : memref<104x256xf32, #tpu.memory_space<vmem>>, vector<1x16xf32>,
        %get3A_701 = vector.shape_cast %get3A_700 : vector<1x16xf32> to vector<16xf32>
        %mul3A_702 = arith.constant 2 : i32
        %mul3A_703 = arith.muli %mul3A_702, %scan3A_621 : i32
        %add3A_704 = arith.constant 0 : i32
        %add3A_705 = arith.addi %mul3A_703, %add3A_704 : i32
        %add3A_706 = arith.constant 2 : i32
        %add3A_707 = arith.addi %add3A_705, %add3A_706 : i32
        %sub3A_708 = arith.constant 100 : i32
        %sub3A_709 = arith.subi %add3A_707, %sub3A_708 : i32
        %get3A_710 = arith.index_cast %sub3A_709 : i32 to index
        %get3A_711 = arith.constant 144 : index
        %get3A_712 = tpu.vector_load %arg10[%get3A_710, %get3A_711] {strides = array<i32>} : memref<104x256xf32, #tpu.memory_space<vmem>>, vector<1x16xf32>,
        %get3A_713 = vector.shape_cast %get3A_712 : vector<1x16xf32> to vector<16xf32>
        %mul3A_714 = arith.constant 2 : i32
        %mul3A_715 = arith.muli %mul3A_714, %scan3A_621 : i32
        %add3A_716 = arith.constant 0 : i32
        %add3A_717 = arith.addi %mul3A_715, %add3A_716 : i32
        %add3A_718 = arith.constant 3 : i32
        %add3A_719 = arith.addi %add3A_717, %add3A_718 : i32
        %sub3A_720 = arith.constant 100 : i32
        %sub3A_721 = arith.subi %add3A_719, %sub3A_720 : i32
        %get3A_722 = arith.index_cast %sub3A_721 : i32 to index
        %get3A_723 = arith.constant 208 : index
        %get3A_724 = tpu.vector_load %arg10[%get3A_722, %get3A_723] {strides = array<i32>} : memref<104x256xf32, #tpu.memory_space<vmem>>, vector<1x16xf32>,
        %get3A_725 = vector.shape_cast %get3A_724 : vector<1x16xf32> to vector<16xf32>
        %add3A_726 = arith.addf %get3A_689, %get3A_701 : vector<16xf32>
        %add3A_727 = arith.addf %add3A_726, %get3A_713 : vector<16xf32>
        %add3A_728 = arith.addf %add3A_727, %get3A_725 : vector<16xf32>
        %swap3A_729 = arith.index_cast %scan3A_621 : i32 to index
        %swap3A_730 = arith.constant 16 : index
        %swap3A_731 = tpu.vector_load %arg11[%swap3A_729, %swap3A_730] {strides = array<i32>} : memref<100x128xf32, #tpu.memory_space<vmem>>, vector<1x16xf32>,
        %swap3A_732 = vector.shape_cast %swap3A_731 : vector<1x16xf32> to vector<16xf32>
        %swap3A_733 = vector.shape_cast %add3A_728 : vector<16xf32> to vector<1x16xf32>
        tpu.vector_store %arg11[%swap3A_729, %swap3A_730], %swap3A_733 {strides = array<i32>} : memref<100x128xf32, #tpu.memory_space<vmem>>, vector<1x16xf32>,
        %mul3A_734 = arith.constant 2 : i32
        %mul3A_735 = arith.muli %mul3A_734, %scan3A_621 : i32
        %add3A_736 = arith.constant 0 : i32
        %add3A_737 = arith.addi %mul3A_735, %add3A_736 : i32
        %add3A_738 = arith.constant 0 : i32
        %add3A_739 = arith.addi %add3A_737, %add3A_738 : i32
        %sub3A_740 = arith.constant 100 : i32
        %sub3A_741 = arith.subi %add3A_739, %sub3A_740 : i32
        %get3A_742 = arith.index_cast %sub3A_741 : i32 to index
        %get3A_743 = arith.constant 32 : index
        %get3A_744 = tpu.vector_load %arg10[%get3A_742, %get3A_743] {strides = array<i32>} : memref<104x256xf32, #tpu.memory_space<vmem>>, vector<1x16xf32>,
        %get3A_745 = vector.shape_cast %get3A_744 : vector<1x16xf32> to vector<16xf32>
        %mul3A_746 = arith.constant 2 : i32
        %mul3A_747 = arith.muli %mul3A_746, %scan3A_621 : i32
        %add3A_748 = arith.constant 0 : i32
        %add3A_749 = arith.addi %mul3A_747, %add3A_748 : i32
        %add3A_750 = arith.constant 1 : i32
        %add3A_751 = arith.addi %add3A_749, %add3A_750 : i32
        %sub3A_752 = arith.constant 100 : i32
        %sub3A_753 = arith.subi %add3A_751, %sub3A_752 : i32
        %get3A_754 = arith.index_cast %sub3A_753 : i32 to index
        %get3A_755 = arith.constant 96 : index
        %get3A_756 = tpu.vector_load %arg10[%get3A_754, %get3A_755] {strides = array<i32>} : memref<104x256xf32, #tpu.memory_space<vmem>>, vector<1x16xf32>,
        %get3A_757 = vector.shape_cast %get3A_756 : vector<1x16xf32> to vector<16xf32>
        %mul3A_758 = arith.constant 2 : i32
        %mul3A_759 = arith.muli %mul3A_758, %scan3A_621 : i32
        %add3A_760 = arith.constant 0 : i32
        %add3A_761 = arith.addi %mul3A_759, %add3A_760 : i32
        %add3A_762 = arith.constant 2 : i32
        %add3A_763 = arith.addi %add3A_761, %add3A_762 : i32
        %sub3A_764 = arith.constant 100 : i32
        %sub3A_765 = arith.subi %add3A_763, %sub3A_764 : i32
        %get3A_766 = arith.index_cast %sub3A_765 : i32 to index
        %get3A_767 = arith.constant 160 : index
        %get3A_768 = tpu.vector_load %arg10[%get3A_766, %get3A_767] {strides = array<i32>} : memref<104x256xf32, #tpu.memory_space<vmem>>, vector<1x16xf32>,
        %get3A_769 = vector.shape_cast %get3A_768 : vector<1x16xf32> to vector<16xf32>
        %mul3A_770 = arith.constant 2 : i32
        %mul3A_771 = arith.muli %mul3A_770, %scan3A_621 : i32
        %add3A_772 = arith.constant 0 : i32
        %add3A_773 = arith.addi %mul3A_771, %add3A_772 : i32
        %add3A_774 = arith.constant 3 : i32
        %add3A_775 = arith.addi %add3A_773, %add3A_774 : i32
        %sub3A_776 = arith.constant 100 : i32
        %sub3A_777 = arith.subi %add3A_775, %sub3A_776 : i32
        %get3A_778 = arith.index_cast %sub3A_777 : i32 to index
        %get3A_779 = arith.constant 224 : index
        %get3A_780 = tpu.vector_load %arg10[%get3A_778, %get3A_779] {strides = array<i32>} : memref<104x256xf32, #tpu.memory_space<vmem>>, vector<1x16xf32>,
        %get3A_781 = vector.shape_cast %get3A_780 : vector<1x16xf32> to vector<16xf32>
        %add3A_782 = arith.addf %get3A_745, %get3A_757 : vector<16xf32>
        %add3A_783 = arith.addf %add3A_782, %get3A_769 : vector<16xf32>
        %add3A_784 = arith.addf %add3A_783, %get3A_781 : vector<16xf32>
        %swap3A_785 = arith.index_cast %scan3A_621 : i32 to index
        %swap3A_786 = arith.constant 32 : index
        %swap3A_787 = tpu.vector_load %arg11[%swap3A_785, %swap3A_786] {strides = array<i32>} : memref<100x128xf32, #tpu.memory_space<vmem>>, vector<1x16xf32>,
        %swap3A_788 = vector.shape_cast %swap3A_787 : vector<1x16xf32> to vector<16xf32>
        %swap3A_789 = vector.shape_cast %add3A_784 : vector<16xf32> to vector<1x16xf32>
        tpu.vector_store %arg11[%swap3A_785, %swap3A_786], %swap3A_789 {strides = array<i32>} : memref<100x128xf32, #tpu.memory_space<vmem>>, vector<1x16xf32>,
        %mul3A_790 = arith.constant 2 : i32
        %mul3A_791 = arith.muli %mul3A_790, %scan3A_621 : i32
        %add3A_792 = arith.constant 0 : i32
        %add3A_793 = arith.addi %mul3A_791, %add3A_792 : i32
        %add3A_794 = arith.constant 0 : i32
        %add3A_795 = arith.addi %add3A_793, %add3A_794 : i32
        %sub3A_796 = arith.constant 100 : i32
        %sub3A_797 = arith.subi %add3A_795, %sub3A_796 : i32
        %get3A_798 = arith.index_cast %sub3A_797 : i32 to index
        %get3A_799 = arith.constant 48 : index
        %get3A_800 = tpu.vector_load %arg10[%get3A_798, %get3A_799] {strides = array<i32>} : memref<104x256xf32, #tpu.memory_space<vmem>>, vector<1x16xf32>,
        %get3A_801 = vector.shape_cast %get3A_800 : vector<1x16xf32> to vector<16xf32>
        %mul3A_802 = arith.constant 2 : i32
        %mul3A_803 = arith.muli %mul3A_802, %scan3A_621 : i32
        %add3A_804 = arith.constant 0 : i32
        %add3A_805 = arith.addi %mul3A_803, %add3A_804 : i32
        %add3A_806 = arith.constant 1 : i32
        %add3A_807 = arith.addi %add3A_805, %add3A_806 : i32
        %sub3A_808 = arith.constant 100 : i32
        %sub3A_809 = arith.subi %add3A_807, %sub3A_808 : i32
        %get3A_810 = arith.index_cast %sub3A_809 : i32 to index
        %get3A_811 = arith.constant 112 : index
        %get3A_812 = tpu.vector_load %arg10[%get3A_810, %get3A_811] {strides = array<i32>} : memref<104x256xf32, #tpu.memory_space<vmem>>, vector<1x16xf32>,
        %get3A_813 = vector.shape_cast %get3A_812 : vector<1x16xf32> to vector<16xf32>
        %mul3A_814 = arith.constant 2 : i32
        %mul3A_815 = arith.muli %mul3A_814, %scan3A_621 : i32
        %add3A_816 = arith.constant 0 : i32
        %add3A_817 = arith.addi %mul3A_815, %add3A_816 : i32
        %add3A_818 = arith.constant 2 : i32
        %add3A_819 = arith.addi %add3A_817, %add3A_818 : i32
        %sub3A_820 = arith.constant 100 : i32
        %sub3A_821 = arith.subi %add3A_819, %sub3A_820 : i32
        %get3A_822 = arith.index_cast %sub3A_821 : i32 to index
        %get3A_823 = arith.constant 176 : index
        %get3A_824 = tpu.vector_load %arg10[%get3A_822, %get3A_823] {strides = array<i32>} : memref<104x256xf32, #tpu.memory_space<vmem>>, vector<1x16xf32>,
        %get3A_825 = vector.shape_cast %get3A_824 : vector<1x16xf32> to vector<16xf32>
        %mul3A_826 = arith.constant 2 : i32
        %mul3A_827 = arith.muli %mul3A_826, %scan3A_621 : i32
        %add3A_828 = arith.constant 0 : i32
        %add3A_829 = arith.addi %mul3A_827, %add3A_828 : i32
        %add3A_830 = arith.constant 3 : i32
        %add3A_831 = arith.addi %add3A_829, %add3A_830 : i32
        %sub3A_832 = arith.constant 100 : i32
        %sub3A_833 = arith.subi %add3A_831, %sub3A_832 : i32
        %get3A_834 = arith.index_cast %sub3A_833 : i32 to index
        %get3A_835 = arith.constant 240 : index
        %get3A_836 = tpu.vector_load %arg10[%get3A_834, %get3A_835] {strides = array<i32>} : memref<104x256xf32, #tpu.memory_space<vmem>>, vector<1x16xf32>,
        %get3A_837 = vector.shape_cast %get3A_836 : vector<1x16xf32> to vector<16xf32>
        %add3A_838 = arith.addf %get3A_801, %get3A_813 : vector<16xf32>
        %add3A_839 = arith.addf %add3A_838, %get3A_825 : vector<16xf32>
        %add3A_840 = arith.addf %add3A_839, %get3A_837 : vector<16xf32>
        %swap3A_841 = arith.index_cast %scan3A_621 : i32 to index
        %swap3A_842 = arith.constant 48 : index
        %swap3A_843 = tpu.vector_load %arg11[%swap3A_841, %swap3A_842] {strides = array<i32>} : memref<100x128xf32, #tpu.memory_space<vmem>>, vector<1x16xf32>,
        %swap3A_844 = vector.shape_cast %swap3A_843 : vector<1x16xf32> to vector<16xf32>
        %swap3A_845 = vector.shape_cast %add3A_840 : vector<16xf32> to vector<1x16xf32>
        tpu.vector_store %arg11[%swap3A_841, %swap3A_842], %swap3A_845 {strides = array<i32>} : memref<100x128xf32, #tpu.memory_space<vmem>>, vector<1x16xf32>,
        %mul3A_846 = arith.constant 2 : i32
        %mul3A_847 = arith.muli %mul3A_846, %scan3A_621 : i32
        %add3A_848 = arith.constant 1 : i32
        %add3A_849 = arith.addi %mul3A_847, %add3A_848 : i32
        %add3A_850 = arith.constant 0 : i32
        %add3A_851 = arith.addi %add3A_849, %add3A_850 : i32
        %sub3A_852 = arith.constant 100 : i32
        %sub3A_853 = arith.subi %add3A_851, %sub3A_852 : i32
        %get3A_854 = arith.index_cast %sub3A_853 : i32 to index
        %get3A_855 = arith.constant 0 : index
        %get3A_856 = tpu.vector_load %arg10[%get3A_854, %get3A_855] {strides = array<i32>} : memref<104x256xf32, #tpu.memory_space<vmem>>, vector<1x16xf32>,
        %get3A_857 = vector.shape_cast %get3A_856 : vector<1x16xf32> to vector<16xf32>
        %mul3A_858 = arith.constant 2 : i32
        %mul3A_859 = arith.muli %mul3A_858, %scan3A_621 : i32
        %add3A_860 = arith.constant 1 : i32
        %add3A_861 = arith.addi %mul3A_859, %add3A_860 : i32
        %add3A_862 = arith.constant 1 : i32
        %add3A_863 = arith.addi %add3A_861, %add3A_862 : i32
        %sub3A_864 = arith.constant 100 : i32
        %sub3A_865 = arith.subi %add3A_863, %sub3A_864 : i32
        %get3A_866 = arith.index_cast %sub3A_865 : i32 to index
        %get3A_867 = arith.constant 64 : index
        %get3A_868 = tpu.vector_load %arg10[%get3A_866, %get3A_867] {strides = array<i32>} : memref<104x256xf32, #tpu.memory_space<vmem>>, vector<1x16xf32>,
        %get3A_869 = vector.shape_cast %get3A_868 : vector<1x16xf32> to vector<16xf32>
        %mul3A_870 = arith.constant 2 : i32
        %mul3A_871 = arith.muli %mul3A_870, %scan3A_621 : i32
        %add3A_872 = arith.constant 1 : i32
        %add3A_873 = arith.addi %mul3A_871, %add3A_872 : i32
        %add3A_874 = arith.constant 2 : i32
        %add3A_875 = arith.addi %add3A_873, %add3A_874 : i32
        %sub3A_876 = arith.constant 100 : i32
        %sub3A_877 = arith.subi %add3A_875, %sub3A_876 : i32
        %get3A_878 = arith.index_cast %sub3A_877 : i32 to index
        %get3A_879 = arith.constant 128 : index
        %get3A_880 = tpu.vector_load %arg10[%get3A_878, %get3A_879] {strides = array<i32>} : memref<104x256xf32, #tpu.memory_space<vmem>>, vector<1x16xf32>,
        %get3A_881 = vector.shape_cast %get3A_880 : vector<1x16xf32> to vector<16xf32>
        %mul3A_882 = arith.constant 2 : i32
        %mul3A_883 = arith.muli %mul3A_882, %scan3A_621 : i32
        %add3A_884 = arith.constant 1 : i32
        %add3A_885 = arith.addi %mul3A_883, %add3A_884 : i32
        %add3A_886 = arith.constant 3 : i32
        %add3A_887 = arith.addi %add3A_885, %add3A_886 : i32
        %sub3A_888 = arith.constant 100 : i32
        %sub3A_889 = arith.subi %add3A_887, %sub3A_888 : i32
        %get3A_890 = arith.index_cast %sub3A_889 : i32 to index
        %get3A_891 = arith.constant 192 : index
        %get3A_892 = tpu.vector_load %arg10[%get3A_890, %get3A_891] {strides = array<i32>} : memref<104x256xf32, #tpu.memory_space<vmem>>, vector<1x16xf32>,
        %get3A_893 = vector.shape_cast %get3A_892 : vector<1x16xf32> to vector<16xf32>
        %add3A_894 = arith.addf %get3A_857, %get3A_869 : vector<16xf32>
        %add3A_895 = arith.addf %add3A_894, %get3A_881 : vector<16xf32>
        %add3A_896 = arith.addf %add3A_895, %get3A_893 : vector<16xf32>
        %swap3A_897 = arith.index_cast %scan3A_621 : i32 to index
        %swap3A_898 = arith.constant 64 : index
        %swap3A_899 = tpu.vector_load %arg11[%swap3A_897, %swap3A_898] {strides = array<i32>} : memref<100x128xf32, #tpu.memory_space<vmem>>, vector<1x16xf32>,
        %swap3A_900 = vector.shape_cast %swap3A_899 : vector<1x16xf32> to vector<16xf32>
        %swap3A_901 = vector.shape_cast %add3A_896 : vector<16xf32> to vector<1x16xf32>
        tpu.vector_store %arg11[%swap3A_897, %swap3A_898], %swap3A_901 {strides = array<i32>} : memref<100x128xf32, #tpu.memory_space<vmem>>, vector<1x16xf32>,
        %mul3A_902 = arith.constant 2 : i32
        %mul3A_903 = arith.muli %mul3A_902, %scan3A_621 : i32
        %add3A_904 = arith.constant 1 : i32
        %add3A_905 = arith.addi %mul3A_903, %add3A_904 : i32
        %add3A_906 = arith.constant 0 : i32
        %add3A_907 = arith.addi %add3A_905, %add3A_906 : i32
        %sub3A_908 = arith.constant 100 : i32
        %sub3A_909 = arith.subi %add3A_907, %sub3A_908 : i32
        %get3A_910 = arith.index_cast %sub3A_909 : i32 to index
        %get3A_911 = arith.constant 16 : index
        %get3A_912 = tpu.vector_load %arg10[%get3A_910, %get3A_911] {strides = array<i32>} : memref<104x256xf32, #tpu.memory_space<vmem>>, vector<1x16xf32>,
        %get3A_913 = vector.shape_cast %get3A_912 : vector<1x16xf32> to vector<16xf32>
        %mul3A_914 = arith.constant 2 : i32
        %mul3A_915 = arith.muli %mul3A_914, %scan3A_621 : i32
        %add3A_916 = arith.constant 1 : i32
        %add3A_917 = arith.addi %mul3A_915, %add3A_916 : i32
        %add3A_918 = arith.constant 1 : i32
        %add3A_919 = arith.addi %add3A_917, %add3A_918 : i32
        %sub3A_920 = arith.constant 100 : i32
        %sub3A_921 = arith.subi %add3A_919, %sub3A_920 : i32
        %get3A_922 = arith.index_cast %sub3A_921 : i32 to index
        %get3A_923 = arith.constant 80 : index
        %get3A_924 = tpu.vector_load %arg10[%get3A_922, %get3A_923] {strides = array<i32>} : memref<104x256xf32, #tpu.memory_space<vmem>>, vector<1x16xf32>,
        %get3A_925 = vector.shape_cast %get3A_924 : vector<1x16xf32> to vector<16xf32>
        %mul3A_926 = arith.constant 2 : i32
        %mul3A_927 = arith.muli %mul3A_926, %scan3A_621 : i32
        %add3A_928 = arith.constant 1 : i32
        %add3A_929 = arith.addi %mul3A_927, %add3A_928 : i32
        %add3A_930 = arith.constant 2 : i32
        %add3A_931 = arith.addi %add3A_929, %add3A_930 : i32
        %sub3A_932 = arith.constant 100 : i32
        %sub3A_933 = arith.subi %add3A_931, %sub3A_932 : i32
        %get3A_934 = arith.index_cast %sub3A_933 : i32 to index
        %get3A_935 = arith.constant 144 : index
        %get3A_936 = tpu.vector_load %arg10[%get3A_934, %get3A_935] {strides = array<i32>} : memref<104x256xf32, #tpu.memory_space<vmem>>, vector<1x16xf32>,
        %get3A_937 = vector.shape_cast %get3A_936 : vector<1x16xf32> to vector<16xf32>
        %mul3A_938 = arith.constant 2 : i32
        %mul3A_939 = arith.muli %mul3A_938, %scan3A_621 : i32
        %add3A_940 = arith.constant 1 : i32
        %add3A_941 = arith.addi %mul3A_939, %add3A_940 : i32
        %add3A_942 = arith.constant 3 : i32
        %add3A_943 = arith.addi %add3A_941, %add3A_942 : i32
        %sub3A_944 = arith.constant 100 : i32
        %sub3A_945 = arith.subi %add3A_943, %sub3A_944 : i32
        %get3A_946 = arith.index_cast %sub3A_945 : i32 to index
        %get3A_947 = arith.constant 208 : index
        %get3A_948 = tpu.vector_load %arg10[%get3A_946, %get3A_947] {strides = array<i32>} : memref<104x256xf32, #tpu.memory_space<vmem>>, vector<1x16xf32>,
        %get3A_949 = vector.shape_cast %get3A_948 : vector<1x16xf32> to vector<16xf32>
        %add3A_950 = arith.addf %get3A_913, %get3A_925 : vector<16xf32>
        %add3A_951 = arith.addf %add3A_950, %get3A_937 : vector<16xf32>
        %add3A_952 = arith.addf %add3A_951, %get3A_949 : vector<16xf32>
        %swap3A_953 = arith.index_cast %scan3A_621 : i32 to index
        %swap3A_954 = arith.constant 80 : index
        %swap3A_955 = tpu.vector_load %arg11[%swap3A_953, %swap3A_954] {strides = array<i32>} : memref<100x128xf32, #tpu.memory_space<vmem>>, vector<1x16xf32>,
        %swap3A_956 = vector.shape_cast %swap3A_955 : vector<1x16xf32> to vector<16xf32>
        %swap3A_957 = vector.shape_cast %add3A_952 : vector<16xf32> to vector<1x16xf32>
        tpu.vector_store %arg11[%swap3A_953, %swap3A_954], %swap3A_957 {strides = array<i32>} : memref<100x128xf32, #tpu.memory_space<vmem>>, vector<1x16xf32>,
        %mul3A_958 = arith.constant 2 : i32
        %mul3A_959 = arith.muli %mul3A_958, %scan3A_621 : i32
        %add3A_960 = arith.constant 1 : i32
        %add3A_961 = arith.addi %mul3A_959, %add3A_960 : i32
        %add3A_962 = arith.constant 0 : i32
        %add3A_963 = arith.addi %add3A_961, %add3A_962 : i32
        %sub3A_964 = arith.constant 100 : i32
        %sub3A_965 = arith.subi %add3A_963, %sub3A_964 : i32
        %get3A_966 = arith.index_cast %sub3A_965 : i32 to index
        %get3A_967 = arith.constant 32 : index
        %get3A_968 = tpu.vector_load %arg10[%get3A_966, %get3A_967] {strides = array<i32>} : memref<104x256xf32, #tpu.memory_space<vmem>>, vector<1x16xf32>,
        %get3A_969 = vector.shape_cast %get3A_968 : vector<1x16xf32> to vector<16xf32>
        %mul3A_970 = arith.constant 2 : i32
        %mul3A_971 = arith.muli %mul3A_970, %scan3A_621 : i32
        %add3A_972 = arith.constant 1 : i32
        %add3A_973 = arith.addi %mul3A_971, %add3A_972 : i32
        %add3A_974 = arith.constant 1 : i32
        %add3A_975 = arith.addi %add3A_973, %add3A_974 : i32
        %sub3A_976 = arith.constant 100 : i32
        %sub3A_977 = arith.subi %add3A_975, %sub3A_976 : i32
        %get3A_978 = arith.index_cast %sub3A_977 : i32 to index
        %get3A_979 = arith.constant 96 : index
        %get3A_980 = tpu.vector_load %arg10[%get3A_978, %get3A_979] {strides = array<i32>} : memref<104x256xf32, #tpu.memory_space<vmem>>, vector<1x16xf32>,
        %get3A_981 = vector.shape_cast %get3A_980 : vector<1x16xf32> to vector<16xf32>
        %mul3A_982 = arith.constant 2 : i32
        %mul3A_983 = arith.muli %mul3A_982, %scan3A_621 : i32
        %add3A_984 = arith.constant 1 : i32
        %add3A_985 = arith.addi %mul3A_983, %add3A_984 : i32
        %add3A_986 = arith.constant 2 : i32
        %add3A_987 = arith.addi %add3A_985, %add3A_986 : i32
        %sub3A_988 = arith.constant 100 : i32
        %sub3A_989 = arith.subi %add3A_987, %sub3A_988 : i32
        %get3A_990 = arith.index_cast %sub3A_989 : i32 to index
        %get3A_991 = arith.constant 160 : index
        %get3A_992 = tpu.vector_load %arg10[%get3A_990, %get3A_991] {strides = array<i32>} : memref<104x256xf32, #tpu.memory_space<vmem>>, vector<1x16xf32>,
        %get3A_993 = vector.shape_cast %get3A_992 : vector<1x16xf32> to vector<16xf32>
        %mul3A_994 = arith.constant 2 : i32
        %mul3A_995 = arith.muli %mul3A_994, %scan3A_621 : i32
        %add3A_996 = arith.constant 1 : i32
        %add3A_997 = arith.addi %mul3A_995, %add3A_996 : i32
        %add3A_998 = arith.constant 3 : i32
        %add3A_999 = arith.addi %add3A_997, %add3A_998 : i32
        %sub3A_1000 = arith.constant 100 : i32
        %sub3A_1001 = arith.subi %add3A_999, %sub3A_1000 : i32
        %get3A_1002 = arith.index_cast %sub3A_1001 : i32 to index
        %get3A_1003 = arith.constant 224 : index
        %get3A_1004 = tpu.vector_load %arg10[%get3A_1002, %get3A_1003] {strides = array<i32>} : memref<104x256xf32, #tpu.memory_space<vmem>>, vector<1x16xf32>,
        %get3A_1005 = vector.shape_cast %get3A_1004 : vector<1x16xf32> to vector<16xf32>
        %add3A_1006 = arith.addf %get3A_969, %get3A_981 : vector<16xf32>
        %add3A_1007 = arith.addf %add3A_1006, %get3A_993 : vector<16xf32>
        %add3A_1008 = arith.addf %add3A_1007, %get3A_1005 : vector<16xf32>
        %swap3A_1009 = arith.index_cast %scan3A_621 : i32 to index
        %swap3A_1010 = arith.constant 96 : index
        %swap3A_1011 = tpu.vector_load %arg11[%swap3A_1009, %swap3A_1010] {strides = array<i32>} : memref<100x128xf32, #tpu.memory_space<vmem>>, vector<1x16xf32>,
        %swap3A_1012 = vector.shape_cast %swap3A_1011 : vector<1x16xf32> to vector<16xf32>
        %swap3A_1013 = vector.shape_cast %add3A_1008 : vector<16xf32> to vector<1x16xf32>
        tpu.vector_store %arg11[%swap3A_1009, %swap3A_1010], %swap3A_1013 {strides = array<i32>} : memref<100x128xf32, #tpu.memory_space<vmem>>, vector<1x16xf32>,
        %mul3A_1014 = arith.constant 2 : i32
        %mul3A_1015 = arith.muli %mul3A_1014, %scan3A_621 : i32
        %add3A_1016 = arith.constant 1 : i32
        %add3A_1017 = arith.addi %mul3A_1015, %add3A_1016 : i32
        %add3A_1018 = arith.constant 0 : i32
        %add3A_1019 = arith.addi %add3A_1017, %add3A_1018 : i32
        %sub3A_1020 = arith.constant 100 : i32
        %sub3A_1021 = arith.subi %add3A_1019, %sub3A_1020 : i32
        %get3A_1022 = arith.index_cast %sub3A_1021 : i32 to index
        %get3A_1023 = arith.constant 48 : index
        %get3A_1024 = tpu.vector_load %arg10[%get3A_1022, %get3A_1023] {strides = array<i32>} : memref<104x256xf32, #tpu.memory_space<vmem>>, vector<1x16xf32>,
        %get3A_1025 = vector.shape_cast %get3A_1024 : vector<1x16xf32> to vector<16xf32>
        %mul3A_1026 = arith.constant 2 : i32
        %mul3A_1027 = arith.muli %mul3A_1026, %scan3A_621 : i32
        %add3A_1028 = arith.constant 1 : i32
        %add3A_1029 = arith.addi %mul3A_1027, %add3A_1028 : i32
        %add3A_1030 = arith.constant 1 : i32
        %add3A_1031 = arith.addi %add3A_1029, %add3A_1030 : i32
        %sub3A_1032 = arith.constant 100 : i32
        %sub3A_1033 = arith.subi %add3A_1031, %sub3A_1032 : i32
        %get3A_1034 = arith.index_cast %sub3A_1033 : i32 to index
        %get3A_1035 = arith.constant 112 : index
        %get3A_1036 = tpu.vector_load %arg10[%get3A_1034, %get3A_1035] {strides = array<i32>} : memref<104x256xf32, #tpu.memory_space<vmem>>, vector<1x16xf32>,
        %get3A_1037 = vector.shape_cast %get3A_1036 : vector<1x16xf32> to vector<16xf32>
        %mul3A_1038 = arith.constant 2 : i32
        %mul3A_1039 = arith.muli %mul3A_1038, %scan3A_621 : i32
        %add3A_1040 = arith.constant 1 : i32
        %add3A_1041 = arith.addi %mul3A_1039, %add3A_1040 : i32
        %add3A_1042 = arith.constant 2 : i32
        %add3A_1043 = arith.addi %add3A_1041, %add3A_1042 : i32
        %sub3A_1044 = arith.constant 100 : i32
        %sub3A_1045 = arith.subi %add3A_1043, %sub3A_1044 : i32
        %get3A_1046 = arith.index_cast %sub3A_1045 : i32 to index
        %get3A_1047 = arith.constant 176 : index
        %get3A_1048 = tpu.vector_load %arg10[%get3A_1046, %get3A_1047] {strides = array<i32>} : memref<104x256xf32, #tpu.memory_space<vmem>>, vector<1x16xf32>,
        %get3A_1049 = vector.shape_cast %get3A_1048 : vector<1x16xf32> to vector<16xf32>
        %mul3A_1050 = arith.constant 2 : i32
        %mul3A_1051 = arith.muli %mul3A_1050, %scan3A_621 : i32
        %add3A_1052 = arith.constant 1 : i32
        %add3A_1053 = arith.addi %mul3A_1051, %add3A_1052 : i32
        %add3A_1054 = arith.constant 3 : i32
        %add3A_1055 = arith.addi %add3A_1053, %add3A_1054 : i32
        %sub3A_1056 = arith.constant 100 : i32
        %sub3A_1057 = arith.subi %add3A_1055, %sub3A_1056 : i32
        %get3A_1058 = arith.index_cast %sub3A_1057 : i32 to index
        %get3A_1059 = arith.constant 240 : index
        %get3A_1060 = tpu.vector_load %arg10[%get3A_1058, %get3A_1059] {strides = array<i32>} : memref<104x256xf32, #tpu.memory_space<vmem>>, vector<1x16xf32>,
        %get3A_1061 = vector.shape_cast %get3A_1060 : vector<1x16xf32> to vector<16xf32>
        %add3A_1062 = arith.addf %get3A_1025, %get3A_1037 : vector<16xf32>
        %add3A_1063 = arith.addf %add3A_1062, %get3A_1049 : vector<16xf32>
        %add3A_1064 = arith.addf %add3A_1063, %get3A_1061 : vector<16xf32>
        %swap3A_1065 = arith.index_cast %scan3A_621 : i32 to index
        %swap3A_1066 = arith.constant 112 : index
        %swap3A_1067 = tpu.vector_load %arg11[%swap3A_1065, %swap3A_1066] {strides = array<i32>} : memref<100x128xf32, #tpu.memory_space<vmem>>, vector<1x16xf32>,
        %swap3A_1068 = vector.shape_cast %swap3A_1067 : vector<1x16xf32> to vector<16xf32>
        %swap3A_1069 = vector.shape_cast %add3A_1064 : vector<16xf32> to vector<1x16xf32>
        tpu.vector_store %arg11[%swap3A_1065, %swap3A_1066], %swap3A_1069 {strides = array<i32>} : memref<100x128xf32, #tpu.memory_space<vmem>>, vector<1x16xf32>,
        %scan3A_1070 = arith.constant 0 : i32
        scf.yield %scan3A_1070 : i32
      }
      %scan3A_159 = arith.constant 50 : i32
      %add3A_160 = arith.constant 1 : i32
      %add3A_161 = arith.addi %mul3A_44, %add3A_160 : i32
      %add3A_162 = arith.addi %mul3A_2, %add3A_161 : i32
      %dma_start3A_163 = arith.constant 0 : i32
      %dma_start3A_164 = arith.constant 0 : i32
      %dma_start3A_165 = tpu.memref_slice %arg4[%add3A_162, %dma_start3A_163, %dma_start3A_164] : memref<1024x100x128xf32, #tpu.memory_space<hbm>> -> memref<1x100x128xf32, #tpu.memory_space<hbm>>
      %dma_start3A_166 = tpu.memref_squeeze %dma_start3A_165 : memref<1x100x128xf32, #tpu.memory_space<hbm>> -> memref<100x128xf32, #tpu.memory_space<hbm>>
      %dma_start3A_167 = arith.constant 0 : i32
      %dma_start3A_168 = arith.constant 0 : i32
      %dma_start3A_169 = tpu.memref_slice %arg4[%add3A_162, %dma_start3A_167, %dma_start3A_168] : memref<1024x100x128xf32, #tpu.memory_space<hbm>> -> memref<1x100x128xf32, #tpu.memory_space<hbm>>
      %dma_start3A_170 = tpu.memref_squeeze %dma_start3A_169 : memref<1x100x128xf32, #tpu.memory_space<hbm>> -> memref<100x128xf32, #tpu.memory_space<hbm>>
      tpu.enqueue_dma source(%arg11 : memref<100x128xf32, #tpu.memory_space<vmem>>) target(%dma_start3A_170 : memref<100x128xf32, #tpu.memory_space<hbm>>) target_semaphore(%arg16 : memref<!tpu.dma_semaphore, #tpu.memory_space<semaphore_mem>>)
      %scan3A_171 = arith.constant 0 : i32
      scf.yield %scan3A_171 : i32
    }
    %scan3A_31 = arith.constant 16 : i32
    %add3A_32 = arith.constant 31 : i32
    %add3A_33 = arith.addi %mul3A_2, %add3A_32 : i32
    %dma_wait3A = arith.constant 0 : i32
    %dma_wait3A_34 = arith.constant 0 : i32
    %dma_wait3A_35 = tpu.memref_slice %arg4[%add3A_33, %dma_wait3A, %dma_wait3A_34] : memref<1024x100x128xf32, #tpu.memory_space<hbm>> -> memref<1x100x128xf32, #tpu.memory_space<hbm>>
    %dma_wait3A_36 = tpu.memref_squeeze %dma_wait3A_35 : memref<1x100x128xf32, #tpu.memory_space<hbm>> -> memref<100x128xf32, #tpu.memory_space<hbm>>
    %dma_wait3A_37 = arith.constant 0 : i32
    %dma_wait3A_38 = arith.constant 0 : i32
    %dma_wait3A_39 = tpu.memref_slice %arg4[%add3A_33, %dma_wait3A_37, %dma_wait3A_38] : memref<1024x100x128xf32, #tpu.memory_space<hbm>> -> memref<1x100x128xf32, #tpu.memory_space<hbm>>
    %dma_wait3A_40 = tpu.memref_squeeze %dma_wait3A_39 : memref<1x100x128xf32, #tpu.memory_space<hbm>> -> memref<100x128xf32, #tpu.memory_space<hbm>>
    tpu.wait_dma2 semaphore(%arg16 : memref<!tpu.dma_semaphore, #tpu.memory_space<semaphore_mem>>) src(%arg11 : memref<100x128xf32, #tpu.memory_space<vmem>>) dst(%dma_wait3A_40 : memref<100x128xf32, #tpu.memory_space<hbm>>)
    return
  }
}

</mosaic_0001>

<sc_bundles>
// kernel: kernel.3.cloned.1.call-start
scs
__scs_entry_jumppad:
0x0: {  	(pc) =	sbr.rel $0x88, $3  }
0x1: {  	(tag) =	ssettag $0x0;
	lr =	simm.s32 $0x1  }
0x2: {  	[smem:$0x3F9F] =	sst lr;
	_ =	strace $0xD0000000  }
0x3: {  	_ = 	snop  }
0x4: {  	_ = 	snop  }
0x5: {  	_ = 	snop  }
0x6: {  	_ = 	snop  }
0x7: {  	_ = 	snop  }
__scs_overlays_trampoline_lowered:
0x8: {  	[smem:$0x3FAE] =	sst s0  }
0x9: {  	[smem:$0x3FAF] =	sst s1  }
0xa: {  	[smem:$0x3FB0] =	sst s2  }
0xb: {  	[smem:$0x3FB1] =	sst s3  }
0xc: {  	[smem:$0x3FB2] =	sst s4  }
0xd: {  	[smem:$0x3FB3] =	sst s5  }
0xe: {  	[smem:$0x3FB4] =	sst s6  }
0xf: {  	[smem:$0x3FB5] =	sst s7  }
0x10: {  	[smem:$0x3FB6] =	sst s8  }
0x11: {  	[smem:$0x3FB7] =	sst s9;
	s0 =	simm.s32 @!p0 $0x0  }
0x12: {  	s1 =	sld [smem:$0x3F9D];
	s0 =	simm.s32 @p0 $0x1  }
0x13: {  	[smem:$0x3FB8] =	sst s0;
	s0 =	simm.s32 @!p1 $0x0  }
0x14: {  	s2 =	sld [smem:$0x3F9C];
	s0 =	simm.s32 @p1 $0x1  }
0x15: {  	[smem:$0x3FB9] =	sst s0;
	s0 =	simm.s32 @!p2 $0x0  }
0x16: {  	s3 =	sld [smem:$0x3FDB];
	s0 =	simm.s32 @p2 $0x1  }
0x17: {  	s4 =	simm.s32 $0x1BF5;
	[smem:$0x3FBB] =	sst s0  }
0x18: {  	s0 =	sld [smem:$0x3F9E];
	_ =	swait.ge [sflag:s4], $0x0  }
0x19: {  	s7 =	sld [smem:$0x3F9F]  }
0x1a: {  	s8 =	sadd.s32 $0xFFFFE003, lr  }
0x1b: {  	s9 =	sadd.s32 $0xFFFFFEF7, lr;
	s5 =	simm.s32 $0xFFFFFFFF;
	p2 =	slt.u32 s8, $0xFFFFF086  }
0x1c: {  	p1 =	slt.u32 s9, $0xF7A;
	s5 =	simm.s32 @!p2 $0x0  }
0x1d: {  	s5 =	simm.s32 @p1 $0x1;
	p0 =	seq.s32 s7, s2  }
0x1e: {  	s7 =	smul.u32 @!p0 $0xF7A, s2;
	p2 =	seq.s32 @!p0 s5, $0x0  }
0x1f: {  	s9 =	smul.u32 $0xF7A, s1;
	s8 =	simm.s32 @!p0 $0x1BF5;
	p2 =	por !p2, p0  }
0x20: {  	[sflag:s8] =	ssyncset.s32 @!p0 $0xFFFFF086;
	s6 =	sadd.s32 @!p0 s3, s7;
	s7 =	simm.s32 @!p0 $0x108  }
0x21: {  	s3 =	sadd.s32 s3, s9;
	s6 =	sadd.s32 @!p0 $0x88, s6;
	s7 =	simm.s32 @p2 $0x1082  }
0x22: {  	[simem:s7], [sflag:s8] =	dma.local @!p0 [hbm:s6], $0xF7A  }
0x23: {  	s9 =	sor.u32 $0xD0000000, s2;
	s6 =	simm.s32 $0x108;
	_ =	swait.ge @!p0 [sflag:s8], $0x0  }
0x24: {  	s3 =	sadd.s32 $0x88, s3;
	s6 =	simm.s32 @!p1 $0x1082;
	[sflag:s4] =	ssyncset.s32 $0xFFFFF086  }
0x25: {  	[simem:s6], [sflag:s4] =	dma.local [hbm:s3], $0xF7A  }
0x26: {  	[smem:$0x3F9F] =	sst s1;
	(tag) =	ssettag s2;
	_ =	strace s9  }
0x27: {  	s1 =	sld [smem:$0x3FAF]  }
0x28: {  	s2 =	sld [smem:$0x3FB0]  }
0x29: {  	s4 =	sld [smem:$0x3FB2]  }
0x2a: {  	p0 =	seq.s32 s5, $0x0;
	s5 =	sld [smem:$0x3FB3]  }
0x2b: {  	s6 =	sld [smem:$0x3FB4]  }
0x2c: {  	s7 =	sld [smem:$0x3FB5]  }
0x2d: {  	s3 =	simm.s32 $0x108;
	s8 =	sld [smem:$0x3FB6]  }
0x2e: {  	s3 =	simm.s32 @!p0 $0x1082;
	s9 =	sld [smem:$0x3FB7]  }
0x2f: {  	lr =	sadd.s32 s0, s3;
	s0 =	sld [smem:$0x3FAE]  }
0x30: {  	s3 =	sld [smem:$0x3FB1]  }
0x31: {  	[smem:$0x3FBA] =	sst s10  }
0x32: {  	s10 =	sld [smem:$0x3FB8];
	_ =	sdelay $0x3  }
0x33: {  	p0 =	seq.s32 s10, $0x1;
	s10 =	sld [smem:$0x3FBA];
	_ =	sdelay $0x3  }
0x34: {  	[smem:$0x3FBA] =	sst s10  }
0x35: {  	s10 =	sld [smem:$0x3FB9];
	_ =	sdelay $0x3  }
0x36: {  	p1 =	seq.s32 s10, $0x1;
	s10 =	sld [smem:$0x3FBA];
	_ =	sdelay $0x3  }
0x37: {  	[smem:$0x3FBA] =	sst s10  }
0x38: {  	s10 =	sld [smem:$0x3FBB]  }
0x39: {  	_ = 	snop;
	(pc) =	sbr.ind lr, $3  }
0x3a: {  	_ = 	snop  }
0x3b: {  	_ = 	snop  }
0x3c: {  	p2 =	seq.s32 s10, $0x1;
	s10 =	sld [smem:$0x3FBA]  }
0x3d: {  	_ =	shalt  }
0x3e: {  	_ =	shalt  }
0x3f: {  	_ =	shalt  }
0x40: {  	_ =	shalt  }
0x41: {  	_ =	shalt  }
0x42: {  	_ =	shalt  }
0x43: {  	_ =	shalt  }
0x44: {  	_ =	shalt  }
0x45: {  	_ =	shalt  }
0x46: {  	_ =	shalt  }
0x47: {  	_ =	shalt  }
0x48: {  	_ =	shalt  }
0x49: {  	_ =	shalt  }
0x4a: {  	_ =	shalt  }
0x4b: {  	_ =	shalt  }
0x4c: {  	_ =	shalt  }
0x4d: {  	_ =	shalt  }
0x4e: {  	_ =	shalt  }
0x4f: {  	_ =	shalt  }
0x50: {  	_ =	shalt  }
0x51: {  	_ =	shalt  }
0x52: {  	_ =	shalt  }
0x53: {  	_ =	shalt  }
0x54: {  	_ =	shalt  }
0x55: {  	_ =	shalt  }
0x56: {  	_ =	shalt  }
0x57: {  	_ =	shalt  }
0x58: {  	_ =	shalt  }
0x59: {  	_ =	shalt  }
0x5a: {  	_ =	shalt  }
0x5b: {  	_ =	shalt  }
0x5c: {  	_ =	shalt  }
0x5d: {  	_ =	shalt  }
0x5e: {  	_ =	shalt  }
0x5f: {  	_ =	shalt  }
0x60: {  	_ =	shalt  }
0x61: {  	_ =	shalt  }
0x62: {  	_ =	shalt  }
0x63: {  	_ =	shalt  }
0x64: {  	_ =	shalt  }
0x65: {  	_ =	shalt  }
0x66: {  	_ =	shalt  }
0x67: {  	_ =	shalt  }
0x68: {  	_ =	shalt  }
0x69: {  	_ =	shalt  }
0x6a: {  	_ =	shalt  }
0x6b: {  	_ =	shalt  }
0x6c: {  	_ =	shalt  }
0x6d: {  	_ =	shalt  }
0x6e: {  	_ =	shalt  }
0x6f: {  	_ =	shalt  }
0x70: {  	_ =	shalt  }
0x71: {  	_ =	shalt  }
0x72: {  	_ =	shalt  }
0x73: {  	_ =	shalt  }
0x74: {  	_ =	shalt  }
0x75: {  	_ =	shalt  }
0x76: {  	_ =	shalt  }
0x77: {  	_ =	shalt  }
0x78: {  	_ =	shalt  }
0x79: {  	_ =	shalt  }
0x7a: {  	_ =	shalt  }
0x7b: {  	_ =	shalt  }
0x7c: {  	_ =	shalt  }
0x7d: {  	_ =	shalt  }
0x7e: {  	_ =	shalt  }
0x7f: {  	_ =	shalt  }
0x80: {  	_ =	shalt  }
0x81: {  	_ =	shalt  }
0x82: {  	_ =	shalt  }
0x83: {  	_ =	shalt  }
0x84: {  	_ =	shalt  }
0x85: {  	_ =	shalt  }
0x86: {  	_ =	shalt  }
0x87: {  	_ =	shalt  }
.Lfunc_end0:
.L_simem_size_0:
called_computation_lowered:
.L_overlay_start_0:
0x88: {  	s2 =	sld [smem:$0x3FD9]  }
0x89: {  	s3 =	sld [smem:$0x3FFE];
	_ =	sdelay $0x1  }
0x8a: {  	s1 =	srdreg.scid  }
0x8b: {  	s0 =	sand.u32 $0x1, s1  }
0x8c: {  	s17 =	sshll.u32 s0, $0xA;
	s2 =	sadd.s32 s3, s2  }
0x8d: {  	s2 =	sadd.s32 s2, s17  }
0x8e: {  	[smem:$0x3FC6] =	sst s2  }
0x8f: {  	_ = 	snop  }
0x90: {  	s2 =	sld [smem:$0x3FD0];
	(tm) =	ssettm $0x1  }
0x91: {  	s18 =	sld [smem:$0x3FFB];
	_ =	sdelay $0x3  }
0x92: {  	_ =	strace s18  }
0x93: {  	s3 =	sld [smem:$0x3FFC];
	_ =	sdelay $0x3  }
0x94: {  	_ =	strace s3  }
0x95: {  	s3 =	sld [smem:$0x3FFD];
	_ =	sdelay $0x3  }
0x96: {  	_ =	strace s3  }
0x97: {  	_ =	strace $0x8FFFFFFF  }
0x98: {  	s19 =	sld [smem:$0x3FDB];
	_ =	sdelay $0x1  }
0x99: {  	s4 =	simm.s32 $_scs_section_size  }
0x9a: {  	s5 =	simm.s32 $_size__tile_overlayer_lowered;
	s6 =	simm.s32 $_tile_overlayer_lowered  }
0x9b: {  	s22 =	simm.s32 $0x1BFF;
	s21 =	sshll.u32 s6, $0x1;
	s3 =	sadd.s32 s4, s19  }
0x9c: {  	s7 =	simm.s32 $0x0;
	s20 =	sshll.u32 s5, $0x1;
	s5 =	sadd.s32 s21, s3  }
0x9d: {  	[timem:s7], [sflag:s22] =	dma.local [hbm:s5], s20  }
0x9e: {  	_ =	swait.ge [sflag:s22], s20  }
0x9f: {  	s4 =	ssub.s32 $0x0, s20;
	[sflag:s22] =	ssyncset.done $0x0  }
0xa0: {  	[sflag:s22] =	ssyncadd.s32 s4;
	_ =	sdelay $0x1  }
0xa1: {  	s23 =	simm.s32 $0x1B8B  }
0xa2: {  	_ =	swait.ge [sflag:s23], $0x1  }
0xa3: {  	[sflag:s23] =	ssyncset.done $0x0  }
0xa4: {  	s25 =	simm.s32 $0x1B8E;
	s24 =	sld [smem:$0x3FFE];
	[sflag:s23] =	ssyncadd.s32 $0xFFFFFFFF  }
0xa5: {  	s26 =	simm.s32 $execute0_lowered;
	[smem:$0x3FD2] =	sst s25  }
0xa6: {  	s5 =	sshll.u32 s26, $0x1;
	_ =	strace $0x80000046;
	[dreg:$0x1] =	wrdreg $0xFFFFFFFF  }
0xa7: {  	s28 =	simm.s32 $_size_execute0_lowered;
	s3 =	sadd.s32 s3, s5;
	[dreg:$0x0] =	wrdreg $0x0  }
0xa8: {  	s5 =	sshll.u32 s28, $0x1;
	[dreg:$0x2] =	wrdreg s3  }
0xa9: {  	[dreg:$0x3] =	wrdreg s5  }
0xaa: {  	[dreg:$0x4] =	wrdreg $0xC0  }
0xab: {  	_ =	task [dreg:s7], $0x5FFFF  }
0xac: {  	[dreg:$0x1] =	wrdreg $0xFFFFFFFF  }
0xad: {  	[dreg:$0x0] =	wrdreg $0x60  }
0xae: {  	[dreg:$0x2] =	wrdreg s2  }
0xaf: {  	[dreg:$0x3] =	wrdreg s24  }
0xb0: {  	[dreg:$0x4] =	wrdreg $0x9  }
0xb1: {  	_ =	task.clear_ibuf [dreg:s7], $0x5FFFF;
	_ =	strace $0x90000046  }
0xb2: {  	s29 =	simm.s32 $0x9;
	_ =	strace $0x80000048  }
0xb3: {  	_ =	swait.ge [sflag:s29], $0x1  }
0xb4: {  	[sflag:s29] =	ssyncadd.s32 $0xFFFFFFFF  }
0xb5: {  	_ =	strace $0x90000048  }
0xb6: {  	_ =	sfence  }
0xb7: {  	s30 =	sld [smem:$0x0];
	_ =	sdelay $0x2  }
0xb8: {  	s31 =	sshll.u32 s1, $0xD;
	s1 =	sshrl.u32 s1, $0x2  }
0xb9: {  	s3 =	sand.u32 $0x4000, s31;
	s1 =	sadd.s32 s1, s30  }
0xba: {  	s0 =	sor.u32 s3, s0;
	s1 =	sshll.u32 s1, $0x11  }
0xbb: {  	s0 =	sor.u32 s1, s0  }
0xbc: {  	s0 =	sadd.s32 $0x8F2B, s0  }
0xbd: {  	[sflag:s0] =	ssyncadd.remote.s32 $0x1  }
0xbe: {  	_ =	sfence.sel $0xFFFF  }
0xbf: {  	[dreg:$0x0] =	wrdreg $0xFFFFFFFF;
	(pc) =	sbr.abs _section_cstart, $3  }
0xc0: {  	[dreg:$0x1] =	wrdreg $0xFFFFFFFF  }
0xc1: {  	_ =	task.clear_ibuf [dreg:s7], $0x2FFFF;
	_ =	strace $0x9FFFFFFF  }
0xc2: {  	(tm) =	ssettm $0x7FFFFFFF  }
0xc3: {  	_ =	shalt  }
tec
execute0_lowered:
.L_overlay_start_1:
0x0: {  	(tag) =	ssettag $0x1  }
0x1: {  	s7 =	rddreg [dreg:$0x0]  }
0x2: {  	s0 =	rddreg [dreg:$0x1];
	s1 =	srdreg.scid;
	s3 =	simm.s32 $0x0  }
0x3: {  	s2 =	stileid.u32;
	s16 =	simm.s32 $0x2;
	s19 =	simm.s32 $0x3  }
0x4: {  	s21 =	simm.s32 $0x1A200;
	s1 =	sand.u32 $0x1, s1;
	[smem:$0x7FF] =	sst s3  }
0x5: {  	s2 =	sshll.u32 s2, $0x6;
	s5 =	sadd.s32 $0x600, s0;
	s4 =	sshll.u32 s1, $0x5  }
0x6: {  	s6 =	sadd.s32 $0x30DA00, s0;
	s1 =	ssub.s32 $0x2, s1;
	s4 =	sor.u32 s4, s2  }
0x7: {  	_ =	strace $0x80000047;
	s26 =	sshrl.u32 s1, $0x1;
	s29 =	sor.u32 $0x2, s4  }
0x8: {  	s2 =	sshll.u32 s4, $0x5;
	s30 =	sor.u32 $0x3, s4;
	[dreg:$0x5] =	wrdreg s29  }
0x9: {  	s0 =	ssub.s32 s1, s26;
	s2 =	sadd.s32 s7, s2;
	[dreg:$0x6] =	wrdreg s30  }
0xa: {  	v2 =	vlaneseq.u32;
	s22 =	simm.s32 $0x4;
	s0 =	smax.u32 s0, $0x1;
	[dreg:$0x3] =	wrdreg s2  }
0xb: {  	vm0 =	vmmov $0xffff;
	s23 =	simm.s32 $0x5;
	v1 =	vshrl.u32 v2, $0x3;
	s28 =	sadd.s32 $0x20, s2;
	[dreg:$0x7] =	wrdreg s0  }
0xc: {  	s31 =	simm.s32 $0x500;
	v0 =	vand.u32 $0x7, v2;
	v2 =	vor.u32 $0x8, v2;
	v1 =	vmul.u32 $0x8, v1;
	s1 =	simm.s32 $0x0;
	[dreg:$0x4] =	wrdreg s28  }
.LBB2_1:
0xd: {  	[dreg:$0x8] =	wrdreg s1  }
0xe: {  	s0 =	rddreg [dreg:$0x3];
	s17 =	simm.s32 $0x6  }
0xf: {  	[tilespmem:s3], [sflag:$0x6] =	stream.linear.gather [hbm4b:s0+s3], $0x100, $0x38;
	[tilespmem:$0x1D600] =	vst v63  }
0x10: {  	_ =	swait.ge [sflag:s17], $0x100  }
0x11: {  	[sflag:s17] =	ssyncset.done $0x0  }
0x12: {  	[sflag:s17] =	ssyncadd.s32 $0xFFFFFF00  }
0x13: {  	v3 =	vld [tilespmem:$0x0];
	_ =	sdelay $0x4  }
0x14: {  	v4 =	vshll.u32 v3, $0x1  }
0x15: {  	v3 =	vand.u32 $0x7, v3;
	v4 =	vand.u32 $0xFFFFFFF0, v4  }
0x16: {  	v3 =	vor.u32 v3, v4  }
0x17: {  	v4 =	vperm.xlane v3, v0;
	_ =	sdelay $0x1  }
0x18: {  	v3 =	vperm.xlane v3, v2;
	v4 =	vadd.s32 v1, v4;
	_ =	sdelay $0x1  }
0x19: {  	v3 =	vadd.s32 v1, v3;
	_ =	sdelay $0x1  }
0x1a: {  	s18 =	simm.s32 $0x200  }
0x1b: {  	[tilespmem:s18], [sflag:$0x3] =	stream.indirect_vreg.gather [hbm4b:s5+s3], $0x80, v4, vm0, $0xb8;
	[tilespmem:$0x1D600] =	vst v63  }
0x1c: {  	s20 =	simm.s32 $0xA00  }
0x1d: {  	[tilespmem:s20], [sflag:$0x3] =	stream.indirect_vreg.gather [hbm4b:s5+s3], $0x80, v3, vm0, $0xb8;
	[tilespmem:$0x1D600] =	vst v63  }
0x1e: {  	v3 =	vld [tilespmem:$0x10];
	_ =	sdelay $0x4  }
0x1f: {  	v51 =	vshll.u32 v3, $0x1  }
0x20: {  	v3 =	vand.u32 $0x7, v3;
	v4 =	vand.u32 $0xFFFFFFF0, v51  }
0x21: {  	v3 =	vor.u32 v3, v4  }
0x22: {  	v4 =	vperm.xlane v3, v0;
	_ =	sdelay $0x1  }
0x23: {  	v3 =	vperm.xlane v3, v2;
	v4 =	vadd.s32 v1, v4;
	_ =	sdelay $0x1  }
0x24: {  	v3 =	vadd.s32 v1, v3;
	_ =	sdelay $0x1  }
0x25: {  	s24 =	simm.s32 $0x1200  }
0x26: {  	[tilespmem:s24], [sflag:$0x3] =	stream.indirect_vreg.gather [hbm4b:s5+s3], $0x80, v4, vm0, $0xb8;
	[tilespmem:$0x1D600] =	vst v63  }
0x27: {  	s25 =	simm.s32 $0x1A00  }
0x28: {  	[tilespmem:s25], [sflag:$0x3] =	stream.indirect_vreg.gather [hbm4b:s5+s3], $0x80, v3, vm0, $0xb8;
	[tilespmem:$0x1D600] =	vst v63  }
0x29: {  	v3 =	vld [tilespmem:$0x20];
	_ =	sdelay $0x4  }
0x2a: {  	v52 =	vshll.u32 v3, $0x1  }
0x2b: {  	v3 =	vand.u32 $0x7, v3;
	v4 =	vand.u32 $0xFFFFFFF0, v52  }
0x2c: {  	v3 =	vor.u32 v3, v4  }
0x2d: {  	v4 =	vperm.xlane v3, v0;
	_ =	sdelay $0x1  }
0x2e: {  	v3 =	vperm.xlane v3, v2;
	v4 =	vadd.s32 v1, v4;
	_ =	sdelay $0x1  }
0x2f: {  	v3 =	vadd.s32 v1, v3;
	_ =	sdelay $0x1  }
0x30: {  	s26 =	simm.s32 $0x2200  }
0x31: {  	[tilespmem:s26], [sflag:$0x3] =	stream.indirect_vreg.gather [hbm4b:s5+s3], $0x80, v4, vm0, $0xb8;
	[tilespmem:$0x1D600] =	vst v63  }
0x32: {  	s28 =	simm.s32 $0x2A00  }
0x33: {  	[tilespmem:s28], [sflag:$0x3] =	stream.indirect_vreg.gather [hbm4b:s5+s3], $0x80, v3, vm0, $0xb8;
	[tilespmem:$0x1D600] =	vst v63  }
0x34: {  	v3 =	vld [tilespmem:$0x30];
	_ =	sdelay $0x4  }
0x35: {  	v53 =	vshll.u32 v3, $0x1  }
0x36: {  	v3 =	vand.u32 $0x7, v3;
	v4 =	vand.u32 $0xFFFFFFF0, v53  }
0x37: {  	v3 =	vor.u32 v3, v4  }
0x38: {  	v4 =	vperm.xlane v3, v0;
	_ =	sdelay $0x1  }
0x39: {  	v3 =	vperm.xlane v3, v2;
	v4 =	vadd.s32 v1, v4;
	_ =	sdelay $0x1  }
0x3a: {  	v3 =	vadd.s32 v1, v3;
	_ =	sdelay $0x1  }
0x3b: {  	s29 =	simm.s32 $0x3200  }
0x3c: {  	[tilespmem:s29], [sflag:$0x3] =	stream.indirect_vreg.gather [hbm4b:s5+s3], $0x80, v4, vm0, $0xb8;
	[tilespmem:$0x1D600] =	vst v63  }
0x3d: {  	s30 =	simm.s32 $0x3A00  }
0x3e: {  	[tilespmem:s30], [sflag:$0x3] =	stream.indirect_vreg.gather [hbm4b:s5+s3], $0x80, v3, vm0, $0xb8;
	[tilespmem:$0x1D600] =	vst v63  }
0x3f: {  	v3 =	vld [tilespmem:$0x40];
	_ =	sdelay $0x4  }
0x40: {  	v54 =	vshll.u32 v3, $0x1  }
0x41: {  	v3 =	vand.u32 $0x7, v3;
	v4 =	vand.u32 $0xFFFFFFF0, v54  }
0x42: {  	v3 =	vor.u32 v3, v4  }
0x43: {  	v4 =	vperm.xlane v3, v0;
	_ =	sdelay $0x1  }
0x44: {  	v3 =	vperm.xlane v3, v2;
	v4 =	vadd.s32 v1, v4;
	_ =	sdelay $0x1  }
0x45: {  	v3 =	vadd.s32 v1, v3;
	_ =	sdelay $0x1  }
0x46: {  	s1 =	simm.s32 $0x4200  }
0x47: {  	[tilespmem:s1], [sflag:$0x3] =	stream.indirect_vreg.gather [hbm4b:s5+s3], $0x80, v4, vm0, $0xb8;
	[tilespmem:$0x1D600] =	vst v63  }
0x48: {  	s2 =	simm.s32 $0x4A00  }
0x49: {  	[tilespmem:s2], [sflag:$0x3] =	stream.indirect_vreg.gather [hbm4b:s5+s3], $0x80, v3, vm0, $0xb8;
	[tilespmem:$0x1D600] =	vst v63  }
0x4a: {  	v3 =	vld [tilespmem:$0x50];
	_ =	sdelay $0x4  }
0x4b: {  	v55 =	vshll.u32 v3, $0x1  }
0x4c: {  	v3 =	vand.u32 $0x7, v3;
	v4 =	vand.u32 $0xFFFFFFF0, v55  }
0x4d: {  	v3 =	vor.u32 v3, v4  }
0x4e: {  	v4 =	vperm.xlane v3, v0;
	_ =	sdelay $0x1  }
0x4f: {  	v3 =	vperm.xlane v3, v2;
	v4 =	vadd.s32 v1, v4;
	_ =	sdelay $0x1  }
0x50: {  	v3 =	vadd.s32 v1, v3;
	_ =	sdelay $0x1  }
0x51: {  	s7 =	simm.s32 $0x5200  }
0x52: {  	[tilespmem:s7], [sflag:$0x3] =	stream.indirect_vreg.gather [hbm4b:s5+s3], $0x80, v4, vm0, $0xb8;
	[tilespmem:$0x1D600] =	vst v63  }
0x53: {  	s8 =	simm.s32 $0x5A00  }
0x54: {  	[tilespmem:s8], [sflag:$0x3] =	stream.indirect_vreg.gather [hbm4b:s5+s3], $0x80, v3, vm0, $0xb8;
	[tilespmem:$0x1D600] =	vst v63  }
0x55: {  	v3 =	vld.msk [tilespmem:$0x60], $0xff;
	_ =	sdelay $0x4  }
0x56: {  	v56 =	vshll.u32 v3, $0x1  }
0x57: {  	v3 =	vand.u32 $0x7, v3;
	v4 =	vand.u32 $0xFFFFFFF0, v56  }
0x58: {  	v3 =	vor.u32 v3, v4  }
0x59: {  	v3 =	vperm.xlane v3, v0;
	_ =	sdelay $0x1  }
0x5a: {  	v3 =	vadd.s32 v1, v3;
	_ =	sdelay $0x3  }
0x5b: {  	s9 =	simm.s32 $0x6200  }
0x5c: {  	[tilespmem:s9], [sflag:$0x3] =	stream.indirect_vreg.gather [hbm4b:s5+s3], $0x80, v3, vm0, $0xb8;
	[tilespmem:$0x1D600] =	vst v63  }
0x5d: {  	v3 =	vld [tilespmem:$0x80];
	_ =	sdelay $0x4  }
0x5e: {  	v57 =	vshll.u32 v3, $0x1  }
0x5f: {  	v3 =	vand.u32 $0x7, v3;
	v4 =	vand.u32 $0xFFFFFFF0, v57  }
0x60: {  	v3 =	vor.u32 v3, v4  }
0x61: {  	v4 =	vperm.xlane v3, v0;
	_ =	sdelay $0x1  }
0x62: {  	v3 =	vperm.xlane v3, v2;
	v4 =	vadd.s32 v1, v4;
	_ =	sdelay $0x1  }
0x63: {  	v3 =	vadd.s32 v1, v3;
	_ =	sdelay $0x1  }
0x64: {  	s10 =	simm.s32 $0x6A00  }
0x65: {  	[tilespmem:s10], [sflag:$0x3] =	stream.indirect_vreg.gather [hbm4b:s5+s3], $0x80, v4, vm0, $0xb8;
	[tilespmem:$0x1D600] =	vst v63  }
0x66: {  	s11 =	simm.s32 $0x7200  }
0x67: {  	[tilespmem:s11], [sflag:$0x3] =	stream.indirect_vreg.gather [hbm4b:s5+s3], $0x80, v3, vm0, $0xb8;
	[tilespmem:$0x1D600] =	vst v63  }
0x68: {  	v3 =	vld [tilespmem:$0x90];
	_ =	sdelay $0x4  }
0x69: {  	v58 =	vshll.u32 v3, $0x1  }
0x6a: {  	v3 =	vand.u32 $0x7, v3;
	v4 =	vand.u32 $0xFFFFFFF0, v58  }
0x6b: {  	v3 =	vor.u32 v3, v4  }
0x6c: {  	v4 =	vperm.xlane v3, v0;
	_ =	sdelay $0x1  }
0x6d: {  	v3 =	vperm.xlane v3, v2;
	v4 =	vadd.s32 v1, v4;
	_ =	sdelay $0x1  }
0x6e: {  	v3 =	vadd.s32 v1, v3;
	_ =	sdelay $0x1  }
0x6f: {  	s12 =	simm.s32 $0x7A00  }
0x70: {  	[tilespmem:s12], [sflag:$0x3] =	stream.indirect_vreg.gather [hbm4b:s5+s3], $0x80, v4, vm0, $0xb8;
	[tilespmem:$0x1D600] =	vst v63  }
0x71: {  	s13 =	simm.s32 $0x8200  }
0x72: {  	[tilespmem:s13], [sflag:$0x3] =	stream.indirect_vreg.gather [hbm4b:s5+s3], $0x80, v3, vm0, $0xb8;
	[tilespmem:$0x1D600] =	vst v63  }
0x73: {  	v3 =	vld [tilespmem:$0xA0];
	_ =	sdelay $0x4  }
0x74: {  	v59 =	vshll.u32 v3, $0x1  }
0x75: {  	v3 =	vand.u32 $0x7, v3;
	v4 =	vand.u32 $0xFFFFFFF0, v59  }
0x76: {  	v3 =	vor.u32 v3, v4  }
0x77: {  	v4 =	vperm.xlane v3, v0;
	_ =	sdelay $0x1  }
0x78: {  	v3 =	vperm.xlane v3, v2;
	v4 =	vadd.s32 v1, v4;
	_ =	sdelay $0x1  }
0x79: {  	v3 =	vadd.s32 v1, v3;
	_ =	sdelay $0x1  }
0x7a: {  	s14 =	simm.s32 $0x8A00  }
0x7b: {  	[tilespmem:s14], [sflag:$0x3] =	stream.indirect_vreg.gather [hbm4b:s5+s3], $0x80, v4, vm0, $0xb8;
	[tilespmem:$0x1D600] =	vst v63  }
0x7c: {  	s15 =	simm.s32 $0x9200  }
0x7d: {  	[tilespmem:s15], [sflag:$0x3] =	stream.indirect_vreg.gather [hbm4b:s5+s3], $0x80, v3, vm0, $0xb8;
	[tilespmem:$0x1D600] =	vst v63  }
0x7e: {  	v3 =	vld [tilespmem:$0xB0];
	_ =	sdelay $0x4  }
0x7f: {  	v60 =	vshll.u32 v3, $0x1  }
0x80: {  	v3 =	vand.u32 $0x7, v3;
	v4 =	vand.u32 $0xFFFFFFF0, v60  }
0x81: {  	v3 =	vor.u32 v3, v4  }
0x82: {  	v4 =	vperm.xlane v3, v0;
	_ =	sdelay $0x1  }
0x83: {  	v3 =	vperm.xlane v3, v2;
	v4 =	vadd.s32 v1, v4;
	_ =	sdelay $0x1  }
0x84: {  	v3 =	vadd.s32 v1, v3;
	_ =	sdelay $0x1  }
0x85: {  	s17 =	simm.s32 $0x9A00  }
0x86: {  	[tilespmem:s17], [sflag:$0x3] =	stream.indirect_vreg.gather [hbm4b:s5+s3], $0x80, v4, vm0, $0xb8;
	[tilespmem:$0x1D600] =	vst v63  }
0x87: {  	s18 =	simm.s32 $0xA200  }
0x88: {  	[tilespmem:s18], [sflag:$0x3] =	stream.indirect_vreg.gather [hbm4b:s5+s3], $0x80, v3, vm0, $0xb8;
	[tilespmem:$0x1D600] =	vst v63  }
0x89: {  	v3 =	vld [tilespmem:$0xC0];
	_ =	sdelay $0x4  }
0x8a: {  	v61 =	vshll.u32 v3, $0x1  }
0x8b: {  	v3 =	vand.u32 $0x7, v3;
	v4 =	vand.u32 $0xFFFFFFF0, v61  }
0x8c: {  	v3 =	vor.u32 v3, v4  }
0x8d: {  	v4 =	vperm.xlane v3, v0;
	_ =	sdelay $0x1  }
0x8e: {  	v3 =	vperm.xlane v3, v2;
	v4 =	vadd.s32 v1, v4;
	_ =	sdelay $0x1  }
0x8f: {  	v3 =	vadd.s32 v1, v3;
	_ =	sdelay $0x1  }
0x90: {  	s20 =	simm.s32 $0xAA00  }
0x91: {  	[tilespmem:s20], [sflag:$0x3] =	stream.indirect_vreg.gather [hbm4b:s5+s3], $0x80, v4, vm0, $0xb8;
	[tilespmem:$0x1D600] =	vst v63  }
0x92: {  	s24 =	simm.s32 $0xB200  }
0x93: {  	[tilespmem:s24], [sflag:$0x3] =	stream.indirect_vreg.gather [hbm4b:s5+s3], $0x80, v3, vm0, $0xb8;
	[tilespmem:$0x1D600] =	vst v63  }
0x94: {  	v3 =	vld [tilespmem:$0xD0];
	_ =	sdelay $0x4  }
0x95: {  	v62 =	vshll.u32 v3, $0x1  }
0x96: {  	v3 =	vand.u32 $0x7, v3;
	v4 =	vand.u32 $0xFFFFFFF0, v62  }
0x97: {  	v3 =	vor.u32 v3, v4  }
0x98: {  	v4 =	vperm.xlane v3, v0;
	_ =	sdelay $0x1  }
0x99: {  	v3 =	vperm.xlane v3, v2;
	v4 =	vadd.s32 v1, v4;
	_ =	sdelay $0x1  }
0x9a: {  	v3 =	vadd.s32 v1, v3;
	_ =	sdelay $0x1  }
0x9b: {  	s25 =	simm.s32 $0xBA00  }
0x9c: {  	[tilespmem:s25], [sflag:$0x3] =	stream.indirect_vreg.gather [hbm4b:s5+s3], $0x80, v4, vm0, $0xb8;
	[tilespmem:$0x1D600] =	vst v63  }
0x9d: {  	s26 =	simm.s32 $0xC200  }
0x9e: {  	[tilespmem:s26], [sflag:$0x3] =	stream.indirect_vreg.gather [hbm4b:s5+s3], $0x80, v3, vm0, $0xb8;
	[tilespmem:$0x1D600] =	vst v63  }
0x9f: {  	v3 =	vld.msk [tilespmem:$0xE0], $0xff;
	_ =	sdelay $0x4  }
0xa0: {  	v63 =	vshll.u32 v3, $0x1  }
0xa1: {  	v3 =	vand.u32 $0x7, v3;
	v4 =	vand.u32 $0xFFFFFFF0, v63  }
0xa2: {  	v3 =	vor.u32 v3, v4  }
0xa3: {  	v3 =	vperm.xlane v3, v0;
	_ =	sdelay $0x1  }
0xa4: {  	v3 =	vadd.s32 v1, v3;
	_ =	sdelay $0x3  }
0xa5: {  	s28 =	simm.s32 $0xCA00  }
0xa6: {  	[tilespmem:s28], [sflag:$0x3] =	stream.indirect_vreg.gather [hbm4b:s5+s3], $0x80, v3, vm0, $0xb8;
	[tilespmem:$0x1D600] =	vst v63  }
0xa7: {  	s29 =	rddreg [dreg:$0x4];
	s30 =	simm.s32 $0x100;
	s24 =	simm.s32 $0x0  }
0xa8: {  	[tilespmem:s30], [sflag:$0x2] =	stream.linear.gather [hbm4b:s29+s3], $0x100, $0x38;
	[tilespmem:$0x1D600] =	vst v63  }
.LBB2_2:
0xa9: {  	_ =	swait.ge [sflag:s16], $0x100  }
0xaa: {  	[sflag:s16] =	ssyncset.done $0x0  }
0xab: {  	[sflag:s16] =	ssyncadd.s32 $0xFFFFFF00  }
0xac: {  	v3 =	vld [tilespmem:$0x100];
	_ =	sdelay $0x4  }
0xad: {  	v4 =	vshll.u32 v3, $0x1  }
0xae: {  	v3 =	vand.u32 $0x7, v3;
	v4 =	vand.u32 $0xFFFFFFF0, v4  }
0xaf: {  	v3 =	vor.u32 v3, v4  }
0xb0: {  	v4 =	vperm.xlane v3, v0;
	_ =	sdelay $0x1  }
0xb1: {  	v3 =	vperm.xlane v3, v2;
	v4 =	vadd.s32 v1, v4;
	_ =	sdelay $0x1  }
0xb2: {  	v3 =	vadd.s32 v1, v3;
	_ =	sdelay $0x1  }
0xb3: {  	s0 =	simm.s32 $0xD200  }
0xb4: {  	[tilespmem:s0], [sflag:$0x4] =	stream.indirect_vreg.gather [hbm4b:s5+s3], $0x80, v4, vm0, $0xb8;
	[tilespmem:$0x1D600] =	vst v63  }
0xb5: {  	s2 =	simm.s32 $0xDA00  }
0xb6: {  	[tilespmem:s2], [sflag:$0x4] =	stream.indirect_vreg.gather [hbm4b:s5+s3], $0x80, v3, vm0, $0xb8;
	[tilespmem:$0x1D600] =	vst v63  }
0xb7: {  	v3 =	vld [tilespmem:$0x110];
	_ =	sdelay $0x4  }
0xb8: {  	v4 =	vshll.u32 v3, $0x1  }
0xb9: {  	v3 =	vand.u32 $0x7, v3;
	v4 =	vand.u32 $0xFFFFFFF0, v4  }
0xba: {  	v3 =	vor.u32 v3, v4  }
0xbb: {  	v4 =	vperm.xlane v3, v0;
	_ =	sdelay $0x1  }
0xbc: {  	v3 =	vperm.xlane v3, v2;
	v4 =	vadd.s32 v1, v4;
	_ =	sdelay $0x1  }
0xbd: {  	v3 =	vadd.s32 v1, v3;
	_ =	sdelay $0x1  }
0xbe: {  	s7 =	simm.s32 $0xE200  }
0xbf: {  	[tilespmem:s7], [sflag:$0x4] =	stream.indirect_vreg.gather [hbm4b:s5+s3], $0x80, v4, vm0, $0xb8;
	[tilespmem:$0x1D600] =	vst v63  }
0xc0: {  	s8 =	simm.s32 $0xEA00  }
0xc1: {  	[tilespmem:s8], [sflag:$0x4] =	stream.indirect_vreg.gather [hbm4b:s5+s3], $0x80, v3, vm0, $0xb8;
	[tilespmem:$0x1D600] =	vst v63  }
0xc2: {  	v3 =	vld [tilespmem:$0x120];
	_ =	sdelay $0x4  }
0xc3: {  	v4 =	vshll.u32 v3, $0x1  }
0xc4: {  	v3 =	vand.u32 $0x7, v3;
	v4 =	vand.u32 $0xFFFFFFF0, v4  }
0xc5: {  	v3 =	vor.u32 v3, v4  }
0xc6: {  	v4 =	vperm.xlane v3, v0;
	_ =	sdelay $0x1  }
0xc7: {  	v3 =	vperm.xlane v3, v2;
	v4 =	vadd.s32 v1, v4;
	_ =	sdelay $0x1  }
0xc8: {  	v3 =	vadd.s32 v1, v3;
	_ =	sdelay $0x1  }
0xc9: {  	s9 =	simm.s32 $0xF200  }
0xca: {  	[tilespmem:s9], [sflag:$0x4] =	stream.indirect_vreg.gather [hbm4b:s5+s3], $0x80, v4, vm0, $0xb8;
	[tilespmem:$0x1D600] =	vst v63  }
0xcb: {  	s10 =	simm.s32 $0xFA00  }
0xcc: {  	[tilespmem:s10], [sflag:$0x4] =	stream.indirect_vreg.gather [hbm4b:s5+s3], $0x80, v3, vm0, $0xb8;
	[tilespmem:$0x1D600] =	vst v63  }
0xcd: {  	v3 =	vld [tilespmem:$0x130];
	_ =	sdelay $0x4  }
0xce: {  	v4 =	vshll.u32 v3, $0x1  }
0xcf: {  	v3 =	vand.u32 $0x7, v3;
	v4 =	vand.u32 $0xFFFFFFF0, v4  }
0xd0: {  	v3 =	vor.u32 v3, v4  }
0xd1: {  	v4 =	vperm.xlane v3, v0;
	_ =	sdelay $0x1  }
0xd2: {  	v3 =	vperm.xlane v3, v2;
	v4 =	vadd.s32 v1, v4;
	_ =	sdelay $0x1  }
0xd3: {  	v3 =	vadd.s32 v1, v3;
	_ =	sdelay $0x1  }
0xd4: {  	s11 =	simm.s32 $0x10200  }
0xd5: {  	[tilespmem:s11], [sflag:$0x4] =	stream.indirect_vreg.gather [hbm4b:s5+s3], $0x80, v4, vm0, $0xb8;
	[tilespmem:$0x1D600] =	vst v63  }
0xd6: {  	s12 =	simm.s32 $0x10A00  }
0xd7: {  	[tilespmem:s12], [sflag:$0x4] =	stream.indirect_vreg.gather [hbm4b:s5+s3], $0x80, v3, vm0, $0xb8;
	[tilespmem:$0x1D600] =	vst v63  }
0xd8: {  	v3 =	vld [tilespmem:$0x140];
	_ =	sdelay $0x4  }
0xd9: {  	v4 =	vshll.u32 v3, $0x1  }
0xda: {  	v3 =	vand.u32 $0x7, v3;
	v4 =	vand.u32 $0xFFFFFFF0, v4  }
0xdb: {  	v3 =	vor.u32 v3, v4  }
0xdc: {  	v4 =	vperm.xlane v3, v0;
	_ =	sdelay $0x1  }
0xdd: {  	v3 =	vperm.xlane v3, v2;
	v4 =	vadd.s32 v1, v4;
	_ =	sdelay $0x1  }
0xde: {  	v3 =	vadd.s32 v1, v3;
	_ =	sdelay $0x1  }
0xdf: {  	s13 =	simm.s32 $0x11200  }
0xe0: {  	[tilespmem:s13], [sflag:$0x4] =	stream.indirect_vreg.gather [hbm4b:s5+s3], $0x80, v4, vm0, $0xb8;
	[tilespmem:$0x1D600] =	vst v63  }
0xe1: {  	s14 =	simm.s32 $0x11A00  }
0xe2: {  	[tilespmem:s14], [sflag:$0x4] =	stream.indirect_vreg.gather [hbm4b:s5+s3], $0x80, v3, vm0, $0xb8;
	[tilespmem:$0x1D600] =	vst v63  }
0xe3: {  	v3 =	vld [tilespmem:$0x150];
	_ =	sdelay $0x4  }
0xe4: {  	v4 =	vshll.u32 v3, $0x1  }
0xe5: {  	v3 =	vand.u32 $0x7, v3;
	v4 =	vand.u32 $0xFFFFFFF0, v4  }
0xe6: {  	v3 =	vor.u32 v3, v4  }
0xe7: {  	v4 =	vperm.xlane v3, v0;
	_ =	sdelay $0x1  }
0xe8: {  	v3 =	vperm.xlane v3, v2;
	v4 =	vadd.s32 v1, v4;
	_ =	sdelay $0x1  }
0xe9: {  	v3 =	vadd.s32 v1, v3;
	_ =	sdelay $0x1  }
0xea: {  	s15 =	simm.s32 $0x12200  }
0xeb: {  	[tilespmem:s15], [sflag:$0x4] =	stream.indirect_vreg.gather [hbm4b:s5+s3], $0x80, v4, vm0, $0xb8;
	[tilespmem:$0x1D600] =	vst v63  }
0xec: {  	s17 =	simm.s32 $0x12A00  }
0xed: {  	[tilespmem:s17], [sflag:$0x4] =	stream.indirect_vreg.gather [hbm4b:s5+s3], $0x80, v3, vm0, $0xb8;
	[tilespmem:$0x1D600] =	vst v63  }
0xee: {  	v3 =	vld.msk [tilespmem:$0x160], $0xff;
	_ =	sdelay $0x4  }
0xef: {  	v4 =	vshll.u32 v3, $0x1  }
0xf0: {  	v3 =	vand.u32 $0x7, v3;
	v4 =	vand.u32 $0xFFFFFFF0, v4  }
0xf1: {  	v3 =	vor.u32 v3, v4  }
0xf2: {  	v3 =	vperm.xlane v3, v0;
	_ =	sdelay $0x1  }
0xf3: {  	v3 =	vadd.s32 v1, v3;
	_ =	sdelay $0x3  }
0xf4: {  	s18 =	simm.s32 $0x13200  }
0xf5: {  	[tilespmem:s18], [sflag:$0x4] =	stream.indirect_vreg.gather [hbm4b:s5+s3], $0x80, v3, vm0, $0xb8;
	[tilespmem:$0x1D600] =	vst v63  }
0xf6: {  	v3 =	vld [tilespmem:$0x180];
	_ =	sdelay $0x4  }
0xf7: {  	v4 =	vshll.u32 v3, $0x1  }
0xf8: {  	v3 =	vand.u32 $0x7, v3;
	v4 =	vand.u32 $0xFFFFFFF0, v4  }
0xf9: {  	v3 =	vor.u32 v3, v4  }
0xfa: {  	v4 =	vperm.xlane v3, v0;
	_ =	sdelay $0x1  }
0xfb: {  	v3 =	vperm.xlane v3, v2;
	v4 =	vadd.s32 v1, v4;
	_ =	sdelay $0x1  }
0xfc: {  	v3 =	vadd.s32 v1, v3;
	_ =	sdelay $0x1  }
0xfd: {  	s20 =	simm.s32 $0x13A00  }
0xfe: {  	[tilespmem:s20], [sflag:$0x4] =	stream.indirect_vreg.gather [hbm4b:s5+s3], $0x80, v4, vm0, $0xb8;
	[tilespmem:$0x1D600] =	vst v63  }
0xff: {  	s25 =	simm.s32 $0x14200  }
0x100: {  	[tilespmem:s25], [sflag:$0x4] =	stream.indirect_vreg.gather [hbm4b:s5+s3], $0x80, v3, vm0, $0xb8;
	[tilespmem:$0x1D600] =	vst v63  }
0x101: {  	v3 =	vld [tilespmem:$0x190];
	_ =	sdelay $0x4  }
0x102: {  	v4 =	vshll.u32 v3, $0x1  }
0x103: {  	v3 =	vand.u32 $0x7, v3;
	v4 =	vand.u32 $0xFFFFFFF0, v4  }
0x104: {  	v3 =	vor.u32 v3, v4  }
0x105: {  	v4 =	vperm.xlane v3, v0;
	_ =	sdelay $0x1  }
0x106: {  	v3 =	vperm.xlane v3, v2;
	v4 =	vadd.s32 v1, v4;
	_ =	sdelay $0x1  }
0x107: {  	v3 =	vadd.s32 v1, v3;
	_ =	sdelay $0x1  }
0x108: {  	s26 =	simm.s32 $0x14A00  }
0x109: {  	[tilespmem:s26], [sflag:$0x4] =	stream.indirect_vreg.gather [hbm4b:s5+s3], $0x80, v4, vm0, $0xb8;
	[tilespmem:$0x1D600] =	vst v63  }
0x10a: {  	s1 =	simm.s32 $0x15200  }
0x10b: {  	[tilespmem:s1], [sflag:$0x4] =	stream.indirect_vreg.gather [hbm4b:s5+s3], $0x80, v3, vm0, $0xb8;
	[tilespmem:$0x1D600] =	vst v63  }
0x10c: {  	v3 =	vld [tilespmem:$0x1A0];
	_ =	sdelay $0x4  }
0x10d: {  	v4 =	vshll.u32 v3, $0x1  }
0x10e: {  	v3 =	vand.u32 $0x7, v3;
	v4 =	vand.u32 $0xFFFFFFF0, v4  }
0x10f: {  	v3 =	vor.u32 v3, v4  }
0x110: {  	v4 =	vperm.xlane v3, v0;
	_ =	sdelay $0x1  }
0x111: {  	v3 =	vperm.xlane v3, v2;
	v4 =	vadd.s32 v1, v4;
	_ =	sdelay $0x1  }
0x112: {  	v3 =	vadd.s32 v1, v3;
	_ =	sdelay $0x1  }
0x113: {  	s2 =	simm.s32 $0x15A00  }
0x114: {  	[tilespmem:s2], [sflag:$0x4] =	stream.indirect_vreg.gather [hbm4b:s5+s3], $0x80, v4, vm0, $0xb8;
	[tilespmem:$0x1D600] =	vst v63  }
0x115: {  	s7 =	simm.s32 $0x16200  }
0x116: {  	[tilespmem:s7], [sflag:$0x4] =	stream.indirect_vreg.gather [hbm4b:s5+s3], $0x80, v3, vm0, $0xb8;
	[tilespmem:$0x1D600] =	vst v63  }
0x117: {  	v3 =	vld [tilespmem:$0x1B0];
	_ =	sdelay $0x4  }
0x118: {  	v4 =	vshll.u32 v3, $0x1  }
0x119: {  	v3 =	vand.u32 $0x7, v3;
	v4 =	vand.u32 $0xFFFFFFF0, v4  }
0x11a: {  	v3 =	vor.u32 v3, v4  }
0x11b: {  	v4 =	vperm.xlane v3, v0;
	_ =	sdelay $0x1  }
0x11c: {  	v3 =	vperm.xlane v3, v2;
	v4 =	vadd.s32 v1, v4;
	_ =	sdelay $0x1  }
0x11d: {  	v3 =	vadd.s32 v1, v3;
	_ =	sdelay $0x1  }
0x11e: {  	s8 =	simm.s32 $0x16A00  }
0x11f: {  	[tilespmem:s8], [sflag:$0x4] =	stream.indirect_vreg.gather [hbm4b:s5+s3], $0x80, v4, vm0, $0xb8;
	[tilespmem:$0x1D600] =	vst v63  }
0x120: {  	s9 =	simm.s32 $0x17200  }
0x121: {  	[tilespmem:s9], [sflag:$0x4] =	stream.indirect_vreg.gather [hbm4b:s5+s3], $0x80, v3, vm0, $0xb8;
	[tilespmem:$0x1D600] =	vst v63  }
0x122: {  	v3 =	vld [tilespmem:$0x1C0];
	_ =	sdelay $0x4  }
0x123: {  	v4 =	vshll.u32 v3, $0x1  }
0x124: {  	v3 =	vand.u32 $0x7, v3;
	v4 =	vand.u32 $0xFFFFFFF0, v4  }
0x125: {  	v3 =	vor.u32 v3, v4  }
0x126: {  	v4 =	vperm.xlane v3, v0;
	_ =	sdelay $0x1  }
0x127: {  	v3 =	vperm.xlane v3, v2;
	v4 =	vadd.s32 v1, v4;
	_ =	sdelay $0x1  }
0x128: {  	v3 =	vadd.s32 v1, v3;
	_ =	sdelay $0x1  }
0x129: {  	s10 =	simm.s32 $0x17A00  }
0x12a: {  	[tilespmem:s10], [sflag:$0x4] =	stream.indirect_vreg.gather [hbm4b:s5+s3], $0x80, v4, vm0, $0xb8;
	[tilespmem:$0x1D600] =	vst v63  }
0x12b: {  	s11 =	simm.s32 $0x18200  }
0x12c: {  	[tilespmem:s11], [sflag:$0x4] =	stream.indirect_vreg.gather [hbm4b:s5+s3], $0x80, v3, vm0, $0xb8;
	[tilespmem:$0x1D600] =	vst v63  }
0x12d: {  	v3 =	vld [tilespmem:$0x1D0];
	_ =	sdelay $0x4  }
0x12e: {  	v4 =	vshll.u32 v3, $0x1  }
0x12f: {  	v3 =	vand.u32 $0x7, v3;
	v4 =	vand.u32 $0xFFFFFFF0, v4  }
0x130: {  	v3 =	vor.u32 v3, v4  }
0x131: {  	v4 =	vperm.xlane v3, v0;
	_ =	sdelay $0x1  }
0x132: {  	v3 =	vperm.xlane v3, v2;
	v4 =	vadd.s32 v1, v4;
	_ =	sdelay $0x1  }
0x133: {  	v3 =	vadd.s32 v1, v3;
	_ =	sdelay $0x1  }
0x134: {  	s12 =	simm.s32 $0x18A00  }
0x135: {  	[tilespmem:s12], [sflag:$0x4] =	stream.indirect_vreg.gather [hbm4b:s5+s3], $0x80, v4, vm0, $0xb8;
	[tilespmem:$0x1D600] =	vst v63  }
0x136: {  	s13 =	simm.s32 $0x19200  }
0x137: {  	[tilespmem:s13], [sflag:$0x4] =	stream.indirect_vreg.gather [hbm4b:s5+s3], $0x80, v3, vm0, $0xb8;
	[tilespmem:$0x1D600] =	vst v63  }
0x138: {  	v3 =	vld.msk [tilespmem:$0x1E0], $0xff;
	_ =	sdelay $0x4  }
0x139: {  	v4 =	vshll.u32 v3, $0x1  }
0x13a: {  	v3 =	vand.u32 $0x7, v3;
	v4 =	vand.u32 $0xFFFFFFF0, v4  }
0x13b: {  	v3 =	vor.u32 v3, v4  }
0x13c: {  	v3 =	vperm.xlane v3, v0;
	_ =	sdelay $0x1  }
0x13d: {  	v3 =	vadd.s32 v1, v3;
	_ =	sdelay $0x3  }
0x13e: {  	s14 =	simm.s32 $0x19A00  }
0x13f: {  	[tilespmem:s14], [sflag:$0x4] =	stream.indirect_vreg.gather [hbm4b:s5+s3], $0x80, v3, vm0, $0xb8;
	[tilespmem:$0x1D600] =	vst v63  }
0x140: {  	_ =	swait.ge [sflag:s19], $0x6800  }
0x141: {  	[sflag:s19] =	ssyncset.done $0x0  }
0x142: {  	p0 =	seq.s32 s24, $0xF;
	[sflag:s19] =	ssyncadd.s32 $0xFFFF9800  }
0x143: {  	s29 =	simm.s32 $0x0;
	p2 =	por $0x0, $0x0;
	_ =	swait.ge [sflag:s19], $0x6800  }
0x144: {  	s26 =	sshll.u32 s24, $0x1;
	s0 =	rddreg [dreg:$0x5];
	[sflag:s19] =	ssyncset.done $0x0  }
0x145: {  	p1 =	seq.s32 @!p0 s24, $0x0;
	s0 =	sadd.s32 @!p0 s26, s0;
	[sflag:s19] =	ssyncadd.s32 $0xFFFF9800  }
0x146: {  	s30 =	sand.u32 $0x200, s29;
	s0 =	sshll.u32 @!p0 s0, $0x5;
	s1 =	rddreg [dreg:$0x0]  }
0x147: {  	p1 =	por p0, !p1;
	s0 =	sadd.s32 @!p0 s1, s0;
	s1 =	simm.s32 @!p0 $0x0  }
0x148: {  	[tilespmem:s1], [sflag:$0x1] =	stream.linear.gather @!p0 [hbm4b:s0+s1], $0x100, $0x38;
	[tilespmem:$0x1D600] =	vst v63  }
0x149: {  	s15 =	sand.u32 $0x7800, s29;
	s1 =	simm.s32 $0x1;
	_ =	swait.ge @p1 [sflag:s23], $0x3200  }
0x14a: {  	s0 =	sor.u32 $0x200, s15;
	s1 =	simm.s32 @!p2 $0x0;
	[sflag:s23] =	ssyncset.done @p1 $0x0  }
0x14b: {  	s2 =	sshll.u32 s1, $0x9;
	s1 =	sadd.s32 s30, s0;
	[sflag:s23] =	ssyncadd.s32 @p1 $0xFFFFCE00  }
0x14c: {  	s7 =	sadd.s32 $0x0, s2;
	v3 =	vld [tilespmem:s1+$0x0]  }
0x14d: {  	s8 =	sadd.s32 $0x100, s7;
	v4 =	vld [tilespmem:s1+$0xC0]  }
0x14e: {  	s17 =	sor.u32 $0x400, s8  }
0x14f: {  	v5 =	vld [tilespmem:s17+$0x200]  }
0x150: {  	s18 =	sor.u32 $0x5C0, s7  }
0x151: {  	v6 =	vld [tilespmem:s18+$0x200]  }
0x152: {  	v3 =	vadd.f32 v4, v3;
	_ =	sdelay $0x1  }
0x153: {  	v3 =	vadd.f32 v5, v3;
	_ =	sdelay $0x1  }
0x154: {  	v3 =	vadd.f32 v6, v3  }
0x155: {  	s2 =	simm.s32 $0x0  }
0x156: {  	[tilespmem:s2+$0x1A200] =	vst v3  }
0x157: {  	v3 =	vld [tilespmem:s1+$0x10]  }
0x158: {  	v4 =	vld [tilespmem:s1+$0xD0]  }
0x159: {  	s10 =	sor.u32 $0x410, s8  }
0x15a: {  	v5 =	vld [tilespmem:s10+$0x200]  }
0x15b: {  	s20 =	sor.u32 $0x5D0, s7  }
0x15c: {  	v6 =	vld [tilespmem:s20+$0x200]  }
0x15d: {  	v3 =	vadd.f32 v4, v3;
	_ =	sdelay $0x1  }
0x15e: {  	v3 =	vadd.f32 v5, v3;
	_ =	sdelay $0x1  }
0x15f: {  	v3 =	vadd.f32 v6, v3;
	_ =	sdelay $0x1  }
0x160: {  	[tilespmem:s2+$0x1A210] =	vst v3  }
0x161: {  	v3 =	vld [tilespmem:s1+$0x20]  }
0x162: {  	v4 =	vld [tilespmem:s1+$0xE0]  }
0x163: {  	s25 =	sor.u32 $0x420, s8  }
0x164: {  	v5 =	vld [tilespmem:s25+$0x200]  }
0x165: {  	s9 =	sor.u32 $0x5E0, s7  }
0x166: {  	v6 =	vld [tilespmem:s9+$0x200]  }
0x167: {  	v3 =	vadd.f32 v4, v3;
	_ =	sdelay $0x1  }
0x168: {  	v3 =	vadd.f32 v5, v3;
	_ =	sdelay $0x1  }
0x169: {  	v3 =	vadd.f32 v6, v3;
	_ =	sdelay $0x1  }
0x16a: {  	[tilespmem:s2+$0x1A220] =	vst v3  }
0x16b: {  	v3 =	vld [tilespmem:s1+$0x30]  }
0x16c: {  	v4 =	vld [tilespmem:s1+$0xF0]  }
0x16d: {  	s8 =	sor.u32 $0x430, s8  }
0x16e: {  	v5 =	vld [tilespmem:s8+$0x200]  }
0x16f: {  	s11 =	sor.u32 $0x5F0, s7  }
0x170: {  	v6 =	vld [tilespmem:s11+$0x200]  }
0x171: {  	v3 =	vadd.f32 v4, v3;
	_ =	sdelay $0x1  }
0x172: {  	v3 =	vadd.f32 v5, v3;
	_ =	sdelay $0x1  }
0x173: {  	v3 =	vadd.f32 v6, v3;
	_ =	sdelay $0x1  }
0x174: {  	[tilespmem:s2+$0x1A230] =	vst v3  }
0x175: {  	p1 =	por $0x1, $0x1;
	s8 =	simm.s32 $0x1;
	v3 =	vld [tilespmem:s1+$0x80]  }
0x176: {  	s8 =	simm.s32 @!p1 $0x0;
	v4 =	vld [tilespmem:s1+$0x140]  }
0x177: {  	s12 =	sor.u32 $0x580, s7;
	s28 =	sshll.u32 s8, $0x9  }
0x178: {  	v5 =	vld [tilespmem:s12+$0x200];
	s12 =	sadd.s32 $0x400, s28  }
0x179: {  	s13 =	sor.u32 $0x440, s12  }
0x17a: {  	v6 =	vld [tilespmem:s13+$0x200]  }
0x17b: {  	v3 =	vadd.f32 v4, v3;
	_ =	sdelay $0x1  }
0x17c: {  	v3 =	vadd.f32 v5, v3;
	_ =	sdelay $0x1  }
0x17d: {  	v3 =	vadd.f32 v6, v3;
	_ =	sdelay $0x1  }
0x17e: {  	[tilespmem:s2+$0x1A240] =	vst v3  }
0x17f: {  	v3 =	vld [tilespmem:s1+$0x90]  }
0x180: {  	v4 =	vld [tilespmem:s1+$0x150]  }
0x181: {  	s14 =	sor.u32 $0x590, s7  }
0x182: {  	v5 =	vld [tilespmem:s14+$0x200]  }
0x183: {  	s15 =	sor.u32 $0x450, s12  }
0x184: {  	v6 =	vld [tilespmem:s15+$0x200]  }
0x185: {  	v3 =	vadd.f32 v4, v3;
	_ =	sdelay $0x1  }
0x186: {  	v3 =	vadd.f32 v5, v3;
	_ =	sdelay $0x1  }
0x187: {  	v3 =	vadd.f32 v6, v3;
	_ =	sdelay $0x1  }
0x188: {  	[tilespmem:s2+$0x1A250] =	vst v3  }
0x189: {  	v3 =	vld [tilespmem:s1+$0xA0]  }
0x18a: {  	v4 =	vld [tilespmem:s1+$0x160]  }
0x18b: {  	s17 =	sor.u32 $0x5A0, s7  }
0x18c: {  	v5 =	vld [tilespmem:s17+$0x200]  }
0x18d: {  	s18 =	sor.u32 $0x460, s12  }
0x18e: {  	v6 =	vld [tilespmem:s18+$0x200]  }
0x18f: {  	v3 =	vadd.f32 v4, v3;
	_ =	sdelay $0x1  }
0x190: {  	v3 =	vadd.f32 v5, v3;
	_ =	sdelay $0x1  }
0x191: {  	v3 =	vadd.f32 v6, v3;
	_ =	sdelay $0x1  }
0x192: {  	[tilespmem:s2+$0x1A260] =	vst v3  }
0x193: {  	v3 =	vld [tilespmem:s1+$0xB0]  }
0x194: {  	v4 =	vld [tilespmem:s1+$0x170]  }
0x195: {  	s20 =	sor.u32 $0x5B0, s7  }
0x196: {  	v5 =	vld [tilespmem:s20+$0x200]  }
0x197: {  	s25 =	sor.u32 $0x470, s12  }
0x198: {  	v6 =	vld [tilespmem:s25+$0x200]  }
0x199: {  	v3 =	vadd.f32 v4, v3;
	_ =	sdelay $0x1  }
0x19a: {  	v3 =	vadd.f32 v5, v3;
	_ =	sdelay $0x1  }
0x19b: {  	s11 =	simm.s32 $0x100;
	v3 =	vadd.f32 v6, v3  }
0x19c: {  	s8 =	sand.u32 $0x300, s11  }
0x19d: {  	s10 =	sadd.s32 s8, s0;
	[tilespmem:s2+$0x1A270] =	vst v3  }
0x19e: {  	v3 =	vld [tilespmem:s10+$0x0]  }
0x19f: {  	v4 =	vld [tilespmem:s10+$0xC0]  }
0x1a0: {  	s7 =	simm.s32 $0x280;
	s1 =	sor.u32 $0x400, s12  }
0x1a1: {  	s9 =	sand.u32 $0xF800, s31;
	s0 =	sand.u32 $0x280, s7;
	v5 =	vld [tilespmem:s1+$0x200]  }
0x1a2: {  	s17 =	sor.u32 s0, s9  }
0x1a3: {  	v6 =	vld [tilespmem:s17+$0x640]  }
0x1a4: {  	v3 =	vadd.f32 v4, v3;
	_ =	sdelay $0x1  }
0x1a5: {  	v3 =	vadd.f32 v5, v3;
	_ =	sdelay $0x1  }
0x1a6: {  	v3 =	vadd.f32 v6, v3;
	_ =	sdelay $0x1  }
0x1a7: {  	[tilespmem:s2+$0x1A280] =	vst v3  }
0x1a8: {  	v3 =	vld [tilespmem:s10+$0x10]  }
0x1a9: {  	v4 =	vld [tilespmem:s10+$0xD0]  }
0x1aa: {  	s13 =	sor.u32 $0x410, s12  }
0x1ab: {  	v5 =	vld [tilespmem:s13+$0x200];
	_ =	sdelay $0x1  }
0x1ac: {  	v6 =	vld [tilespmem:s17+$0x650]  }
0x1ad: {  	v3 =	vadd.f32 v4, v3;
	_ =	sdelay $0x1  }
0x1ae: {  	v3 =	vadd.f32 v5, v3;
	_ =	sdelay $0x1  }
0x1af: {  	v3 =	vadd.f32 v6, v3;
	_ =	sdelay $0x1  }
0x1b0: {  	[tilespmem:s2+$0x1A290] =	vst v3  }
0x1b1: {  	v3 =	vld [tilespmem:s10+$0x20]  }
0x1b2: {  	v4 =	vld [tilespmem:s10+$0xE0]  }
0x1b3: {  	s14 =	sor.u32 $0x420, s12  }
0x1b4: {  	v5 =	vld [tilespmem:s14+$0x200];
	_ =	sdelay $0x1  }
0x1b5: {  	v6 =	vld [tilespmem:s17+$0x660]  }
0x1b6: {  	v3 =	vadd.f32 v4, v3;
	_ =	sdelay $0x1  }
0x1b7: {  	v3 =	vadd.f32 v5, v3;
	_ =	sdelay $0x1  }
0x1b8: {  	v3 =	vadd.f32 v6, v3;
	_ =	sdelay $0x1  }
0x1b9: {  	[tilespmem:s2+$0x1A2A0] =	vst v3  }
0x1ba: {  	v3 =	vld [tilespmem:s10+$0x30]  }
0x1bb: {  	v4 =	vld [tilespmem:s10+$0xF0]  }
0x1bc: {  	s15 =	sor.u32 $0x430, s12  }
0x1bd: {  	v5 =	vld [tilespmem:s15+$0x200];
	_ =	sdelay $0x1  }
0x1be: {  	v6 =	vld [tilespmem:s17+$0x670]  }
0x1bf: {  	v3 =	vadd.f32 v4, v3;
	_ =	sdelay $0x1  }
0x1c0: {  	v3 =	vadd.f32 v5, v3;
	_ =	sdelay $0x1  }
0x1c1: {  	v3 =	vadd.f32 v6, v3  }
0x1c2: {  	s7 =	simm.s32 $0x400;
	s12 =	simm.s32 $0x200  }
0x1c3: {  	s18 =	sand.u32 $0xF800, s7;
	s13 =	sand.u32 $0x200, s12;
	[tilespmem:s2+$0x1A2B0] =	vst v3  }
0x1c4: {  	s1 =	sor.u32 s13, s18;
	v3 =	vld [tilespmem:s10+$0x80]  }
0x1c5: {  	v4 =	vld [tilespmem:s1+$0x240]  }
0x1c6: {  	s20 =	simm.s32 $0x600;
	s14 =	simm.s32 $0x300  }
0x1c7: {  	s13 =	sand.u32 $0xF800, s20;
	s14 =	sand.u32 $0x300, s14;
	v5 =	vld [tilespmem:s17+$0x600]  }
0x1c8: {  	s18 =	sor.u32 s14, s13  }
0x1c9: {  	v6 =	vld [tilespmem:s18+$0x640]  }
0x1ca: {  	v3 =	vadd.f32 v4, v3;
	_ =	sdelay $0x1  }
0x1cb: {  	v3 =	vadd.f32 v5, v3;
	_ =	sdelay $0x1  }
0x1cc: {  	v3 =	vadd.f32 v6, v3;
	_ =	sdelay $0x1  }
0x1cd: {  	[tilespmem:s2+$0x1A2C0] =	vst v3  }
0x1ce: {  	v3 =	vld [tilespmem:s10+$0x90]  }
0x1cf: {  	v4 =	vld [tilespmem:s1+$0x250];
	_ =	sdelay $0x1  }
0x1d0: {  	v5 =	vld [tilespmem:s17+$0x610];
	_ =	sdelay $0x1  }
0x1d1: {  	v6 =	vld [tilespmem:s18+$0x650]  }
0x1d2: {  	v3 =	vadd.f32 v4, v3;
	_ =	sdelay $0x1  }
0x1d3: {  	v3 =	vadd.f32 v5, v3;
	_ =	sdelay $0x1  }
0x1d4: {  	v3 =	vadd.f32 v6, v3;
	_ =	sdelay $0x1  }
0x1d5: {  	[tilespmem:s2+$0x1A2D0] =	vst v3  }
0x1d6: {  	v5 =	vld [tilespmem:s10+$0xA0]  }
0x1d7: {  	v6 =	vld [tilespmem:s1+$0x260];
	_ =	sdelay $0x1  }
0x1d8: {  	v4 =	vld [tilespmem:s17+$0x620];
	_ =	sdelay $0x1  }
0x1d9: {  	s25 =	sadd.s32 s26, s4;
	v3 =	vld [tilespmem:s18+$0x660]  }
0x1da: {  	p3 =	por $0x1, $0x1;
	s25 =	sadd.s32 $0x1, s25;
	s13 =	simm.s32 $0x0;
	v5 =	vadd.f32 v6, v5  }
.LBB2_3:
0x1db: {  	s13 =	sadd.s32 $0x2, s13;
	p2 =	por !p2, !p2;
	p3 =	por !p3, !p3  }
0x1dc: {  	s14 =	smov.u32 s7;
	s15 =	smov.u32 s12;
	p4 =	slt.u32 s13, $0x30;
	v4 =	vadd.f32 v4, v5  }
0x1dd: {  	_ = 	snop  }
0x1de: {  	v3 =	vadd.f32 v3, v4;
	_ =	sdelay $0x1  }
0x1df: {  	[tilespmem:s2+$0x1A2E0] =	vst v3  }
0x1e0: {  	v3 =	vld [tilespmem:s10+$0xB0]  }
0x1e1: {  	v4 =	vld [tilespmem:s1+$0x270]  }
0x1e2: {  	v5 =	vld [tilespmem:s17+$0x630]  }
0x1e3: {  	v6 =	vld [tilespmem:s18+$0x670];
	_ =	sdelay $0x2  }
0x1e4: {  	v3 =	vadd.f32 v4, v3  }
0x1e5: {  	s1 =	simm.s32 $0x1  }
0x1e6: {  	s10 =	sand.u32 $0x7800, s7;
	s1 =	simm.s32 @!p2 $0x0;
	v3 =	vadd.f32 v5, v3  }
0x1e7: {  	s10 =	sor.u32 $0x200, s10;
	s17 =	sshll.u32 s1, $0x9;
	s1 =	sand.u32 $0x200, s12  }
0x1e8: {  	s1 =	sadd.s32 s1, s10;
	s17 =	sadd.s32 s17, s7;
	v3 =	vadd.f32 v6, v3  }
0x1e9: {  	s18 =	sadd.s32 $0x100, s17;
	s20 =	sor.u32 $0x5C0, s17  }
0x1ea: {  	s9 =	sor.u32 $0x400, s18;
	[tilespmem:s2+$0x1A2F0] =	vst v3  }
0x1eb: {  	v3 =	vld [tilespmem:s1+$0x0]  }
0x1ec: {  	v4 =	vld [tilespmem:s1+$0xC0]  }
0x1ed: {  	v5 =	vld [tilespmem:s9+$0x200]  }
0x1ee: {  	v6 =	vld [tilespmem:s20+$0x200];
	_ =	sdelay $0x2  }
0x1ef: {  	v3 =	vadd.f32 v4, v3;
	_ =	sdelay $0x1  }
0x1f0: {  	v3 =	vadd.f32 v5, v3;
	_ =	sdelay $0x1  }
0x1f1: {  	s9 =	sor.u32 $0x410, s18;
	v3 =	vadd.f32 v6, v3  }
0x1f2: {  	s2 =	sshra.s32 s7, $0x2  }
0x1f3: {  	[tilespmem:s2+$0x1A200] =	vst v3  }
0x1f4: {  	v3 =	vld [tilespmem:s1+$0x10]  }
0x1f5: {  	v4 =	vld [tilespmem:s1+$0xD0];
	_ =	sdelay $0x1  }
0x1f6: {  	v5 =	vld [tilespmem:s9+$0x200]  }
0x1f7: {  	s9 =	sor.u32 $0x5D0, s17  }
0x1f8: {  	v6 =	vld [tilespmem:s9+$0x200]  }
0x1f9: {  	v3 =	vadd.f32 v4, v3;
	_ =	sdelay $0x1  }
0x1fa: {  	v3 =	vadd.f32 v5, v3;
	_ =	sdelay $0x1  }
0x1fb: {  	v3 =	vadd.f32 v6, v3;
	_ =	sdelay $0x1  }
0x1fc: {  	[tilespmem:s2+$0x1A210] =	vst v3  }
0x1fd: {  	v3 =	vld [tilespmem:s1+$0x20]  }
0x1fe: {  	v4 =	vld [tilespmem:s1+$0xE0]  }
0x1ff: {  	s9 =	sor.u32 $0x420, s18  }
0x200: {  	v5 =	vld [tilespmem:s9+$0x200]  }
0x201: {  	s9 =	sor.u32 $0x5E0, s17  }
0x202: {  	v6 =	vld [tilespmem:s9+$0x200]  }
0x203: {  	v3 =	vadd.f32 v4, v3;
	_ =	sdelay $0x1  }
0x204: {  	v3 =	vadd.f32 v5, v3;
	_ =	sdelay $0x1  }
0x205: {  	v3 =	vadd.f32 v6, v3;
	_ =	sdelay $0x1  }
0x206: {  	[tilespmem:s2+$0x1A220] =	vst v3  }
0x207: {  	v3 =	vld [tilespmem:s1+$0x30]  }
0x208: {  	v4 =	vld [tilespmem:s1+$0xF0]  }
0x209: {  	s9 =	sor.u32 $0x430, s18  }
0x20a: {  	v5 =	vld [tilespmem:s9+$0x200]  }
0x20b: {  	s9 =	sor.u32 $0x5F0, s17  }
0x20c: {  	v6 =	vld [tilespmem:s9+$0x200]  }
0x20d: {  	v3 =	vadd.f32 v4, v3;
	_ =	sdelay $0x1  }
0x20e: {  	v3 =	vadd.f32 v5, v3;
	_ =	sdelay $0x1  }
0x20f: {  	v3 =	vadd.f32 v6, v3;
	_ =	sdelay $0x1  }
0x210: {  	[tilespmem:s2+$0x1A230] =	vst v3  }
0x211: {  	s9 =	simm.s32 $0x1;
	v3 =	vld [tilespmem:s1+$0x80]  }
0x212: {  	s9 =	simm.s32 @!p3 $0x0;
	v4 =	vld [tilespmem:s1+$0x140]  }
0x213: {  	s7 =	sadd.s32 $0x400, s7;
	s18 =	sor.u32 $0x580, s17;
	s9 =	sshll.u32 s9, $0x9  }
0x214: {  	s20 =	sadd.s32 s9, s7;
	v5 =	vld [tilespmem:s18+$0x200];
	s18 =	sand.u32 $0xF800, s7  }
0x215: {  	s9 =	sor.u32 $0x440, s20  }
0x216: {  	v6 =	vld [tilespmem:s9+$0x200]  }
0x217: {  	v3 =	vadd.f32 v4, v3;
	_ =	sdelay $0x1  }
0x218: {  	v3 =	vadd.f32 v5, v3;
	_ =	sdelay $0x1  }
0x219: {  	v3 =	vadd.f32 v6, v3;
	_ =	sdelay $0x1  }
0x21a: {  	[tilespmem:s2+$0x1A240] =	vst v3  }
0x21b: {  	v3 =	vld [tilespmem:s1+$0x90]  }
0x21c: {  	v4 =	vld [tilespmem:s1+$0x150]  }
0x21d: {  	s9 =	sor.u32 $0x590, s17  }
0x21e: {  	v5 =	vld [tilespmem:s9+$0x200]  }
0x21f: {  	s9 =	sor.u32 $0x450, s20  }
0x220: {  	v6 =	vld [tilespmem:s9+$0x200]  }
0x221: {  	v3 =	vadd.f32 v4, v3;
	_ =	sdelay $0x1  }
0x222: {  	v3 =	vadd.f32 v5, v3;
	_ =	sdelay $0x1  }
0x223: {  	v3 =	vadd.f32 v6, v3;
	_ =	sdelay $0x1  }
0x224: {  	[tilespmem:s2+$0x1A250] =	vst v3  }
0x225: {  	v3 =	vld [tilespmem:s1+$0xA0]  }
0x226: {  	s9 =	sor.u32 $0x5A0, s17;
	v4 =	vld [tilespmem:s1+$0x160]  }
0x227: {  	v5 =	vld [tilespmem:s9+$0x200];
	_ =	sdelay $0x1  }
0x228: {  	s9 =	sor.u32 $0x460, s20  }
0x229: {  	v6 =	vld [tilespmem:s9+$0x200]  }
0x22a: {  	v3 =	vadd.f32 v4, v3;
	_ =	sdelay $0x1  }
0x22b: {  	v3 =	vadd.f32 v5, v3;
	_ =	sdelay $0x1  }
0x22c: {  	v3 =	vadd.f32 v6, v3;
	_ =	sdelay $0x1  }
0x22d: {  	[tilespmem:s2+$0x1A260] =	vst v3  }
0x22e: {  	v3 =	vld [tilespmem:s1+$0xB0]  }
0x22f: {  	v4 =	vld [tilespmem:s1+$0x170];
	s1 =	sor.u32 $0x470, s20  }
0x230: {  	s9 =	sor.u32 $0x5B0, s17;
	v5 =	vld [tilespmem:s1+$0x200]  }
0x231: {  	v6 =	vld [tilespmem:s9+$0x200];
	_ =	sdelay $0x2  }
0x232: {  	v3 =	vadd.f32 v4, v3;
	_ =	sdelay $0x1  }
0x233: {  	v3 =	vadd.f32 v6, v3;
	_ =	sdelay $0x1  }
0x234: {  	s1 =	sadd.s32 $0x100, s12;
	v3 =	vadd.f32 v5, v3  }
0x235: {  	s1 =	sand.u32 $0x300, s1  }
0x236: {  	s10 =	sadd.s32 s1, s10;
	[tilespmem:s2+$0x1A270] =	vst v3  }
0x237: {  	v3 =	vld [tilespmem:s10+$0x0]  }
0x238: {  	s1 =	sor.u32 $0x400, s20;
	v4 =	vld [tilespmem:s10+$0xC0]  }
0x239: {  	s9 =	sadd.s32 $0x280, s12;
	v5 =	vld [tilespmem:s1+$0x200];
	s1 =	sadd.s32 $0x500, s14  }
0x23a: {  	s9 =	sand.u32 $0x280, s9;
	s1 =	sand.u32 $0xF800, s1  }
0x23b: {  	s17 =	sor.u32 s9, s1  }
0x23c: {  	v6 =	vld [tilespmem:s17+$0x640]  }
0x23d: {  	v3 =	vadd.f32 v4, v3;
	_ =	sdelay $0x1  }
0x23e: {  	v3 =	vadd.f32 v5, v3;
	_ =	sdelay $0x1  }
0x23f: {  	v3 =	vadd.f32 v6, v3;
	_ =	sdelay $0x1  }
0x240: {  	[tilespmem:s2+$0x1A280] =	vst v3  }
0x241: {  	v3 =	vld [tilespmem:s10+$0x10]  }
0x242: {  	s1 =	sor.u32 $0x410, s20;
	v4 =	vld [tilespmem:s10+$0xD0]  }
0x243: {  	v5 =	vld [tilespmem:s1+$0x200]  }
0x244: {  	v6 =	vld [tilespmem:s17+$0x650];
	_ =	sdelay $0x2  }
0x245: {  	v3 =	vadd.f32 v4, v3;
	_ =	sdelay $0x1  }
0x246: {  	v3 =	vadd.f32 v5, v3;
	_ =	sdelay $0x1  }
0x247: {  	v3 =	vadd.f32 v6, v3;
	_ =	sdelay $0x1  }
0x248: {  	[tilespmem:s2+$0x1A290] =	vst v3  }
0x249: {  	v3 =	vld [tilespmem:s10+$0x20]  }
0x24a: {  	s1 =	sor.u32 $0x420, s20;
	v4 =	vld [tilespmem:s10+$0xE0]  }
0x24b: {  	v5 =	vld [tilespmem:s1+$0x200]  }
0x24c: {  	v6 =	vld [tilespmem:s17+$0x660];
	_ =	sdelay $0x2  }
0x24d: {  	v3 =	vadd.f32 v4, v3;
	_ =	sdelay $0x1  }
0x24e: {  	v3 =	vadd.f32 v5, v3;
	_ =	sdelay $0x1  }
0x24f: {  	v3 =	vadd.f32 v6, v3;
	_ =	sdelay $0x1  }
0x250: {  	[tilespmem:s2+$0x1A2A0] =	vst v3  }
0x251: {  	v3 =	vld [tilespmem:s10+$0x30]  }
0x252: {  	s1 =	sor.u32 $0x430, s20;
	v4 =	vld [tilespmem:s10+$0xF0]  }
0x253: {  	v5 =	vld [tilespmem:s1+$0x200]  }
0x254: {  	v6 =	vld [tilespmem:s17+$0x670];
	_ =	sdelay $0x2  }
0x255: {  	v3 =	vadd.f32 v4, v3;
	_ =	sdelay $0x1  }
0x256: {  	v3 =	vadd.f32 v5, v3;
	_ =	sdelay $0x1  }
0x257: {  	v3 =	vadd.f32 v6, v3  }
0x258: {  	s12 =	sadd.s32 $0x200, s12  }
0x259: {  	s1 =	sand.u32 $0x200, s12;
	[tilespmem:s2+$0x1A2B0] =	vst v3  }
0x25a: {  	s9 =	sadd.s32 $0x600, s14;
	s14 =	sadd.s32 $0x300, s15;
	s1 =	sor.u32 s1, s18;
	v3 =	vld [tilespmem:s10+$0x80]  }
0x25b: {  	s9 =	sand.u32 $0xF800, s9;
	s14 =	sand.u32 $0x300, s14;
	v4 =	vld [tilespmem:s1+$0x240]  }
0x25c: {  	s18 =	sor.u32 s14, s9;
	v5 =	vld [tilespmem:s17+$0x600]  }
0x25d: {  	v6 =	vld [tilespmem:s18+$0x640];
	_ =	sdelay $0x2  }
0x25e: {  	v3 =	vadd.f32 v4, v3;
	_ =	sdelay $0x1  }
0x25f: {  	v3 =	vadd.f32 v5, v3;
	_ =	sdelay $0x1  }
0x260: {  	v3 =	vadd.f32 v6, v3;
	_ =	sdelay $0x1  }
0x261: {  	[tilespmem:s2+$0x1A2C0] =	vst v3  }
0x262: {  	v3 =	vld [tilespmem:s10+$0x90]  }
0x263: {  	v4 =	vld [tilespmem:s1+$0x250]  }
0x264: {  	v5 =	vld [tilespmem:s17+$0x610]  }
0x265: {  	v6 =	vld [tilespmem:s18+$0x650];
	_ =	sdelay $0x2  }
0x266: {  	v3 =	vadd.f32 v4, v3;
	_ =	sdelay $0x1  }
0x267: {  	v3 =	vadd.f32 v5, v3;
	_ =	sdelay $0x1  }
0x268: {  	v3 =	vadd.f32 v6, v3;
	_ =	sdelay $0x1  }
0x269: {  	[tilespmem:s2+$0x1A2D0] =	vst v3  }
0x26a: {  	v5 =	vld [tilespmem:s10+$0xA0]  }
0x26b: {  	v6 =	vld [tilespmem:s1+$0x260]  }
.Ltmp0:
0x26c: {  	v4 =	vld [tilespmem:s17+$0x620];
	(pc) =	sbr.rel @p4 .LBB2_3-.Ltmp0, $2  }
0x26d: {  	v3 =	vld [tilespmem:s18+$0x660];
	_ =	sdelay $0x2  }
0x26e: {  	v5 =	vadd.f32 v6, v5  }
0x26f: {  	_ = 	snop  }
0x270: {  	v4 =	vadd.f32 v4, v5;
	_ =	sdelay $0x1  }
0x271: {  	v3 =	vadd.f32 v3, v4;
	_ =	sdelay $0x1  }
0x272: {  	[tilespmem:s2+$0x1A2E0] =	vst v3  }
0x273: {  	v3 =	vld [tilespmem:s10+$0xB0]  }
0x274: {  	v4 =	vld [tilespmem:s1+$0x270];
	_ =	sdelay $0x1  }
0x275: {  	v5 =	vld [tilespmem:s17+$0x630];
	_ =	sdelay $0x1  }
0x276: {  	v6 =	vld [tilespmem:s18+$0x670]  }
0x277: {  	v3 =	vadd.f32 v4, v3;
	_ =	sdelay $0x1  }
0x278: {  	v3 =	vadd.f32 v5, v3;
	_ =	sdelay $0x1  }
0x279: {  	s13 =	simm.s32 $0x80;
	v3 =	vadd.f32 v6, v3  }
0x27a: {  	s7 =	sand.u32 $0xFFFFF800, s11;
	s1 =	sand.u32 $0x280, s13  }
0x27b: {  	s15 =	sand.u32 $0xFFFFF800, s29;
	s14 =	sor.u32 s1, s7;
	[tilespmem:s2+$0x1A2F0] =	vst v3  }
0x27c: {  	s17 =	sor.u32 s30, s15;
	s2 =	simm.s32 $0x200;
	v3 =	vld [tilespmem:s14+$0x6A40]  }
0x27d: {  	v4 =	vld [tilespmem:s17+$0x6A00];
	s18 =	sand.u32 $0xFFFFF800, s2  }
0x27e: {  	s9 =	simm.s32 $0x180;
	s20 =	simm.s32 $0x300;
	s1 =	sor.u32 s8, s18  }
0x27f: {  	s9 =	sand.u32 $0x380, s9;
	s30 =	sand.u32 $0xFFFFF800, s20;
	v5 =	vld [tilespmem:s1+$0x6E00]  }
0x280: {  	s8 =	sor.u32 s9, s30  }
0x281: {  	v6 =	vld [tilespmem:s8+$0x6E40]  }
0x282: {  	v3 =	vadd.f32 v3, v4;
	_ =	sdelay $0x1  }
0x283: {  	v3 =	vadd.f32 v5, v3;
	_ =	sdelay $0x1  }
0x284: {  	v3 =	vadd.f32 v6, v3  }
0x285: {  	s29 =	simm.s32 $0x0  }
0x286: {  	[tilespmem:s29+$0x1BB00] =	vst v3  }
0x287: {  	v3 =	vld [tilespmem:s17+$0x6A10]  }
0x288: {  	v4 =	vld [tilespmem:s14+$0x6A50];
	_ =	sdelay $0x1  }
0x289: {  	v5 =	vld [tilespmem:s1+$0x6E10];
	_ =	sdelay $0x1  }
0x28a: {  	v6 =	vld [tilespmem:s8+$0x6E50]  }
0x28b: {  	v3 =	vadd.f32 v4, v3;
	_ =	sdelay $0x1  }
0x28c: {  	v3 =	vadd.f32 v5, v3;
	_ =	sdelay $0x1  }
0x28d: {  	v3 =	vadd.f32 v6, v3;
	_ =	sdelay $0x1  }
0x28e: {  	[tilespmem:s29+$0x1BB10] =	vst v3  }
0x28f: {  	v3 =	vld [tilespmem:s17+$0x6A20]  }
0x290: {  	v4 =	vld [tilespmem:s14+$0x6A60];
	_ =	sdelay $0x1  }
0x291: {  	v5 =	vld [tilespmem:s1+$0x6E20];
	_ =	sdelay $0x1  }
0x292: {  	v6 =	vld [tilespmem:s8+$0x6E60]  }
0x293: {  	v3 =	vadd.f32 v4, v3;
	_ =	sdelay $0x1  }
0x294: {  	v3 =	vadd.f32 v5, v3;
	_ =	sdelay $0x1  }
0x295: {  	v3 =	vadd.f32 v6, v3;
	_ =	sdelay $0x1  }
0x296: {  	[tilespmem:s29+$0x1BB20] =	vst v3  }
0x297: {  	v3 =	vld [tilespmem:s17+$0x6A30]  }
0x298: {  	v4 =	vld [tilespmem:s14+$0x6A70];
	_ =	sdelay $0x1  }
0x299: {  	v5 =	vld [tilespmem:s1+$0x6E30];
	_ =	sdelay $0x1  }
0x29a: {  	v6 =	vld [tilespmem:s8+$0x6E70]  }
0x29b: {  	v3 =	vadd.f32 v4, v3;
	_ =	sdelay $0x1  }
0x29c: {  	v3 =	vadd.f32 v5, v3;
	_ =	sdelay $0x1  }
0x29d: {  	v3 =	vadd.f32 v6, v3;
	_ =	sdelay $0x1  }
0x29e: {  	[tilespmem:s29+$0x1BB30] =	vst v3  }
0x29f: {  	v3 =	vld [tilespmem:s14+$0x6A00]  }
0x2a0: {  	s9 =	simm.s32 $0x6400;
	v4 =	vld [tilespmem:s1+$0x6A40]  }
0x2a1: {  	s11 =	simm.s32 $0x3200;
	s7 =	sand.u32 $0xF800, s9  }
0x2a2: {  	s9 =	sand.u32 $0x200, s11;
	s7 =	sadd.s32 $0xE00, s7;
	v5 =	vld [tilespmem:s8+$0x6E00]  }
0x2a3: {  	s9 =	sadd.s32 s9, s7  }
0x2a4: {  	v6 =	vld [tilespmem:s9+$0x40]  }
0x2a5: {  	v3 =	vadd.f32 v4, v3;
	_ =	sdelay $0x1  }
0x2a6: {  	v3 =	vadd.f32 v5, v3;
	_ =	sdelay $0x1  }
0x2a7: {  	v3 =	vadd.f32 v6, v3;
	_ =	sdelay $0x1  }
0x2a8: {  	[tilespmem:s29+$0x1BB40] =	vst v3  }
0x2a9: {  	v3 =	vld [tilespmem:s14+$0x6A10]  }
0x2aa: {  	v4 =	vld [tilespmem:s1+$0x6A50];
	_ =	sdelay $0x1  }
0x2ab: {  	v5 =	vld [tilespmem:s8+$0x6E10];
	_ =	sdelay $0x1  }
0x2ac: {  	v6 =	vld [tilespmem:s9+$0x50]  }
0x2ad: {  	v3 =	vadd.f32 v4, v3;
	_ =	sdelay $0x1  }
0x2ae: {  	v3 =	vadd.f32 v5, v3;
	_ =	sdelay $0x1  }
0x2af: {  	v3 =	vadd.f32 v6, v3;
	_ =	sdelay $0x1  }
0x2b0: {  	[tilespmem:s29+$0x1BB50] =	vst v3  }
0x2b1: {  	v3 =	vld [tilespmem:s14+$0x6A20]  }
0x2b2: {  	v4 =	vld [tilespmem:s1+$0x6A60];
	_ =	sdelay $0x1  }
0x2b3: {  	v5 =	vld [tilespmem:s8+$0x6E20];
	_ =	sdelay $0x1  }
0x2b4: {  	v6 =	vld [tilespmem:s9+$0x60]  }
0x2b5: {  	v3 =	vadd.f32 v4, v3;
	_ =	sdelay $0x1  }
0x2b6: {  	v3 =	vadd.f32 v5, v3;
	_ =	sdelay $0x1  }
0x2b7: {  	v3 =	vadd.f32 v6, v3;
	_ =	sdelay $0x1  }
0x2b8: {  	[tilespmem:s29+$0x1BB60] =	vst v3  }
0x2b9: {  	v3 =	vld [tilespmem:s14+$0x6A30]  }
0x2ba: {  	v4 =	vld [tilespmem:s1+$0x6A70];
	_ =	sdelay $0x1  }
0x2bb: {  	v5 =	vld [tilespmem:s8+$0x6E30];
	_ =	sdelay $0x1  }
0x2bc: {  	v6 =	vld [tilespmem:s9+$0x70]  }
0x2bd: {  	v3 =	vadd.f32 v4, v3;
	_ =	sdelay $0x1  }
0x2be: {  	v3 =	vadd.f32 v5, v3;
	_ =	sdelay $0x1  }
0x2bf: {  	v3 =	vadd.f32 v6, v3;
	_ =	sdelay $0x1  }
0x2c0: {  	[tilespmem:s29+$0x1BB70] =	vst v3  }
0x2c1: {  	v3 =	vld [tilespmem:s1+$0x6A00]  }
0x2c2: {  	s12 =	sadd.s32 $0x400, s28;
	v4 =	vld [tilespmem:s8+$0x6A40]  }
0x2c3: {  	s13 =	sor.u32 $0x400, s12  }
0x2c4: {  	s14 =	sand.u32 $0xFFFFF800, s31;
	v5 =	vld [tilespmem:s13+$0x6A00]  }
0x2c5: {  	s13 =	sor.u32 s0, s14  }
0x2c6: {  	v6 =	vld [tilespmem:s13+$0x6E40]  }
0x2c7: {  	v3 =	vadd.f32 v4, v3;
	_ =	sdelay $0x1  }
0x2c8: {  	v3 =	vadd.f32 v5, v3;
	_ =	sdelay $0x1  }
0x2c9: {  	v3 =	vadd.f32 v6, v3;
	_ =	sdelay $0x1  }
0x2ca: {  	[tilespmem:s29+$0x1BB80] =	vst v3  }
0x2cb: {  	v3 =	vld [tilespmem:s1+$0x6A10]  }
0x2cc: {  	v4 =	vld [tilespmem:s8+$0x6A50]  }
0x2cd: {  	s15 =	sor.u32 $0x410, s12  }
0x2ce: {  	v5 =	vld [tilespmem:s15+$0x6A00];
	_ =	sdelay $0x1  }
0x2cf: {  	v6 =	vld [tilespmem:s13+$0x6E50]  }
0x2d0: {  	v3 =	vadd.f32 v4, v3;
	_ =	sdelay $0x1  }
0x2d1: {  	v3 =	vadd.f32 v5, v3;
	_ =	sdelay $0x1  }
0x2d2: {  	v3 =	vadd.f32 v6, v3;
	_ =	sdelay $0x1  }
0x2d3: {  	[tilespmem:s29+$0x1BB90] =	vst v3  }
0x2d4: {  	v3 =	vld [tilespmem:s1+$0x6A20]  }
0x2d5: {  	v4 =	vld [tilespmem:s8+$0x6A60]  }
0x2d6: {  	s17 =	sor.u32 $0x420, s12  }
0x2d7: {  	v5 =	vld [tilespmem:s17+$0x6A00];
	_ =	sdelay $0x1  }
0x2d8: {  	v6 =	vld [tilespmem:s13+$0x6E60]  }
0x2d9: {  	v3 =	vadd.f32 v4, v3;
	_ =	sdelay $0x1  }
0x2da: {  	v3 =	vadd.f32 v5, v3;
	_ =	sdelay $0x1  }
0x2db: {  	v3 =	vadd.f32 v6, v3;
	_ =	sdelay $0x1  }
0x2dc: {  	[tilespmem:s29+$0x1BBA0] =	vst v3  }
0x2dd: {  	v3 =	vld [tilespmem:s1+$0x6A30]  }
0x2de: {  	v4 =	vld [tilespmem:s8+$0x6A70]  }
0x2df: {  	s18 =	sor.u32 $0x430, s12  }
0x2e0: {  	v5 =	vld [tilespmem:s18+$0x6A00];
	_ =	sdelay $0x1  }
0x2e1: {  	v6 =	vld [tilespmem:s13+$0x6E70]  }
0x2e2: {  	v3 =	vadd.f32 v4, v3;
	_ =	sdelay $0x1  }
0x2e3: {  	v3 =	vadd.f32 v5, v3;
	_ =	sdelay $0x1  }
0x2e4: {  	v3 =	vadd.f32 v6, v3  }
0x2e5: {  	s0 =	simm.s32 $0x400  }
0x2e6: {  	s28 =	sand.u32 $0x200, s2;
	s20 =	sand.u32 $0xFFFFF800, s0;
	[tilespmem:s29+$0x1BBB0] =	vst v3  }
0x2e7: {  	s1 =	sor.u32 s28, s20;
	v3 =	vld [tilespmem:s8+$0x6A00]  }
0x2e8: {  	v4 =	vld [tilespmem:s1+$0x6A40]  }
0x2e9: {  	s30 =	simm.s32 $0x3300  }
0x2ea: {  	s9 =	sand.u32 $0x300, s30;
	v5 =	vld [tilespmem:s13+$0x6E00]  }
0x2eb: {  	s10 =	sadd.s32 s9, s7  }
0x2ec: {  	v6 =	vld [tilespmem:s10+$0x40]  }
0x2ed: {  	v3 =	vadd.f32 v4, v3;
	_ =	sdelay $0x1  }
0x2ee: {  	v3 =	vadd.f32 v5, v3;
	_ =	sdelay $0x1  }
0x2ef: {  	v3 =	vadd.f32 v6, v3;
	_ =	sdelay $0x1  }
0x2f0: {  	[tilespmem:s29+$0x1BBC0] =	vst v3  }
0x2f1: {  	v3 =	vld [tilespmem:s8+$0x6A10]  }
0x2f2: {  	v4 =	vld [tilespmem:s1+$0x6A50];
	_ =	sdelay $0x1  }
0x2f3: {  	v5 =	vld [tilespmem:s13+$0x6E10];
	_ =	sdelay $0x1  }
0x2f4: {  	v6 =	vld [tilespmem:s10+$0x50]  }
0x2f5: {  	v3 =	vadd.f32 v4, v3;
	_ =	sdelay $0x1  }
0x2f6: {  	v3 =	vadd.f32 v5, v3;
	_ =	sdelay $0x1  }
0x2f7: {  	v3 =	vadd.f32 v6, v3;
	_ =	sdelay $0x1  }
0x2f8: {  	[tilespmem:s29+$0x1BBD0] =	vst v3  }
0x2f9: {  	v5 =	vld [tilespmem:s8+$0x6A20]  }
0x2fa: {  	v6 =	vld [tilespmem:s1+$0x6A60];
	_ =	sdelay $0x1  }
0x2fb: {  	v4 =	vld [tilespmem:s13+$0x6E20];
	_ =	sdelay $0x1  }
0x2fc: {  	v3 =	vld [tilespmem:s10+$0x60]  }
0x2fd: {  	s7 =	simm.s32 $0x32;
	v5 =	vadd.f32 v6, v5  }
.LBB2_5:
0x2fe: {  	s7 =	sadd.s32 $0x2, s7;
	p1 =	por !p1, !p1;
	s12 =	smov.u32 s0  }
0x2ff: {  	s11 =	smov.u32 s2;
	p2 =	slt.u32 s7, $0x62;
	v4 =	vadd.f32 v4, v5;
	_ =	sdelay $0x1  }
0x300: {  	v3 =	vadd.f32 v3, v4;
	_ =	sdelay $0x1  }
0x301: {  	[tilespmem:s29+$0x1BBE0] =	vst v3  }
0x302: {  	v3 =	vld [tilespmem:s8+$0x6A30]  }
0x303: {  	v4 =	vld [tilespmem:s1+$0x6A70]  }
0x304: {  	v5 =	vld [tilespmem:s10+$0x70]  }
0x305: {  	v6 =	vld [tilespmem:s13+$0x6E30];
	_ =	sdelay $0x2  }
0x306: {  	v3 =	vadd.f32 v4, v3;
	_ =	sdelay $0x1  }
0x307: {  	s8 =	sadd.s32 $0x80, s2;
	s1 =	sadd.s32 $0x100, s0;
	v3 =	vadd.f32 v6, v3  }
0x308: {  	s8 =	sand.u32 $0x280, s8;
	s1 =	sand.u32 $0xFFFFF800, s1  }
0x309: {  	s1 =	sor.u32 s8, s1;
	v3 =	vadd.f32 v5, v3  }
0x30a: {  	s9 =	sadd.s32 $0x100, s2;
	s10 =	sadd.s32 $0x180, s2;
	s8 =	sadd.s32 $0x200, s0  }
0x30b: {  	s14 =	sand.u32 $0x200, s2;
	s15 =	sadd.s32 $0x300, s0;
	s13 =	sand.u32 $0xFFFFF800, s0;
	[tilespmem:s29+$0x1BBF0] =	vst v3  }
0x30c: {  	s10 =	sand.u32 $0x380, s10;
	s13 =	sor.u32 s14, s13;
	s14 =	sand.u32 $0xFFFFF800, s15;
	v3 =	vld [tilespmem:s1+$0x6A40]  }
0x30d: {  	s9 =	sand.u32 $0x300, s9;
	s15 =	sand.u32 $0xFFFFF800, s8;
	s8 =	sor.u32 s10, s14;
	v4 =	vld [tilespmem:s13+$0x6A00]  }
0x30e: {  	s10 =	sor.u32 s9, s15;
	v5 =	vld [tilespmem:s8+$0x6E40]  }
0x30f: {  	v6 =	vld [tilespmem:s10+$0x6E00];
	_ =	sdelay $0x2  }
0x310: {  	v3 =	vadd.f32 v3, v4;
	_ =	sdelay $0x1  }
0x311: {  	v3 =	vadd.f32 v6, v3;
	_ =	sdelay $0x1  }
0x312: {  	v3 =	vadd.f32 v5, v3  }
0x313: {  	s29 =	sshra.s32 s0, $0x2  }
0x314: {  	[tilespmem:s29+$0x1BB00] =	vst v3  }
0x315: {  	v3 =	vld [tilespmem:s13+$0x6A10]  }
0x316: {  	v4 =	vld [tilespmem:s1+$0x6A50];
	_ =	sdelay $0x1  }
0x317: {  	v5 =	vld [tilespmem:s10+$0x6E10];
	_ =	sdelay $0x1  }
0x318: {  	v6 =	vld [tilespmem:s8+$0x6E50]  }
0x319: {  	v3 =	vadd.f32 v4, v3;
	_ =	sdelay $0x1  }
0x31a: {  	v3 =	vadd.f32 v5, v3;
	_ =	sdelay $0x1  }
0x31b: {  	v3 =	vadd.f32 v6, v3;
	_ =	sdelay $0x1  }
0x31c: {  	[tilespmem:s29+$0x1BB10] =	vst v3  }
0x31d: {  	v3 =	vld [tilespmem:s13+$0x6A20]  }
0x31e: {  	v4 =	vld [tilespmem:s1+$0x6A60];
	_ =	sdelay $0x1  }
0x31f: {  	v5 =	vld [tilespmem:s10+$0x6E20];
	_ =	sdelay $0x1  }
0x320: {  	v6 =	vld [tilespmem:s8+$0x6E60]  }
0x321: {  	v3 =	vadd.f32 v4, v3;
	_ =	sdelay $0x1  }
0x322: {  	v3 =	vadd.f32 v5, v3;
	_ =	sdelay $0x1  }
0x323: {  	v3 =	vadd.f32 v6, v3;
	_ =	sdelay $0x1  }
0x324: {  	[tilespmem:s29+$0x1BB20] =	vst v3  }
0x325: {  	v3 =	vld [tilespmem:s13+$0x6A30]  }
0x326: {  	v4 =	vld [tilespmem:s1+$0x6A70];
	_ =	sdelay $0x1  }
0x327: {  	v5 =	vld [tilespmem:s10+$0x6E30];
	_ =	sdelay $0x1  }
0x328: {  	v6 =	vld [tilespmem:s8+$0x6E70]  }
0x329: {  	v3 =	vadd.f32 v4, v3;
	_ =	sdelay $0x1  }
0x32a: {  	v3 =	vadd.f32 v5, v3;
	_ =	sdelay $0x1  }
0x32b: {  	v3 =	vadd.f32 v6, v3;
	_ =	sdelay $0x1  }
0x32c: {  	[tilespmem:s29+$0x1BB30] =	vst v3  }
0x32d: {  	v3 =	vld [tilespmem:s1+$0x6A00]  }
0x32e: {  	s9 =	sadd.s32 $0x6400, s0;
	v4 =	vld [tilespmem:s10+$0x6A40]  }
0x32f: {  	s9 =	sand.u32 $0xF800, s9;
	s13 =	sadd.s32 $0x3200, s2  }
0x330: {  	s14 =	sadd.s32 $0xE00, s9;
	s13 =	sand.u32 $0x200, s13;
	v5 =	vld [tilespmem:s8+$0x6E00]  }
0x331: {  	s9 =	sadd.s32 s13, s14  }
0x332: {  	v6 =	vld [tilespmem:s9+$0x40]  }
0x333: {  	v3 =	vadd.f32 v4, v3;
	_ =	sdelay $0x1  }
0x334: {  	v3 =	vadd.f32 v5, v3;
	_ =	sdelay $0x1  }
0x335: {  	v3 =	vadd.f32 v6, v3;
	_ =	sdelay $0x1  }
0x336: {  	[tilespmem:s29+$0x1BB40] =	vst v3  }
0x337: {  	v3 =	vld [tilespmem:s1+$0x6A10]  }
0x338: {  	v4 =	vld [tilespmem:s10+$0x6A50];
	_ =	sdelay $0x1  }
0x339: {  	v5 =	vld [tilespmem:s8+$0x6E10];
	_ =	sdelay $0x1  }
0x33a: {  	v6 =	vld [tilespmem:s9+$0x50]  }
0x33b: {  	v3 =	vadd.f32 v4, v3;
	_ =	sdelay $0x1  }
0x33c: {  	v3 =	vadd.f32 v5, v3;
	_ =	sdelay $0x1  }
0x33d: {  	v3 =	vadd.f32 v6, v3;
	_ =	sdelay $0x1  }
0x33e: {  	[tilespmem:s29+$0x1BB50] =	vst v3  }
0x33f: {  	v3 =	vld [tilespmem:s1+$0x6A20]  }
0x340: {  	v4 =	vld [tilespmem:s10+$0x6A60]  }
0x341: {  	v5 =	vld [tilespmem:s8+$0x6E20];
	_ =	sdelay $0x2  }
0x342: {  	v6 =	vld [tilespmem:s9+$0x60]  }
0x343: {  	v3 =	vadd.f32 v4, v3;
	_ =	sdelay $0x1  }
0x344: {  	v3 =	vadd.f32 v5, v3;
	_ =	sdelay $0x1  }
0x345: {  	v3 =	vadd.f32 v6, v3;
	_ =	sdelay $0x1  }
0x346: {  	[tilespmem:s29+$0x1BB60] =	vst v3  }
0x347: {  	v3 =	vld [tilespmem:s1+$0x6A30]  }
0x348: {  	v4 =	vld [tilespmem:s10+$0x6A70]  }
0x349: {  	v5 =	vld [tilespmem:s9+$0x70]  }
0x34a: {  	v6 =	vld [tilespmem:s8+$0x6E30];
	_ =	sdelay $0x2  }
0x34b: {  	v3 =	vadd.f32 v4, v3;
	_ =	sdelay $0x1  }
0x34c: {  	v3 =	vadd.f32 v6, v3;
	_ =	sdelay $0x1  }
0x34d: {  	s1 =	simm.s32 $0x1;
	v3 =	vadd.f32 v5, v3  }
0x34e: {  	s1 =	simm.s32 @!p1 $0x0  }
0x34f: {  	s0 =	sadd.s32 $0x400, s0;
	s9 =	sshll.u32 s1, $0x9;
	[tilespmem:s29+$0x1BB70] =	vst v3  }
0x350: {  	s1 =	sand.u32 $0xFFFFF800, s0;
	s15 =	sadd.s32 s9, s0;
	v3 =	vld [tilespmem:s10+$0x6A00]  }
0x351: {  	s9 =	sor.u32 $0x400, s15;
	v4 =	vld [tilespmem:s8+$0x6A40]  }
0x352: {  	v5 =	vld [tilespmem:s9+$0x6A00];
	s9 =	sadd.s32 $0x500, s12;
	s12 =	sadd.s32 $0x280, s2  }
0x353: {  	s9 =	sand.u32 $0xFFFFF800, s9;
	s12 =	sand.u32 $0x280, s12  }
0x354: {  	s13 =	sor.u32 s12, s9  }
0x355: {  	v6 =	vld [tilespmem:s13+$0x6E40]  }
0x356: {  	v3 =	vadd.f32 v4, v3;
	_ =	sdelay $0x1  }
0x357: {  	v3 =	vadd.f32 v5, v3;
	_ =	sdelay $0x1  }
0x358: {  	v3 =	vadd.f32 v6, v3;
	_ =	sdelay $0x1  }
0x359: {  	[tilespmem:s29+$0x1BB80] =	vst v3  }
0x35a: {  	v3 =	vld [tilespmem:s10+$0x6A10]  }
0x35b: {  	s9 =	sor.u32 $0x410, s15;
	v4 =	vld [tilespmem:s8+$0x6A50]  }
0x35c: {  	v5 =	vld [tilespmem:s9+$0x6A00]  }
0x35d: {  	v6 =	vld [tilespmem:s13+$0x6E50];
	_ =	sdelay $0x2  }
0x35e: {  	v3 =	vadd.f32 v4, v3;
	_ =	sdelay $0x1  }
0x35f: {  	v3 =	vadd.f32 v5, v3;
	_ =	sdelay $0x1  }
0x360: {  	v3 =	vadd.f32 v6, v3;
	_ =	sdelay $0x1  }
0x361: {  	[tilespmem:s29+$0x1BB90] =	vst v3  }
0x362: {  	v3 =	vld [tilespmem:s10+$0x6A20]  }
0x363: {  	s9 =	sor.u32 $0x420, s15;
	v4 =	vld [tilespmem:s8+$0x6A60]  }
0x364: {  	v5 =	vld [tilespmem:s9+$0x6A00]  }
0x365: {  	v6 =	vld [tilespmem:s13+$0x6E60];
	_ =	sdelay $0x2  }
0x366: {  	v3 =	vadd.f32 v4, v3;
	_ =	sdelay $0x1  }
0x367: {  	v3 =	vadd.f32 v5, v3;
	_ =	sdelay $0x1  }
0x368: {  	v3 =	vadd.f32 v6, v3;
	_ =	sdelay $0x1  }
0x369: {  	[tilespmem:s29+$0x1BBA0] =	vst v3  }
0x36a: {  	v3 =	vld [tilespmem:s10+$0x6A30]  }
0x36b: {  	s9 =	sor.u32 $0x430, s15;
	v4 =	vld [tilespmem:s8+$0x6A70]  }
0x36c: {  	v5 =	vld [tilespmem:s9+$0x6A00]  }
0x36d: {  	v6 =	vld [tilespmem:s13+$0x6E70];
	_ =	sdelay $0x2  }
0x36e: {  	v3 =	vadd.f32 v4, v3;
	_ =	sdelay $0x1  }
0x36f: {  	v3 =	vadd.f32 v5, v3;
	_ =	sdelay $0x1  }
0x370: {  	v3 =	vadd.f32 v6, v3  }
0x371: {  	s2 =	sadd.s32 $0x200, s2  }
0x372: {  	s9 =	sand.u32 $0x200, s2;
	[tilespmem:s29+$0x1BBB0] =	vst v3  }
0x373: {  	s1 =	sor.u32 s9, s1;
	s9 =	sadd.s32 $0x3300, s11;
	v3 =	vld [tilespmem:s8+$0x6A00]  }
0x374: {  	s9 =	sand.u32 $0x300, s9;
	v4 =	vld [tilespmem:s1+$0x6A40]  }
0x375: {  	s10 =	sadd.s32 s9, s14;
	v5 =	vld [tilespmem:s13+$0x6E00]  }
0x376: {  	v6 =	vld [tilespmem:s10+$0x40];
	_ =	sdelay $0x2  }
0x377: {  	v3 =	vadd.f32 v4, v3;
	_ =	sdelay $0x1  }
0x378: {  	v3 =	vadd.f32 v5, v3;
	_ =	sdelay $0x1  }
0x379: {  	v3 =	vadd.f32 v6, v3;
	_ =	sdelay $0x1  }
0x37a: {  	[tilespmem:s29+$0x1BBC0] =	vst v3  }
0x37b: {  	v3 =	vld [tilespmem:s8+$0x6A10]  }
0x37c: {  	v4 =	vld [tilespmem:s1+$0x6A50]  }
0x37d: {  	v5 =	vld [tilespmem:s13+$0x6E10]  }
0x37e: {  	v6 =	vld [tilespmem:s10+$0x50];
	_ =	sdelay $0x2  }
0x37f: {  	v3 =	vadd.f32 v4, v3;
	_ =	sdelay $0x1  }
0x380: {  	v3 =	vadd.f32 v5, v3;
	_ =	sdelay $0x1  }
0x381: {  	v3 =	vadd.f32 v6, v3;
	_ =	sdelay $0x1  }
0x382: {  	[tilespmem:s29+$0x1BBD0] =	vst v3  }
0x383: {  	v5 =	vld [tilespmem:s8+$0x6A20]  }
0x384: {  	v6 =	vld [tilespmem:s1+$0x6A60]  }
.Ltmp1:
0x385: {  	v4 =	vld [tilespmem:s13+$0x6E20];
	(pc) =	sbr.rel @p2 .LBB2_5-.Ltmp1, $2  }
0x386: {  	v3 =	vld [tilespmem:s10+$0x60];
	_ =	sdelay $0x2  }
0x387: {  	v5 =	vadd.f32 v6, v5  }
0x388: {  	_ = 	snop  }
0x389: {  	v4 =	vadd.f32 v4, v5;
	_ =	sdelay $0x1  }
0x38a: {  	v3 =	vadd.f32 v3, v4;
	_ =	sdelay $0x1  }
0x38b: {  	[tilespmem:s29+$0x1BBE0] =	vst v3  }
0x38c: {  	v3 =	vld [tilespmem:s8+$0x6A30]  }
0x38d: {  	v62 =	vld [tilespmem:s1+$0x6A70];
	_ =	sdelay $0x1  }
0x38e: {  	v63 =	vld [tilespmem:s13+$0x6E30];
	_ =	sdelay $0x1  }
0x38f: {  	v6 =	vld [tilespmem:s10+$0x70]  }
0x390: {  	v3 =	vadd.f32 v62, v3;
	_ =	sdelay $0x1  }
0x391: {  	v3 =	vadd.f32 v63, v3  }
.Ltmp2:
0x392: {  	s0 =	sadd.s32 s4, s26;
	(pc) =	sbr.rel @!p0 .LBB2_7-.Ltmp2, $3  }
0x393: {  	s0 =	smul.u32 $0x680, s0;
	v3 =	vadd.f32 v6, v3;
	_ =	sdelay $0x1  }
0x394: {  	s0 =	sadd.s32 s6, s0;
	[tilespmem:s29+$0x1BBF0] =	vst v3  }
0x395: {  	[hbm4b:s0+s3] =	stream.linear.scatter [tilespmem:s21], [sflag:$0x5], $0x3200, $0x38;
	[tilespmem:$0x1D600] =	vst v63  }
0x396: {  	_ =	swait.ge [sflag:s22], $0x6800  }
.Ltmp3:
0x397: {  	[sflag:s22] =	ssyncset.done $0x0;
	(pc) =	sbr.rel .LBB2_9-.Ltmp3, $4  }
0x398: {  	[sflag:s22] =	ssyncadd.s32 $0xFFFF9800  }
0x399: {  	_ =	swait.ge [sflag:s22], $0x6800  }
0x39a: {  	[sflag:s22] =	ssyncset.done $0x0  }
0x39b: {  	[sflag:s22] =	ssyncadd.s32 $0xFFFF9800  }
.LBB2_7:
0x39c: {  	s0 =	simm.s32 $0x1  }
0x39d: {  	_ =	swait.ge [sflag:s0], $0x100  }
0x39e: {  	[sflag:s0] =	ssyncset.done $0x0  }
0x39f: {  	[sflag:s0] =	ssyncadd.s32 $0xFFFFFF00  }
0x3a0: {  	v3 =	vld [tilespmem:$0x0];
	_ =	sdelay $0x4  }
0x3a1: {  	v4 =	vshll.u32 v3, $0x1  }
0x3a2: {  	v3 =	vand.u32 $0x7, v3;
	v4 =	vand.u32 $0xFFFFFFF0, v4  }
0x3a3: {  	v3 =	vor.u32 v3, v4  }
0x3a4: {  	v4 =	vperm.xlane v3, v0;
	_ =	sdelay $0x1  }
0x3a5: {  	v3 =	vperm.xlane v3, v2;
	v4 =	vadd.s32 v1, v4;
	_ =	sdelay $0x1  }
0x3a6: {  	v3 =	vadd.s32 v1, v3;
	_ =	sdelay $0x1  }
0x3a7: {  	s11 =	simm.s32 $0x200  }
0x3a8: {  	[tilespmem:s11], [sflag:$0x3] =	stream.indirect_vreg.gather [hbm4b:s5+s3], $0x80, v4, vm0, $0xb8;
	[tilespmem:$0x1D600] =	vst v63  }
0x3a9: {  	s12 =	simm.s32 $0xA00  }
0x3aa: {  	[tilespmem:s12], [sflag:$0x3] =	stream.indirect_vreg.gather [hbm4b:s5+s3], $0x80, v3, vm0, $0xb8;
	[tilespmem:$0x1D600] =	vst v63  }
0x3ab: {  	v3 =	vld [tilespmem:$0x10];
	_ =	sdelay $0x4  }
0x3ac: {  	v51 =	vshll.u32 v3, $0x1  }
0x3ad: {  	v3 =	vand.u32 $0x7, v3;
	v4 =	vand.u32 $0xFFFFFFF0, v51  }
0x3ae: {  	v3 =	vor.u32 v3, v4  }
0x3af: {  	v4 =	vperm.xlane v3, v0;
	_ =	sdelay $0x1  }
0x3b0: {  	v3 =	vperm.xlane v3, v2;
	v4 =	vadd.s32 v1, v4;
	_ =	sdelay $0x1  }
0x3b1: {  	v3 =	vadd.s32 v1, v3;
	_ =	sdelay $0x1  }
0x3b2: {  	s13 =	simm.s32 $0x1200  }
0x3b3: {  	[tilespmem:s13], [sflag:$0x3] =	stream.indirect_vreg.gather [hbm4b:s5+s3], $0x80, v4, vm0, $0xb8;
	[tilespmem:$0x1D600] =	vst v63  }
0x3b4: {  	s14 =	simm.s32 $0x1A00  }
0x3b5: {  	[tilespmem:s14], [sflag:$0x3] =	stream.indirect_vreg.gather [hbm4b:s5+s3], $0x80, v3, vm0, $0xb8;
	[tilespmem:$0x1D600] =	vst v63  }
0x3b6: {  	v3 =	vld [tilespmem:$0x20];
	_ =	sdelay $0x4  }
0x3b7: {  	v52 =	vshll.u32 v3, $0x1  }
0x3b8: {  	v3 =	vand.u32 $0x7, v3;
	v4 =	vand.u32 $0xFFFFFFF0, v52  }
0x3b9: {  	v3 =	vor.u32 v3, v4  }
0x3ba: {  	v4 =	vperm.xlane v3, v0;
	_ =	sdelay $0x1  }
0x3bb: {  	v3 =	vperm.xlane v3, v2;
	v4 =	vadd.s32 v1, v4;
	_ =	sdelay $0x1  }
0x3bc: {  	v3 =	vadd.s32 v1, v3;
	_ =	sdelay $0x1  }
0x3bd: {  	s15 =	simm.s32 $0x2200  }
0x3be: {  	[tilespmem:s15], [sflag:$0x3] =	stream.indirect_vreg.gather [hbm4b:s5+s3], $0x80, v4, vm0, $0xb8;
	[tilespmem:$0x1D600] =	vst v63  }
0x3bf: {  	s17 =	simm.s32 $0x2A00  }
0x3c0: {  	[tilespmem:s17], [sflag:$0x3] =	stream.indirect_vreg.gather [hbm4b:s5+s3], $0x80, v3, vm0, $0xb8;
	[tilespmem:$0x1D600] =	vst v63  }
0x3c1: {  	v3 =	vld [tilespmem:$0x30];
	_ =	sdelay $0x4  }
0x3c2: {  	v53 =	vshll.u32 v3, $0x1  }
0x3c3: {  	v3 =	vand.u32 $0x7, v3;
	v4 =	vand.u32 $0xFFFFFFF0, v53  }
0x3c4: {  	v3 =	vor.u32 v3, v4  }
0x3c5: {  	v4 =	vperm.xlane v3, v0;
	_ =	sdelay $0x1  }
0x3c6: {  	v3 =	vperm.xlane v3, v2;
	v4 =	vadd.s32 v1, v4;
	_ =	sdelay $0x1  }
0x3c7: {  	v3 =	vadd.s32 v1, v3;
	_ =	sdelay $0x1  }
0x3c8: {  	s18 =	simm.s32 $0x3200  }
0x3c9: {  	[tilespmem:s18], [sflag:$0x3] =	stream.indirect_vreg.gather [hbm4b:s5+s3], $0x80, v4, vm0, $0xb8;
	[tilespmem:$0x1D600] =	vst v63  }
0x3ca: {  	s20 =	simm.s32 $0x3A00  }
0x3cb: {  	[tilespmem:s20], [sflag:$0x3] =	stream.indirect_vreg.gather [hbm4b:s5+s3], $0x80, v3, vm0, $0xb8;
	[tilespmem:$0x1D600] =	vst v63  }
0x3cc: {  	v3 =	vld [tilespmem:$0x40];
	_ =	sdelay $0x4  }
0x3cd: {  	v54 =	vshll.u32 v3, $0x1  }
0x3ce: {  	v3 =	vand.u32 $0x7, v3;
	v4 =	vand.u32 $0xFFFFFFF0, v54  }
0x3cf: {  	v3 =	vor.u32 v3, v4  }
0x3d0: {  	v4 =	vperm.xlane v3, v0;
	_ =	sdelay $0x1  }
0x3d1: {  	v3 =	vperm.xlane v3, v2;
	v4 =	vadd.s32 v1, v4;
	_ =	sdelay $0x1  }
0x3d2: {  	v3 =	vadd.s32 v1, v3;
	_ =	sdelay $0x1  }
0x3d3: {  	s28 =	simm.s32 $0x4200  }
0x3d4: {  	[tilespmem:s28], [sflag:$0x3] =	stream.indirect_vreg.gather [hbm4b:s5+s3], $0x80, v4, vm0, $0xb8;
	[tilespmem:$0x1D600] =	vst v63  }
0x3d5: {  	s29 =	simm.s32 $0x4A00  }
0x3d6: {  	[tilespmem:s29], [sflag:$0x3] =	stream.indirect_vreg.gather [hbm4b:s5+s3], $0x80, v3, vm0, $0xb8;
	[tilespmem:$0x1D600] =	vst v63  }
0x3d7: {  	v3 =	vld [tilespmem:$0x50];
	_ =	sdelay $0x4  }
0x3d8: {  	v55 =	vshll.u32 v3, $0x1  }
0x3d9: {  	v3 =	vand.u32 $0x7, v3;
	v4 =	vand.u32 $0xFFFFFFF0, v55  }
0x3da: {  	v3 =	vor.u32 v3, v4  }
0x3db: {  	v4 =	vperm.xlane v3, v0;
	_ =	sdelay $0x1  }
0x3dc: {  	v3 =	vperm.xlane v3, v2;
	v4 =	vadd.s32 v1, v4;
	_ =	sdelay $0x1  }
0x3dd: {  	v3 =	vadd.s32 v1, v3;
	_ =	sdelay $0x1  }
0x3de: {  	s30 =	simm.s32 $0x5200  }
0x3df: {  	[tilespmem:s30], [sflag:$0x3] =	stream.indirect_vreg.gather [hbm4b:s5+s3], $0x80, v4, vm0, $0xb8;
	[tilespmem:$0x1D600] =	vst v63  }
0x3e0: {  	s1 =	simm.s32 $0x5A00  }
0x3e1: {  	[tilespmem:s1], [sflag:$0x3] =	stream.indirect_vreg.gather [hbm4b:s5+s3], $0x80, v3, vm0, $0xb8;
	[tilespmem:$0x1D600] =	vst v63  }
0x3e2: {  	v3 =	vld.msk [tilespmem:$0x60], $0xff;
	_ =	sdelay $0x4  }
0x3e3: {  	v56 =	vshll.u32 v3, $0x1  }
0x3e4: {  	v3 =	vand.u32 $0x7, v3;
	v4 =	vand.u32 $0xFFFFFFF0, v56  }
0x3e5: {  	v3 =	vor.u32 v3, v4  }
0x3e6: {  	v3 =	vperm.xlane v3, v0;
	_ =	sdelay $0x1  }
0x3e7: {  	v3 =	vadd.s32 v1, v3;
	_ =	sdelay $0x3  }
0x3e8: {  	s2 =	simm.s32 $0x6200  }
0x3e9: {  	[tilespmem:s2], [sflag:$0x3] =	stream.indirect_vreg.gather [hbm4b:s5+s3], $0x80, v3, vm0, $0xb8;
	[tilespmem:$0x1D600] =	vst v63  }
0x3ea: {  	v3 =	vld [tilespmem:$0x80];
	_ =	sdelay $0x4  }
0x3eb: {  	v57 =	vshll.u32 v3, $0x1  }
0x3ec: {  	v3 =	vand.u32 $0x7, v3;
	v4 =	vand.u32 $0xFFFFFFF0, v57  }
0x3ed: {  	v3 =	vor.u32 v3, v4  }
0x3ee: {  	v4 =	vperm.xlane v3, v0;
	_ =	sdelay $0x1  }
0x3ef: {  	v3 =	vperm.xlane v3, v2;
	v4 =	vadd.s32 v1, v4;
	_ =	sdelay $0x1  }
0x3f0: {  	v3 =	vadd.s32 v1, v3;
	_ =	sdelay $0x1  }
0x3f1: {  	s7 =	simm.s32 $0x6A00  }
0x3f2: {  	[tilespmem:s7], [sflag:$0x3] =	stream.indirect_vreg.gather [hbm4b:s5+s3], $0x80, v4, vm0, $0xb8;
	[tilespmem:$0x1D600] =	vst v63  }
0x3f3: {  	s8 =	simm.s32 $0x7200  }
0x3f4: {  	[tilespmem:s8], [sflag:$0x3] =	stream.indirect_vreg.gather [hbm4b:s5+s3], $0x80, v3, vm0, $0xb8;
	[tilespmem:$0x1D600] =	vst v63  }
0x3f5: {  	v3 =	vld [tilespmem:$0x90];
	_ =	sdelay $0x4  }
0x3f6: {  	v58 =	vshll.u32 v3, $0x1  }
0x3f7: {  	v3 =	vand.u32 $0x7, v3;
	v4 =	vand.u32 $0xFFFFFFF0, v58  }
0x3f8: {  	v3 =	vor.u32 v3, v4  }
0x3f9: {  	v4 =	vperm.xlane v3, v0;
	_ =	sdelay $0x1  }
0x3fa: {  	v3 =	vperm.xlane v3, v2;
	v4 =	vadd.s32 v1, v4;
	_ =	sdelay $0x1  }
0x3fb: {  	v3 =	vadd.s32 v1, v3;
	_ =	sdelay $0x1  }
0x3fc: {  	s9 =	simm.s32 $0x7A00  }
0x3fd: {  	[tilespmem:s9], [sflag:$0x3] =	stream.indirect_vreg.gather [hbm4b:s5+s3], $0x80, v4, vm0, $0xb8;
	[tilespmem:$0x1D600] =	vst v63  }
0x3fe: {  	s10 =	simm.s32 $0x8200  }
0x3ff: {  	[tilespmem:s10], [sflag:$0x3] =	stream.indirect_vreg.gather [hbm4b:s5+s3], $0x80, v3, vm0, $0xb8;
	[tilespmem:$0x1D600] =	vst v63  }
0x400: {  	v3 =	vld [tilespmem:$0xA0];
	_ =	sdelay $0x4  }
0x401: {  	v59 =	vshll.u32 v3, $0x1  }
0x402: {  	v3 =	vand.u32 $0x7, v3;
	v4 =	vand.u32 $0xFFFFFFF0, v59  }
0x403: {  	v3 =	vor.u32 v3, v4  }
0x404: {  	v4 =	vperm.xlane v3, v0;
	_ =	sdelay $0x1  }
0x405: {  	v3 =	vperm.xlane v3, v2;
	v4 =	vadd.s32 v1, v4;
	_ =	sdelay $0x1  }
0x406: {  	v3 =	vadd.s32 v1, v3;
	_ =	sdelay $0x1  }
0x407: {  	s11 =	simm.s32 $0x8A00  }
0x408: {  	[tilespmem:s11], [sflag:$0x3] =	stream.indirect_vreg.gather [hbm4b:s5+s3], $0x80, v4, vm0, $0xb8;
	[tilespmem:$0x1D600] =	vst v63  }
0x409: {  	s12 =	simm.s32 $0x9200  }
0x40a: {  	[tilespmem:s12], [sflag:$0x3] =	stream.indirect_vreg.gather [hbm4b:s5+s3], $0x80, v3, vm0, $0xb8;
	[tilespmem:$0x1D600] =	vst v63  }
0x40b: {  	v3 =	vld [tilespmem:$0xB0];
	_ =	sdelay $0x4  }
0x40c: {  	v60 =	vshll.u32 v3, $0x1  }
0x40d: {  	v3 =	vand.u32 $0x7, v3;
	v4 =	vand.u32 $0xFFFFFFF0, v60  }
0x40e: {  	v3 =	vor.u32 v3, v4  }
0x40f: {  	v4 =	vperm.xlane v3, v0;
	_ =	sdelay $0x1  }
0x410: {  	v3 =	vperm.xlane v3, v2;
	v4 =	vadd.s32 v1, v4;
	_ =	sdelay $0x1  }
0x411: {  	v3 =	vadd.s32 v1, v3;
	_ =	sdelay $0x1  }
0x412: {  	s13 =	simm.s32 $0x9A00  }
0x413: {  	[tilespmem:s13], [sflag:$0x3] =	stream.indirect_vreg.gather [hbm4b:s5+s3], $0x80, v4, vm0, $0xb8;
	[tilespmem:$0x1D600] =	vst v63  }
0x414: {  	s14 =	simm.s32 $0xA200  }
0x415: {  	[tilespmem:s14], [sflag:$0x3] =	stream.indirect_vreg.gather [hbm4b:s5+s3], $0x80, v3, vm0, $0xb8;
	[tilespmem:$0x1D600] =	vst v63  }
0x416: {  	v3 =	vld [tilespmem:$0xC0];
	_ =	sdelay $0x4  }
0x417: {  	v61 =	vshll.u32 v3, $0x1  }
0x418: {  	v3 =	vand.u32 $0x7, v3;
	v4 =	vand.u32 $0xFFFFFFF0, v61  }
0x419: {  	v3 =	vor.u32 v3, v4  }
0x41a: {  	v4 =	vperm.xlane v3, v0;
	_ =	sdelay $0x1  }
0x41b: {  	v3 =	vperm.xlane v3, v2;
	v4 =	vadd.s32 v1, v4;
	_ =	sdelay $0x1  }
0x41c: {  	v3 =	vadd.s32 v1, v3;
	_ =	sdelay $0x1  }
0x41d: {  	s15 =	simm.s32 $0xAA00  }
0x41e: {  	[tilespmem:s15], [sflag:$0x3] =	stream.indirect_vreg.gather [hbm4b:s5+s3], $0x80, v4, vm0, $0xb8;
	[tilespmem:$0x1D600] =	vst v63  }
0x41f: {  	s17 =	simm.s32 $0xB200  }
0x420: {  	[tilespmem:s17], [sflag:$0x3] =	stream.indirect_vreg.gather [hbm4b:s5+s3], $0x80, v3, vm0, $0xb8;
	[tilespmem:$0x1D600] =	vst v63  }
0x421: {  	v3 =	vld [tilespmem:$0xD0];
	_ =	sdelay $0x4  }
0x422: {  	v62 =	vshll.u32 v3, $0x1  }
0x423: {  	v3 =	vand.u32 $0x7, v3;
	v4 =	vand.u32 $0xFFFFFFF0, v62  }
0x424: {  	v3 =	vor.u32 v3, v4  }
0x425: {  	v4 =	vperm.xlane v3, v0;
	_ =	sdelay $0x1  }
0x426: {  	v3 =	vperm.xlane v3, v2;
	v4 =	vadd.s32 v1, v4;
	_ =	sdelay $0x1  }
0x427: {  	v3 =	vadd.s32 v1, v3;
	_ =	sdelay $0x1  }
0x428: {  	s18 =	simm.s32 $0xBA00  }
0x429: {  	[tilespmem:s18], [sflag:$0x3] =	stream.indirect_vreg.gather [hbm4b:s5+s3], $0x80, v4, vm0, $0xb8;
	[tilespmem:$0x1D600] =	vst v63  }
0x42a: {  	s20 =	simm.s32 $0xC200  }
0x42b: {  	[tilespmem:s20], [sflag:$0x3] =	stream.indirect_vreg.gather [hbm4b:s5+s3], $0x80, v3, vm0, $0xb8;
	[tilespmem:$0x1D600] =	vst v63  }
0x42c: {  	v3 =	vld.msk [tilespmem:$0xE0], $0xff;
	_ =	sdelay $0x4  }
0x42d: {  	v63 =	vshll.u32 v3, $0x1  }
0x42e: {  	v3 =	vand.u32 $0x7, v3;
	v4 =	vand.u32 $0xFFFFFFF0, v63  }
0x42f: {  	v3 =	vor.u32 v3, v4  }
0x430: {  	v3 =	vperm.xlane v3, v0;
	_ =	sdelay $0x1  }
0x431: {  	v3 =	vadd.s32 v1, v3;
	_ =	sdelay $0x3  }
0x432: {  	s28 =	simm.s32 $0xCA00  }
0x433: {  	[tilespmem:s28], [sflag:$0x3] =	stream.indirect_vreg.gather [hbm4b:s5+s3], $0x80, v3, vm0, $0xb8;
	[tilespmem:$0x1D600] =	vst v63  }
0x434: {  	_ =	swait.ge [sflag:s22], $0x6800  }
0x435: {  	[sflag:s22] =	ssyncset.done $0x0  }
0x436: {  	[sflag:s22] =	ssyncadd.s32 $0xFFFF9800  }
0x437: {  	_ =	swait.ge [sflag:s22], $0x6800  }
0x438: {  	s29 =	rddreg [dreg:$0x6];
	[sflag:s22] =	ssyncset.done $0x0  }
0x439: {  	s0 =	sadd.s32 s26, s29;
	[sflag:s22] =	ssyncadd.s32 $0xFFFF9800  }
0x43a: {  	s0 =	sshll.u32 s0, $0x5;
	s1 =	rddreg [dreg:$0x0]  }
0x43b: {  	s30 =	simm.s32 $0x100;
	s0 =	sadd.s32 s1, s0  }
0x43c: {  	[tilespmem:s30], [sflag:$0x2] =	stream.linear.gather [hbm4b:s0+s3], $0x100, $0x38;
	[tilespmem:$0x1D600] =	vst v63  }
.LBB2_9:
0x43d: {  	_ =	swait.ge [sflag:s23], $0x3200;
	s28 =	simm.s32 $0x0;
	p1 =	por $0x0, $0x0  }
0x43e: {  	s0 =	simm.s32 $0x1;
	[sflag:s23] =	ssyncset.done $0x0;
	s1 =	sand.u32 $0x7800, s28  }
0x43f: {  	s0 =	simm.s32 @!p1 $0x0;
	s29 =	sand.u32 $0x200, s28;
	s1 =	sadd.s32 $0xD200, s1  }
0x440: {  	[sflag:s23] =	ssyncadd.s32 $0xFFFFCE00;
	s0 =	sshll.u32 s0, $0x9;
	s2 =	sadd.s32 s29, s1  }
0x441: {  	s7 =	sadd.s32 $0x0, s0;
	v3 =	vld [tilespmem:s2+$0x0]  }
0x442: {  	s8 =	sadd.s32 $0x100, s7;
	v4 =	vld [tilespmem:s2+$0xC0]  }
0x443: {  	s11 =	sor.u32 $0x400, s8  }
0x444: {  	v5 =	vld [tilespmem:s11+$0xD200]  }
0x445: {  	s12 =	sor.u32 $0x5C0, s7  }
0x446: {  	v6 =	vld [tilespmem:s12+$0xD200]  }
0x447: {  	v3 =	vadd.f32 v4, v3;
	_ =	sdelay $0x1  }
0x448: {  	v3 =	vadd.f32 v5, v3;
	_ =	sdelay $0x1  }
0x449: {  	v3 =	vadd.f32 v6, v3  }
0x44a: {  	s0 =	simm.s32 $0x0  }
0x44b: {  	[tilespmem:s0+$0x1A200] =	vst v3  }
0x44c: {  	v3 =	vld [tilespmem:s2+$0x10]  }
0x44d: {  	v4 =	vld [tilespmem:s2+$0xD0]  }
0x44e: {  	s9 =	sor.u32 $0x410, s8  }
0x44f: {  	v5 =	vld [tilespmem:s9+$0xD200]  }
0x450: {  	s13 =	sor.u32 $0x5D0, s7  }
0x451: {  	v6 =	vld [tilespmem:s13+$0xD200]  }
0x452: {  	v3 =	vadd.f32 v4, v3;
	_ =	sdelay $0x1  }
0x453: {  	v3 =	vadd.f32 v5, v3;
	_ =	sdelay $0x1  }
0x454: {  	v3 =	vadd.f32 v6, v3;
	_ =	sdelay $0x1  }
0x455: {  	[tilespmem:s0+$0x1A210] =	vst v3  }
0x456: {  	v3 =	vld [tilespmem:s2+$0x20]  }
0x457: {  	v4 =	vld [tilespmem:s2+$0xE0]  }
0x458: {  	s14 =	sor.u32 $0x420, s8  }
0x459: {  	v5 =	vld [tilespmem:s14+$0xD200]  }
0x45a: {  	s15 =	sor.u32 $0x5E0, s7  }
0x45b: {  	v6 =	vld [tilespmem:s15+$0xD200]  }
0x45c: {  	v3 =	vadd.f32 v4, v3;
	_ =	sdelay $0x1  }
0x45d: {  	v3 =	vadd.f32 v5, v3;
	_ =	sdelay $0x1  }
0x45e: {  	v3 =	vadd.f32 v6, v3;
	_ =	sdelay $0x1  }
0x45f: {  	[tilespmem:s0+$0x1A220] =	vst v3  }
0x460: {  	v3 =	vld [tilespmem:s2+$0x30]  }
0x461: {  	v4 =	vld [tilespmem:s2+$0xF0]  }
0x462: {  	s8 =	sor.u32 $0x430, s8  }
0x463: {  	v5 =	vld [tilespmem:s8+$0xD200]  }
0x464: {  	s17 =	sor.u32 $0x5F0, s7  }
0x465: {  	v6 =	vld [tilespmem:s17+$0xD200]  }
0x466: {  	v3 =	vadd.f32 v4, v3;
	_ =	sdelay $0x1  }
0x467: {  	v3 =	vadd.f32 v5, v3;
	_ =	sdelay $0x1  }
0x468: {  	v3 =	vadd.f32 v6, v3;
	_ =	sdelay $0x1  }
0x469: {  	[tilespmem:s0+$0x1A230] =	vst v3  }
0x46a: {  	p0 =	por $0x1, $0x1;
	s8 =	simm.s32 $0x1;
	v3 =	vld [tilespmem:s2+$0x80]  }
0x46b: {  	s8 =	simm.s32 @!p0 $0x0;
	v4 =	vld [tilespmem:s2+$0x140]  }
0x46c: {  	s18 =	sor.u32 $0x580, s7;
	s26 =	sshll.u32 s8, $0x9  }
0x46d: {  	s11 =	sadd.s32 $0x400, s26;
	v5 =	vld [tilespmem:s18+$0xD200]  }
0x46e: {  	s20 =	sor.u32 $0x440, s11  }
0x46f: {  	v6 =	vld [tilespmem:s20+$0xD200]  }
0x470: {  	v3 =	vadd.f32 v4, v3;
	_ =	sdelay $0x1  }
0x471: {  	v3 =	vadd.f32 v5, v3;
	_ =	sdelay $0x1  }
0x472: {  	v3 =	vadd.f32 v6, v3;
	_ =	sdelay $0x1  }
0x473: {  	[tilespmem:s0+$0x1A240] =	vst v3  }
0x474: {  	v3 =	vld [tilespmem:s2+$0x90]  }
0x475: {  	v4 =	vld [tilespmem:s2+$0x150]  }
0x476: {  	s9 =	sor.u32 $0x590, s7  }
0x477: {  	v5 =	vld [tilespmem:s9+$0xD200]  }
0x478: {  	s10 =	sor.u32 $0x450, s11  }
0x479: {  	v6 =	vld [tilespmem:s10+$0xD200]  }
0x47a: {  	v3 =	vadd.f32 v4, v3;
	_ =	sdelay $0x1  }
0x47b: {  	v3 =	vadd.f32 v5, v3;
	_ =	sdelay $0x1  }
0x47c: {  	v3 =	vadd.f32 v6, v3;
	_ =	sdelay $0x1  }
0x47d: {  	[tilespmem:s0+$0x1A250] =	vst v3  }
0x47e: {  	v3 =	vld [tilespmem:s2+$0xA0]  }
0x47f: {  	v4 =	vld [tilespmem:s2+$0x160]  }
0x480: {  	s12 =	sor.u32 $0x5A0, s7  }
0x481: {  	v5 =	vld [tilespmem:s12+$0xD200]  }
0x482: {  	s13 =	sor.u32 $0x460, s11  }
0x483: {  	v6 =	vld [tilespmem:s13+$0xD200]  }
0x484: {  	v3 =	vadd.f32 v4, v3;
	_ =	sdelay $0x1  }
0x485: {  	v3 =	vadd.f32 v5, v3;
	_ =	sdelay $0x1  }
0x486: {  	v3 =	vadd.f32 v6, v3;
	_ =	sdelay $0x1  }
0x487: {  	[tilespmem:s0+$0x1A260] =	vst v3  }
0x488: {  	v3 =	vld [tilespmem:s2+$0xB0]  }
0x489: {  	v4 =	vld [tilespmem:s2+$0x170]  }
0x48a: {  	s14 =	sor.u32 $0x5B0, s7  }
0x48b: {  	v5 =	vld [tilespmem:s14+$0xD200]  }
0x48c: {  	s15 =	sor.u32 $0x470, s11  }
0x48d: {  	v6 =	vld [tilespmem:s15+$0xD200]  }
0x48e: {  	v3 =	vadd.f32 v4, v3;
	_ =	sdelay $0x1  }
0x48f: {  	v3 =	vadd.f32 v5, v3;
	_ =	sdelay $0x1  }
0x490: {  	s8 =	simm.s32 $0x100;
	v3 =	vadd.f32 v6, v3  }
0x491: {  	s2 =	sand.u32 $0x300, s8  }
0x492: {  	s10 =	sadd.s32 s2, s1;
	[tilespmem:s0+$0x1A270] =	vst v3  }
0x493: {  	v3 =	vld [tilespmem:s10+$0x0]  }
0x494: {  	v4 =	vld [tilespmem:s10+$0xC0]  }
0x495: {  	s17 =	sor.u32 $0x400, s11;
	s18 =	simm.s32 $0x500;
	s20 =	simm.s32 $0x280  }
0x496: {  	s7 =	sand.u32 $0xF800, s18;
	s30 =	sand.u32 $0x280, s20;
	v5 =	vld [tilespmem:s17+$0xD200]  }
0x497: {  	s15 =	sor.u32 s30, s7  }
0x498: {  	v6 =	vld [tilespmem:s15+$0xD640]  }
0x499: {  	v3 =	vadd.f32 v4, v3;
	_ =	sdelay $0x1  }
0x49a: {  	v3 =	vadd.f32 v5, v3;
	_ =	sdelay $0x1  }
0x49b: {  	v3 =	vadd.f32 v6, v3;
	_ =	sdelay $0x1  }
0x49c: {  	[tilespmem:s0+$0x1A280] =	vst v3  }
0x49d: {  	v3 =	vld [tilespmem:s10+$0x10]  }
0x49e: {  	v4 =	vld [tilespmem:s10+$0xD0]  }
0x49f: {  	s12 =	sor.u32 $0x410, s11  }
0x4a0: {  	v5 =	vld [tilespmem:s12+$0xD200];
	_ =	sdelay $0x1  }
0x4a1: {  	v6 =	vld [tilespmem:s15+$0xD650]  }
0x4a2: {  	v3 =	vadd.f32 v4, v3;
	_ =	sdelay $0x1  }
0x4a3: {  	v3 =	vadd.f32 v5, v3;
	_ =	sdelay $0x1  }
0x4a4: {  	v3 =	vadd.f32 v6, v3;
	_ =	sdelay $0x1  }
0x4a5: {  	[tilespmem:s0+$0x1A290] =	vst v3  }
0x4a6: {  	v3 =	vld [tilespmem:s10+$0x20]  }
0x4a7: {  	v4 =	vld [tilespmem:s10+$0xE0]  }
0x4a8: {  	s13 =	sor.u32 $0x420, s11  }
0x4a9: {  	v5 =	vld [tilespmem:s13+$0xD200];
	_ =	sdelay $0x1  }
0x4aa: {  	v6 =	vld [tilespmem:s15+$0xD660]  }
0x4ab: {  	v3 =	vadd.f32 v4, v3;
	_ =	sdelay $0x1  }
0x4ac: {  	v3 =	vadd.f32 v5, v3;
	_ =	sdelay $0x1  }
0x4ad: {  	v3 =	vadd.f32 v6, v3;
	_ =	sdelay $0x1  }
0x4ae: {  	[tilespmem:s0+$0x1A2A0] =	vst v3  }
0x4af: {  	v3 =	vld [tilespmem:s10+$0x30]  }
0x4b0: {  	v4 =	vld [tilespmem:s10+$0xF0]  }
0x4b1: {  	s14 =	sor.u32 $0x430, s11  }
0x4b2: {  	v5 =	vld [tilespmem:s14+$0xD200];
	_ =	sdelay $0x1  }
0x4b3: {  	v6 =	vld [tilespmem:s15+$0xD670]  }
0x4b4: {  	v3 =	vadd.f32 v4, v3;
	_ =	sdelay $0x1  }
0x4b5: {  	v3 =	vadd.f32 v5, v3;
	_ =	sdelay $0x1  }
0x4b6: {  	v3 =	vadd.f32 v6, v3  }
0x4b7: {  	s7 =	simm.s32 $0x400;
	s11 =	simm.s32 $0x200  }
0x4b8: {  	s18 =	sand.u32 $0x200, s11;
	s17 =	sand.u32 $0xF800, s7;
	[tilespmem:s0+$0x1A2B0] =	vst v3  }
0x4b9: {  	s1 =	sor.u32 s18, s17;
	v3 =	vld [tilespmem:s10+$0x80]  }
0x4ba: {  	v4 =	vld [tilespmem:s1+$0xD240]  }
0x4bb: {  	s20 =	simm.s32 $0x600;
	s12 =	simm.s32 $0x300  }
0x4bc: {  	s9 =	sand.u32 $0xF800, s20;
	s12 =	sand.u32 $0x300, s12;
	v5 =	vld [tilespmem:s15+$0xD600]  }
0x4bd: {  	s17 =	sor.u32 s12, s9  }
0x4be: {  	v6 =	vld [tilespmem:s17+$0xD640]  }
0x4bf: {  	v3 =	vadd.f32 v4, v3;
	_ =	sdelay $0x1  }
0x4c0: {  	v3 =	vadd.f32 v5, v3;
	_ =	sdelay $0x1  }
0x4c1: {  	v3 =	vadd.f32 v6, v3;
	_ =	sdelay $0x1  }
0x4c2: {  	[tilespmem:s0+$0x1A2C0] =	vst v3  }
0x4c3: {  	v3 =	vld [tilespmem:s10+$0x90]  }
0x4c4: {  	v4 =	vld [tilespmem:s1+$0xD250];
	_ =	sdelay $0x1  }
0x4c5: {  	v5 =	vld [tilespmem:s15+$0xD610];
	_ =	sdelay $0x1  }
0x4c6: {  	v6 =	vld [tilespmem:s17+$0xD650]  }
0x4c7: {  	v3 =	vadd.f32 v4, v3;
	_ =	sdelay $0x1  }
0x4c8: {  	v3 =	vadd.f32 v5, v3;
	_ =	sdelay $0x1  }
0x4c9: {  	v3 =	vadd.f32 v6, v3;
	_ =	sdelay $0x1  }
0x4ca: {  	[tilespmem:s0+$0x1A2D0] =	vst v3  }
0x4cb: {  	v5 =	vld [tilespmem:s10+$0xA0]  }
0x4cc: {  	v6 =	vld [tilespmem:s1+$0xD260];
	_ =	sdelay $0x1  }
0x4cd: {  	v4 =	vld [tilespmem:s15+$0xD620];
	_ =	sdelay $0x1  }
0x4ce: {  	v3 =	vld [tilespmem:s17+$0xD660]  }
0x4cf: {  	p2 =	por $0x1, $0x1;
	s12 =	simm.s32 $0x0;
	v5 =	vadd.f32 v6, v5  }
.LBB2_10:
0x4d0: {  	s12 =	sadd.s32 $0x2, s12;
	p1 =	por !p1, !p1;
	p2 =	por !p2, !p2  }
0x4d1: {  	s13 =	smov.u32 s7;
	s14 =	smov.u32 s11;
	p3 =	slt.u32 s12, $0x30;
	v4 =	vadd.f32 v4, v5  }
0x4d2: {  	_ = 	snop  }
0x4d3: {  	v3 =	vadd.f32 v3, v4;
	_ =	sdelay $0x1  }
0x4d4: {  	[tilespmem:s0+$0x1A2E0] =	vst v3  }
0x4d5: {  	v3 =	vld [tilespmem:s10+$0xB0]  }
0x4d6: {  	v4 =	vld [tilespmem:s1+$0xD270]  }
0x4d7: {  	v5 =	vld [tilespmem:s15+$0xD630]  }
0x4d8: {  	v6 =	vld [tilespmem:s17+$0xD670];
	_ =	sdelay $0x2  }
0x4d9: {  	v3 =	vadd.f32 v4, v3  }
0x4da: {  	s1 =	simm.s32 $0x1  }
0x4db: {  	s9 =	sand.u32 $0x7800, s7;
	s1 =	simm.s32 @!p1 $0x0;
	v3 =	vadd.f32 v5, v3  }
0x4dc: {  	s10 =	sadd.s32 $0xD200, s9;
	s15 =	sshll.u32 s1, $0x9;
	s1 =	sand.u32 $0x200, s11  }
0x4dd: {  	s1 =	sadd.s32 s1, s10;
	s15 =	sadd.s32 s15, s7;
	v3 =	vadd.f32 v6, v3  }
0x4de: {  	s17 =	sadd.s32 $0x100, s15;
	s9 =	sor.u32 $0x5C0, s15  }
0x4df: {  	s18 =	sor.u32 $0x400, s17;
	[tilespmem:s0+$0x1A2F0] =	vst v3  }
0x4e0: {  	v3 =	vld [tilespmem:s1+$0x0]  }
0x4e1: {  	v4 =	vld [tilespmem:s1+$0xC0]  }
0x4e2: {  	v5 =	vld [tilespmem:s18+$0xD200]  }
0x4e3: {  	v6 =	vld [tilespmem:s9+$0xD200];
	_ =	sdelay $0x2  }
0x4e4: {  	v3 =	vadd.f32 v4, v3;
	_ =	sdelay $0x1  }
0x4e5: {  	v3 =	vadd.f32 v5, v3;
	_ =	sdelay $0x1  }
0x4e6: {  	s9 =	sor.u32 $0x410, s17;
	v3 =	vadd.f32 v6, v3  }
0x4e7: {  	s0 =	sshra.s32 s7, $0x2  }
0x4e8: {  	[tilespmem:s0+$0x1A200] =	vst v3  }
0x4e9: {  	v3 =	vld [tilespmem:s1+$0x10]  }
0x4ea: {  	v4 =	vld [tilespmem:s1+$0xD0];
	_ =	sdelay $0x1  }
0x4eb: {  	v5 =	vld [tilespmem:s9+$0xD200]  }
0x4ec: {  	s9 =	sor.u32 $0x5D0, s15  }
0x4ed: {  	v6 =	vld [tilespmem:s9+$0xD200]  }
0x4ee: {  	v3 =	vadd.f32 v4, v3;
	_ =	sdelay $0x1  }
0x4ef: {  	v3 =	vadd.f32 v5, v3;
	_ =	sdelay $0x1  }
0x4f0: {  	v3 =	vadd.f32 v6, v3;
	_ =	sdelay $0x1  }
0x4f1: {  	[tilespmem:s0+$0x1A210] =	vst v3  }
0x4f2: {  	v3 =	vld [tilespmem:s1+$0x20]  }
0x4f3: {  	v4 =	vld [tilespmem:s1+$0xE0]  }
0x4f4: {  	s9 =	sor.u32 $0x420, s17  }
0x4f5: {  	v5 =	vld [tilespmem:s9+$0xD200]  }
0x4f6: {  	s9 =	sor.u32 $0x5E0, s15  }
0x4f7: {  	v6 =	vld [tilespmem:s9+$0xD200]  }
0x4f8: {  	v3 =	vadd.f32 v4, v3;
	_ =	sdelay $0x1  }
0x4f9: {  	v3 =	vadd.f32 v5, v3;
	_ =	sdelay $0x1  }
0x4fa: {  	v3 =	vadd.f32 v6, v3;
	_ =	sdelay $0x1  }
0x4fb: {  	[tilespmem:s0+$0x1A220] =	vst v3  }
0x4fc: {  	v3 =	vld [tilespmem:s1+$0x30]  }
0x4fd: {  	v4 =	vld [tilespmem:s1+$0xF0]  }
0x4fe: {  	s9 =	sor.u32 $0x430, s17  }
0x4ff: {  	v5 =	vld [tilespmem:s9+$0xD200]  }
0x500: {  	s9 =	sor.u32 $0x5F0, s15  }
0x501: {  	v6 =	vld [tilespmem:s9+$0xD200]  }
0x502: {  	v3 =	vadd.f32 v4, v3;
	_ =	sdelay $0x1  }
0x503: {  	v3 =	vadd.f32 v5, v3;
	_ =	sdelay $0x1  }
0x504: {  	v3 =	vadd.f32 v6, v3;
	_ =	sdelay $0x1  }
0x505: {  	[tilespmem:s0+$0x1A230] =	vst v3  }
0x506: {  	s9 =	simm.s32 $0x1;
	v3 =	vld [tilespmem:s1+$0x80]  }
0x507: {  	s9 =	simm.s32 @!p2 $0x0;
	v4 =	vld [tilespmem:s1+$0x140]  }
0x508: {  	s7 =	sadd.s32 $0x400, s7;
	s17 =	sor.u32 $0x580, s15;
	s9 =	sshll.u32 s9, $0x9  }
0x509: {  	s18 =	sadd.s32 s9, s7;
	v5 =	vld [tilespmem:s17+$0xD200];
	s17 =	sand.u32 $0xF800, s7  }
0x50a: {  	s9 =	sor.u32 $0x440, s18  }
0x50b: {  	v6 =	vld [tilespmem:s9+$0xD200]  }
0x50c: {  	v3 =	vadd.f32 v4, v3;
	_ =	sdelay $0x1  }
0x50d: {  	v3 =	vadd.f32 v5, v3;
	_ =	sdelay $0x1  }
0x50e: {  	v3 =	vadd.f32 v6, v3;
	_ =	sdelay $0x1  }
0x50f: {  	[tilespmem:s0+$0x1A240] =	vst v3  }
0x510: {  	v3 =	vld [tilespmem:s1+$0x90]  }
0x511: {  	v4 =	vld [tilespmem:s1+$0x150]  }
0x512: {  	s9 =	sor.u32 $0x590, s15  }
0x513: {  	v5 =	vld [tilespmem:s9+$0xD200]  }
0x514: {  	s9 =	sor.u32 $0x450, s18  }
0x515: {  	v6 =	vld [tilespmem:s9+$0xD200]  }
0x516: {  	v3 =	vadd.f32 v4, v3;
	_ =	sdelay $0x1  }
0x517: {  	v3 =	vadd.f32 v5, v3;
	_ =	sdelay $0x1  }
0x518: {  	v3 =	vadd.f32 v6, v3;
	_ =	sdelay $0x1  }
0x519: {  	[tilespmem:s0+$0x1A250] =	vst v3  }
0x51a: {  	v3 =	vld [tilespmem:s1+$0xA0]  }
0x51b: {  	s9 =	sor.u32 $0x5A0, s15;
	v4 =	vld [tilespmem:s1+$0x160]  }
0x51c: {  	v5 =	vld [tilespmem:s9+$0xD200];
	_ =	sdelay $0x1  }
0x51d: {  	s9 =	sor.u32 $0x460, s18  }
0x51e: {  	v6 =	vld [tilespmem:s9+$0xD200]  }
0x51f: {  	v3 =	vadd.f32 v4, v3;
	_ =	sdelay $0x1  }
0x520: {  	v3 =	vadd.f32 v5, v3;
	_ =	sdelay $0x1  }
0x521: {  	v3 =	vadd.f32 v6, v3;
	_ =	sdelay $0x1  }
0x522: {  	[tilespmem:s0+$0x1A260] =	vst v3  }
0x523: {  	v3 =	vld [tilespmem:s1+$0xB0]  }
0x524: {  	v4 =	vld [tilespmem:s1+$0x170];
	s1 =	sor.u32 $0x470, s18  }
0x525: {  	s9 =	sor.u32 $0x5B0, s15;
	v5 =	vld [tilespmem:s1+$0xD200]  }
0x526: {  	v6 =	vld [tilespmem:s9+$0xD200];
	_ =	sdelay $0x2  }
0x527: {  	v3 =	vadd.f32 v4, v3;
	_ =	sdelay $0x1  }
0x528: {  	v3 =	vadd.f32 v6, v3;
	_ =	sdelay $0x1  }
0x529: {  	s1 =	sadd.s32 $0x100, s11;
	v3 =	vadd.f32 v5, v3  }
0x52a: {  	s1 =	sand.u32 $0x300, s1  }
0x52b: {  	s10 =	sadd.s32 s1, s10;
	[tilespmem:s0+$0x1A270] =	vst v3  }
0x52c: {  	v3 =	vld [tilespmem:s10+$0x0]  }
0x52d: {  	s1 =	sor.u32 $0x400, s18;
	v4 =	vld [tilespmem:s10+$0xC0]  }
0x52e: {  	s9 =	sadd.s32 $0x280, s11;
	v5 =	vld [tilespmem:s1+$0xD200];
	s1 =	sadd.s32 $0x500, s13  }
0x52f: {  	s9 =	sand.u32 $0x280, s9;
	s1 =	sand.u32 $0xF800, s1  }
0x530: {  	s15 =	sor.u32 s9, s1  }
0x531: {  	v6 =	vld [tilespmem:s15+$0xD640]  }
0x532: {  	v3 =	vadd.f32 v4, v3;
	_ =	sdelay $0x1  }
0x533: {  	v3 =	vadd.f32 v5, v3;
	_ =	sdelay $0x1  }
0x534: {  	v3 =	vadd.f32 v6, v3;
	_ =	sdelay $0x1  }
0x535: {  	[tilespmem:s0+$0x1A280] =	vst v3  }
0x536: {  	v3 =	vld [tilespmem:s10+$0x10]  }
0x537: {  	s1 =	sor.u32 $0x410, s18;
	v4 =	vld [tilespmem:s10+$0xD0]  }
0x538: {  	v5 =	vld [tilespmem:s1+$0xD200]  }
0x539: {  	v6 =	vld [tilespmem:s15+$0xD650];
	_ =	sdelay $0x2  }
0x53a: {  	v3 =	vadd.f32 v4, v3;
	_ =	sdelay $0x1  }
0x53b: {  	v3 =	vadd.f32 v5, v3;
	_ =	sdelay $0x1  }
0x53c: {  	v3 =	vadd.f32 v6, v3;
	_ =	sdelay $0x1  }
0x53d: {  	[tilespmem:s0+$0x1A290] =	vst v3  }
0x53e: {  	v3 =	vld [tilespmem:s10+$0x20]  }
0x53f: {  	s1 =	sor.u32 $0x420, s18;
	v4 =	vld [tilespmem:s10+$0xE0]  }
0x540: {  	v5 =	vld [tilespmem:s1+$0xD200]  }
0x541: {  	v6 =	vld [tilespmem:s15+$0xD660];
	_ =	sdelay $0x2  }
0x542: {  	v3 =	vadd.f32 v4, v3;
	_ =	sdelay $0x1  }
0x543: {  	v3 =	vadd.f32 v5, v3;
	_ =	sdelay $0x1  }
0x544: {  	v3 =	vadd.f32 v6, v3;
	_ =	sdelay $0x1  }
0x545: {  	[tilespmem:s0+$0x1A2A0] =	vst v3  }
0x546: {  	v3 =	vld [tilespmem:s10+$0x30]  }
0x547: {  	s1 =	sor.u32 $0x430, s18;
	v4 =	vld [tilespmem:s10+$0xF0]  }
0x548: {  	v5 =	vld [tilespmem:s1+$0xD200]  }
0x549: {  	v6 =	vld [tilespmem:s15+$0xD670];
	_ =	sdelay $0x2  }
0x54a: {  	v3 =	vadd.f32 v4, v3;
	_ =	sdelay $0x1  }
0x54b: {  	v3 =	vadd.f32 v5, v3;
	_ =	sdelay $0x1  }
0x54c: {  	v3 =	vadd.f32 v6, v3  }
0x54d: {  	s11 =	sadd.s32 $0x200, s11  }
0x54e: {  	s1 =	sand.u32 $0x200, s11;
	[tilespmem:s0+$0x1A2B0] =	vst v3  }
0x54f: {  	s9 =	sadd.s32 $0x600, s13;
	s13 =	sadd.s32 $0x300, s14;
	s1 =	sor.u32 s1, s17;
	v3 =	vld [tilespmem:s10+$0x80]  }
0x550: {  	s9 =	sand.u32 $0xF800, s9;
	s13 =	sand.u32 $0x300, s13;
	v4 =	vld [tilespmem:s1+$0xD240]  }
0x551: {  	s17 =	sor.u32 s13, s9;
	v5 =	vld [tilespmem:s15+$0xD600]  }
0x552: {  	v6 =	vld [tilespmem:s17+$0xD640];
	_ =	sdelay $0x2  }
0x553: {  	v3 =	vadd.f32 v4, v3;
	_ =	sdelay $0x1  }
0x554: {  	v3 =	vadd.f32 v5, v3;
	_ =	sdelay $0x1  }
0x555: {  	v3 =	vadd.f32 v6, v3;
	_ =	sdelay $0x1  }
0x556: {  	[tilespmem:s0+$0x1A2C0] =	vst v3  }
0x557: {  	v3 =	vld [tilespmem:s10+$0x90]  }
0x558: {  	v4 =	vld [tilespmem:s1+$0xD250]  }
0x559: {  	v5 =	vld [tilespmem:s15+$0xD610]  }
0x55a: {  	v6 =	vld [tilespmem:s17+$0xD650];
	_ =	sdelay $0x2  }
0x55b: {  	v3 =	vadd.f32 v4, v3;
	_ =	sdelay $0x1  }
0x55c: {  	v3 =	vadd.f32 v5, v3;
	_ =	sdelay $0x1  }
0x55d: {  	v3 =	vadd.f32 v6, v3;
	_ =	sdelay $0x1  }
0x55e: {  	[tilespmem:s0+$0x1A2D0] =	vst v3  }
0x55f: {  	v5 =	vld [tilespmem:s10+$0xA0]  }
0x560: {  	v6 =	vld [tilespmem:s1+$0xD260]  }
.Ltmp4:
0x561: {  	v4 =	vld [tilespmem:s15+$0xD620];
	(pc) =	sbr.rel @p3 .LBB2_10-.Ltmp4, $2  }
0x562: {  	v3 =	vld [tilespmem:s17+$0xD660];
	_ =	sdelay $0x2  }
0x563: {  	v5 =	vadd.f32 v6, v5  }
0x564: {  	_ = 	snop  }
0x565: {  	v4 =	vadd.f32 v4, v5;
	_ =	sdelay $0x1  }
0x566: {  	v3 =	vadd.f32 v3, v4;
	_ =	sdelay $0x1  }
0x567: {  	[tilespmem:s0+$0x1A2E0] =	vst v3  }
0x568: {  	v3 =	vld [tilespmem:s10+$0xB0]  }
0x569: {  	v4 =	vld [tilespmem:s1+$0xD270];
	_ =	sdelay $0x1  }
0x56a: {  	v5 =	vld [tilespmem:s15+$0xD630];
	_ =	sdelay $0x1  }
0x56b: {  	v6 =	vld [tilespmem:s17+$0xD670]  }
0x56c: {  	v3 =	vadd.f32 v4, v3;
	_ =	sdelay $0x1  }
0x56d: {  	v3 =	vadd.f32 v5, v3  }
0x56e: {  	s17 =	simm.s32 $0x80  }
0x56f: {  	s7 =	sand.u32 $0xFFFFF800, s8;
	s1 =	sand.u32 $0x280, s17;
	v3 =	vadd.f32 v6, v3  }
0x570: {  	s9 =	sor.u32 s1, s7  }
0x571: {  	s18 =	sand.u32 $0xFFFFF800, s28;
	s12 =	sadd.s32 $0x13A00, s9;
	[tilespmem:s0+$0x1A2F0] =	vst v3;
	s0 =	simm.s32 $0x200  }
0x572: {  	s28 =	sor.u32 s29, s18;
	s20 =	sand.u32 $0xFFFFF800, s0;
	v3 =	vld [tilespmem:s12+$0x40]  }
0x573: {  	s8 =	simm.s32 $0x300;
	s29 =	simm.s32 $0x180;
	v4 =	vld [tilespmem:s28+$0x13A00];
	s11 =	sor.u32 s2, s20  }
0x574: {  	s1 =	sand.u32 $0x380, s29;
	s2 =	sand.u32 $0xFFFFF800, s8;
	s7 =	sadd.s32 $0x13A00, s11  }
0x575: {  	s1 =	sor.u32 s1, s2;
	v5 =	vld [tilespmem:s7+$0x400]  }
0x576: {  	s8 =	sadd.s32 $0x13A00, s1  }
0x577: {  	v6 =	vld [tilespmem:s8+$0x440]  }
0x578: {  	v3 =	vadd.f32 v3, v4;
	_ =	sdelay $0x1  }
0x579: {  	v3 =	vadd.f32 v5, v3;
	_ =	sdelay $0x1  }
0x57a: {  	v3 =	vadd.f32 v6, v3  }
0x57b: {  	s2 =	simm.s32 $0x0  }
0x57c: {  	s10 =	sadd.s32 $0x13A00, s28;
	[tilespmem:s2+$0x1BB00] =	vst v3  }
0x57d: {  	v3 =	vld [tilespmem:s10+$0x10]  }
0x57e: {  	v4 =	vld [tilespmem:s12+$0x50];
	_ =	sdelay $0x1  }
0x57f: {  	v5 =	vld [tilespmem:s7+$0x410];
	_ =	sdelay $0x1  }
0x580: {  	v6 =	vld [tilespmem:s8+$0x450]  }
0x581: {  	v3 =	vadd.f32 v4, v3;
	_ =	sdelay $0x1  }
0x582: {  	v3 =	vadd.f32 v5, v3;
	_ =	sdelay $0x1  }
0x583: {  	v3 =	vadd.f32 v6, v3;
	_ =	sdelay $0x1  }
0x584: {  	[tilespmem:s2+$0x1BB10] =	vst v3  }
0x585: {  	v3 =	vld [tilespmem:s10+$0x20]  }
0x586: {  	v4 =	vld [tilespmem:s12+$0x60];
	_ =	sdelay $0x1  }
0x587: {  	v5 =	vld [tilespmem:s7+$0x420];
	_ =	sdelay $0x1  }
0x588: {  	v6 =	vld [tilespmem:s8+$0x460]  }
0x589: {  	v3 =	vadd.f32 v4, v3;
	_ =	sdelay $0x1  }
0x58a: {  	v3 =	vadd.f32 v5, v3;
	_ =	sdelay $0x1  }
0x58b: {  	v3 =	vadd.f32 v6, v3;
	_ =	sdelay $0x1  }
0x58c: {  	[tilespmem:s2+$0x1BB20] =	vst v3  }
0x58d: {  	v3 =	vld [tilespmem:s10+$0x30]  }
0x58e: {  	v4 =	vld [tilespmem:s12+$0x70];
	_ =	sdelay $0x1  }
0x58f: {  	v5 =	vld [tilespmem:s7+$0x430];
	_ =	sdelay $0x1  }
0x590: {  	v6 =	vld [tilespmem:s8+$0x470]  }
0x591: {  	v3 =	vadd.f32 v4, v3;
	_ =	sdelay $0x1  }
0x592: {  	v3 =	vadd.f32 v5, v3;
	_ =	sdelay $0x1  }
0x593: {  	v3 =	vadd.f32 v6, v3;
	_ =	sdelay $0x1  }
0x594: {  	[tilespmem:s2+$0x1BB30] =	vst v3  }
0x595: {  	v3 =	vld [tilespmem:s9+$0x13A00]  }
0x596: {  	s10 =	simm.s32 $0x6400;
	v4 =	vld [tilespmem:s7+$0x40]  }
0x597: {  	s13 =	simm.s32 $0x3200;
	s9 =	sand.u32 $0xF800, s10  }
0x598: {  	s13 =	sand.u32 $0x200, s13;
	v5 =	vld [tilespmem:s8+$0x400];
	s10 =	sadd.s32 $0xDE00, s9  }
0x599: {  	s9 =	sadd.s32 s13, s10  }
0x59a: {  	v6 =	vld [tilespmem:s9+$0x40]  }
0x59b: {  	v3 =	vadd.f32 v4, v3;
	_ =	sdelay $0x1  }
0x59c: {  	v3 =	vadd.f32 v5, v3;
	_ =	sdelay $0x1  }
0x59d: {  	v3 =	vadd.f32 v6, v3;
	_ =	sdelay $0x1  }
0x59e: {  	[tilespmem:s2+$0x1BB40] =	vst v3  }
0x59f: {  	v3 =	vld [tilespmem:s12+$0x10]  }
0x5a0: {  	v4 =	vld [tilespmem:s7+$0x50];
	_ =	sdelay $0x1  }
0x5a1: {  	v5 =	vld [tilespmem:s8+$0x410];
	_ =	sdelay $0x1  }
0x5a2: {  	v6 =	vld [tilespmem:s9+$0x50]  }
0x5a3: {  	v3 =	vadd.f32 v4, v3;
	_ =	sdelay $0x1  }
0x5a4: {  	v3 =	vadd.f32 v5, v3;
	_ =	sdelay $0x1  }
0x5a5: {  	v3 =	vadd.f32 v6, v3;
	_ =	sdelay $0x1  }
0x5a6: {  	[tilespmem:s2+$0x1BB50] =	vst v3  }
0x5a7: {  	v3 =	vld [tilespmem:s12+$0x20]  }
0x5a8: {  	v4 =	vld [tilespmem:s7+$0x60];
	_ =	sdelay $0x1  }
0x5a9: {  	v5 =	vld [tilespmem:s8+$0x420];
	_ =	sdelay $0x1  }
0x5aa: {  	v6 =	vld [tilespmem:s9+$0x60]  }
0x5ab: {  	v3 =	vadd.f32 v4, v3;
	_ =	sdelay $0x1  }
0x5ac: {  	v3 =	vadd.f32 v5, v3;
	_ =	sdelay $0x1  }
0x5ad: {  	v3 =	vadd.f32 v6, v3;
	_ =	sdelay $0x1  }
0x5ae: {  	[tilespmem:s2+$0x1BB60] =	vst v3  }
0x5af: {  	v3 =	vld [tilespmem:s12+$0x30]  }
0x5b0: {  	v4 =	vld [tilespmem:s7+$0x70];
	_ =	sdelay $0x1  }
0x5b1: {  	v5 =	vld [tilespmem:s8+$0x430];
	_ =	sdelay $0x1  }
0x5b2: {  	v6 =	vld [tilespmem:s9+$0x70]  }
0x5b3: {  	v3 =	vadd.f32 v4, v3;
	_ =	sdelay $0x1  }
0x5b4: {  	v3 =	vadd.f32 v5, v3;
	_ =	sdelay $0x1  }
0x5b5: {  	v3 =	vadd.f32 v6, v3;
	_ =	sdelay $0x1  }
0x5b6: {  	[tilespmem:s2+$0x1BB70] =	vst v3  }
0x5b7: {  	v3 =	vld [tilespmem:s11+$0x13A00]  }
0x5b8: {  	s14 =	simm.s32 $0x500;
	s15 =	sadd.s32 $0x400, s26;
	v4 =	vld [tilespmem:s8+$0x40]  }
0x5b9: {  	s17 =	sor.u32 $0x400, s15;
	s9 =	sand.u32 $0xFFFFF800, s14  }
0x5ba: {  	s9 =	sor.u32 s30, s9;
	v5 =	vld [tilespmem:s17+$0x13A00]  }
0x5bb: {  	s14 =	sadd.s32 $0x13A00, s9  }
0x5bc: {  	v6 =	vld [tilespmem:s14+$0x440]  }
0x5bd: {  	v3 =	vadd.f32 v4, v3;
	_ =	sdelay $0x1  }
0x5be: {  	v3 =	vadd.f32 v5, v3;
	_ =	sdelay $0x1  }
0x5bf: {  	v3 =	vadd.f32 v6, v3;
	_ =	sdelay $0x1  }
0x5c0: {  	[tilespmem:s2+$0x1BB80] =	vst v3  }
0x5c1: {  	v3 =	vld [tilespmem:s7+$0x10]  }
0x5c2: {  	v4 =	vld [tilespmem:s8+$0x50]  }
0x5c3: {  	s18 =	sor.u32 $0x410, s15  }
0x5c4: {  	v5 =	vld [tilespmem:s18+$0x13A00];
	_ =	sdelay $0x1  }
0x5c5: {  	v6 =	vld [tilespmem:s14+$0x450]  }
0x5c6: {  	v3 =	vadd.f32 v4, v3;
	_ =	sdelay $0x1  }
0x5c7: {  	v3 =	vadd.f32 v5, v3;
	_ =	sdelay $0x1  }
0x5c8: {  	v3 =	vadd.f32 v6, v3;
	_ =	sdelay $0x1  }
0x5c9: {  	[tilespmem:s2+$0x1BB90] =	vst v3  }
0x5ca: {  	v3 =	vld [tilespmem:s7+$0x20]  }
0x5cb: {  	v4 =	vld [tilespmem:s8+$0x60]  }
0x5cc: {  	s20 =	sor.u32 $0x420, s15  }
0x5cd: {  	v5 =	vld [tilespmem:s20+$0x13A00];
	_ =	sdelay $0x1  }
0x5ce: {  	v6 =	vld [tilespmem:s14+$0x460]  }
0x5cf: {  	v3 =	vadd.f32 v4, v3;
	_ =	sdelay $0x1  }
0x5d0: {  	v3 =	vadd.f32 v5, v3;
	_ =	sdelay $0x1  }
0x5d1: {  	v3 =	vadd.f32 v6, v3;
	_ =	sdelay $0x1  }
0x5d2: {  	[tilespmem:s2+$0x1BBA0] =	vst v3  }
0x5d3: {  	v3 =	vld [tilespmem:s7+$0x30]  }
0x5d4: {  	v4 =	vld [tilespmem:s8+$0x70]  }
0x5d5: {  	s26 =	sor.u32 $0x430, s15  }
0x5d6: {  	v5 =	vld [tilespmem:s26+$0x13A00];
	_ =	sdelay $0x1  }
0x5d7: {  	v6 =	vld [tilespmem:s14+$0x470]  }
0x5d8: {  	v3 =	vadd.f32 v4, v3;
	_ =	sdelay $0x1  }
0x5d9: {  	v3 =	vadd.f32 v5, v3;
	_ =	sdelay $0x1  }
0x5da: {  	s7 =	simm.s32 $0x400;
	v3 =	vadd.f32 v6, v3  }
0x5db: {  	s29 =	sand.u32 $0x200, s0;
	s28 =	sand.u32 $0xFFFFF800, s7  }
0x5dc: {  	s9 =	sor.u32 s29, s28;
	[tilespmem:s2+$0x1BBB0] =	vst v3  }
0x5dd: {  	v3 =	vld [tilespmem:s1+$0x13A00];
	s1 =	sadd.s32 $0x13A00, s9  }
0x5de: {  	v4 =	vld [tilespmem:s1+$0x40]  }
0x5df: {  	s30 =	simm.s32 $0x3300  }
0x5e0: {  	s9 =	sand.u32 $0x300, s30;
	v5 =	vld [tilespmem:s14+$0x400]  }
0x5e1: {  	s10 =	sadd.s32 s9, s10  }
0x5e2: {  	v6 =	vld [tilespmem:s10+$0x40]  }
0x5e3: {  	v3 =	vadd.f32 v4, v3;
	_ =	sdelay $0x1  }
0x5e4: {  	v3 =	vadd.f32 v5, v3;
	_ =	sdelay $0x1  }
0x5e5: {  	v3 =	vadd.f32 v6, v3;
	_ =	sdelay $0x1  }
0x5e6: {  	[tilespmem:s2+$0x1BBC0] =	vst v3  }
0x5e7: {  	v3 =	vld [tilespmem:s8+$0x10]  }
0x5e8: {  	v4 =	vld [tilespmem:s1+$0x50];
	_ =	sdelay $0x1  }
0x5e9: {  	v5 =	vld [tilespmem:s14+$0x410];
	_ =	sdelay $0x1  }
0x5ea: {  	v6 =	vld [tilespmem:s10+$0x50]  }
0x5eb: {  	v3 =	vadd.f32 v4, v3;
	_ =	sdelay $0x1  }
0x5ec: {  	v3 =	vadd.f32 v5, v3;
	_ =	sdelay $0x1  }
0x5ed: {  	v3 =	vadd.f32 v6, v3;
	_ =	sdelay $0x1  }
0x5ee: {  	[tilespmem:s2+$0x1BBD0] =	vst v3  }
0x5ef: {  	v3 =	vld [tilespmem:s8+$0x20]  }
0x5f0: {  	v4 =	vld [tilespmem:s1+$0x60];
	_ =	sdelay $0x2  }
0x5f1: {  	v5 =	vld [tilespmem:s14+$0x420];
	_ =	sdelay $0x1  }
0x5f2: {  	v4 =	vadd.f32 v4, v3;
	v3 =	vld [tilespmem:s10+$0x60];
	_ =	sdelay $0x2  }
0x5f3: {  	s11 =	simm.s32 $0x32;
	v4 =	vadd.f32 v5, v4  }
.LBB2_12:
0x5f4: {  	s11 =	sadd.s32 $0x2, s11;
	p0 =	por !p0, !p0;
	s12 =	smov.u32 s0  }
0x5f5: {  	p1 =	slt.u32 s11, $0x62;
	v3 =	vadd.f32 v3, v4;
	_ =	sdelay $0x1  }
0x5f6: {  	[tilespmem:s2+$0x1BBE0] =	vst v3  }
0x5f7: {  	v3 =	vld [tilespmem:s8+$0x30]  }
0x5f8: {  	v4 =	vld [tilespmem:s1+$0x70]  }
0x5f9: {  	v5 =	vld [tilespmem:s14+$0x430]  }
0x5fa: {  	v6 =	vld [tilespmem:s10+$0x70];
	_ =	sdelay $0x2  }
0x5fb: {  	v3 =	vadd.f32 v4, v3;
	_ =	sdelay $0x1  }
0x5fc: {  	s8 =	sadd.s32 $0x180, s0;
	v3 =	vadd.f32 v5, v3  }
0x5fd: {  	s9 =	sand.u32 $0x200, s0;
	s1 =	sadd.s32 $0x100, s7;
	s10 =	sadd.s32 $0x80, s0  }
0x5fe: {  	s13 =	sand.u32 $0xFFFFF800, s7;
	s1 =	sand.u32 $0xFFFFF800, s1;
	s10 =	sand.u32 $0x280, s10;
	v3 =	vadd.f32 v6, v3  }
0x5ff: {  	s14 =	sadd.s32 $0x100, s0;
	s15 =	sor.u32 s10, s1;
	s10 =	sadd.s32 $0x200, s7  }
0x600: {  	s14 =	sand.u32 $0x300, s14;
	s1 =	sadd.s32 $0x13A00, s15;
	s10 =	sand.u32 $0xFFFFF800, s10;
	[tilespmem:s2+$0x1BBF0] =	vst v3  }
0x601: {  	s9 =	sor.u32 s9, s13;
	s14 =	sor.u32 s14, s10;
	s2 =	sadd.s32 $0x300, s7;
	v3 =	vld [tilespmem:s1+$0x40]  }
0x602: {  	s8 =	sand.u32 $0x380, s8;
	s10 =	sadd.s32 $0x13A00, s14;
	s2 =	sand.u32 $0xFFFFF800, s2;
	v4 =	vld [tilespmem:s9+$0x13A00]  }
0x603: {  	s13 =	sor.u32 s8, s2;
	v5 =	vld [tilespmem:s10+$0x400]  }
0x604: {  	s8 =	sadd.s32 $0x13A00, s13  }
0x605: {  	v6 =	vld [tilespmem:s8+$0x440];
	_ =	sdelay $0x1  }
0x606: {  	v3 =	vadd.f32 v3, v4;
	_ =	sdelay $0x1  }
0x607: {  	v3 =	vadd.f32 v5, v3;
	_ =	sdelay $0x1  }
0x608: {  	v3 =	vadd.f32 v6, v3  }
0x609: {  	s2 =	sshra.s32 s7, $0x2  }
0x60a: {  	s9 =	sadd.s32 $0x13A00, s9;
	[tilespmem:s2+$0x1BB00] =	vst v3  }
0x60b: {  	v3 =	vld [tilespmem:s9+$0x10]  }
0x60c: {  	v4 =	vld [tilespmem:s1+$0x50];
	_ =	sdelay $0x1  }
0x60d: {  	v5 =	vld [tilespmem:s10+$0x410];
	_ =	sdelay $0x1  }
0x60e: {  	v6 =	vld [tilespmem:s8+$0x450]  }
0x60f: {  	v3 =	vadd.f32 v4, v3;
	_ =	sdelay $0x1  }
0x610: {  	v3 =	vadd.f32 v5, v3;
	_ =	sdelay $0x1  }
0x611: {  	v3 =	vadd.f32 v6, v3;
	_ =	sdelay $0x1  }
0x612: {  	[tilespmem:s2+$0x1BB10] =	vst v3  }
0x613: {  	v3 =	vld [tilespmem:s9+$0x20]  }
0x614: {  	v4 =	vld [tilespmem:s1+$0x60]  }
0x615: {  	v5 =	vld [tilespmem:s8+$0x460]  }
0x616: {  	v6 =	vld [tilespmem:s10+$0x420];
	_ =	sdelay $0x2  }
0x617: {  	v3 =	vadd.f32 v4, v3;
	_ =	sdelay $0x1  }
0x618: {  	v3 =	vadd.f32 v6, v3;
	_ =	sdelay $0x1  }
0x619: {  	v3 =	vadd.f32 v5, v3;
	_ =	sdelay $0x1  }
0x61a: {  	[tilespmem:s2+$0x1BB20] =	vst v3  }
0x61b: {  	v3 =	vld [tilespmem:s9+$0x30]  }
0x61c: {  	v4 =	vld [tilespmem:s1+$0x70];
	_ =	sdelay $0x1  }
0x61d: {  	v5 =	vld [tilespmem:s10+$0x430];
	_ =	sdelay $0x1  }
0x61e: {  	v6 =	vld [tilespmem:s8+$0x470]  }
0x61f: {  	v3 =	vadd.f32 v4, v3;
	_ =	sdelay $0x1  }
0x620: {  	v3 =	vadd.f32 v5, v3;
	_ =	sdelay $0x1  }
0x621: {  	v3 =	vadd.f32 v6, v3;
	_ =	sdelay $0x1  }
0x622: {  	[tilespmem:s2+$0x1BB30] =	vst v3  }
0x623: {  	v3 =	vld [tilespmem:s15+$0x13A00]  }
0x624: {  	s9 =	sadd.s32 $0x6400, s7;
	v4 =	vld [tilespmem:s10+$0x40]  }
0x625: {  	s9 =	sand.u32 $0xF800, s9;
	s15 =	sadd.s32 $0x3200, s0  }
0x626: {  	s17 =	sand.u32 $0x200, s15;
	s15 =	sadd.s32 $0xDE00, s9;
	v5 =	vld [tilespmem:s8+$0x400]  }
0x627: {  	s17 =	sadd.s32 s17, s15  }
0x628: {  	v6 =	vld [tilespmem:s17+$0x40]  }
0x629: {  	v3 =	vadd.f32 v4, v3;
	_ =	sdelay $0x1  }
0x62a: {  	v3 =	vadd.f32 v5, v3;
	_ =	sdelay $0x1  }
0x62b: {  	v3 =	vadd.f32 v6, v3;
	_ =	sdelay $0x1  }
0x62c: {  	[tilespmem:s2+$0x1BB40] =	vst v3  }
0x62d: {  	v3 =	vld [tilespmem:s1+$0x10]  }
0x62e: {  	v4 =	vld [tilespmem:s10+$0x50]  }
0x62f: {  	v5 =	vld [tilespmem:s17+$0x50]  }
0x630: {  	v6 =	vld [tilespmem:s8+$0x410];
	_ =	sdelay $0x2  }
0x631: {  	v3 =	vadd.f32 v4, v3;
	_ =	sdelay $0x1  }
0x632: {  	v3 =	vadd.f32 v6, v3;
	_ =	sdelay $0x1  }
0x633: {  	v3 =	vadd.f32 v5, v3;
	_ =	sdelay $0x1  }
0x634: {  	[tilespmem:s2+$0x1BB50] =	vst v3  }
0x635: {  	v3 =	vld [tilespmem:s1+$0x20]  }
0x636: {  	v4 =	vld [tilespmem:s10+$0x60];
	_ =	sdelay $0x1  }
0x637: {  	v5 =	vld [tilespmem:s8+$0x420];
	_ =	sdelay $0x1  }
0x638: {  	v6 =	vld [tilespmem:s17+$0x60]  }
0x639: {  	v3 =	vadd.f32 v4, v3;
	_ =	sdelay $0x1  }
0x63a: {  	v3 =	vadd.f32 v5, v3;
	_ =	sdelay $0x1  }
0x63b: {  	v3 =	vadd.f32 v6, v3;
	_ =	sdelay $0x1  }
0x63c: {  	[tilespmem:s2+$0x1BB60] =	vst v3  }
0x63d: {  	v3 =	vld [tilespmem:s1+$0x30]  }
0x63e: {  	v4 =	vld [tilespmem:s10+$0x70];
	_ =	sdelay $0x1  }
0x63f: {  	v5 =	vld [tilespmem:s8+$0x430];
	_ =	sdelay $0x1  }
0x640: {  	v6 =	vld [tilespmem:s17+$0x70]  }
0x641: {  	v3 =	vadd.f32 v4, v3;
	_ =	sdelay $0x1  }
0x642: {  	v3 =	vadd.f32 v5, v3;
	_ =	sdelay $0x1  }
0x643: {  	v3 =	vadd.f32 v6, v3  }
0x644: {  	s9 =	sadd.s32 $0x280, s0;
	s1 =	sadd.s32 $0x500, s7;
	s17 =	simm.s32 $0x1  }
0x645: {  	s9 =	sand.u32 $0x280, s9;
	s1 =	sand.u32 $0xFFFFF800, s1;
	s17 =	simm.s32 @!p0 $0x0;
	[tilespmem:s2+$0x1BB70] =	vst v3  }
0x646: {  	s7 =	sadd.s32 $0x400, s7;
	s9 =	sor.u32 s9, s1;
	s17 =	sshll.u32 s17, $0x9;
	v3 =	vld [tilespmem:s14+$0x13A00]  }
0x647: {  	s1 =	sadd.s32 s17, s7;
	s14 =	sadd.s32 $0x13A00, s9;
	v4 =	vld [tilespmem:s8+$0x40]  }
0x648: {  	s9 =	sor.u32 $0x400, s1;
	v5 =	vld [tilespmem:s14+$0x440]  }
0x649: {  	v6 =	vld [tilespmem:s9+$0x13A00];
	_ =	sdelay $0x2  }
0x64a: {  	v3 =	vadd.f32 v4, v3;
	_ =	sdelay $0x1  }
0x64b: {  	v3 =	vadd.f32 v6, v3;
	_ =	sdelay $0x1  }
0x64c: {  	v3 =	vadd.f32 v5, v3;
	_ =	sdelay $0x1  }
0x64d: {  	[tilespmem:s2+$0x1BB80] =	vst v3  }
0x64e: {  	v3 =	vld [tilespmem:s10+$0x10]  }
0x64f: {  	s9 =	sor.u32 $0x410, s1;
	v4 =	vld [tilespmem:s8+$0x50]  }
0x650: {  	v5 =	vld [tilespmem:s9+$0x13A00]  }
0x651: {  	v6 =	vld [tilespmem:s14+$0x450];
	_ =	sdelay $0x2  }
0x652: {  	v3 =	vadd.f32 v4, v3;
	_ =	sdelay $0x1  }
0x653: {  	v3 =	vadd.f32 v5, v3;
	_ =	sdelay $0x1  }
0x654: {  	v3 =	vadd.f32 v6, v3;
	_ =	sdelay $0x1  }
0x655: {  	[tilespmem:s2+$0x1BB90] =	vst v3  }
0x656: {  	v3 =	vld [tilespmem:s10+$0x20]  }
0x657: {  	s9 =	sor.u32 $0x420, s1;
	v4 =	vld [tilespmem:s8+$0x60]  }
0x658: {  	v5 =	vld [tilespmem:s9+$0x13A00]  }
0x659: {  	v6 =	vld [tilespmem:s14+$0x460];
	_ =	sdelay $0x2  }
0x65a: {  	v3 =	vadd.f32 v4, v3;
	_ =	sdelay $0x1  }
0x65b: {  	v3 =	vadd.f32 v5, v3;
	_ =	sdelay $0x1  }
0x65c: {  	v3 =	vadd.f32 v6, v3;
	_ =	sdelay $0x1  }
0x65d: {  	[tilespmem:s2+$0x1BBA0] =	vst v3  }
0x65e: {  	v3 =	vld [tilespmem:s10+$0x30]  }
0x65f: {  	s1 =	sor.u32 $0x430, s1;
	v4 =	vld [tilespmem:s8+$0x70]  }
0x660: {  	v5 =	vld [tilespmem:s1+$0x13A00]  }
0x661: {  	v6 =	vld [tilespmem:s14+$0x470];
	_ =	sdelay $0x2  }
0x662: {  	v3 =	vadd.f32 v4, v3;
	_ =	sdelay $0x1  }
0x663: {  	v3 =	vadd.f32 v5, v3;
	_ =	sdelay $0x1  }
0x664: {  	s0 =	sadd.s32 $0x200, s0;
	v3 =	vadd.f32 v6, v3  }
0x665: {  	s9 =	sand.u32 $0x200, s0;
	s1 =	sand.u32 $0xFFFFF800, s7  }
0x666: {  	s1 =	sor.u32 s9, s1;
	[tilespmem:s2+$0x1BBB0] =	vst v3  }
0x667: {  	s9 =	sadd.s32 $0x3300, s12;
	s1 =	sadd.s32 $0x13A00, s1;
	v3 =	vld [tilespmem:s13+$0x13A00]  }
0x668: {  	s9 =	sand.u32 $0x300, s9;
	v4 =	vld [tilespmem:s1+$0x40]  }
0x669: {  	s10 =	sadd.s32 s9, s15;
	v5 =	vld [tilespmem:s14+$0x400]  }
0x66a: {  	v6 =	vld [tilespmem:s10+$0x40];
	_ =	sdelay $0x2  }
0x66b: {  	v3 =	vadd.f32 v4, v3;
	_ =	sdelay $0x1  }
0x66c: {  	v3 =	vadd.f32 v5, v3;
	_ =	sdelay $0x1  }
0x66d: {  	v3 =	vadd.f32 v6, v3;
	_ =	sdelay $0x1  }
0x66e: {  	[tilespmem:s2+$0x1BBC0] =	vst v3  }
0x66f: {  	v3 =	vld [tilespmem:s8+$0x10]  }
0x670: {  	v4 =	vld [tilespmem:s1+$0x50]  }
0x671: {  	v5 =	vld [tilespmem:s14+$0x410]  }
0x672: {  	v6 =	vld [tilespmem:s10+$0x50];
	_ =	sdelay $0x2  }
0x673: {  	v3 =	vadd.f32 v4, v3;
	_ =	sdelay $0x1  }
0x674: {  	v3 =	vadd.f32 v5, v3;
	_ =	sdelay $0x1  }
0x675: {  	v3 =	vadd.f32 v6, v3;
	_ =	sdelay $0x1  }
0x676: {  	[tilespmem:s2+$0x1BBD0] =	vst v3  }
0x677: {  	v4 =	vld [tilespmem:s8+$0x20]  }
0x678: {  	v5 =	vld [tilespmem:s1+$0x60]  }
0x679: {  	v6 =	vld [tilespmem:s14+$0x420]  }
0x67a: {  	v3 =	vld [tilespmem:s10+$0x60]  }
.Ltmp5:
0x67b: {  	(pc) =	sbr.rel @p1 .LBB2_12-.Ltmp5, $3  }
0x67c: {  	_ = 	snop  }
0x67d: {  	v4 =	vadd.f32 v5, v4;
	_ =	sdelay $0x1  }
0x67e: {  	v4 =	vadd.f32 v6, v4  }
0x67f: {  	_ = 	snop  }
0x680: {  	v3 =	vadd.f32 v3, v4;
	_ =	sdelay $0x1  }
0x681: {  	[tilespmem:s2+$0x1BBE0] =	vst v3  }
0x682: {  	v3 =	vld [tilespmem:s8+$0x30]  }
0x683: {  	v63 =	vld [tilespmem:s1+$0x70];
	_ =	sdelay $0x1  }
0x684: {  	v5 =	vld [tilespmem:s14+$0x430];
	_ =	sdelay $0x1  }
0x685: {  	v6 =	vld [tilespmem:s10+$0x70]  }
0x686: {  	v3 =	vadd.f32 v63, v3  }
0x687: {  	s24 =	sadd.s32 $0x1, s24  }
0x688: {  	p0 =	sne.s32 s24, $0x10;
	v3 =	vadd.f32 v5, v3  }
.Ltmp6:
0x689: {  	_ = 	snop;
	(pc) =	sbr.rel @p0 .LBB2_2-.Ltmp6, $3  }
0x68a: {  	s0 =	smul.u32 $0x680, s25;
	v3 =	vadd.f32 v6, v3;
	_ =	sdelay $0x1  }
0x68b: {  	s0 =	sadd.s32 s6, s0;
	[tilespmem:s2+$0x1BBF0] =	vst v3  }
0x68c: {  	[hbm4b:s0+s3] =	stream.linear.scatter [tilespmem:s21], [sflag:$0x5], $0x3200, $0x38;
	[tilespmem:$0x1D600] =	vst v63  }
0x68d: {  	_ =	swait.ge [sflag:s23], $0x3200  }
0x68e: {  	s1 =	rddreg [dreg:$0x8]  }
0x68f: {  	s0 =	rddreg [dreg:$0x7];
	s1 =	sadd.s32 $0x1, s1  }
0x690: {  	p0 =	sne.s32 s1, s0  }
.Ltmp7:
0x691: {  	_ = 	snop;
	(pc) =	sbr.rel @p0 .LBB2_1-.Ltmp7, $3  }
0x692: {  	_ =	sdelay $0x1  }
0x693: {  	[sflag:s23] =	ssyncset.done $0x0  }
0x694: {  	[sflag:s23] =	ssyncadd.s32 $0xFFFFCE00  }
0x695: {  	_ =	sfence.sel $0x180000  }
0x696: {  	[bflag:$0x0] =	sbarrier.arrive $0xFFFF  }
0x697: {  	_ =	strace $0x90000047  }
0x698: {  	s0 =	stileid.u32;
	[bflag:$0x2] =	sbarrier.arrive $0xFFFF  }
0x699: {  	p0 =	sne.s32 s0, $0x0;
	s0 =	rddreg [dreg:$0x2]  }
0x69a: {  	s0 =	sadd.s32 @!p0 $0x100000, s0  }
0x69b: {  	[sflag:s0] =	ssyncadd.tile.s32 @!p0 $0x1;
	_ =	shalt  }
.Lfunc_end2:
_tile_overlayer_lowered:
.L_overlay_start_2:
0x69c: {  	(tag) =	ssettag $0x2  }
0x69d: {  	s0 =	rddreg [dreg:$0x0];
	s2 =	stileid.u32  }
0x69e: {  	s1 =	rddreg [dreg:$0x1];
	p0 =	sne.s32 s2, $0x0  }
0x69f: {  	s3 =	rddreg [dreg:$0x2];
	[bflag:$0x3] =	sbarrier.arrive $0xFFFF;
	s2 =	simm.s32 @!p0 $0x1C06  }
0x6a0: {  	[timem:s3], [sflag:s2] =	dma.local @!p0 [hbm:s0], s1  }
0x6a1: {  	s0 =	simm.s32 @!p0 $0x6  }
0x6a2: {  	_ =	swait.ge @!p0 [sflag:s0], s1  }
0x6a3: {  	s1 =	ssub.s32 @!p0 $0x0, s1;
	[sflag:s0] =	ssyncset.done @!p0 $0x0  }
0x6a4: {  	[sflag:s0] =	ssyncadd.s32 @!p0 s1  }
0x6a5: {  	[bflag:$0x3] =	sbarrier.arrive $0xFFFF  }
0x6a6: {  	_ =	shalt  }

</sc_bundles>
